<compile_context>
chip_gen: v7x
topology: tpu7x:2x2x1
jax: 0.10.2.dev20260603
libtpu: 0.0.44.dev20260713+nightly
codegen_flags: <defaults>
</compile_context>

<pallas_src>
import functools

import jax
import jax.numpy as jnp
from jax import lax
from jax.experimental import pallas as pl
from jax.experimental.pallas import tpu as pltpu
from jax.experimental.pallas import tpu_sc as plsc

_NUM_CHANNELS = 1000000
_D = 32
_BATCH = 16384
_HIST = 200
_N = _BATCH * _HIST
_IW = 128
_NROWS = _N // _IW
_NC = 2
_NS = 16
_NW = _NC * _NS
_RPW = _NROWS // _NW
_G = 8
_PAIRS = _RPW // (2 * _G)
_BPH = _BATCH // _IW


def _sc_fused(ids2d, table):
    mesh = plsc.VectorSubcoreMesh(
        core_axis_name="c", subcore_axis_name="s",
        num_cores=_NC, num_subcores=_NS)

    @functools.partial(
        pl.kernel,
        out_type=jax.ShapeDtypeStruct((_HIST, _D // 8, _BPH, 8, _IW),
                                      jnp.float32),
        mesh=mesh,
        scratch_types=[
            pltpu.VMEM((_G, _IW), jnp.int32),
            pltpu.VMEM((_G, _IW), jnp.int32),
            pltpu.VMEM((_G * _IW, _D), jnp.float32),
            pltpu.VMEM((_G * _IW, _D), jnp.float32),
            pltpu.VMEM((_G, _D // 8, 8, _IW), jnp.float32),
            pltpu.SemaphoreType.DMA,
            pltpu.SemaphoreType.DMA,
        ],
        compiler_params=pltpu.CompilerParams(
            use_tc_tiling_on_sc=False, needs_layout_passes=False),
    )
    def k(idx_hbm, table_hbm, out_hbm, idx_a, idx_b, gb_a, gb_b, sbuf,
          sem_a, sem_b):
        wid = lax.axis_index("s") * _NC + lax.axis_index("c")
        row0 = wid * _RPW
        lanes = jax.lax.iota(jnp.int32, 16)

        def load_clamp_fire(base, idx_v, gb, sem):
            pltpu.sync_copy(idx_hbm.at[pl.ds(base, _G)], idx_v)

            def _clamp_row(j, _):
                def _clamp16(t, _):
                    v = idx_v[j, pl.ds(t * 16, 16)]
                    v = jnp.minimum(jnp.maximum(v, 0), _NUM_CHANNELS - 1)
                    idx_v[j, pl.ds(t * 16, 16)] = v
                    return 0
                return lax.fori_loop(0, _IW // 16, _clamp16, 0)

            lax.fori_loop(0, _G, _clamp_row, 0)
            for g in range(_G):
                pltpu.async_copy(
                    table_hbm.at[idx_v.at[g]],
                    gb.at[pl.ds(g * _IW, _IW)],
                    sem,
                )

        def drain(idx_v, gb, sem):
            for g in range(_G):
                pltpu.make_async_copy(
                    table_hbm.at[idx_v.at[g]],
                    gb.at[pl.ds(g * _IW, _IW)],
                    sem,
                ).wait()

        def process(base, gb):
            hblk = base // (_BPH * 8)
            bblk = (base // 8) % _BPH
            hsub0 = base % 8
            @plsc.parallel_loop(0, _G * _D, unroll=4)
            def _trans(i):
                g = i // _D
                d = i % _D
                dv = jnp.full((16,), d, jnp.int32)
                base = g * _IW
                for bg in range(8):
                    v = plsc.load_gather(gb, [lanes + (base + bg * 16), dv])
                    sbuf[g, d // 8, d % 8, pl.ds(bg * 16, 16)] = v
            for g in range(_G):
                h = hblk * 8 + hsub0 + g
                pltpu.sync_copy(sbuf.at[g], out_hbm.at[h, :, bblk])

        load_clamp_fire(row0, idx_a, gb_a, sem_a)

        @pl.loop(0, _PAIRS)
        def _pair(t):
            base_e = row0 + (2 * t) * _G
            load_clamp_fire(base_e + _G, idx_b, gb_b, sem_b)
            drain(idx_a, gb_a, sem_a)
            process(base_e, gb_a)

            @pl.when(t < _PAIRS - 1)
            def _():
                load_clamp_fire(base_e + 2 * _G, idx_a, gb_a, sem_a)

            drain(idx_b, gb_b, sem_b)
            process(base_e + _G, gb_b)

    return k(ids2d, table)


def kernel(channel_ids, table):
    ids2d = (channel_ids.T
             .reshape(_HIST // 8, 8, _BPH, _IW)
             .transpose(0, 2, 1, 3)
             .reshape(_NROWS, _IW))
    out5 = _sc_fused(ids2d, table)
    return out5.transpose(2, 4, 0, 1, 3).reshape(_BATCH, _HIST, _D)

# --- scband reference (transcript-rebuilt; emitter-appended) ---
"""Pipeline reference for scband-channel-embedding-27874337751298 (READ-ONLY COPY).

The authoritative reference and input builder live on the scoring server;
editing this copy changes nothing except your own understanding.
"""

import jax, jax.numpy as jnp
import numpy as np

NUM_CHANNELS = 1000000
EMBED_DIM = 32
BATCH = 16384
HIST = 200

def setup_inputs(seed: int = 0) -> dict:
    key = jax.random.key(seed)
    k1, k2 = jax.random.split(key)
    channel_ids = jax.random.randint(k1, (BATCH, HIST), 0, NUM_CHANNELS, dtype=jnp.int64 if jax.config.jax_enable_x64 else jnp.int32)
    table = jax.random.normal(k2, (NUM_CHANNELS, EMBED_DIM), dtype=jnp.float32)
    return {"channel_ids": channel_ids, "table": table}

def reference(channel_ids, table):
    # Faithful translation of ChannelEmbedding.forward:
    # channel_ids = clamp(channel_ids.long(), 0, num_channels - 1)
    # return embedding(channel_ids)
    ids = jnp.clip(channel_ids.astype(jnp.int32), 0, NUM_CHANNELS - 1)
    return jnp.take(table, ids, axis=0)

if __name__ == "__main__":
    import jax
    _d = setup_inputs()
    print(jax.jit(kernel)(*tuple(_d.values())))

</pallas_src>

<mosaic_0001>
#map = affine_map<(d0, d1) -> (0, 0)>
#map1 = affine_map<(d0, d1) -> (0, 0, 0, 0, 0)>
module attributes {stable_mosaic.version = 14 : i64} {
  func.func @k(%arg0: i32, %arg1: i32, %arg2: memref<25600x128xi32, #tpu.memory_space<hbm>>, %arg3: memref<1000000x32xf32, #tpu.memory_space<hbm>>, %arg4: memref<200x4x128x8x128xf32, #tpu.memory_space<hbm>>, %arg5: memref<8x128xi32, #tpu.memory_space<vmem>>, %arg6: memref<8x128xi32, #tpu.memory_space<vmem>>, %arg7: memref<1024x32xf32, #tpu.memory_space<vmem>>, %arg8: memref<1024x32xf32, #tpu.memory_space<vmem>>, %arg9: memref<8x4x8x128xf32, #tpu.memory_space<vmem>>, %arg10: memref<!tpu.dma_semaphore, #tpu.memory_space<semaphore_mem>>, %arg11: memref<!tpu.dma_semaphore, #tpu.memory_space<semaphore_mem>>) attributes {dimension_semantics = [#tpu.dimension_semantics<core_parallel>, #tpu.dimension_semantics<subcore_parallel>], iteration_bounds = array<i64: 2, 16>, scalar_prefetch = 0 : i64, scratch_operands = 7 : i64, tpu.core_type = #tpu.core_type<sc_vector_subcore>, window_params = [{transform_indices = #map}, {transform_indices = #map}, {transform_indices = #map1}]} {
    %mul3A = arith.constant 2 : i32
    %mul3A_0 = arith.muli %arg1, %mul3A : i32
    %add3A = arith.addi %mul3A_0, %arg0 : i32
    %mul3A_1 = arith.constant 800 : i32
    %mul3A_2 = arith.muli %add3A, %mul3A_1 : i32
    %iota3A = tpu.iota {dimensions = array<i32: 0>} : vector<16xi32>
    "tpu.region"() ({
      %run_scoped3A = tpu.sem_alloc : memref<!tpu.dma_semaphore, #tpu.memory_space<semaphore_mem>>
      %dma_start3A_93 = arith.constant 0 : i32
      %dma_start3A_94 = tpu.memref_slice %arg2[%mul3A_2, %dma_start3A_93] : memref<25600x128xi32, #tpu.memory_space<hbm>> -> memref<8x128xi32, #tpu.memory_space<hbm>>
      %dma_start3A_95 = arith.constant 0 : i32
      %dma_start3A_96 = tpu.memref_slice %arg2[%mul3A_2, %dma_start3A_95] : memref<25600x128xi32, #tpu.memory_space<hbm>> -> memref<8x128xi32, #tpu.memory_space<hbm>>
      tpu.enqueue_dma source(%dma_start3A_96 : memref<8x128xi32, #tpu.memory_space<hbm>>) target(%arg5 : memref<8x128xi32, #tpu.memory_space<vmem>>) target_semaphore(%run_scoped3A : memref<!tpu.dma_semaphore, #tpu.memory_space<semaphore_mem>>)
      %dma_wait3A = arith.constant 0 : i32
      %dma_wait3A_97 = tpu.memref_slice %arg2[%mul3A_2, %dma_wait3A] : memref<25600x128xi32, #tpu.memory_space<hbm>> -> memref<8x128xi32, #tpu.memory_space<hbm>>
      %dma_wait3A_98 = arith.constant 0 : i32
      %dma_wait3A_99 = tpu.memref_slice %arg2[%mul3A_2, %dma_wait3A_98] : memref<25600x128xi32, #tpu.memory_space<hbm>> -> memref<8x128xi32, #tpu.memory_space<hbm>>
      tpu.wait_dma2 semaphore(%run_scoped3A : memref<!tpu.dma_semaphore, #tpu.memory_space<semaphore_mem>>) src(%dma_wait3A_99 : memref<8x128xi32, #tpu.memory_space<hbm>>) dst(%arg5 : memref<8x128xi32, #tpu.memory_space<vmem>>)
      tpu.yield
    }) : () -> ()
    %scan3A = arith.constant 0 : i32
    %scan3A_3 = arith.constant 0 : i32
    %scan3A_4 = arith.constant 8 : i32
    %scan3A_5 = arith.addi %scan3A_3, %scan3A_4 : i32
    %scan3A_6 = arith.constant 1 : i32
    %scan3A_7 = scf.for %scan3A_93 = %scan3A_3 to %scan3A_5 step %scan3A_6 iter_args(%scan3A_94 = %scan3A) -> (i32)  : i32 {
      %scan3A_95 = arith.constant 0 : i32
      %scan3A_96 = arith.constant 0 : i32
      %scan3A_97 = arith.constant 8 : i32
      %scan3A_98 = arith.addi %scan3A_96, %scan3A_97 : i32
      %scan3A_99 = arith.constant 1 : i32
      %scan3A_100 = scf.for %scan3A_102 = %scan3A_96 to %scan3A_98 step %scan3A_99 iter_args(%scan3A_103 = %scan3A_95) -> (i32)  : i32 {
        %mul3A_104 = arith.constant 16 : i32
        %mul3A_105 = arith.muli %scan3A_102, %mul3A_104 : i32
        %get3A = arith.index_cast %scan3A_93 : i32 to index
        %get3A_106 = arith.index_cast %mul3A_105 : i32 to index
        %get3A_107 = tpu.vector_load %arg5[%get3A, %get3A_106] {strides = array<i32>} : memref<8x128xi32, #tpu.memory_space<vmem>>, vector<16xi32>,
        %max3A = arith.constant 0 : i32
        %max3A_108 = vector.broadcast %max3A : i32 to vector<16xi32>
        %max3A_109 = arith.maxsi %get3A_107, %max3A_108 : vector<16xi32>
        %min3A = arith.constant 999999 : i32
        %min3A_110 = vector.broadcast %min3A : i32 to vector<16xi32>
        %min3A_111 = arith.minsi %max3A_109, %min3A_110 : vector<16xi32>
        %mul3A_112 = arith.constant 16 : i32
        %mul3A_113 = arith.muli %scan3A_102, %mul3A_112 : i32
        %swap3A = arith.index_cast %scan3A_93 : i32 to index
        %swap3A_114 = arith.index_cast %mul3A_113 : i32 to index
        %swap3A_115 = tpu.vector_load %arg5[%swap3A, %swap3A_114] {strides = array<i32>} : memref<8x128xi32, #tpu.memory_space<vmem>>, vector<16xi32>,
        tpu.vector_store %arg5[%swap3A, %swap3A_114], %min3A_111 {strides = array<i32>} : memref<8x128xi32, #tpu.memory_space<vmem>>, vector<16xi32>,
        %scan3A_116 = arith.constant 0 : i32
        scf.yield %scan3A_116 : i32
      }
      %scan3A_101 = arith.constant 8 : i32
      scf.yield %scan3A_100 : i32
    }
    %scan3A_8 = arith.constant 8 : i32
    %dma_start3A = arith.constant 0 : i32
    %dma_start3A_9 = arith.constant 0 : i32
    %dma_start3A_10 = arith.constant 0 : i32
    %dma_start3A_11 = tpu.memref_slice %arg7[%dma_start3A_9, %dma_start3A_10] : memref<1024x32xf32, #tpu.memory_space<vmem>> -> memref<128x32xf32, #tpu.memory_space<vmem>>
    %dma_start3A_12 = arith.constant 0 : i32
    %dma_start3A_13 = tpu.memref_slice %arg5[%dma_start3A, %dma_start3A_12] : memref<8x128xi32, #tpu.memory_space<vmem>> -> memref<1x128xi32, #tpu.memory_space<vmem>>
    %dma_start3A_14 = tpu.memref_squeeze %dma_start3A_13 : memref<1x128xi32, #tpu.memory_space<vmem>> -> memref<128xi32, #tpu.memory_space<vmem>>
    %dma_start3A_15 = arith.constant 0 : i32
    %dma_start3A_16 = arith.constant 0 : i32
    %dma_start3A_17 = tpu.memref_slice %arg3[%dma_start3A_15, %dma_start3A_16] : memref<1000000x32xf32, #tpu.memory_space<hbm>> -> memref<1000000x32xf32, #tpu.memory_space<hbm>>
    tpu.enqueue_indirect_dma source(%dma_start3A_17 : memref<1000000x32xf32, #tpu.memory_space<hbm>>) target(%dma_start3A_11 : memref<128x32xf32, #tpu.memory_space<vmem>>) offsets(%dma_start3A_14 : memref<128xi32, #tpu.memory_space<vmem>>) semaphore(%arg10 : memref<!tpu.dma_semaphore, #tpu.memory_space<semaphore_mem>>)
    %dma_start3A_18 = arith.constant 1 : i32
    %dma_start3A_19 = arith.constant 128 : i32
    %dma_start3A_20 = arith.constant 0 : i32
    %dma_start3A_21 = tpu.memref_slice %arg7[%dma_start3A_19, %dma_start3A_20] : memref<1024x32xf32, #tpu.memory_space<vmem>> -> memref<128x32xf32, #tpu.memory_space<vmem>>
    %dma_start3A_22 = arith.constant 0 : i32
    %dma_start3A_23 = tpu.memref_slice %arg5[%dma_start3A_18, %dma_start3A_22] : memref<8x128xi32, #tpu.memory_space<vmem>> -> memref<1x128xi32, #tpu.memory_space<vmem>>
    %dma_start3A_24 = tpu.memref_squeeze %dma_start3A_23 : memref<1x128xi32, #tpu.memory_space<vmem>> -> memref<128xi32, #tpu.memory_space<vmem>>
    %dma_start3A_25 = arith.constant 0 : i32
    %dma_start3A_26 = arith.constant 0 : i32
    %dma_start3A_27 = tpu.memref_slice %arg3[%dma_start3A_25, %dma_start3A_26] : memref<1000000x32xf32, #tpu.memory_space<hbm>> -> memref<1000000x32xf32, #tpu.memory_space<hbm>>
    tpu.enqueue_indirect_dma source(%dma_start3A_27 : memref<1000000x32xf32, #tpu.memory_space<hbm>>) target(%dma_start3A_21 : memref<128x32xf32, #tpu.memory_space<vmem>>) offsets(%dma_start3A_24 : memref<128xi32, #tpu.memory_space<vmem>>) semaphore(%arg10 : memref<!tpu.dma_semaphore, #tpu.memory_space<semaphore_mem>>)
    %dma_start3A_28 = arith.constant 2 : i32
    %dma_start3A_29 = arith.constant 256 : i32
    %dma_start3A_30 = arith.constant 0 : i32
    %dma_start3A_31 = tpu.memref_slice %arg7[%dma_start3A_29, %dma_start3A_30] : memref<1024x32xf32, #tpu.memory_space<vmem>> -> memref<128x32xf32, #tpu.memory_space<vmem>>
    %dma_start3A_32 = arith.constant 0 : i32
    %dma_start3A_33 = tpu.memref_slice %arg5[%dma_start3A_28, %dma_start3A_32] : memref<8x128xi32, #tpu.memory_space<vmem>> -> memref<1x128xi32, #tpu.memory_space<vmem>>
    %dma_start3A_34 = tpu.memref_squeeze %dma_start3A_33 : memref<1x128xi32, #tpu.memory_space<vmem>> -> memref<128xi32, #tpu.memory_space<vmem>>
    %dma_start3A_35 = arith.constant 0 : i32
    %dma_start3A_36 = arith.constant 0 : i32
    %dma_start3A_37 = tpu.memref_slice %arg3[%dma_start3A_35, %dma_start3A_36] : memref<1000000x32xf32, #tpu.memory_space<hbm>> -> memref<1000000x32xf32, #tpu.memory_space<hbm>>
    tpu.enqueue_indirect_dma source(%dma_start3A_37 : memref<1000000x32xf32, #tpu.memory_space<hbm>>) target(%dma_start3A_31 : memref<128x32xf32, #tpu.memory_space<vmem>>) offsets(%dma_start3A_34 : memref<128xi32, #tpu.memory_space<vmem>>) semaphore(%arg10 : memref<!tpu.dma_semaphore, #tpu.memory_space<semaphore_mem>>)
    %dma_start3A_38 = arith.constant 3 : i32
    %dma_start3A_39 = arith.constant 384 : i32
    %dma_start3A_40 = arith.constant 0 : i32
    %dma_start3A_41 = tpu.memref_slice %arg7[%dma_start3A_39, %dma_start3A_40] : memref<1024x32xf32, #tpu.memory_space<vmem>> -> memref<128x32xf32, #tpu.memory_space<vmem>>
    %dma_start3A_42 = arith.constant 0 : i32
    %dma_start3A_43 = tpu.memref_slice %arg5[%dma_start3A_38, %dma_start3A_42] : memref<8x128xi32, #tpu.memory_space<vmem>> -> memref<1x128xi32, #tpu.memory_space<vmem>>
    %dma_start3A_44 = tpu.memref_squeeze %dma_start3A_43 : memref<1x128xi32, #tpu.memory_space<vmem>> -> memref<128xi32, #tpu.memory_space<vmem>>
    %dma_start3A_45 = arith.constant 0 : i32
    %dma_start3A_46 = arith.constant 0 : i32
    %dma_start3A_47 = tpu.memref_slice %arg3[%dma_start3A_45, %dma_start3A_46] : memref<1000000x32xf32, #tpu.memory_space<hbm>> -> memref<1000000x32xf32, #tpu.memory_space<hbm>>
    tpu.enqueue_indirect_dma source(%dma_start3A_47 : memref<1000000x32xf32, #tpu.memory_space<hbm>>) target(%dma_start3A_41 : memref<128x32xf32, #tpu.memory_space<vmem>>) offsets(%dma_start3A_44 : memref<128xi32, #tpu.memory_space<vmem>>) semaphore(%arg10 : memref<!tpu.dma_semaphore, #tpu.memory_space<semaphore_mem>>)
    %dma_start3A_48 = arith.constant 4 : i32
    %dma_start3A_49 = arith.constant 512 : i32
    %dma_start3A_50 = arith.constant 0 : i32
    %dma_start3A_51 = tpu.memref_slice %arg7[%dma_start3A_49, %dma_start3A_50] : memref<1024x32xf32, #tpu.memory_space<vmem>> -> memref<128x32xf32, #tpu.memory_space<vmem>>
    %dma_start3A_52 = arith.constant 0 : i32
    %dma_start3A_53 = tpu.memref_slice %arg5[%dma_start3A_48, %dma_start3A_52] : memref<8x128xi32, #tpu.memory_space<vmem>> -> memref<1x128xi32, #tpu.memory_space<vmem>>
    %dma_start3A_54 = tpu.memref_squeeze %dma_start3A_53 : memref<1x128xi32, #tpu.memory_space<vmem>> -> memref<128xi32, #tpu.memory_space<vmem>>
    %dma_start3A_55 = arith.constant 0 : i32
    %dma_start3A_56 = arith.constant 0 : i32
    %dma_start3A_57 = tpu.memref_slice %arg3[%dma_start3A_55, %dma_start3A_56] : memref<1000000x32xf32, #tpu.memory_space<hbm>> -> memref<1000000x32xf32, #tpu.memory_space<hbm>>
    tpu.enqueue_indirect_dma source(%dma_start3A_57 : memref<1000000x32xf32, #tpu.memory_space<hbm>>) target(%dma_start3A_51 : memref<128x32xf32, #tpu.memory_space<vmem>>) offsets(%dma_start3A_54 : memref<128xi32, #tpu.memory_space<vmem>>) semaphore(%arg10 : memref<!tpu.dma_semaphore, #tpu.memory_space<semaphore_mem>>)
    %dma_start3A_58 = arith.constant 5 : i32
    %dma_start3A_59 = arith.constant 640 : i32
    %dma_start3A_60 = arith.constant 0 : i32
    %dma_start3A_61 = tpu.memref_slice %arg7[%dma_start3A_59, %dma_start3A_60] : memref<1024x32xf32, #tpu.memory_space<vmem>> -> memref<128x32xf32, #tpu.memory_space<vmem>>
    %dma_start3A_62 = arith.constant 0 : i32
    %dma_start3A_63 = tpu.memref_slice %arg5[%dma_start3A_58, %dma_start3A_62] : memref<8x128xi32, #tpu.memory_space<vmem>> -> memref<1x128xi32, #tpu.memory_space<vmem>>
    %dma_start3A_64 = tpu.memref_squeeze %dma_start3A_63 : memref<1x128xi32, #tpu.memory_space<vmem>> -> memref<128xi32, #tpu.memory_space<vmem>>
    %dma_start3A_65 = arith.constant 0 : i32
    %dma_start3A_66 = arith.constant 0 : i32
    %dma_start3A_67 = tpu.memref_slice %arg3[%dma_start3A_65, %dma_start3A_66] : memref<1000000x32xf32, #tpu.memory_space<hbm>> -> memref<1000000x32xf32, #tpu.memory_space<hbm>>
    tpu.enqueue_indirect_dma source(%dma_start3A_67 : memref<1000000x32xf32, #tpu.memory_space<hbm>>) target(%dma_start3A_61 : memref<128x32xf32, #tpu.memory_space<vmem>>) offsets(%dma_start3A_64 : memref<128xi32, #tpu.memory_space<vmem>>) semaphore(%arg10 : memref<!tpu.dma_semaphore, #tpu.memory_space<semaphore_mem>>)
    %dma_start3A_68 = arith.constant 6 : i32
    %dma_start3A_69 = arith.constant 768 : i32
    %dma_start3A_70 = arith.constant 0 : i32
    %dma_start3A_71 = tpu.memref_slice %arg7[%dma_start3A_69, %dma_start3A_70] : memref<1024x32xf32, #tpu.memory_space<vmem>> -> memref<128x32xf32, #tpu.memory_space<vmem>>
    %dma_start3A_72 = arith.constant 0 : i32
    %dma_start3A_73 = tpu.memref_slice %arg5[%dma_start3A_68, %dma_start3A_72] : memref<8x128xi32, #tpu.memory_space<vmem>> -> memref<1x128xi32, #tpu.memory_space<vmem>>
    %dma_start3A_74 = tpu.memref_squeeze %dma_start3A_73 : memref<1x128xi32, #tpu.memory_space<vmem>> -> memref<128xi32, #tpu.memory_space<vmem>>
    %dma_start3A_75 = arith.constant 0 : i32
    %dma_start3A_76 = arith.constant 0 : i32
    %dma_start3A_77 = tpu.memref_slice %arg3[%dma_start3A_75, %dma_start3A_76] : memref<1000000x32xf32, #tpu.memory_space<hbm>> -> memref<1000000x32xf32, #tpu.memory_space<hbm>>
    tpu.enqueue_indirect_dma source(%dma_start3A_77 : memref<1000000x32xf32, #tpu.memory_space<hbm>>) target(%dma_start3A_71 : memref<128x32xf32, #tpu.memory_space<vmem>>) offsets(%dma_start3A_74 : memref<128xi32, #tpu.memory_space<vmem>>) semaphore(%arg10 : memref<!tpu.dma_semaphore, #tpu.memory_space<semaphore_mem>>)
    %dma_start3A_78 = arith.constant 7 : i32
    %dma_start3A_79 = arith.constant 896 : i32
    %dma_start3A_80 = arith.constant 0 : i32
    %dma_start3A_81 = tpu.memref_slice %arg7[%dma_start3A_79, %dma_start3A_80] : memref<1024x32xf32, #tpu.memory_space<vmem>> -> memref<128x32xf32, #tpu.memory_space<vmem>>
    %dma_start3A_82 = arith.constant 0 : i32
    %dma_start3A_83 = tpu.memref_slice %arg5[%dma_start3A_78, %dma_start3A_82] : memref<8x128xi32, #tpu.memory_space<vmem>> -> memref<1x128xi32, #tpu.memory_space<vmem>>
    %dma_start3A_84 = tpu.memref_squeeze %dma_start3A_83 : memref<1x128xi32, #tpu.memory_space<vmem>> -> memref<128xi32, #tpu.memory_space<vmem>>
    %dma_start3A_85 = arith.constant 0 : i32
    %dma_start3A_86 = arith.constant 0 : i32
    %dma_start3A_87 = tpu.memref_slice %arg3[%dma_start3A_85, %dma_start3A_86] : memref<1000000x32xf32, #tpu.memory_space<hbm>> -> memref<1000000x32xf32, #tpu.memory_space<hbm>>
    tpu.enqueue_indirect_dma source(%dma_start3A_87 : memref<1000000x32xf32, #tpu.memory_space<hbm>>) target(%dma_start3A_81 : memref<128x32xf32, #tpu.memory_space<vmem>>) offsets(%dma_start3A_84 : memref<128xi32, #tpu.memory_space<vmem>>) semaphore(%arg10 : memref<!tpu.dma_semaphore, #tpu.memory_space<semaphore_mem>>)
    %scan3A_88 = arith.constant 0 : i32
    %scan3A_89 = arith.constant 50 : i32
    %scan3A_90 = arith.addi %scan3A_88, %scan3A_89 : i32
    %scan3A_91 = arith.constant 1 : i32
    scf.for %scan3A_93 = %scan3A_88 to %scan3A_90 step %scan3A_91  : i32 {
      %mul3A_94 = arith.constant 1 : i32
      %mul3A_95 = arith.muli %scan3A_93, %mul3A_94 : i32
      %add3A_96 = arith.constant 0 : i32
      %add3A_97 = arith.addi %add3A_96, %mul3A_95 : i32
      %mul3A_98 = arith.constant 2 : i32
      %mul3A_99 = arith.muli %mul3A_98, %add3A_97 : i32
      %mul3A_100 = arith.constant 8 : i32
      %mul3A_101 = arith.muli %mul3A_99, %mul3A_100 : i32
      %add3A_102 = arith.addi %mul3A_2, %mul3A_101 : i32
      %add3A_103 = arith.constant 8 : i32
      %add3A_104 = arith.addi %add3A_102, %add3A_103 : i32
      "tpu.region"() ({
        %run_scoped3A_606 = tpu.sem_alloc : memref<!tpu.dma_semaphore, #tpu.memory_space<semaphore_mem>>
        %dma_start3A_607 = arith.constant 0 : i32
        %dma_start3A_608 = tpu.memref_slice %arg2[%add3A_104, %dma_start3A_607] : memref<25600x128xi32, #tpu.memory_space<hbm>> -> memref<8x128xi32, #tpu.memory_space<hbm>>
        %dma_start3A_609 = arith.constant 0 : i32
        %dma_start3A_610 = tpu.memref_slice %arg2[%add3A_104, %dma_start3A_609] : memref<25600x128xi32, #tpu.memory_space<hbm>> -> memref<8x128xi32, #tpu.memory_space<hbm>>
        tpu.enqueue_dma source(%dma_start3A_610 : memref<8x128xi32, #tpu.memory_space<hbm>>) target(%arg6 : memref<8x128xi32, #tpu.memory_space<vmem>>) target_semaphore(%run_scoped3A_606 : memref<!tpu.dma_semaphore, #tpu.memory_space<semaphore_mem>>)
        %dma_wait3A_611 = arith.constant 0 : i32
        %dma_wait3A_612 = tpu.memref_slice %arg2[%add3A_104, %dma_wait3A_611] : memref<25600x128xi32, #tpu.memory_space<hbm>> -> memref<8x128xi32, #tpu.memory_space<hbm>>
        %dma_wait3A_613 = arith.constant 0 : i32
        %dma_wait3A_614 = tpu.memref_slice %arg2[%add3A_104, %dma_wait3A_613] : memref<25600x128xi32, #tpu.memory_space<hbm>> -> memref<8x128xi32, #tpu.memory_space<hbm>>
        tpu.wait_dma2 semaphore(%run_scoped3A_606 : memref<!tpu.dma_semaphore, #tpu.memory_space<semaphore_mem>>) src(%dma_wait3A_614 : memref<8x128xi32, #tpu.memory_space<hbm>>) dst(%arg6 : memref<8x128xi32, #tpu.memory_space<vmem>>)
        tpu.yield
      }) : () -> ()
      %scan3A_105 = arith.constant 0 : i32
      %scan3A_106 = arith.constant 0 : i32
      %scan3A_107 = arith.constant 8 : i32
      %scan3A_108 = arith.addi %scan3A_106, %scan3A_107 : i32
      %scan3A_109 = arith.constant 1 : i32
      %scan3A_110 = scf.for %scan3A_606 = %scan3A_106 to %scan3A_108 step %scan3A_109 iter_args(%scan3A_607 = %scan3A_105) -> (i32)  : i32 {
        %scan3A_608 = arith.constant 0 : i32
        %scan3A_609 = arith.constant 0 : i32
        %scan3A_610 = arith.constant 8 : i32
        %scan3A_611 = arith.addi %scan3A_609, %scan3A_610 : i32
        %scan3A_612 = arith.constant 1 : i32
        %scan3A_613 = scf.for %scan3A_615 = %scan3A_609 to %scan3A_611 step %scan3A_612 iter_args(%scan3A_616 = %scan3A_608) -> (i32)  : i32 {
          %mul3A_617 = arith.constant 16 : i32
          %mul3A_618 = arith.muli %scan3A_615, %mul3A_617 : i32
          %get3A = arith.index_cast %scan3A_606 : i32 to index
          %get3A_619 = arith.index_cast %mul3A_618 : i32 to index
          %get3A_620 = tpu.vector_load %arg6[%get3A, %get3A_619] {strides = array<i32>} : memref<8x128xi32, #tpu.memory_space<vmem>>, vector<16xi32>,
          %max3A = arith.constant 0 : i32
          %max3A_621 = vector.broadcast %max3A : i32 to vector<16xi32>
          %max3A_622 = arith.maxsi %get3A_620, %max3A_621 : vector<16xi32>
          %min3A = arith.constant 999999 : i32
          %min3A_623 = vector.broadcast %min3A : i32 to vector<16xi32>
          %min3A_624 = arith.minsi %max3A_622, %min3A_623 : vector<16xi32>
          %mul3A_625 = arith.constant 16 : i32
          %mul3A_626 = arith.muli %scan3A_615, %mul3A_625 : i32
          %swap3A = arith.index_cast %scan3A_606 : i32 to index
          %swap3A_627 = arith.index_cast %mul3A_626 : i32 to index
          %swap3A_628 = tpu.vector_load %arg6[%swap3A, %swap3A_627] {strides = array<i32>} : memref<8x128xi32, #tpu.memory_space<vmem>>, vector<16xi32>,
          tpu.vector_store %arg6[%swap3A, %swap3A_627], %min3A_624 {strides = array<i32>} : memref<8x128xi32, #tpu.memory_space<vmem>>, vector<16xi32>,
          %scan3A_629 = arith.constant 0 : i32
          scf.yield %scan3A_629 : i32
        }
        %scan3A_614 = arith.constant 8 : i32
        scf.yield %scan3A_613 : i32
      }
      %scan3A_111 = arith.constant 8 : i32
      %dma_start3A_112 = arith.constant 0 : i32
      %dma_start3A_113 = arith.constant 0 : i32
      %dma_start3A_114 = arith.constant 0 : i32
      %dma_start3A_115 = tpu.memref_slice %arg8[%dma_start3A_113, %dma_start3A_114] : memref<1024x32xf32, #tpu.memory_space<vmem>> -> memref<128x32xf32, #tpu.memory_space<vmem>>
      %dma_start3A_116 = arith.constant 0 : i32
      %dma_start3A_117 = tpu.memref_slice %arg6[%dma_start3A_112, %dma_start3A_116] : memref<8x128xi32, #tpu.memory_space<vmem>> -> memref<1x128xi32, #tpu.memory_space<vmem>>
      %dma_start3A_118 = tpu.memref_squeeze %dma_start3A_117 : memref<1x128xi32, #tpu.memory_space<vmem>> -> memref<128xi32, #tpu.memory_space<vmem>>
      %dma_start3A_119 = arith.constant 0 : i32
      %dma_start3A_120 = arith.constant 0 : i32
      %dma_start3A_121 = tpu.memref_slice %arg3[%dma_start3A_119, %dma_start3A_120] : memref<1000000x32xf32, #tpu.memory_space<hbm>> -> memref<1000000x32xf32, #tpu.memory_space<hbm>>
      tpu.enqueue_indirect_dma source(%dma_start3A_121 : memref<1000000x32xf32, #tpu.memory_space<hbm>>) target(%dma_start3A_115 : memref<128x32xf32, #tpu.memory_space<vmem>>) offsets(%dma_start3A_118 : memref<128xi32, #tpu.memory_space<vmem>>) semaphore(%arg11 : memref<!tpu.dma_semaphore, #tpu.memory_space<semaphore_mem>>)
      %dma_start3A_122 = arith.constant 1 : i32
      %dma_start3A_123 = arith.constant 128 : i32
      %dma_start3A_124 = arith.constant 0 : i32
      %dma_start3A_125 = tpu.memref_slice %arg8[%dma_start3A_123, %dma_start3A_124] : memref<1024x32xf32, #tpu.memory_space<vmem>> -> memref<128x32xf32, #tpu.memory_space<vmem>>
      %dma_start3A_126 = arith.constant 0 : i32
      %dma_start3A_127 = tpu.memref_slice %arg6[%dma_start3A_122, %dma_start3A_126] : memref<8x128xi32, #tpu.memory_space<vmem>> -> memref<1x128xi32, #tpu.memory_space<vmem>>
      %dma_start3A_128 = tpu.memref_squeeze %dma_start3A_127 : memref<1x128xi32, #tpu.memory_space<vmem>> -> memref<128xi32, #tpu.memory_space<vmem>>
      %dma_start3A_129 = arith.constant 0 : i32
      %dma_start3A_130 = arith.constant 0 : i32
      %dma_start3A_131 = tpu.memref_slice %arg3[%dma_start3A_129, %dma_start3A_130] : memref<1000000x32xf32, #tpu.memory_space<hbm>> -> memref<1000000x32xf32, #tpu.memory_space<hbm>>
      tpu.enqueue_indirect_dma source(%dma_start3A_131 : memref<1000000x32xf32, #tpu.memory_space<hbm>>) target(%dma_start3A_125 : memref<128x32xf32, #tpu.memory_space<vmem>>) offsets(%dma_start3A_128 : memref<128xi32, #tpu.memory_space<vmem>>) semaphore(%arg11 : memref<!tpu.dma_semaphore, #tpu.memory_space<semaphore_mem>>)
      %dma_start3A_132 = arith.constant 2 : i32
      %dma_start3A_133 = arith.constant 256 : i32
      %dma_start3A_134 = arith.constant 0 : i32
      %dma_start3A_135 = tpu.memref_slice %arg8[%dma_start3A_133, %dma_start3A_134] : memref<1024x32xf32, #tpu.memory_space<vmem>> -> memref<128x32xf32, #tpu.memory_space<vmem>>
      %dma_start3A_136 = arith.constant 0 : i32
      %dma_start3A_137 = tpu.memref_slice %arg6[%dma_start3A_132, %dma_start3A_136] : memref<8x128xi32, #tpu.memory_space<vmem>> -> memref<1x128xi32, #tpu.memory_space<vmem>>
      %dma_start3A_138 = tpu.memref_squeeze %dma_start3A_137 : memref<1x128xi32, #tpu.memory_space<vmem>> -> memref<128xi32, #tpu.memory_space<vmem>>
      %dma_start3A_139 = arith.constant 0 : i32
      %dma_start3A_140 = arith.constant 0 : i32
      %dma_start3A_141 = tpu.memref_slice %arg3[%dma_start3A_139, %dma_start3A_140] : memref<1000000x32xf32, #tpu.memory_space<hbm>> -> memref<1000000x32xf32, #tpu.memory_space<hbm>>
      tpu.enqueue_indirect_dma source(%dma_start3A_141 : memref<1000000x32xf32, #tpu.memory_space<hbm>>) target(%dma_start3A_135 : memref<128x32xf32, #tpu.memory_space<vmem>>) offsets(%dma_start3A_138 : memref<128xi32, #tpu.memory_space<vmem>>) semaphore(%arg11 : memref<!tpu.dma_semaphore, #tpu.memory_space<semaphore_mem>>)
      %dma_start3A_142 = arith.constant 3 : i32
      %dma_start3A_143 = arith.constant 384 : i32
      %dma_start3A_144 = arith.constant 0 : i32
      %dma_start3A_145 = tpu.memref_slice %arg8[%dma_start3A_143, %dma_start3A_144] : memref<1024x32xf32, #tpu.memory_space<vmem>> -> memref<128x32xf32, #tpu.memory_space<vmem>>
      %dma_start3A_146 = arith.constant 0 : i32
      %dma_start3A_147 = tpu.memref_slice %arg6[%dma_start3A_142, %dma_start3A_146] : memref<8x128xi32, #tpu.memory_space<vmem>> -> memref<1x128xi32, #tpu.memory_space<vmem>>
      %dma_start3A_148 = tpu.memref_squeeze %dma_start3A_147 : memref<1x128xi32, #tpu.memory_space<vmem>> -> memref<128xi32, #tpu.memory_space<vmem>>
      %dma_start3A_149 = arith.constant 0 : i32
      %dma_start3A_150 = arith.constant 0 : i32
      %dma_start3A_151 = tpu.memref_slice %arg3[%dma_start3A_149, %dma_start3A_150] : memref<1000000x32xf32, #tpu.memory_space<hbm>> -> memref<1000000x32xf32, #tpu.memory_space<hbm>>
      tpu.enqueue_indirect_dma source(%dma_start3A_151 : memref<1000000x32xf32, #tpu.memory_space<hbm>>) target(%dma_start3A_145 : memref<128x32xf32, #tpu.memory_space<vmem>>) offsets(%dma_start3A_148 : memref<128xi32, #tpu.memory_space<vmem>>) semaphore(%arg11 : memref<!tpu.dma_semaphore, #tpu.memory_space<semaphore_mem>>)
      %dma_start3A_152 = arith.constant 4 : i32
      %dma_start3A_153 = arith.constant 512 : i32
      %dma_start3A_154 = arith.constant 0 : i32
      %dma_start3A_155 = tpu.memref_slice %arg8[%dma_start3A_153, %dma_start3A_154] : memref<1024x32xf32, #tpu.memory_space<vmem>> -> memref<128x32xf32, #tpu.memory_space<vmem>>
      %dma_start3A_156 = arith.constant 0 : i32
      %dma_start3A_157 = tpu.memref_slice %arg6[%dma_start3A_152, %dma_start3A_156] : memref<8x128xi32, #tpu.memory_space<vmem>> -> memref<1x128xi32, #tpu.memory_space<vmem>>
      %dma_start3A_158 = tpu.memref_squeeze %dma_start3A_157 : memref<1x128xi32, #tpu.memory_space<vmem>> -> memref<128xi32, #tpu.memory_space<vmem>>
      %dma_start3A_159 = arith.constant 0 : i32
      %dma_start3A_160 = arith.constant 0 : i32
      %dma_start3A_161 = tpu.memref_slice %arg3[%dma_start3A_159, %dma_start3A_160] : memref<1000000x32xf32, #tpu.memory_space<hbm>> -> memref<1000000x32xf32, #tpu.memory_space<hbm>>
      tpu.enqueue_indirect_dma source(%dma_start3A_161 : memref<1000000x32xf32, #tpu.memory_space<hbm>>) target(%dma_start3A_155 : memref<128x32xf32, #tpu.memory_space<vmem>>) offsets(%dma_start3A_158 : memref<128xi32, #tpu.memory_space<vmem>>) semaphore(%arg11 : memref<!tpu.dma_semaphore, #tpu.memory_space<semaphore_mem>>)
      %dma_start3A_162 = arith.constant 5 : i32
      %dma_start3A_163 = arith.constant 640 : i32
      %dma_start3A_164 = arith.constant 0 : i32
      %dma_start3A_165 = tpu.memref_slice %arg8[%dma_start3A_163, %dma_start3A_164] : memref<1024x32xf32, #tpu.memory_space<vmem>> -> memref<128x32xf32, #tpu.memory_space<vmem>>
      %dma_start3A_166 = arith.constant 0 : i32
      %dma_start3A_167 = tpu.memref_slice %arg6[%dma_start3A_162, %dma_start3A_166] : memref<8x128xi32, #tpu.memory_space<vmem>> -> memref<1x128xi32, #tpu.memory_space<vmem>>
      %dma_start3A_168 = tpu.memref_squeeze %dma_start3A_167 : memref<1x128xi32, #tpu.memory_space<vmem>> -> memref<128xi32, #tpu.memory_space<vmem>>
      %dma_start3A_169 = arith.constant 0 : i32
      %dma_start3A_170 = arith.constant 0 : i32
      %dma_start3A_171 = tpu.memref_slice %arg3[%dma_start3A_169, %dma_start3A_170] : memref<1000000x32xf32, #tpu.memory_space<hbm>> -> memref<1000000x32xf32, #tpu.memory_space<hbm>>
      tpu.enqueue_indirect_dma source(%dma_start3A_171 : memref<1000000x32xf32, #tpu.memory_space<hbm>>) target(%dma_start3A_165 : memref<128x32xf32, #tpu.memory_space<vmem>>) offsets(%dma_start3A_168 : memref<128xi32, #tpu.memory_space<vmem>>) semaphore(%arg11 : memref<!tpu.dma_semaphore, #tpu.memory_space<semaphore_mem>>)
      %dma_start3A_172 = arith.constant 6 : i32
      %dma_start3A_173 = arith.constant 768 : i32
      %dma_start3A_174 = arith.constant 0 : i32
      %dma_start3A_175 = tpu.memref_slice %arg8[%dma_start3A_173, %dma_start3A_174] : memref<1024x32xf32, #tpu.memory_space<vmem>> -> memref<128x32xf32, #tpu.memory_space<vmem>>
      %dma_start3A_176 = arith.constant 0 : i32
      %dma_start3A_177 = tpu.memref_slice %arg6[%dma_start3A_172, %dma_start3A_176] : memref<8x128xi32, #tpu.memory_space<vmem>> -> memref<1x128xi32, #tpu.memory_space<vmem>>
      %dma_start3A_178 = tpu.memref_squeeze %dma_start3A_177 : memref<1x128xi32, #tpu.memory_space<vmem>> -> memref<128xi32, #tpu.memory_space<vmem>>
      %dma_start3A_179 = arith.constant 0 : i32
      %dma_start3A_180 = arith.constant 0 : i32
      %dma_start3A_181 = tpu.memref_slice %arg3[%dma_start3A_179, %dma_start3A_180] : memref<1000000x32xf32, #tpu.memory_space<hbm>> -> memref<1000000x32xf32, #tpu.memory_space<hbm>>
      tpu.enqueue_indirect_dma source(%dma_start3A_181 : memref<1000000x32xf32, #tpu.memory_space<hbm>>) target(%dma_start3A_175 : memref<128x32xf32, #tpu.memory_space<vmem>>) offsets(%dma_start3A_178 : memref<128xi32, #tpu.memory_space<vmem>>) semaphore(%arg11 : memref<!tpu.dma_semaphore, #tpu.memory_space<semaphore_mem>>)
      %dma_start3A_182 = arith.constant 7 : i32
      %dma_start3A_183 = arith.constant 896 : i32
      %dma_start3A_184 = arith.constant 0 : i32
      %dma_start3A_185 = tpu.memref_slice %arg8[%dma_start3A_183, %dma_start3A_184] : memref<1024x32xf32, #tpu.memory_space<vmem>> -> memref<128x32xf32, #tpu.memory_space<vmem>>
      %dma_start3A_186 = arith.constant 0 : i32
      %dma_start3A_187 = tpu.memref_slice %arg6[%dma_start3A_182, %dma_start3A_186] : memref<8x128xi32, #tpu.memory_space<vmem>> -> memref<1x128xi32, #tpu.memory_space<vmem>>
      %dma_start3A_188 = tpu.memref_squeeze %dma_start3A_187 : memref<1x128xi32, #tpu.memory_space<vmem>> -> memref<128xi32, #tpu.memory_space<vmem>>
      %dma_start3A_189 = arith.constant 0 : i32
      %dma_start3A_190 = arith.constant 0 : i32
      %dma_start3A_191 = tpu.memref_slice %arg3[%dma_start3A_189, %dma_start3A_190] : memref<1000000x32xf32, #tpu.memory_space<hbm>> -> memref<1000000x32xf32, #tpu.memory_space<hbm>>
      tpu.enqueue_indirect_dma source(%dma_start3A_191 : memref<1000000x32xf32, #tpu.memory_space<hbm>>) target(%dma_start3A_185 : memref<128x32xf32, #tpu.memory_space<vmem>>) offsets(%dma_start3A_188 : memref<128xi32, #tpu.memory_space<vmem>>) semaphore(%arg11 : memref<!tpu.dma_semaphore, #tpu.memory_space<semaphore_mem>>)
      %dma_wait3A = arith.constant 0 : i32
      %dma_wait3A_192 = arith.constant 0 : i32
      %dma_wait3A_193 = arith.constant 0 : i32
      %dma_wait3A_194 = tpu.memref_slice %arg7[%dma_wait3A_192, %dma_wait3A_193] : memref<1024x32xf32, #tpu.memory_space<vmem>> -> memref<128x32xf32, #tpu.memory_space<vmem>>
      %dma_wait3A_195 = arith.constant 0 : i32
      %dma_wait3A_196 = tpu.memref_slice %arg5[%dma_wait3A, %dma_wait3A_195] : memref<8x128xi32, #tpu.memory_space<vmem>> -> memref<1x128xi32, #tpu.memory_space<vmem>>
      %dma_wait3A_197 = tpu.memref_squeeze %dma_wait3A_196 : memref<1x128xi32, #tpu.memory_space<vmem>> -> memref<128xi32, #tpu.memory_space<vmem>>
      %dma_wait3A_198 = arith.constant 0 : i32
      %dma_wait3A_199 = arith.constant 0 : i32
      %dma_wait3A_200 = tpu.memref_slice %arg3[%dma_wait3A_198, %dma_wait3A_199] : memref<1000000x32xf32, #tpu.memory_space<hbm>> -> memref<1000000x32xf32, #tpu.memory_space<hbm>>
      tpu.wait_indirect_dma semaphore(%arg10 : memref<!tpu.dma_semaphore, #tpu.memory_space<semaphore_mem>>) src(%dma_wait3A_200 : memref<1000000x32xf32, #tpu.memory_space<hbm>>) dst(%dma_wait3A_194 : memref<128x32xf32, #tpu.memory_space<vmem>>)
      %dma_wait3A_201 = arith.constant 1 : i32
      %dma_wait3A_202 = arith.constant 128 : i32
      %dma_wait3A_203 = arith.constant 0 : i32
      %dma_wait3A_204 = tpu.memref_slice %arg7[%dma_wait3A_202, %dma_wait3A_203] : memref<1024x32xf32, #tpu.memory_space<vmem>> -> memref<128x32xf32, #tpu.memory_space<vmem>>
      %dma_wait3A_205 = arith.constant 0 : i32
      %dma_wait3A_206 = tpu.memref_slice %arg5[%dma_wait3A_201, %dma_wait3A_205] : memref<8x128xi32, #tpu.memory_space<vmem>> -> memref<1x128xi32, #tpu.memory_space<vmem>>
      %dma_wait3A_207 = tpu.memref_squeeze %dma_wait3A_206 : memref<1x128xi32, #tpu.memory_space<vmem>> -> memref<128xi32, #tpu.memory_space<vmem>>
      %dma_wait3A_208 = arith.constant 0 : i32
      %dma_wait3A_209 = arith.constant 0 : i32
      %dma_wait3A_210 = tpu.memref_slice %arg3[%dma_wait3A_208, %dma_wait3A_209] : memref<1000000x32xf32, #tpu.memory_space<hbm>> -> memref<1000000x32xf32, #tpu.memory_space<hbm>>
      tpu.wait_indirect_dma semaphore(%arg10 : memref<!tpu.dma_semaphore, #tpu.memory_space<semaphore_mem>>) src(%dma_wait3A_210 : memref<1000000x32xf32, #tpu.memory_space<hbm>>) dst(%dma_wait3A_204 : memref<128x32xf32, #tpu.memory_space<vmem>>)
      %dma_wait3A_211 = arith.constant 2 : i32
      %dma_wait3A_212 = arith.constant 256 : i32
      %dma_wait3A_213 = arith.constant 0 : i32
      %dma_wait3A_214 = tpu.memref_slice %arg7[%dma_wait3A_212, %dma_wait3A_213] : memref<1024x32xf32, #tpu.memory_space<vmem>> -> memref<128x32xf32, #tpu.memory_space<vmem>>
      %dma_wait3A_215 = arith.constant 0 : i32
      %dma_wait3A_216 = tpu.memref_slice %arg5[%dma_wait3A_211, %dma_wait3A_215] : memref<8x128xi32, #tpu.memory_space<vmem>> -> memref<1x128xi32, #tpu.memory_space<vmem>>
      %dma_wait3A_217 = tpu.memref_squeeze %dma_wait3A_216 : memref<1x128xi32, #tpu.memory_space<vmem>> -> memref<128xi32, #tpu.memory_space<vmem>>
      %dma_wait3A_218 = arith.constant 0 : i32
      %dma_wait3A_219 = arith.constant 0 : i32
      %dma_wait3A_220 = tpu.memref_slice %arg3[%dma_wait3A_218, %dma_wait3A_219] : memref<1000000x32xf32, #tpu.memory_space<hbm>> -> memref<1000000x32xf32, #tpu.memory_space<hbm>>
      tpu.wait_indirect_dma semaphore(%arg10 : memref<!tpu.dma_semaphore, #tpu.memory_space<semaphore_mem>>) src(%dma_wait3A_220 : memref<1000000x32xf32, #tpu.memory_space<hbm>>) dst(%dma_wait3A_214 : memref<128x32xf32, #tpu.memory_space<vmem>>)
      %dma_wait3A_221 = arith.constant 3 : i32
      %dma_wait3A_222 = arith.constant 384 : i32
      %dma_wait3A_223 = arith.constant 0 : i32
      %dma_wait3A_224 = tpu.memref_slice %arg7[%dma_wait3A_222, %dma_wait3A_223] : memref<1024x32xf32, #tpu.memory_space<vmem>> -> memref<128x32xf32, #tpu.memory_space<vmem>>
      %dma_wait3A_225 = arith.constant 0 : i32
      %dma_wait3A_226 = tpu.memref_slice %arg5[%dma_wait3A_221, %dma_wait3A_225] : memref<8x128xi32, #tpu.memory_space<vmem>> -> memref<1x128xi32, #tpu.memory_space<vmem>>
      %dma_wait3A_227 = tpu.memref_squeeze %dma_wait3A_226 : memref<1x128xi32, #tpu.memory_space<vmem>> -> memref<128xi32, #tpu.memory_space<vmem>>
      %dma_wait3A_228 = arith.constant 0 : i32
      %dma_wait3A_229 = arith.constant 0 : i32
      %dma_wait3A_230 = tpu.memref_slice %arg3[%dma_wait3A_228, %dma_wait3A_229] : memref<1000000x32xf32, #tpu.memory_space<hbm>> -> memref<1000000x32xf32, #tpu.memory_space<hbm>>
      tpu.wait_indirect_dma semaphore(%arg10 : memref<!tpu.dma_semaphore, #tpu.memory_space<semaphore_mem>>) src(%dma_wait3A_230 : memref<1000000x32xf32, #tpu.memory_space<hbm>>) dst(%dma_wait3A_224 : memref<128x32xf32, #tpu.memory_space<vmem>>)
      %dma_wait3A_231 = arith.constant 4 : i32
      %dma_wait3A_232 = arith.constant 512 : i32
      %dma_wait3A_233 = arith.constant 0 : i32
      %dma_wait3A_234 = tpu.memref_slice %arg7[%dma_wait3A_232, %dma_wait3A_233] : memref<1024x32xf32, #tpu.memory_space<vmem>> -> memref<128x32xf32, #tpu.memory_space<vmem>>
      %dma_wait3A_235 = arith.constant 0 : i32
      %dma_wait3A_236 = tpu.memref_slice %arg5[%dma_wait3A_231, %dma_wait3A_235] : memref<8x128xi32, #tpu.memory_space<vmem>> -> memref<1x128xi32, #tpu.memory_space<vmem>>
      %dma_wait3A_237 = tpu.memref_squeeze %dma_wait3A_236 : memref<1x128xi32, #tpu.memory_space<vmem>> -> memref<128xi32, #tpu.memory_space<vmem>>
      %dma_wait3A_238 = arith.constant 0 : i32
      %dma_wait3A_239 = arith.constant 0 : i32
      %dma_wait3A_240 = tpu.memref_slice %arg3[%dma_wait3A_238, %dma_wait3A_239] : memref<1000000x32xf32, #tpu.memory_space<hbm>> -> memref<1000000x32xf32, #tpu.memory_space<hbm>>
      tpu.wait_indirect_dma semaphore(%arg10 : memref<!tpu.dma_semaphore, #tpu.memory_space<semaphore_mem>>) src(%dma_wait3A_240 : memref<1000000x32xf32, #tpu.memory_space<hbm>>) dst(%dma_wait3A_234 : memref<128x32xf32, #tpu.memory_space<vmem>>)
      %dma_wait3A_241 = arith.constant 5 : i32
      %dma_wait3A_242 = arith.constant 640 : i32
      %dma_wait3A_243 = arith.constant 0 : i32
      %dma_wait3A_244 = tpu.memref_slice %arg7[%dma_wait3A_242, %dma_wait3A_243] : memref<1024x32xf32, #tpu.memory_space<vmem>> -> memref<128x32xf32, #tpu.memory_space<vmem>>
      %dma_wait3A_245 = arith.constant 0 : i32
      %dma_wait3A_246 = tpu.memref_slice %arg5[%dma_wait3A_241, %dma_wait3A_245] : memref<8x128xi32, #tpu.memory_space<vmem>> -> memref<1x128xi32, #tpu.memory_space<vmem>>
      %dma_wait3A_247 = tpu.memref_squeeze %dma_wait3A_246 : memref<1x128xi32, #tpu.memory_space<vmem>> -> memref<128xi32, #tpu.memory_space<vmem>>
      %dma_wait3A_248 = arith.constant 0 : i32
      %dma_wait3A_249 = arith.constant 0 : i32
      %dma_wait3A_250 = tpu.memref_slice %arg3[%dma_wait3A_248, %dma_wait3A_249] : memref<1000000x32xf32, #tpu.memory_space<hbm>> -> memref<1000000x32xf32, #tpu.memory_space<hbm>>
      tpu.wait_indirect_dma semaphore(%arg10 : memref<!tpu.dma_semaphore, #tpu.memory_space<semaphore_mem>>) src(%dma_wait3A_250 : memref<1000000x32xf32, #tpu.memory_space<hbm>>) dst(%dma_wait3A_244 : memref<128x32xf32, #tpu.memory_space<vmem>>)
      %dma_wait3A_251 = arith.constant 6 : i32
      %dma_wait3A_252 = arith.constant 768 : i32
      %dma_wait3A_253 = arith.constant 0 : i32
      %dma_wait3A_254 = tpu.memref_slice %arg7[%dma_wait3A_252, %dma_wait3A_253] : memref<1024x32xf32, #tpu.memory_space<vmem>> -> memref<128x32xf32, #tpu.memory_space<vmem>>
      %dma_wait3A_255 = arith.constant 0 : i32
      %dma_wait3A_256 = tpu.memref_slice %arg5[%dma_wait3A_251, %dma_wait3A_255] : memref<8x128xi32, #tpu.memory_space<vmem>> -> memref<1x128xi32, #tpu.memory_space<vmem>>
      %dma_wait3A_257 = tpu.memref_squeeze %dma_wait3A_256 : memref<1x128xi32, #tpu.memory_space<vmem>> -> memref<128xi32, #tpu.memory_space<vmem>>
      %dma_wait3A_258 = arith.constant 0 : i32
      %dma_wait3A_259 = arith.constant 0 : i32
      %dma_wait3A_260 = tpu.memref_slice %arg3[%dma_wait3A_258, %dma_wait3A_259] : memref<1000000x32xf32, #tpu.memory_space<hbm>> -> memref<1000000x32xf32, #tpu.memory_space<hbm>>
      tpu.wait_indirect_dma semaphore(%arg10 : memref<!tpu.dma_semaphore, #tpu.memory_space<semaphore_mem>>) src(%dma_wait3A_260 : memref<1000000x32xf32, #tpu.memory_space<hbm>>) dst(%dma_wait3A_254 : memref<128x32xf32, #tpu.memory_space<vmem>>)
      %dma_wait3A_261 = arith.constant 7 : i32
      %dma_wait3A_262 = arith.constant 896 : i32
      %dma_wait3A_263 = arith.constant 0 : i32
      %dma_wait3A_264 = tpu.memref_slice %arg7[%dma_wait3A_262, %dma_wait3A_263] : memref<1024x32xf32, #tpu.memory_space<vmem>> -> memref<128x32xf32, #tpu.memory_space<vmem>>
      %dma_wait3A_265 = arith.constant 0 : i32
      %dma_wait3A_266 = tpu.memref_slice %arg5[%dma_wait3A_261, %dma_wait3A_265] : memref<8x128xi32, #tpu.memory_space<vmem>> -> memref<1x128xi32, #tpu.memory_space<vmem>>
      %dma_wait3A_267 = tpu.memref_squeeze %dma_wait3A_266 : memref<1x128xi32, #tpu.memory_space<vmem>> -> memref<128xi32, #tpu.memory_space<vmem>>
      %dma_wait3A_268 = arith.constant 0 : i32
      %dma_wait3A_269 = arith.constant 0 : i32
      %dma_wait3A_270 = tpu.memref_slice %arg3[%dma_wait3A_268, %dma_wait3A_269] : memref<1000000x32xf32, #tpu.memory_space<hbm>> -> memref<1000000x32xf32, #tpu.memory_space<hbm>>
      tpu.wait_indirect_dma semaphore(%arg10 : memref<!tpu.dma_semaphore, #tpu.memory_space<semaphore_mem>>) src(%dma_wait3A_270 : memref<1000000x32xf32, #tpu.memory_space<hbm>>) dst(%dma_wait3A_264 : memref<128x32xf32, #tpu.memory_space<vmem>>)
      %jit3A = arith.constant 1024 : i32
      %div3A = arith.divsi %add3A_102, %jit3A : i32
      %sign3A = arith.constant 0 : i32
      %sign3A_271 = arith.cmpi sgt, %add3A_102, %sign3A : i32
      %sign3A_272 = arith.extui %sign3A_271 : i1 to i32
      %sign3A_273 = arith.constant 0 : i32
      %sign3A_274 = arith.cmpi slt, %add3A_102, %sign3A_273 : i32
      %sign3A_275 = arith.extui %sign3A_274 : i1 to i32
      %sign3A_276 = arith.subi %sign3A_272, %sign3A_275 : i32
      %sign3A_277 = arith.constant 0 : i32
      %sign3A_278 = arith.cmpi sgt, %jit3A, %sign3A_277 : i32
      %sign3A_279 = arith.extui %sign3A_278 : i1 to i32
      %sign3A_280 = arith.constant 0 : i32
      %sign3A_281 = arith.cmpi slt, %jit3A, %sign3A_280 : i32
      %sign3A_282 = arith.extui %sign3A_281 : i1 to i32
      %sign3A_283 = arith.subi %sign3A_279, %sign3A_282 : i32
      %ne3A = arith.cmpi ne, %sign3A_276, %sign3A_283 : i32
      %rem3A = arith.remsi %add3A_102, %jit3A : i32
      %ne3A_284 = arith.constant 0 : i32
      %ne3A_285 = arith.cmpi ne, %rem3A, %ne3A_284 : i32
      %and3A = arith.andi %ne3A, %ne3A_285 : i1
      %sub3A = arith.constant 1 : i32
      %sub3A_286 = arith.subi %div3A, %sub3A : i32
      %select_n3A = arith.select %and3A, %sub3A_286, %div3A : i32
      %jit3A_287 = arith.constant 8 : i32
      %div3A_288 = arith.divsi %add3A_102, %jit3A_287 : i32
      %sign3A_289 = arith.constant 0 : i32
      %sign3A_290 = arith.cmpi sgt, %add3A_102, %sign3A_289 : i32
      %sign3A_291 = arith.extui %sign3A_290 : i1 to i32
      %sign3A_292 = arith.constant 0 : i32
      %sign3A_293 = arith.cmpi slt, %add3A_102, %sign3A_292 : i32
      %sign3A_294 = arith.extui %sign3A_293 : i1 to i32
      %sign3A_295 = arith.subi %sign3A_291, %sign3A_294 : i32
      %sign3A_296 = arith.constant 0 : i32
      %sign3A_297 = arith.cmpi sgt, %jit3A_287, %sign3A_296 : i32
      %sign3A_298 = arith.extui %sign3A_297 : i1 to i32
      %sign3A_299 = arith.constant 0 : i32
      %sign3A_300 = arith.cmpi slt, %jit3A_287, %sign3A_299 : i32
      %sign3A_301 = arith.extui %sign3A_300 : i1 to i32
      %sign3A_302 = arith.subi %sign3A_298, %sign3A_301 : i32
      %ne3A_303 = arith.cmpi ne, %sign3A_295, %sign3A_302 : i32
      %rem3A_304 = arith.remsi %add3A_102, %jit3A_287 : i32
      %ne3A_305 = arith.constant 0 : i32
      %ne3A_306 = arith.cmpi ne, %rem3A_304, %ne3A_305 : i32
      %and3A_307 = arith.andi %ne3A_303, %ne3A_306 : i1
      %sub3A_308 = arith.constant 1 : i32
      %sub3A_309 = arith.subi %div3A_288, %sub3A_308 : i32
      %select_n3A_310 = arith.select %and3A_307, %sub3A_309, %div3A_288 : i32
      %jit3A_311 = arith.constant 128 : i32
      %eq3A = arith.constant 0 : i32
      %eq3A_312 = arith.cmpi eq, %jit3A_311, %eq3A : i32
      %jit3A_313 = arith.constant 1 : i32
      %select_n3A_314 = arith.select %eq3A_312, %jit3A_313, %jit3A_311 : i32
      %rem3A_315 = arith.remsi %select_n3A_310, %select_n3A_314 : i32
      %ne3A_316 = arith.constant 0 : i32
      %ne3A_317 = arith.cmpi ne, %rem3A_315, %ne3A_316 : i32
      %lt3A = arith.constant 0 : i32
      %lt3A_318 = arith.cmpi slt, %rem3A_315, %lt3A : i32
      %lt3A_319 = arith.constant 0 : i32
      %lt3A_320 = arith.cmpi slt, %select_n3A_314, %lt3A_319 : i32
      %ne3A_321 = arith.xori %lt3A_318, %lt3A_320 : i1
      %and3A_322 = arith.andi %ne3A_321, %ne3A_317 : i1
      %add3A_323 = arith.addi %rem3A_315, %select_n3A_314 : i32
      %select_n3A_324 = arith.select %and3A_322, %add3A_323, %rem3A_315 : i32
      %jit3A_325 = arith.constant 8 : i32
      %eq3A_326 = arith.constant 0 : i32
      %eq3A_327 = arith.cmpi eq, %jit3A_325, %eq3A_326 : i32
      %jit3A_328 = arith.constant 1 : i32
      %select_n3A_329 = arith.select %eq3A_327, %jit3A_328, %jit3A_325 : i32
      %rem3A_330 = arith.remsi %add3A_102, %select_n3A_329 : i32
      %ne3A_331 = arith.constant 0 : i32
      %ne3A_332 = arith.cmpi ne, %rem3A_330, %ne3A_331 : i32
      %lt3A_333 = arith.constant 0 : i32
      %lt3A_334 = arith.cmpi slt, %rem3A_330, %lt3A_333 : i32
      %lt3A_335 = arith.constant 0 : i32
      %lt3A_336 = arith.cmpi slt, %select_n3A_329, %lt3A_335 : i32
      %ne3A_337 = arith.xori %lt3A_334, %lt3A_336 : i1
      %and3A_338 = arith.andi %ne3A_337, %ne3A_332 : i1
      %add3A_339 = arith.addi %rem3A_330, %select_n3A_329 : i32
      %select_n3A_340 = arith.select %and3A_338, %add3A_339, %rem3A_330 : i32
      %parallel_loop3A = arith.constant 0 : i32
      %parallel_loop3A_341 = arith.constant 256 : i32
      %parallel_loop3A_342 = arith.constant 1 : i32
      scf.for %parallel_loop3A_606 = %parallel_loop3A to %parallel_loop3A_341 step %parallel_loop3A_342  : i32 {
        %parallel_loop3A_607 = arith.constant 32 : i32
        %parallel_loop3A_608 = arith.divsi %parallel_loop3A_606, %parallel_loop3A_607 : i32
        %parallel_loop3A_609 = arith.constant 0 : i32
        %parallel_loop3A_610 = arith.cmpi sgt, %parallel_loop3A_606, %parallel_loop3A_609 : i32
        %parallel_loop3A_611 = arith.extui %parallel_loop3A_610 : i1 to i32
        %parallel_loop3A_612 = arith.constant 0 : i32
        %parallel_loop3A_613 = arith.cmpi slt, %parallel_loop3A_606, %parallel_loop3A_612 : i32
        %parallel_loop3A_614 = arith.extui %parallel_loop3A_613 : i1 to i32
        %parallel_loop3A_615 = arith.subi %parallel_loop3A_611, %parallel_loop3A_614 : i32
        %parallel_loop3A_616 = arith.constant 0 : i32
        %parallel_loop3A_617 = arith.cmpi sgt, %parallel_loop3A_607, %parallel_loop3A_616 : i32
        %parallel_loop3A_618 = arith.extui %parallel_loop3A_617 : i1 to i32
        %parallel_loop3A_619 = arith.constant 0 : i32
        %parallel_loop3A_620 = arith.cmpi slt, %parallel_loop3A_607, %parallel_loop3A_619 : i32
        %parallel_loop3A_621 = arith.extui %parallel_loop3A_620 : i1 to i32
        %parallel_loop3A_622 = arith.subi %parallel_loop3A_618, %parallel_loop3A_621 : i32
        %parallel_loop3A_623 = arith.cmpi ne, %parallel_loop3A_615, %parallel_loop3A_622 : i32
        %parallel_loop3A_624 = arith.remsi %parallel_loop3A_606, %parallel_loop3A_607 : i32
        %parallel_loop3A_625 = arith.constant 0 : i32
        %parallel_loop3A_626 = arith.cmpi ne, %parallel_loop3A_624, %parallel_loop3A_625 : i32
        %parallel_loop3A_627 = arith.andi %parallel_loop3A_623, %parallel_loop3A_626 : i1
        %parallel_loop3A_628 = arith.constant 1 : i32
        %parallel_loop3A_629 = arith.subi %parallel_loop3A_608, %parallel_loop3A_628 : i32
        %parallel_loop3A_630 = arith.select %parallel_loop3A_627, %parallel_loop3A_629, %parallel_loop3A_608 : i32
        %parallel_loop3A_631 = arith.constant 32 : i32
        %parallel_loop3A_632 = arith.constant 0 : i32
        %parallel_loop3A_633 = arith.cmpi eq, %parallel_loop3A_631, %parallel_loop3A_632 : i32
        %parallel_loop3A_634 = arith.constant 1 : i32
        %parallel_loop3A_635 = arith.select %parallel_loop3A_633, %parallel_loop3A_634, %parallel_loop3A_631 : i32
        %parallel_loop3A_636 = arith.remsi %parallel_loop3A_606, %parallel_loop3A_635 : i32
        %parallel_loop3A_637 = arith.constant 0 : i32
        %parallel_loop3A_638 = arith.cmpi ne, %parallel_loop3A_636, %parallel_loop3A_637 : i32
        %parallel_loop3A_639 = arith.constant 0 : i32
        %parallel_loop3A_640 = arith.cmpi slt, %parallel_loop3A_636, %parallel_loop3A_639 : i32
        %parallel_loop3A_641 = arith.constant 0 : i32
        %parallel_loop3A_642 = arith.cmpi slt, %parallel_loop3A_635, %parallel_loop3A_641 : i32
        %parallel_loop3A_643 = arith.xori %parallel_loop3A_640, %parallel_loop3A_642 : i1
        %parallel_loop3A_644 = arith.andi %parallel_loop3A_643, %parallel_loop3A_638 : i1
        %parallel_loop3A_645 = arith.addi %parallel_loop3A_636, %parallel_loop3A_635 : i32
        %parallel_loop3A_646 = arith.select %parallel_loop3A_644, %parallel_loop3A_645, %parallel_loop3A_636 : i32
        %parallel_loop3A_647 = vector.broadcast %parallel_loop3A_646 : i32 to vector<16xi32>
        %parallel_loop3A_648 = arith.constant 128 : i32
        %parallel_loop3A_649 = arith.muli %parallel_loop3A_630, %parallel_loop3A_648 : i32
        %parallel_loop3A_650 = arith.constant 0 : i32
        %parallel_loop3A_651 = arith.addi %parallel_loop3A_649, %parallel_loop3A_650 : i32
        %parallel_loop3A_652 = vector.broadcast %parallel_loop3A_651 : i32 to vector<16xi32>
        %parallel_loop3A_653 = arith.addi %iota3A, %parallel_loop3A_652 : vector<16xi32>
        %parallel_loop3A_654 = tpu.vector_load_idx %arg7[%parallel_loop3A_653, %parallel_loop3A_647] : memref<1024x32xf32, #tpu.memory_space<vmem>>[vector<16xi32>, vector<16xi32>], vector<16xf32>,
        %parallel_loop3A_655 = arith.constant 8 : i32
        %parallel_loop3A_656 = arith.divsi %parallel_loop3A_646, %parallel_loop3A_655 : i32
        %parallel_loop3A_657 = arith.constant 0 : i32
        %parallel_loop3A_658 = arith.cmpi sgt, %parallel_loop3A_646, %parallel_loop3A_657 : i32
        %parallel_loop3A_659 = arith.extui %parallel_loop3A_658 : i1 to i32
        %parallel_loop3A_660 = arith.constant 0 : i32
        %parallel_loop3A_661 = arith.cmpi slt, %parallel_loop3A_646, %parallel_loop3A_660 : i32
        %parallel_loop3A_662 = arith.extui %parallel_loop3A_661 : i1 to i32
        %parallel_loop3A_663 = arith.subi %parallel_loop3A_659, %parallel_loop3A_662 : i32
        %parallel_loop3A_664 = arith.constant 0 : i32
        %parallel_loop3A_665 = arith.cmpi sgt, %parallel_loop3A_655, %parallel_loop3A_664 : i32
        %parallel_loop3A_666 = arith.extui %parallel_loop3A_665 : i1 to i32
        %parallel_loop3A_667 = arith.constant 0 : i32
        %parallel_loop3A_668 = arith.cmpi slt, %parallel_loop3A_655, %parallel_loop3A_667 : i32
        %parallel_loop3A_669 = arith.extui %parallel_loop3A_668 : i1 to i32
        %parallel_loop3A_670 = arith.subi %parallel_loop3A_666, %parallel_loop3A_669 : i32
        %parallel_loop3A_671 = arith.cmpi ne, %parallel_loop3A_663, %parallel_loop3A_670 : i32
        %parallel_loop3A_672 = arith.remsi %parallel_loop3A_646, %parallel_loop3A_655 : i32
        %parallel_loop3A_673 = arith.constant 0 : i32
        %parallel_loop3A_674 = arith.cmpi ne, %parallel_loop3A_672, %parallel_loop3A_673 : i32
        %parallel_loop3A_675 = arith.andi %parallel_loop3A_671, %parallel_loop3A_674 : i1
        %parallel_loop3A_676 = arith.constant 1 : i32
        %parallel_loop3A_677 = arith.subi %parallel_loop3A_656, %parallel_loop3A_676 : i32
        %parallel_loop3A_678 = arith.select %parallel_loop3A_675, %parallel_loop3A_677, %parallel_loop3A_656 : i32
        %parallel_loop3A_679 = arith.constant 8 : i32
        %parallel_loop3A_680 = arith.constant 0 : i32
        %parallel_loop3A_681 = arith.cmpi eq, %parallel_loop3A_679, %parallel_loop3A_680 : i32
        %parallel_loop3A_682 = arith.constant 1 : i32
        %parallel_loop3A_683 = arith.select %parallel_loop3A_681, %parallel_loop3A_682, %parallel_loop3A_679 : i32
        %parallel_loop3A_684 = arith.remsi %parallel_loop3A_646, %parallel_loop3A_683 : i32
        %parallel_loop3A_685 = arith.constant 0 : i32
        %parallel_loop3A_686 = arith.cmpi ne, %parallel_loop3A_684, %parallel_loop3A_685 : i32
        %parallel_loop3A_687 = arith.constant 0 : i32
        %parallel_loop3A_688 = arith.cmpi slt, %parallel_loop3A_684, %parallel_loop3A_687 : i32
        %parallel_loop3A_689 = arith.constant 0 : i32
        %parallel_loop3A_690 = arith.cmpi slt, %parallel_loop3A_683, %parallel_loop3A_689 : i32
        %parallel_loop3A_691 = arith.xori %parallel_loop3A_688, %parallel_loop3A_690 : i1
        %parallel_loop3A_692 = arith.andi %parallel_loop3A_691, %parallel_loop3A_686 : i1
        %parallel_loop3A_693 = arith.addi %parallel_loop3A_684, %parallel_loop3A_683 : i32
        %parallel_loop3A_694 = arith.select %parallel_loop3A_692, %parallel_loop3A_693, %parallel_loop3A_684 : i32
        %parallel_loop3A_695 = arith.index_cast %parallel_loop3A_630 : i32 to index
        %parallel_loop3A_696 = arith.index_cast %parallel_loop3A_678 : i32 to index
        %parallel_loop3A_697 = arith.index_cast %parallel_loop3A_694 : i32 to index
        %parallel_loop3A_698 = arith.constant 0 : index
        %parallel_loop3A_699 = tpu.vector_load %arg9[%parallel_loop3A_695, %parallel_loop3A_696, %parallel_loop3A_697, %parallel_loop3A_698] {strides = array<i32>} : memref<8x4x8x128xf32, #tpu.memory_space<vmem>>, vector<16xf32>,
        tpu.vector_store %arg9[%parallel_loop3A_695, %parallel_loop3A_696, %parallel_loop3A_697, %parallel_loop3A_698], %parallel_loop3A_654 {strides = array<i32>} : memref<8x4x8x128xf32, #tpu.memory_space<vmem>>, vector<16xf32>,
        %parallel_loop3A_700 = arith.constant 16 : i32
        %parallel_loop3A_701 = arith.addi %parallel_loop3A_649, %parallel_loop3A_700 : i32
        %parallel_loop3A_702 = vector.broadcast %parallel_loop3A_701 : i32 to vector<16xi32>
        %parallel_loop3A_703 = arith.addi %iota3A, %parallel_loop3A_702 : vector<16xi32>
        %parallel_loop3A_704 = tpu.vector_load_idx %arg7[%parallel_loop3A_703, %parallel_loop3A_647] : memref<1024x32xf32, #tpu.memory_space<vmem>>[vector<16xi32>, vector<16xi32>], vector<16xf32>,
        %parallel_loop3A_705 = arith.constant 8 : i32
        %parallel_loop3A_706 = arith.divsi %parallel_loop3A_646, %parallel_loop3A_705 : i32
        %parallel_loop3A_707 = arith.constant 0 : i32
        %parallel_loop3A_708 = arith.cmpi sgt, %parallel_loop3A_646, %parallel_loop3A_707 : i32
        %parallel_loop3A_709 = arith.extui %parallel_loop3A_708 : i1 to i32
        %parallel_loop3A_710 = arith.constant 0 : i32
        %parallel_loop3A_711 = arith.cmpi slt, %parallel_loop3A_646, %parallel_loop3A_710 : i32
        %parallel_loop3A_712 = arith.extui %parallel_loop3A_711 : i1 to i32
        %parallel_loop3A_713 = arith.subi %parallel_loop3A_709, %parallel_loop3A_712 : i32
        %parallel_loop3A_714 = arith.constant 0 : i32
        %parallel_loop3A_715 = arith.cmpi sgt, %parallel_loop3A_705, %parallel_loop3A_714 : i32
        %parallel_loop3A_716 = arith.extui %parallel_loop3A_715 : i1 to i32
        %parallel_loop3A_717 = arith.constant 0 : i32
        %parallel_loop3A_718 = arith.cmpi slt, %parallel_loop3A_705, %parallel_loop3A_717 : i32
        %parallel_loop3A_719 = arith.extui %parallel_loop3A_718 : i1 to i32
        %parallel_loop3A_720 = arith.subi %parallel_loop3A_716, %parallel_loop3A_719 : i32
        %parallel_loop3A_721 = arith.cmpi ne, %parallel_loop3A_713, %parallel_loop3A_720 : i32
        %parallel_loop3A_722 = arith.remsi %parallel_loop3A_646, %parallel_loop3A_705 : i32
        %parallel_loop3A_723 = arith.constant 0 : i32
        %parallel_loop3A_724 = arith.cmpi ne, %parallel_loop3A_722, %parallel_loop3A_723 : i32
        %parallel_loop3A_725 = arith.andi %parallel_loop3A_721, %parallel_loop3A_724 : i1
        %parallel_loop3A_726 = arith.constant 1 : i32
        %parallel_loop3A_727 = arith.subi %parallel_loop3A_706, %parallel_loop3A_726 : i32
        %parallel_loop3A_728 = arith.select %parallel_loop3A_725, %parallel_loop3A_727, %parallel_loop3A_706 : i32
        %parallel_loop3A_729 = arith.constant 8 : i32
        %parallel_loop3A_730 = arith.constant 0 : i32
        %parallel_loop3A_731 = arith.cmpi eq, %parallel_loop3A_729, %parallel_loop3A_730 : i32
        %parallel_loop3A_732 = arith.constant 1 : i32
        %parallel_loop3A_733 = arith.select %parallel_loop3A_731, %parallel_loop3A_732, %parallel_loop3A_729 : i32
        %parallel_loop3A_734 = arith.remsi %parallel_loop3A_646, %parallel_loop3A_733 : i32
        %parallel_loop3A_735 = arith.constant 0 : i32
        %parallel_loop3A_736 = arith.cmpi ne, %parallel_loop3A_734, %parallel_loop3A_735 : i32
        %parallel_loop3A_737 = arith.constant 0 : i32
        %parallel_loop3A_738 = arith.cmpi slt, %parallel_loop3A_734, %parallel_loop3A_737 : i32
        %parallel_loop3A_739 = arith.constant 0 : i32
        %parallel_loop3A_740 = arith.cmpi slt, %parallel_loop3A_733, %parallel_loop3A_739 : i32
        %parallel_loop3A_741 = arith.xori %parallel_loop3A_738, %parallel_loop3A_740 : i1
        %parallel_loop3A_742 = arith.andi %parallel_loop3A_741, %parallel_loop3A_736 : i1
        %parallel_loop3A_743 = arith.addi %parallel_loop3A_734, %parallel_loop3A_733 : i32
        %parallel_loop3A_744 = arith.select %parallel_loop3A_742, %parallel_loop3A_743, %parallel_loop3A_734 : i32
        %parallel_loop3A_745 = arith.index_cast %parallel_loop3A_630 : i32 to index
        %parallel_loop3A_746 = arith.index_cast %parallel_loop3A_728 : i32 to index
        %parallel_loop3A_747 = arith.index_cast %parallel_loop3A_744 : i32 to index
        %parallel_loop3A_748 = arith.constant 16 : index
        %parallel_loop3A_749 = tpu.vector_load %arg9[%parallel_loop3A_745, %parallel_loop3A_746, %parallel_loop3A_747, %parallel_loop3A_748] {strides = array<i32>} : memref<8x4x8x128xf32, #tpu.memory_space<vmem>>, vector<16xf32>,
        tpu.vector_store %arg9[%parallel_loop3A_745, %parallel_loop3A_746, %parallel_loop3A_747, %parallel_loop3A_748], %parallel_loop3A_704 {strides = array<i32>} : memref<8x4x8x128xf32, #tpu.memory_space<vmem>>, vector<16xf32>,
        %parallel_loop3A_750 = arith.constant 32 : i32
        %parallel_loop3A_751 = arith.addi %parallel_loop3A_649, %parallel_loop3A_750 : i32
        %parallel_loop3A_752 = vector.broadcast %parallel_loop3A_751 : i32 to vector<16xi32>
        %parallel_loop3A_753 = arith.addi %iota3A, %parallel_loop3A_752 : vector<16xi32>
        %parallel_loop3A_754 = tpu.vector_load_idx %arg7[%parallel_loop3A_753, %parallel_loop3A_647] : memref<1024x32xf32, #tpu.memory_space<vmem>>[vector<16xi32>, vector<16xi32>], vector<16xf32>,
        %parallel_loop3A_755 = arith.constant 8 : i32
        %parallel_loop3A_756 = arith.divsi %parallel_loop3A_646, %parallel_loop3A_755 : i32
        %parallel_loop3A_757 = arith.constant 0 : i32
        %parallel_loop3A_758 = arith.cmpi sgt, %parallel_loop3A_646, %parallel_loop3A_757 : i32
        %parallel_loop3A_759 = arith.extui %parallel_loop3A_758 : i1 to i32
        %parallel_loop3A_760 = arith.constant 0 : i32
        %parallel_loop3A_761 = arith.cmpi slt, %parallel_loop3A_646, %parallel_loop3A_760 : i32
        %parallel_loop3A_762 = arith.extui %parallel_loop3A_761 : i1 to i32
        %parallel_loop3A_763 = arith.subi %parallel_loop3A_759, %parallel_loop3A_762 : i32
        %parallel_loop3A_764 = arith.constant 0 : i32
        %parallel_loop3A_765 = arith.cmpi sgt, %parallel_loop3A_755, %parallel_loop3A_764 : i32
        %parallel_loop3A_766 = arith.extui %parallel_loop3A_765 : i1 to i32
        %parallel_loop3A_767 = arith.constant 0 : i32
        %parallel_loop3A_768 = arith.cmpi slt, %parallel_loop3A_755, %parallel_loop3A_767 : i32
        %parallel_loop3A_769 = arith.extui %parallel_loop3A_768 : i1 to i32
        %parallel_loop3A_770 = arith.subi %parallel_loop3A_766, %parallel_loop3A_769 : i32
        %parallel_loop3A_771 = arith.cmpi ne, %parallel_loop3A_763, %parallel_loop3A_770 : i32
        %parallel_loop3A_772 = arith.remsi %parallel_loop3A_646, %parallel_loop3A_755 : i32
        %parallel_loop3A_773 = arith.constant 0 : i32
        %parallel_loop3A_774 = arith.cmpi ne, %parallel_loop3A_772, %parallel_loop3A_773 : i32
        %parallel_loop3A_775 = arith.andi %parallel_loop3A_771, %parallel_loop3A_774 : i1
        %parallel_loop3A_776 = arith.constant 1 : i32
        %parallel_loop3A_777 = arith.subi %parallel_loop3A_756, %parallel_loop3A_776 : i32
        %parallel_loop3A_778 = arith.select %parallel_loop3A_775, %parallel_loop3A_777, %parallel_loop3A_756 : i32
        %parallel_loop3A_779 = arith.constant 8 : i32
        %parallel_loop3A_780 = arith.constant 0 : i32
        %parallel_loop3A_781 = arith.cmpi eq, %parallel_loop3A_779, %parallel_loop3A_780 : i32
        %parallel_loop3A_782 = arith.constant 1 : i32
        %parallel_loop3A_783 = arith.select %parallel_loop3A_781, %parallel_loop3A_782, %parallel_loop3A_779 : i32
        %parallel_loop3A_784 = arith.remsi %parallel_loop3A_646, %parallel_loop3A_783 : i32
        %parallel_loop3A_785 = arith.constant 0 : i32
        %parallel_loop3A_786 = arith.cmpi ne, %parallel_loop3A_784, %parallel_loop3A_785 : i32
        %parallel_loop3A_787 = arith.constant 0 : i32
        %parallel_loop3A_788 = arith.cmpi slt, %parallel_loop3A_784, %parallel_loop3A_787 : i32
        %parallel_loop3A_789 = arith.constant 0 : i32
        %parallel_loop3A_790 = arith.cmpi slt, %parallel_loop3A_783, %parallel_loop3A_789 : i32
        %parallel_loop3A_791 = arith.xori %parallel_loop3A_788, %parallel_loop3A_790 : i1
        %parallel_loop3A_792 = arith.andi %parallel_loop3A_791, %parallel_loop3A_786 : i1
        %parallel_loop3A_793 = arith.addi %parallel_loop3A_784, %parallel_loop3A_783 : i32
        %parallel_loop3A_794 = arith.select %parallel_loop3A_792, %parallel_loop3A_793, %parallel_loop3A_784 : i32
        %parallel_loop3A_795 = arith.index_cast %parallel_loop3A_630 : i32 to index
        %parallel_loop3A_796 = arith.index_cast %parallel_loop3A_778 : i32 to index
        %parallel_loop3A_797 = arith.index_cast %parallel_loop3A_794 : i32 to index
        %parallel_loop3A_798 = arith.constant 32 : index
        %parallel_loop3A_799 = tpu.vector_load %arg9[%parallel_loop3A_795, %parallel_loop3A_796, %parallel_loop3A_797, %parallel_loop3A_798] {strides = array<i32>} : memref<8x4x8x128xf32, #tpu.memory_space<vmem>>, vector<16xf32>,
        tpu.vector_store %arg9[%parallel_loop3A_795, %parallel_loop3A_796, %parallel_loop3A_797, %parallel_loop3A_798], %parallel_loop3A_754 {strides = array<i32>} : memref<8x4x8x128xf32, #tpu.memory_space<vmem>>, vector<16xf32>,
        %parallel_loop3A_800 = arith.constant 48 : i32
        %parallel_loop3A_801 = arith.addi %parallel_loop3A_649, %parallel_loop3A_800 : i32
        %parallel_loop3A_802 = vector.broadcast %parallel_loop3A_801 : i32 to vector<16xi32>
        %parallel_loop3A_803 = arith.addi %iota3A, %parallel_loop3A_802 : vector<16xi32>
        %parallel_loop3A_804 = tpu.vector_load_idx %arg7[%parallel_loop3A_803, %parallel_loop3A_647] : memref<1024x32xf32, #tpu.memory_space<vmem>>[vector<16xi32>, vector<16xi32>], vector<16xf32>,
        %parallel_loop3A_805 = arith.constant 8 : i32
        %parallel_loop3A_806 = arith.divsi %parallel_loop3A_646, %parallel_loop3A_805 : i32
        %parallel_loop3A_807 = arith.constant 0 : i32
        %parallel_loop3A_808 = arith.cmpi sgt, %parallel_loop3A_646, %parallel_loop3A_807 : i32
        %parallel_loop3A_809 = arith.extui %parallel_loop3A_808 : i1 to i32
        %parallel_loop3A_810 = arith.constant 0 : i32
        %parallel_loop3A_811 = arith.cmpi slt, %parallel_loop3A_646, %parallel_loop3A_810 : i32
        %parallel_loop3A_812 = arith.extui %parallel_loop3A_811 : i1 to i32
        %parallel_loop3A_813 = arith.subi %parallel_loop3A_809, %parallel_loop3A_812 : i32
        %parallel_loop3A_814 = arith.constant 0 : i32
        %parallel_loop3A_815 = arith.cmpi sgt, %parallel_loop3A_805, %parallel_loop3A_814 : i32
        %parallel_loop3A_816 = arith.extui %parallel_loop3A_815 : i1 to i32
        %parallel_loop3A_817 = arith.constant 0 : i32
        %parallel_loop3A_818 = arith.cmpi slt, %parallel_loop3A_805, %parallel_loop3A_817 : i32
        %parallel_loop3A_819 = arith.extui %parallel_loop3A_818 : i1 to i32
        %parallel_loop3A_820 = arith.subi %parallel_loop3A_816, %parallel_loop3A_819 : i32
        %parallel_loop3A_821 = arith.cmpi ne, %parallel_loop3A_813, %parallel_loop3A_820 : i32
        %parallel_loop3A_822 = arith.remsi %parallel_loop3A_646, %parallel_loop3A_805 : i32
        %parallel_loop3A_823 = arith.constant 0 : i32
        %parallel_loop3A_824 = arith.cmpi ne, %parallel_loop3A_822, %parallel_loop3A_823 : i32
        %parallel_loop3A_825 = arith.andi %parallel_loop3A_821, %parallel_loop3A_824 : i1
        %parallel_loop3A_826 = arith.constant 1 : i32
        %parallel_loop3A_827 = arith.subi %parallel_loop3A_806, %parallel_loop3A_826 : i32
        %parallel_loop3A_828 = arith.select %parallel_loop3A_825, %parallel_loop3A_827, %parallel_loop3A_806 : i32
        %parallel_loop3A_829 = arith.constant 8 : i32
        %parallel_loop3A_830 = arith.constant 0 : i32
        %parallel_loop3A_831 = arith.cmpi eq, %parallel_loop3A_829, %parallel_loop3A_830 : i32
        %parallel_loop3A_832 = arith.constant 1 : i32
        %parallel_loop3A_833 = arith.select %parallel_loop3A_831, %parallel_loop3A_832, %parallel_loop3A_829 : i32
        %parallel_loop3A_834 = arith.remsi %parallel_loop3A_646, %parallel_loop3A_833 : i32
        %parallel_loop3A_835 = arith.constant 0 : i32
        %parallel_loop3A_836 = arith.cmpi ne, %parallel_loop3A_834, %parallel_loop3A_835 : i32
        %parallel_loop3A_837 = arith.constant 0 : i32
        %parallel_loop3A_838 = arith.cmpi slt, %parallel_loop3A_834, %parallel_loop3A_837 : i32
        %parallel_loop3A_839 = arith.constant 0 : i32
        %parallel_loop3A_840 = arith.cmpi slt, %parallel_loop3A_833, %parallel_loop3A_839 : i32
        %parallel_loop3A_841 = arith.xori %parallel_loop3A_838, %parallel_loop3A_840 : i1
        %parallel_loop3A_842 = arith.andi %parallel_loop3A_841, %parallel_loop3A_836 : i1
        %parallel_loop3A_843 = arith.addi %parallel_loop3A_834, %parallel_loop3A_833 : i32
        %parallel_loop3A_844 = arith.select %parallel_loop3A_842, %parallel_loop3A_843, %parallel_loop3A_834 : i32
        %parallel_loop3A_845 = arith.index_cast %parallel_loop3A_630 : i32 to index
        %parallel_loop3A_846 = arith.index_cast %parallel_loop3A_828 : i32 to index
        %parallel_loop3A_847 = arith.index_cast %parallel_loop3A_844 : i32 to index
        %parallel_loop3A_848 = arith.constant 48 : index
        %parallel_loop3A_849 = tpu.vector_load %arg9[%parallel_loop3A_845, %parallel_loop3A_846, %parallel_loop3A_847, %parallel_loop3A_848] {strides = array<i32>} : memref<8x4x8x128xf32, #tpu.memory_space<vmem>>, vector<16xf32>,
        tpu.vector_store %arg9[%parallel_loop3A_845, %parallel_loop3A_846, %parallel_loop3A_847, %parallel_loop3A_848], %parallel_loop3A_804 {strides = array<i32>} : memref<8x4x8x128xf32, #tpu.memory_space<vmem>>, vector<16xf32>,
        %parallel_loop3A_850 = arith.constant 64 : i32
        %parallel_loop3A_851 = arith.addi %parallel_loop3A_649, %parallel_loop3A_850 : i32
        %parallel_loop3A_852 = vector.broadcast %parallel_loop3A_851 : i32 to vector<16xi32>
        %parallel_loop3A_853 = arith.addi %iota3A, %parallel_loop3A_852 : vector<16xi32>
        %parallel_loop3A_854 = tpu.vector_load_idx %arg7[%parallel_loop3A_853, %parallel_loop3A_647] : memref<1024x32xf32, #tpu.memory_space<vmem>>[vector<16xi32>, vector<16xi32>], vector<16xf32>,
        %parallel_loop3A_855 = arith.constant 8 : i32
        %parallel_loop3A_856 = arith.divsi %parallel_loop3A_646, %parallel_loop3A_855 : i32
        %parallel_loop3A_857 = arith.constant 0 : i32
        %parallel_loop3A_858 = arith.cmpi sgt, %parallel_loop3A_646, %parallel_loop3A_857 : i32
        %parallel_loop3A_859 = arith.extui %parallel_loop3A_858 : i1 to i32
        %parallel_loop3A_860 = arith.constant 0 : i32
        %parallel_loop3A_861 = arith.cmpi slt, %parallel_loop3A_646, %parallel_loop3A_860 : i32
        %parallel_loop3A_862 = arith.extui %parallel_loop3A_861 : i1 to i32
        %parallel_loop3A_863 = arith.subi %parallel_loop3A_859, %parallel_loop3A_862 : i32
        %parallel_loop3A_864 = arith.constant 0 : i32
        %parallel_loop3A_865 = arith.cmpi sgt, %parallel_loop3A_855, %parallel_loop3A_864 : i32
        %parallel_loop3A_866 = arith.extui %parallel_loop3A_865 : i1 to i32
        %parallel_loop3A_867 = arith.constant 0 : i32
        %parallel_loop3A_868 = arith.cmpi slt, %parallel_loop3A_855, %parallel_loop3A_867 : i32
        %parallel_loop3A_869 = arith.extui %parallel_loop3A_868 : i1 to i32
        %parallel_loop3A_870 = arith.subi %parallel_loop3A_866, %parallel_loop3A_869 : i32
        %parallel_loop3A_871 = arith.cmpi ne, %parallel_loop3A_863, %parallel_loop3A_870 : i32
        %parallel_loop3A_872 = arith.remsi %parallel_loop3A_646, %parallel_loop3A_855 : i32
        %parallel_loop3A_873 = arith.constant 0 : i32
        %parallel_loop3A_874 = arith.cmpi ne, %parallel_loop3A_872, %parallel_loop3A_873 : i32
        %parallel_loop3A_875 = arith.andi %parallel_loop3A_871, %parallel_loop3A_874 : i1
        %parallel_loop3A_876 = arith.constant 1 : i32
        %parallel_loop3A_877 = arith.subi %parallel_loop3A_856, %parallel_loop3A_876 : i32
        %parallel_loop3A_878 = arith.select %parallel_loop3A_875, %parallel_loop3A_877, %parallel_loop3A_856 : i32
        %parallel_loop3A_879 = arith.constant 8 : i32
        %parallel_loop3A_880 = arith.constant 0 : i32
        %parallel_loop3A_881 = arith.cmpi eq, %parallel_loop3A_879, %parallel_loop3A_880 : i32
        %parallel_loop3A_882 = arith.constant 1 : i32
        %parallel_loop3A_883 = arith.select %parallel_loop3A_881, %parallel_loop3A_882, %parallel_loop3A_879 : i32
        %parallel_loop3A_884 = arith.remsi %parallel_loop3A_646, %parallel_loop3A_883 : i32
        %parallel_loop3A_885 = arith.constant 0 : i32
        %parallel_loop3A_886 = arith.cmpi ne, %parallel_loop3A_884, %parallel_loop3A_885 : i32
        %parallel_loop3A_887 = arith.constant 0 : i32
        %parallel_loop3A_888 = arith.cmpi slt, %parallel_loop3A_884, %parallel_loop3A_887 : i32
        %parallel_loop3A_889 = arith.constant 0 : i32
        %parallel_loop3A_890 = arith.cmpi slt, %parallel_loop3A_883, %parallel_loop3A_889 : i32
        %parallel_loop3A_891 = arith.xori %parallel_loop3A_888, %parallel_loop3A_890 : i1
        %parallel_loop3A_892 = arith.andi %parallel_loop3A_891, %parallel_loop3A_886 : i1
        %parallel_loop3A_893 = arith.addi %parallel_loop3A_884, %parallel_loop3A_883 : i32
        %parallel_loop3A_894 = arith.select %parallel_loop3A_892, %parallel_loop3A_893, %parallel_loop3A_884 : i32
        %parallel_loop3A_895 = arith.index_cast %parallel_loop3A_630 : i32 to index
        %parallel_loop3A_896 = arith.index_cast %parallel_loop3A_878 : i32 to index
        %parallel_loop3A_897 = arith.index_cast %parallel_loop3A_894 : i32 to index
        %parallel_loop3A_898 = arith.constant 64 : index
        %parallel_loop3A_899 = tpu.vector_load %arg9[%parallel_loop3A_895, %parallel_loop3A_896, %parallel_loop3A_897, %parallel_loop3A_898] {strides = array<i32>} : memref<8x4x8x128xf32, #tpu.memory_space<vmem>>, vector<16xf32>,
        tpu.vector_store %arg9[%parallel_loop3A_895, %parallel_loop3A_896, %parallel_loop3A_897, %parallel_loop3A_898], %parallel_loop3A_854 {strides = array<i32>} : memref<8x4x8x128xf32, #tpu.memory_space<vmem>>, vector<16xf32>,
        %parallel_loop3A_900 = arith.constant 80 : i32
        %parallel_loop3A_901 = arith.addi %parallel_loop3A_649, %parallel_loop3A_900 : i32
        %parallel_loop3A_902 = vector.broadcast %parallel_loop3A_901 : i32 to vector<16xi32>
        %parallel_loop3A_903 = arith.addi %iota3A, %parallel_loop3A_902 : vector<16xi32>
        %parallel_loop3A_904 = tpu.vector_load_idx %arg7[%parallel_loop3A_903, %parallel_loop3A_647] : memref<1024x32xf32, #tpu.memory_space<vmem>>[vector<16xi32>, vector<16xi32>], vector<16xf32>,
        %parallel_loop3A_905 = arith.constant 8 : i32
        %parallel_loop3A_906 = arith.divsi %parallel_loop3A_646, %parallel_loop3A_905 : i32
        %parallel_loop3A_907 = arith.constant 0 : i32
        %parallel_loop3A_908 = arith.cmpi sgt, %parallel_loop3A_646, %parallel_loop3A_907 : i32
        %parallel_loop3A_909 = arith.extui %parallel_loop3A_908 : i1 to i32
        %parallel_loop3A_910 = arith.constant 0 : i32
        %parallel_loop3A_911 = arith.cmpi slt, %parallel_loop3A_646, %parallel_loop3A_910 : i32
        %parallel_loop3A_912 = arith.extui %parallel_loop3A_911 : i1 to i32
        %parallel_loop3A_913 = arith.subi %parallel_loop3A_909, %parallel_loop3A_912 : i32
        %parallel_loop3A_914 = arith.constant 0 : i32
        %parallel_loop3A_915 = arith.cmpi sgt, %parallel_loop3A_905, %parallel_loop3A_914 : i32
        %parallel_loop3A_916 = arith.extui %parallel_loop3A_915 : i1 to i32
        %parallel_loop3A_917 = arith.constant 0 : i32
        %parallel_loop3A_918 = arith.cmpi slt, %parallel_loop3A_905, %parallel_loop3A_917 : i32
        %parallel_loop3A_919 = arith.extui %parallel_loop3A_918 : i1 to i32
        %parallel_loop3A_920 = arith.subi %parallel_loop3A_916, %parallel_loop3A_919 : i32
        %parallel_loop3A_921 = arith.cmpi ne, %parallel_loop3A_913, %parallel_loop3A_920 : i32
        %parallel_loop3A_922 = arith.remsi %parallel_loop3A_646, %parallel_loop3A_905 : i32
        %parallel_loop3A_923 = arith.constant 0 : i32
        %parallel_loop3A_924 = arith.cmpi ne, %parallel_loop3A_922, %parallel_loop3A_923 : i32
        %parallel_loop3A_925 = arith.andi %parallel_loop3A_921, %parallel_loop3A_924 : i1
        %parallel_loop3A_926 = arith.constant 1 : i32
        %parallel_loop3A_927 = arith.subi %parallel_loop3A_906, %parallel_loop3A_926 : i32
        %parallel_loop3A_928 = arith.select %parallel_loop3A_925, %parallel_loop3A_927, %parallel_loop3A_906 : i32
        %parallel_loop3A_929 = arith.constant 8 : i32
        %parallel_loop3A_930 = arith.constant 0 : i32
        %parallel_loop3A_931 = arith.cmpi eq, %parallel_loop3A_929, %parallel_loop3A_930 : i32
        %parallel_loop3A_932 = arith.constant 1 : i32
        %parallel_loop3A_933 = arith.select %parallel_loop3A_931, %parallel_loop3A_932, %parallel_loop3A_929 : i32
        %parallel_loop3A_934 = arith.remsi %parallel_loop3A_646, %parallel_loop3A_933 : i32
        %parallel_loop3A_935 = arith.constant 0 : i32
        %parallel_loop3A_936 = arith.cmpi ne, %parallel_loop3A_934, %parallel_loop3A_935 : i32
        %parallel_loop3A_937 = arith.constant 0 : i32
        %parallel_loop3A_938 = arith.cmpi slt, %parallel_loop3A_934, %parallel_loop3A_937 : i32
        %parallel_loop3A_939 = arith.constant 0 : i32
        %parallel_loop3A_940 = arith.cmpi slt, %parallel_loop3A_933, %parallel_loop3A_939 : i32
        %parallel_loop3A_941 = arith.xori %parallel_loop3A_938, %parallel_loop3A_940 : i1
        %parallel_loop3A_942 = arith.andi %parallel_loop3A_941, %parallel_loop3A_936 : i1
        %parallel_loop3A_943 = arith.addi %parallel_loop3A_934, %parallel_loop3A_933 : i32
        %parallel_loop3A_944 = arith.select %parallel_loop3A_942, %parallel_loop3A_943, %parallel_loop3A_934 : i32
        %parallel_loop3A_945 = arith.index_cast %parallel_loop3A_630 : i32 to index
        %parallel_loop3A_946 = arith.index_cast %parallel_loop3A_928 : i32 to index
        %parallel_loop3A_947 = arith.index_cast %parallel_loop3A_944 : i32 to index
        %parallel_loop3A_948 = arith.constant 80 : index
        %parallel_loop3A_949 = tpu.vector_load %arg9[%parallel_loop3A_945, %parallel_loop3A_946, %parallel_loop3A_947, %parallel_loop3A_948] {strides = array<i32>} : memref<8x4x8x128xf32, #tpu.memory_space<vmem>>, vector<16xf32>,
        tpu.vector_store %arg9[%parallel_loop3A_945, %parallel_loop3A_946, %parallel_loop3A_947, %parallel_loop3A_948], %parallel_loop3A_904 {strides = array<i32>} : memref<8x4x8x128xf32, #tpu.memory_space<vmem>>, vector<16xf32>,
        %parallel_loop3A_950 = arith.constant 96 : i32
        %parallel_loop3A_951 = arith.addi %parallel_loop3A_649, %parallel_loop3A_950 : i32
        %parallel_loop3A_952 = vector.broadcast %parallel_loop3A_951 : i32 to vector<16xi32>
        %parallel_loop3A_953 = arith.addi %iota3A, %parallel_loop3A_952 : vector<16xi32>
        %parallel_loop3A_954 = tpu.vector_load_idx %arg7[%parallel_loop3A_953, %parallel_loop3A_647] : memref<1024x32xf32, #tpu.memory_space<vmem>>[vector<16xi32>, vector<16xi32>], vector<16xf32>,
        %parallel_loop3A_955 = arith.constant 8 : i32
        %parallel_loop3A_956 = arith.divsi %parallel_loop3A_646, %parallel_loop3A_955 : i32
        %parallel_loop3A_957 = arith.constant 0 : i32
        %parallel_loop3A_958 = arith.cmpi sgt, %parallel_loop3A_646, %parallel_loop3A_957 : i32
        %parallel_loop3A_959 = arith.extui %parallel_loop3A_958 : i1 to i32
        %parallel_loop3A_960 = arith.constant 0 : i32
        %parallel_loop3A_961 = arith.cmpi slt, %parallel_loop3A_646, %parallel_loop3A_960 : i32
        %parallel_loop3A_962 = arith.extui %parallel_loop3A_961 : i1 to i32
        %parallel_loop3A_963 = arith.subi %parallel_loop3A_959, %parallel_loop3A_962 : i32
        %parallel_loop3A_964 = arith.constant 0 : i32
        %parallel_loop3A_965 = arith.cmpi sgt, %parallel_loop3A_955, %parallel_loop3A_964 : i32
        %parallel_loop3A_966 = arith.extui %parallel_loop3A_965 : i1 to i32
        %parallel_loop3A_967 = arith.constant 0 : i32
        %parallel_loop3A_968 = arith.cmpi slt, %parallel_loop3A_955, %parallel_loop3A_967 : i32
        %parallel_loop3A_969 = arith.extui %parallel_loop3A_968 : i1 to i32
        %parallel_loop3A_970 = arith.subi %parallel_loop3A_966, %parallel_loop3A_969 : i32
        %parallel_loop3A_971 = arith.cmpi ne, %parallel_loop3A_963, %parallel_loop3A_970 : i32
        %parallel_loop3A_972 = arith.remsi %parallel_loop3A_646, %parallel_loop3A_955 : i32
        %parallel_loop3A_973 = arith.constant 0 : i32
        %parallel_loop3A_974 = arith.cmpi ne, %parallel_loop3A_972, %parallel_loop3A_973 : i32
        %parallel_loop3A_975 = arith.andi %parallel_loop3A_971, %parallel_loop3A_974 : i1
        %parallel_loop3A_976 = arith.constant 1 : i32
        %parallel_loop3A_977 = arith.subi %parallel_loop3A_956, %parallel_loop3A_976 : i32
        %parallel_loop3A_978 = arith.select %parallel_loop3A_975, %parallel_loop3A_977, %parallel_loop3A_956 : i32
        %parallel_loop3A_979 = arith.constant 8 : i32
        %parallel_loop3A_980 = arith.constant 0 : i32
        %parallel_loop3A_981 = arith.cmpi eq, %parallel_loop3A_979, %parallel_loop3A_980 : i32
        %parallel_loop3A_982 = arith.constant 1 : i32
        %parallel_loop3A_983 = arith.select %parallel_loop3A_981, %parallel_loop3A_982, %parallel_loop3A_979 : i32
        %parallel_loop3A_984 = arith.remsi %parallel_loop3A_646, %parallel_loop3A_983 : i32
        %parallel_loop3A_985 = arith.constant 0 : i32
        %parallel_loop3A_986 = arith.cmpi ne, %parallel_loop3A_984, %parallel_loop3A_985 : i32
        %parallel_loop3A_987 = arith.constant 0 : i32
        %parallel_loop3A_988 = arith.cmpi slt, %parallel_loop3A_984, %parallel_loop3A_987 : i32
        %parallel_loop3A_989 = arith.constant 0 : i32
        %parallel_loop3A_990 = arith.cmpi slt, %parallel_loop3A_983, %parallel_loop3A_989 : i32
        %parallel_loop3A_991 = arith.xori %parallel_loop3A_988, %parallel_loop3A_990 : i1
        %parallel_loop3A_992 = arith.andi %parallel_loop3A_991, %parallel_loop3A_986 : i1
        %parallel_loop3A_993 = arith.addi %parallel_loop3A_984, %parallel_loop3A_983 : i32
        %parallel_loop3A_994 = arith.select %parallel_loop3A_992, %parallel_loop3A_993, %parallel_loop3A_984 : i32
        %parallel_loop3A_995 = arith.index_cast %parallel_loop3A_630 : i32 to index
        %parallel_loop3A_996 = arith.index_cast %parallel_loop3A_978 : i32 to index
        %parallel_loop3A_997 = arith.index_cast %parallel_loop3A_994 : i32 to index
        %parallel_loop3A_998 = arith.constant 96 : index
        %parallel_loop3A_999 = tpu.vector_load %arg9[%parallel_loop3A_995, %parallel_loop3A_996, %parallel_loop3A_997, %parallel_loop3A_998] {strides = array<i32>} : memref<8x4x8x128xf32, #tpu.memory_space<vmem>>, vector<16xf32>,
        tpu.vector_store %arg9[%parallel_loop3A_995, %parallel_loop3A_996, %parallel_loop3A_997, %parallel_loop3A_998], %parallel_loop3A_954 {strides = array<i32>} : memref<8x4x8x128xf32, #tpu.memory_space<vmem>>, vector<16xf32>,
        %parallel_loop3A_1000 = arith.constant 112 : i32
        %parallel_loop3A_1001 = arith.addi %parallel_loop3A_649, %parallel_loop3A_1000 : i32
        %parallel_loop3A_1002 = vector.broadcast %parallel_loop3A_1001 : i32 to vector<16xi32>
        %parallel_loop3A_1003 = arith.addi %iota3A, %parallel_loop3A_1002 : vector<16xi32>
        %parallel_loop3A_1004 = tpu.vector_load_idx %arg7[%parallel_loop3A_1003, %parallel_loop3A_647] : memref<1024x32xf32, #tpu.memory_space<vmem>>[vector<16xi32>, vector<16xi32>], vector<16xf32>,
        %parallel_loop3A_1005 = arith.constant 8 : i32
        %parallel_loop3A_1006 = arith.divsi %parallel_loop3A_646, %parallel_loop3A_1005 : i32
        %parallel_loop3A_1007 = arith.constant 0 : i32
        %parallel_loop3A_1008 = arith.cmpi sgt, %parallel_loop3A_646, %parallel_loop3A_1007 : i32
        %parallel_loop3A_1009 = arith.extui %parallel_loop3A_1008 : i1 to i32
        %parallel_loop3A_1010 = arith.constant 0 : i32
        %parallel_loop3A_1011 = arith.cmpi slt, %parallel_loop3A_646, %parallel_loop3A_1010 : i32
        %parallel_loop3A_1012 = arith.extui %parallel_loop3A_1011 : i1 to i32
        %parallel_loop3A_1013 = arith.subi %parallel_loop3A_1009, %parallel_loop3A_1012 : i32
        %parallel_loop3A_1014 = arith.constant 0 : i32
        %parallel_loop3A_1015 = arith.cmpi sgt, %parallel_loop3A_1005, %parallel_loop3A_1014 : i32
        %parallel_loop3A_1016 = arith.extui %parallel_loop3A_1015 : i1 to i32
        %parallel_loop3A_1017 = arith.constant 0 : i32
        %parallel_loop3A_1018 = arith.cmpi slt, %parallel_loop3A_1005, %parallel_loop3A_1017 : i32
        %parallel_loop3A_1019 = arith.extui %parallel_loop3A_1018 : i1 to i32
        %parallel_loop3A_1020 = arith.subi %parallel_loop3A_1016, %parallel_loop3A_1019 : i32
        %parallel_loop3A_1021 = arith.cmpi ne, %parallel_loop3A_1013, %parallel_loop3A_1020 : i32
        %parallel_loop3A_1022 = arith.remsi %parallel_loop3A_646, %parallel_loop3A_1005 : i32
        %parallel_loop3A_1023 = arith.constant 0 : i32
        %parallel_loop3A_1024 = arith.cmpi ne, %parallel_loop3A_1022, %parallel_loop3A_1023 : i32
        %parallel_loop3A_1025 = arith.andi %parallel_loop3A_1021, %parallel_loop3A_1024 : i1
        %parallel_loop3A_1026 = arith.constant 1 : i32
        %parallel_loop3A_1027 = arith.subi %parallel_loop3A_1006, %parallel_loop3A_1026 : i32
        %parallel_loop3A_1028 = arith.select %parallel_loop3A_1025, %parallel_loop3A_1027, %parallel_loop3A_1006 : i32
        %parallel_loop3A_1029 = arith.constant 8 : i32
        %parallel_loop3A_1030 = arith.constant 0 : i32
        %parallel_loop3A_1031 = arith.cmpi eq, %parallel_loop3A_1029, %parallel_loop3A_1030 : i32
        %parallel_loop3A_1032 = arith.constant 1 : i32
        %parallel_loop3A_1033 = arith.select %parallel_loop3A_1031, %parallel_loop3A_1032, %parallel_loop3A_1029 : i32
        %parallel_loop3A_1034 = arith.remsi %parallel_loop3A_646, %parallel_loop3A_1033 : i32
        %parallel_loop3A_1035 = arith.constant 0 : i32
        %parallel_loop3A_1036 = arith.cmpi ne, %parallel_loop3A_1034, %parallel_loop3A_1035 : i32
        %parallel_loop3A_1037 = arith.constant 0 : i32
        %parallel_loop3A_1038 = arith.cmpi slt, %parallel_loop3A_1034, %parallel_loop3A_1037 : i32
        %parallel_loop3A_1039 = arith.constant 0 : i32
        %parallel_loop3A_1040 = arith.cmpi slt, %parallel_loop3A_1033, %parallel_loop3A_1039 : i32
        %parallel_loop3A_1041 = arith.xori %parallel_loop3A_1038, %parallel_loop3A_1040 : i1
        %parallel_loop3A_1042 = arith.andi %parallel_loop3A_1041, %parallel_loop3A_1036 : i1
        %parallel_loop3A_1043 = arith.addi %parallel_loop3A_1034, %parallel_loop3A_1033 : i32
        %parallel_loop3A_1044 = arith.select %parallel_loop3A_1042, %parallel_loop3A_1043, %parallel_loop3A_1034 : i32
        %parallel_loop3A_1045 = arith.index_cast %parallel_loop3A_630 : i32 to index
        %parallel_loop3A_1046 = arith.index_cast %parallel_loop3A_1028 : i32 to index
        %parallel_loop3A_1047 = arith.index_cast %parallel_loop3A_1044 : i32 to index
        %parallel_loop3A_1048 = arith.constant 112 : index
        %parallel_loop3A_1049 = tpu.vector_load %arg9[%parallel_loop3A_1045, %parallel_loop3A_1046, %parallel_loop3A_1047, %parallel_loop3A_1048] {strides = array<i32>} : memref<8x4x8x128xf32, #tpu.memory_space<vmem>>, vector<16xf32>,
        tpu.vector_store %arg9[%parallel_loop3A_1045, %parallel_loop3A_1046, %parallel_loop3A_1047, %parallel_loop3A_1048], %parallel_loop3A_1004 {strides = array<i32>} : memref<8x4x8x128xf32, #tpu.memory_space<vmem>>, vector<16xf32>,
      } {sc.loop_unroll_factor = 4 : i64, sc.parallel_access}
      %mul3A_343 = arith.constant 8 : i32
      %mul3A_344 = arith.muli %select_n3A, %mul3A_343 : i32
      %add3A_345 = arith.addi %mul3A_344, %select_n3A_340 : i32
      %add3A_346 = arith.constant 0 : i32
      %add3A_347 = arith.addi %add3A_345, %add3A_346 : i32
      %run_scoped3A = arith.constant 0 : i32
      "tpu.region"() ({
        %run_scoped3A_606 = tpu.sem_alloc : memref<!tpu.dma_semaphore, #tpu.memory_space<semaphore_mem>>
        %dma_start3A_607 = arith.constant 0 : i32
        %dma_start3A_608 = arith.constant 0 : i32
        %dma_start3A_609 = arith.constant 0 : i32
        %dma_start3A_610 = tpu.memref_slice %arg9[%run_scoped3A, %dma_start3A_607, %dma_start3A_608, %dma_start3A_609] : memref<8x4x8x128xf32, #tpu.memory_space<vmem>> -> memref<1x4x8x128xf32, #tpu.memory_space<vmem>>
        %dma_start3A_611 = tpu.memref_squeeze %dma_start3A_610 : memref<1x4x8x128xf32, #tpu.memory_space<vmem>> -> memref<4x8x128xf32, #tpu.memory_space<vmem>>
        %dma_start3A_612 = arith.constant 0 : i32
        %dma_start3A_613 = arith.constant 0 : i32
        %dma_start3A_614 = arith.constant 0 : i32
        %dma_start3A_615 = tpu.memref_slice %arg4[%add3A_347, %dma_start3A_612, %select_n3A_324, %dma_start3A_613, %dma_start3A_614] : memref<200x4x128x8x128xf32, #tpu.memory_space<hbm>> -> memref<1x4x1x8x128xf32, #tpu.memory_space<hbm>>
        %dma_start3A_616 = tpu.memref_squeeze %dma_start3A_615 : memref<1x4x1x8x128xf32, #tpu.memory_space<hbm>> -> memref<4x8x128xf32, #tpu.memory_space<hbm>>
        %dma_start3A_617 = arith.constant 0 : i32
        %dma_start3A_618 = arith.constant 0 : i32
        %dma_start3A_619 = arith.constant 0 : i32
        %dma_start3A_620 = tpu.memref_slice %arg4[%add3A_347, %dma_start3A_617, %select_n3A_324, %dma_start3A_618, %dma_start3A_619] : memref<200x4x128x8x128xf32, #tpu.memory_space<hbm>> -> memref<1x4x1x8x128xf32, #tpu.memory_space<hbm>>
        %dma_start3A_621 = tpu.memref_squeeze %dma_start3A_620 : memref<1x4x1x8x128xf32, #tpu.memory_space<hbm>> -> memref<4x8x128xf32, #tpu.memory_space<hbm>>
        %dma_start3A_622 = arith.constant 0 : i32
        %dma_start3A_623 = arith.constant 0 : i32
        %dma_start3A_624 = arith.constant 0 : i32
        %dma_start3A_625 = tpu.memref_slice %arg9[%run_scoped3A, %dma_start3A_622, %dma_start3A_623, %dma_start3A_624] : memref<8x4x8x128xf32, #tpu.memory_space<vmem>> -> memref<1x4x8x128xf32, #tpu.memory_space<vmem>>
        %dma_start3A_626 = tpu.memref_squeeze %dma_start3A_625 : memref<1x4x8x128xf32, #tpu.memory_space<vmem>> -> memref<4x8x128xf32, #tpu.memory_space<vmem>>
        tpu.enqueue_dma source(%dma_start3A_626 : memref<4x8x128xf32, #tpu.memory_space<vmem>>) target(%dma_start3A_621 : memref<4x8x128xf32, #tpu.memory_space<hbm>>) target_semaphore(%run_scoped3A_606 : memref<!tpu.dma_semaphore, #tpu.memory_space<semaphore_mem>>)
        %dma_wait3A_627 = arith.constant 0 : i32
        %dma_wait3A_628 = arith.constant 0 : i32
        %dma_wait3A_629 = arith.constant 0 : i32
        %dma_wait3A_630 = tpu.memref_slice %arg9[%run_scoped3A, %dma_wait3A_627, %dma_wait3A_628, %dma_wait3A_629] : memref<8x4x8x128xf32, #tpu.memory_space<vmem>> -> memref<1x4x8x128xf32, #tpu.memory_space<vmem>>
        %dma_wait3A_631 = tpu.memref_squeeze %dma_wait3A_630 : memref<1x4x8x128xf32, #tpu.memory_space<vmem>> -> memref<4x8x128xf32, #tpu.memory_space<vmem>>
        %dma_wait3A_632 = arith.constant 0 : i32
        %dma_wait3A_633 = arith.constant 0 : i32
        %dma_wait3A_634 = arith.constant 0 : i32
        %dma_wait3A_635 = tpu.memref_slice %arg4[%add3A_347, %dma_wait3A_632, %select_n3A_324, %dma_wait3A_633, %dma_wait3A_634] : memref<200x4x128x8x128xf32, #tpu.memory_space<hbm>> -> memref<1x4x1x8x128xf32, #tpu.memory_space<hbm>>
        %dma_wait3A_636 = tpu.memref_squeeze %dma_wait3A_635 : memref<1x4x1x8x128xf32, #tpu.memory_space<hbm>> -> memref<4x8x128xf32, #tpu.memory_space<hbm>>
        %dma_wait3A_637 = arith.constant 0 : i32
        %dma_wait3A_638 = arith.constant 0 : i32
        %dma_wait3A_639 = arith.constant 0 : i32
        %dma_wait3A_640 = tpu.memref_slice %arg4[%add3A_347, %dma_wait3A_637, %select_n3A_324, %dma_wait3A_638, %dma_wait3A_639] : memref<200x4x128x8x128xf32, #tpu.memory_space<hbm>> -> memref<1x4x1x8x128xf32, #tpu.memory_space<hbm>>
        %dma_wait3A_641 = tpu.memref_squeeze %dma_wait3A_640 : memref<1x4x1x8x128xf32, #tpu.memory_space<hbm>> -> memref<4x8x128xf32, #tpu.memory_space<hbm>>
        %dma_wait3A_642 = arith.constant 0 : i32
        %dma_wait3A_643 = arith.constant 0 : i32
        %dma_wait3A_644 = arith.constant 0 : i32
        %dma_wait3A_645 = tpu.memref_slice %arg9[%run_scoped3A, %dma_wait3A_642, %dma_wait3A_643, %dma_wait3A_644] : memref<8x4x8x128xf32, #tpu.memory_space<vmem>> -> memref<1x4x8x128xf32, #tpu.memory_space<vmem>>
        %dma_wait3A_646 = tpu.memref_squeeze %dma_wait3A_645 : memref<1x4x8x128xf32, #tpu.memory_space<vmem>> -> memref<4x8x128xf32, #tpu.memory_space<vmem>>
        tpu.wait_dma2 semaphore(%run_scoped3A_606 : memref<!tpu.dma_semaphore, #tpu.memory_space<semaphore_mem>>) src(%dma_wait3A_646 : memref<4x8x128xf32, #tpu.memory_space<vmem>>) dst(%dma_wait3A_641 : memref<4x8x128xf32, #tpu.memory_space<hbm>>)
        tpu.yield
      }) : () -> ()
      %mul3A_348 = arith.constant 8 : i32
      %mul3A_349 = arith.muli %select_n3A, %mul3A_348 : i32
      %add3A_350 = arith.addi %mul3A_349, %select_n3A_340 : i32
      %add3A_351 = arith.constant 1 : i32
      %add3A_352 = arith.addi %add3A_350, %add3A_351 : i32
      %run_scoped3A_353 = arith.constant 1 : i32
      "tpu.region"() ({
        %run_scoped3A_606 = tpu.sem_alloc : memref<!tpu.dma_semaphore, #tpu.memory_space<semaphore_mem>>
        %dma_start3A_607 = arith.constant 0 : i32
        %dma_start3A_608 = arith.constant 0 : i32
        %dma_start3A_609 = arith.constant 0 : i32
        %dma_start3A_610 = tpu.memref_slice %arg9[%run_scoped3A_353, %dma_start3A_607, %dma_start3A_608, %dma_start3A_609] : memref<8x4x8x128xf32, #tpu.memory_space<vmem>> -> memref<1x4x8x128xf32, #tpu.memory_space<vmem>>
        %dma_start3A_611 = tpu.memref_squeeze %dma_start3A_610 : memref<1x4x8x128xf32, #tpu.memory_space<vmem>> -> memref<4x8x128xf32, #tpu.memory_space<vmem>>
        %dma_start3A_612 = arith.constant 0 : i32
        %dma_start3A_613 = arith.constant 0 : i32
        %dma_start3A_614 = arith.constant 0 : i32
        %dma_start3A_615 = tpu.memref_slice %arg4[%add3A_352, %dma_start3A_612, %select_n3A_324, %dma_start3A_613, %dma_start3A_614] : memref<200x4x128x8x128xf32, #tpu.memory_space<hbm>> -> memref<1x4x1x8x128xf32, #tpu.memory_space<hbm>>
        %dma_start3A_616 = tpu.memref_squeeze %dma_start3A_615 : memref<1x4x1x8x128xf32, #tpu.memory_space<hbm>> -> memref<4x8x128xf32, #tpu.memory_space<hbm>>
        %dma_start3A_617 = arith.constant 0 : i32
        %dma_start3A_618 = arith.constant 0 : i32
        %dma_start3A_619 = arith.constant 0 : i32
        %dma_start3A_620 = tpu.memref_slice %arg4[%add3A_352, %dma_start3A_617, %select_n3A_324, %dma_start3A_618, %dma_start3A_619] : memref<200x4x128x8x128xf32, #tpu.memory_space<hbm>> -> memref<1x4x1x8x128xf32, #tpu.memory_space<hbm>>
        %dma_start3A_621 = tpu.memref_squeeze %dma_start3A_620 : memref<1x4x1x8x128xf32, #tpu.memory_space<hbm>> -> memref<4x8x128xf32, #tpu.memory_space<hbm>>
        %dma_start3A_622 = arith.constant 0 : i32
        %dma_start3A_623 = arith.constant 0 : i32
        %dma_start3A_624 = arith.constant 0 : i32
        %dma_start3A_625 = tpu.memref_slice %arg9[%run_scoped3A_353, %dma_start3A_622, %dma_start3A_623, %dma_start3A_624] : memref<8x4x8x128xf32, #tpu.memory_space<vmem>> -> memref<1x4x8x128xf32, #tpu.memory_space<vmem>>
        %dma_start3A_626 = tpu.memref_squeeze %dma_start3A_625 : memref<1x4x8x128xf32, #tpu.memory_space<vmem>> -> memref<4x8x128xf32, #tpu.memory_space<vmem>>
        tpu.enqueue_dma source(%dma_start3A_626 : memref<4x8x128xf32, #tpu.memory_space<vmem>>) target(%dma_start3A_621 : memref<4x8x128xf32, #tpu.memory_space<hbm>>) target_semaphore(%run_scoped3A_606 : memref<!tpu.dma_semaphore, #tpu.memory_space<semaphore_mem>>)
        %dma_wait3A_627 = arith.constant 0 : i32
        %dma_wait3A_628 = arith.constant 0 : i32
        %dma_wait3A_629 = arith.constant 0 : i32
        %dma_wait3A_630 = tpu.memref_slice %arg9[%run_scoped3A_353, %dma_wait3A_627, %dma_wait3A_628, %dma_wait3A_629] : memref<8x4x8x128xf32, #tpu.memory_space<vmem>> -> memref<1x4x8x128xf32, #tpu.memory_space<vmem>>
        %dma_wait3A_631 = tpu.memref_squeeze %dma_wait3A_630 : memref<1x4x8x128xf32, #tpu.memory_space<vmem>> -> memref<4x8x128xf32, #tpu.memory_space<vmem>>
        %dma_wait3A_632 = arith.constant 0 : i32
        %dma_wait3A_633 = arith.constant 0 : i32
        %dma_wait3A_634 = arith.constant 0 : i32
        %dma_wait3A_635 = tpu.memref_slice %arg4[%add3A_352, %dma_wait3A_632, %select_n3A_324, %dma_wait3A_633, %dma_wait3A_634] : memref<200x4x128x8x128xf32, #tpu.memory_space<hbm>> -> memref<1x4x1x8x128xf32, #tpu.memory_space<hbm>>
        %dma_wait3A_636 = tpu.memref_squeeze %dma_wait3A_635 : memref<1x4x1x8x128xf32, #tpu.memory_space<hbm>> -> memref<4x8x128xf32, #tpu.memory_space<hbm>>
        %dma_wait3A_637 = arith.constant 0 : i32
        %dma_wait3A_638 = arith.constant 0 : i32
        %dma_wait3A_639 = arith.constant 0 : i32
        %dma_wait3A_640 = tpu.memref_slice %arg4[%add3A_352, %dma_wait3A_637, %select_n3A_324, %dma_wait3A_638, %dma_wait3A_639] : memref<200x4x128x8x128xf32, #tpu.memory_space<hbm>> -> memref<1x4x1x8x128xf32, #tpu.memory_space<hbm>>
        %dma_wait3A_641 = tpu.memref_squeeze %dma_wait3A_640 : memref<1x4x1x8x128xf32, #tpu.memory_space<hbm>> -> memref<4x8x128xf32, #tpu.memory_space<hbm>>
        %dma_wait3A_642 = arith.constant 0 : i32
        %dma_wait3A_643 = arith.constant 0 : i32
        %dma_wait3A_644 = arith.constant 0 : i32
        %dma_wait3A_645 = tpu.memref_slice %arg9[%run_scoped3A_353, %dma_wait3A_642, %dma_wait3A_643, %dma_wait3A_644] : memref<8x4x8x128xf32, #tpu.memory_space<vmem>> -> memref<1x4x8x128xf32, #tpu.memory_space<vmem>>
        %dma_wait3A_646 = tpu.memref_squeeze %dma_wait3A_645 : memref<1x4x8x128xf32, #tpu.memory_space<vmem>> -> memref<4x8x128xf32, #tpu.memory_space<vmem>>
        tpu.wait_dma2 semaphore(%run_scoped3A_606 : memref<!tpu.dma_semaphore, #tpu.memory_space<semaphore_mem>>) src(%dma_wait3A_646 : memref<4x8x128xf32, #tpu.memory_space<vmem>>) dst(%dma_wait3A_641 : memref<4x8x128xf32, #tpu.memory_space<hbm>>)
        tpu.yield
      }) : () -> ()
      %mul3A_354 = arith.constant 8 : i32
      %mul3A_355 = arith.muli %select_n3A, %mul3A_354 : i32
      %add3A_356 = arith.addi %mul3A_355, %select_n3A_340 : i32
      %add3A_357 = arith.constant 2 : i32
      %add3A_358 = arith.addi %add3A_356, %add3A_357 : i32
      %run_scoped3A_359 = arith.constant 2 : i32
      "tpu.region"() ({
        %run_scoped3A_606 = tpu.sem_alloc : memref<!tpu.dma_semaphore, #tpu.memory_space<semaphore_mem>>
        %dma_start3A_607 = arith.constant 0 : i32
        %dma_start3A_608 = arith.constant 0 : i32
        %dma_start3A_609 = arith.constant 0 : i32
        %dma_start3A_610 = tpu.memref_slice %arg9[%run_scoped3A_359, %dma_start3A_607, %dma_start3A_608, %dma_start3A_609] : memref<8x4x8x128xf32, #tpu.memory_space<vmem>> -> memref<1x4x8x128xf32, #tpu.memory_space<vmem>>
        %dma_start3A_611 = tpu.memref_squeeze %dma_start3A_610 : memref<1x4x8x128xf32, #tpu.memory_space<vmem>> -> memref<4x8x128xf32, #tpu.memory_space<vmem>>
        %dma_start3A_612 = arith.constant 0 : i32
        %dma_start3A_613 = arith.constant 0 : i32
        %dma_start3A_614 = arith.constant 0 : i32
        %dma_start3A_615 = tpu.memref_slice %arg4[%add3A_358, %dma_start3A_612, %select_n3A_324, %dma_start3A_613, %dma_start3A_614] : memref<200x4x128x8x128xf32, #tpu.memory_space<hbm>> -> memref<1x4x1x8x128xf32, #tpu.memory_space<hbm>>
        %dma_start3A_616 = tpu.memref_squeeze %dma_start3A_615 : memref<1x4x1x8x128xf32, #tpu.memory_space<hbm>> -> memref<4x8x128xf32, #tpu.memory_space<hbm>>
        %dma_start3A_617 = arith.constant 0 : i32
        %dma_start3A_618 = arith.constant 0 : i32
        %dma_start3A_619 = arith.constant 0 : i32
        %dma_start3A_620 = tpu.memref_slice %arg4[%add3A_358, %dma_start3A_617, %select_n3A_324, %dma_start3A_618, %dma_start3A_619] : memref<200x4x128x8x128xf32, #tpu.memory_space<hbm>> -> memref<1x4x1x8x128xf32, #tpu.memory_space<hbm>>
        %dma_start3A_621 = tpu.memref_squeeze %dma_start3A_620 : memref<1x4x1x8x128xf32, #tpu.memory_space<hbm>> -> memref<4x8x128xf32, #tpu.memory_space<hbm>>
        %dma_start3A_622 = arith.constant 0 : i32
        %dma_start3A_623 = arith.constant 0 : i32
        %dma_start3A_624 = arith.constant 0 : i32
        %dma_start3A_625 = tpu.memref_slice %arg9[%run_scoped3A_359, %dma_start3A_622, %dma_start3A_623, %dma_start3A_624] : memref<8x4x8x128xf32, #tpu.memory_space<vmem>> -> memref<1x4x8x128xf32, #tpu.memory_space<vmem>>
        %dma_start3A_626 = tpu.memref_squeeze %dma_start3A_625 : memref<1x4x8x128xf32, #tpu.memory_space<vmem>> -> memref<4x8x128xf32, #tpu.memory_space<vmem>>
        tpu.enqueue_dma source(%dma_start3A_626 : memref<4x8x128xf32, #tpu.memory_space<vmem>>) target(%dma_start3A_621 : memref<4x8x128xf32, #tpu.memory_space<hbm>>) target_semaphore(%run_scoped3A_606 : memref<!tpu.dma_semaphore, #tpu.memory_space<semaphore_mem>>)
        %dma_wait3A_627 = arith.constant 0 : i32
        %dma_wait3A_628 = arith.constant 0 : i32
        %dma_wait3A_629 = arith.constant 0 : i32
        %dma_wait3A_630 = tpu.memref_slice %arg9[%run_scoped3A_359, %dma_wait3A_627, %dma_wait3A_628, %dma_wait3A_629] : memref<8x4x8x128xf32, #tpu.memory_space<vmem>> -> memref<1x4x8x128xf32, #tpu.memory_space<vmem>>
        %dma_wait3A_631 = tpu.memref_squeeze %dma_wait3A_630 : memref<1x4x8x128xf32, #tpu.memory_space<vmem>> -> memref<4x8x128xf32, #tpu.memory_space<vmem>>
        %dma_wait3A_632 = arith.constant 0 : i32
        %dma_wait3A_633 = arith.constant 0 : i32
        %dma_wait3A_634 = arith.constant 0 : i32
        %dma_wait3A_635 = tpu.memref_slice %arg4[%add3A_358, %dma_wait3A_632, %select_n3A_324, %dma_wait3A_633, %dma_wait3A_634] : memref<200x4x128x8x128xf32, #tpu.memory_space<hbm>> -> memref<1x4x1x8x128xf32, #tpu.memory_space<hbm>>
        %dma_wait3A_636 = tpu.memref_squeeze %dma_wait3A_635 : memref<1x4x1x8x128xf32, #tpu.memory_space<hbm>> -> memref<4x8x128xf32, #tpu.memory_space<hbm>>
        %dma_wait3A_637 = arith.constant 0 : i32
        %dma_wait3A_638 = arith.constant 0 : i32
        %dma_wait3A_639 = arith.constant 0 : i32
        %dma_wait3A_640 = tpu.memref_slice %arg4[%add3A_358, %dma_wait3A_637, %select_n3A_324, %dma_wait3A_638, %dma_wait3A_639] : memref<200x4x128x8x128xf32, #tpu.memory_space<hbm>> -> memref<1x4x1x8x128xf32, #tpu.memory_space<hbm>>
        %dma_wait3A_641 = tpu.memref_squeeze %dma_wait3A_640 : memref<1x4x1x8x128xf32, #tpu.memory_space<hbm>> -> memref<4x8x128xf32, #tpu.memory_space<hbm>>
        %dma_wait3A_642 = arith.constant 0 : i32
        %dma_wait3A_643 = arith.constant 0 : i32
        %dma_wait3A_644 = arith.constant 0 : i32
        %dma_wait3A_645 = tpu.memref_slice %arg9[%run_scoped3A_359, %dma_wait3A_642, %dma_wait3A_643, %dma_wait3A_644] : memref<8x4x8x128xf32, #tpu.memory_space<vmem>> -> memref<1x4x8x128xf32, #tpu.memory_space<vmem>>
        %dma_wait3A_646 = tpu.memref_squeeze %dma_wait3A_645 : memref<1x4x8x128xf32, #tpu.memory_space<vmem>> -> memref<4x8x128xf32, #tpu.memory_space<vmem>>
        tpu.wait_dma2 semaphore(%run_scoped3A_606 : memref<!tpu.dma_semaphore, #tpu.memory_space<semaphore_mem>>) src(%dma_wait3A_646 : memref<4x8x128xf32, #tpu.memory_space<vmem>>) dst(%dma_wait3A_641 : memref<4x8x128xf32, #tpu.memory_space<hbm>>)
        tpu.yield
      }) : () -> ()
      %mul3A_360 = arith.constant 8 : i32
      %mul3A_361 = arith.muli %select_n3A, %mul3A_360 : i32
      %add3A_362 = arith.addi %mul3A_361, %select_n3A_340 : i32
      %add3A_363 = arith.constant 3 : i32
      %add3A_364 = arith.addi %add3A_362, %add3A_363 : i32
      %run_scoped3A_365 = arith.constant 3 : i32
      "tpu.region"() ({
        %run_scoped3A_606 = tpu.sem_alloc : memref<!tpu.dma_semaphore, #tpu.memory_space<semaphore_mem>>
        %dma_start3A_607 = arith.constant 0 : i32
        %dma_start3A_608 = arith.constant 0 : i32
        %dma_start3A_609 = arith.constant 0 : i32
        %dma_start3A_610 = tpu.memref_slice %arg9[%run_scoped3A_365, %dma_start3A_607, %dma_start3A_608, %dma_start3A_609] : memref<8x4x8x128xf32, #tpu.memory_space<vmem>> -> memref<1x4x8x128xf32, #tpu.memory_space<vmem>>
        %dma_start3A_611 = tpu.memref_squeeze %dma_start3A_610 : memref<1x4x8x128xf32, #tpu.memory_space<vmem>> -> memref<4x8x128xf32, #tpu.memory_space<vmem>>
        %dma_start3A_612 = arith.constant 0 : i32
        %dma_start3A_613 = arith.constant 0 : i32
        %dma_start3A_614 = arith.constant 0 : i32
        %dma_start3A_615 = tpu.memref_slice %arg4[%add3A_364, %dma_start3A_612, %select_n3A_324, %dma_start3A_613, %dma_start3A_614] : memref<200x4x128x8x128xf32, #tpu.memory_space<hbm>> -> memref<1x4x1x8x128xf32, #tpu.memory_space<hbm>>
        %dma_start3A_616 = tpu.memref_squeeze %dma_start3A_615 : memref<1x4x1x8x128xf32, #tpu.memory_space<hbm>> -> memref<4x8x128xf32, #tpu.memory_space<hbm>>
        %dma_start3A_617 = arith.constant 0 : i32
        %dma_start3A_618 = arith.constant 0 : i32
        %dma_start3A_619 = arith.constant 0 : i32
        %dma_start3A_620 = tpu.memref_slice %arg4[%add3A_364, %dma_start3A_617, %select_n3A_324, %dma_start3A_618, %dma_start3A_619] : memref<200x4x128x8x128xf32, #tpu.memory_space<hbm>> -> memref<1x4x1x8x128xf32, #tpu.memory_space<hbm>>
        %dma_start3A_621 = tpu.memref_squeeze %dma_start3A_620 : memref<1x4x1x8x128xf32, #tpu.memory_space<hbm>> -> memref<4x8x128xf32, #tpu.memory_space<hbm>>
        %dma_start3A_622 = arith.constant 0 : i32
        %dma_start3A_623 = arith.constant 0 : i32
        %dma_start3A_624 = arith.constant 0 : i32
        %dma_start3A_625 = tpu.memref_slice %arg9[%run_scoped3A_365, %dma_start3A_622, %dma_start3A_623, %dma_start3A_624] : memref<8x4x8x128xf32, #tpu.memory_space<vmem>> -> memref<1x4x8x128xf32, #tpu.memory_space<vmem>>
        %dma_start3A_626 = tpu.memref_squeeze %dma_start3A_625 : memref<1x4x8x128xf32, #tpu.memory_space<vmem>> -> memref<4x8x128xf32, #tpu.memory_space<vmem>>
        tpu.enqueue_dma source(%dma_start3A_626 : memref<4x8x128xf32, #tpu.memory_space<vmem>>) target(%dma_start3A_621 : memref<4x8x128xf32, #tpu.memory_space<hbm>>) target_semaphore(%run_scoped3A_606 : memref<!tpu.dma_semaphore, #tpu.memory_space<semaphore_mem>>)
        %dma_wait3A_627 = arith.constant 0 : i32
        %dma_wait3A_628 = arith.constant 0 : i32
        %dma_wait3A_629 = arith.constant 0 : i32
        %dma_wait3A_630 = tpu.memref_slice %arg9[%run_scoped3A_365, %dma_wait3A_627, %dma_wait3A_628, %dma_wait3A_629] : memref<8x4x8x128xf32, #tpu.memory_space<vmem>> -> memref<1x4x8x128xf32, #tpu.memory_space<vmem>>
        %dma_wait3A_631 = tpu.memref_squeeze %dma_wait3A_630 : memref<1x4x8x128xf32, #tpu.memory_space<vmem>> -> memref<4x8x128xf32, #tpu.memory_space<vmem>>
        %dma_wait3A_632 = arith.constant 0 : i32
        %dma_wait3A_633 = arith.constant 0 : i32
        %dma_wait3A_634 = arith.constant 0 : i32
        %dma_wait3A_635 = tpu.memref_slice %arg4[%add3A_364, %dma_wait3A_632, %select_n3A_324, %dma_wait3A_633, %dma_wait3A_634] : memref<200x4x128x8x128xf32, #tpu.memory_space<hbm>> -> memref<1x4x1x8x128xf32, #tpu.memory_space<hbm>>
        %dma_wait3A_636 = tpu.memref_squeeze %dma_wait3A_635 : memref<1x4x1x8x128xf32, #tpu.memory_space<hbm>> -> memref<4x8x128xf32, #tpu.memory_space<hbm>>
        %dma_wait3A_637 = arith.constant 0 : i32
        %dma_wait3A_638 = arith.constant 0 : i32
        %dma_wait3A_639 = arith.constant 0 : i32
        %dma_wait3A_640 = tpu.memref_slice %arg4[%add3A_364, %dma_wait3A_637, %select_n3A_324, %dma_wait3A_638, %dma_wait3A_639] : memref<200x4x128x8x128xf32, #tpu.memory_space<hbm>> -> memref<1x4x1x8x128xf32, #tpu.memory_space<hbm>>
        %dma_wait3A_641 = tpu.memref_squeeze %dma_wait3A_640 : memref<1x4x1x8x128xf32, #tpu.memory_space<hbm>> -> memref<4x8x128xf32, #tpu.memory_space<hbm>>
        %dma_wait3A_642 = arith.constant 0 : i32
        %dma_wait3A_643 = arith.constant 0 : i32
        %dma_wait3A_644 = arith.constant 0 : i32
        %dma_wait3A_645 = tpu.memref_slice %arg9[%run_scoped3A_365, %dma_wait3A_642, %dma_wait3A_643, %dma_wait3A_644] : memref<8x4x8x128xf32, #tpu.memory_space<vmem>> -> memref<1x4x8x128xf32, #tpu.memory_space<vmem>>
        %dma_wait3A_646 = tpu.memref_squeeze %dma_wait3A_645 : memref<1x4x8x128xf32, #tpu.memory_space<vmem>> -> memref<4x8x128xf32, #tpu.memory_space<vmem>>
        tpu.wait_dma2 semaphore(%run_scoped3A_606 : memref<!tpu.dma_semaphore, #tpu.memory_space<semaphore_mem>>) src(%dma_wait3A_646 : memref<4x8x128xf32, #tpu.memory_space<vmem>>) dst(%dma_wait3A_641 : memref<4x8x128xf32, #tpu.memory_space<hbm>>)
        tpu.yield
      }) : () -> ()
      %mul3A_366 = arith.constant 8 : i32
      %mul3A_367 = arith.muli %select_n3A, %mul3A_366 : i32
      %add3A_368 = arith.addi %mul3A_367, %select_n3A_340 : i32
      %add3A_369 = arith.constant 4 : i32
      %add3A_370 = arith.addi %add3A_368, %add3A_369 : i32
      %run_scoped3A_371 = arith.constant 4 : i32
      "tpu.region"() ({
        %run_scoped3A_606 = tpu.sem_alloc : memref<!tpu.dma_semaphore, #tpu.memory_space<semaphore_mem>>
        %dma_start3A_607 = arith.constant 0 : i32
        %dma_start3A_608 = arith.constant 0 : i32
        %dma_start3A_609 = arith.constant 0 : i32
        %dma_start3A_610 = tpu.memref_slice %arg9[%run_scoped3A_371, %dma_start3A_607, %dma_start3A_608, %dma_start3A_609] : memref<8x4x8x128xf32, #tpu.memory_space<vmem>> -> memref<1x4x8x128xf32, #tpu.memory_space<vmem>>
        %dma_start3A_611 = tpu.memref_squeeze %dma_start3A_610 : memref<1x4x8x128xf32, #tpu.memory_space<vmem>> -> memref<4x8x128xf32, #tpu.memory_space<vmem>>
        %dma_start3A_612 = arith.constant 0 : i32
        %dma_start3A_613 = arith.constant 0 : i32
        %dma_start3A_614 = arith.constant 0 : i32
        %dma_start3A_615 = tpu.memref_slice %arg4[%add3A_370, %dma_start3A_612, %select_n3A_324, %dma_start3A_613, %dma_start3A_614] : memref<200x4x128x8x128xf32, #tpu.memory_space<hbm>> -> memref<1x4x1x8x128xf32, #tpu.memory_space<hbm>>
        %dma_start3A_616 = tpu.memref_squeeze %dma_start3A_615 : memref<1x4x1x8x128xf32, #tpu.memory_space<hbm>> -> memref<4x8x128xf32, #tpu.memory_space<hbm>>
        %dma_start3A_617 = arith.constant 0 : i32
        %dma_start3A_618 = arith.constant 0 : i32
        %dma_start3A_619 = arith.constant 0 : i32
        %dma_start3A_620 = tpu.memref_slice %arg4[%add3A_370, %dma_start3A_617, %select_n3A_324, %dma_start3A_618, %dma_start3A_619] : memref<200x4x128x8x128xf32, #tpu.memory_space<hbm>> -> memref<1x4x1x8x128xf32, #tpu.memory_space<hbm>>
        %dma_start3A_621 = tpu.memref_squeeze %dma_start3A_620 : memref<1x4x1x8x128xf32, #tpu.memory_space<hbm>> -> memref<4x8x128xf32, #tpu.memory_space<hbm>>
        %dma_start3A_622 = arith.constant 0 : i32
        %dma_start3A_623 = arith.constant 0 : i32
        %dma_start3A_624 = arith.constant 0 : i32
        %dma_start3A_625 = tpu.memref_slice %arg9[%run_scoped3A_371, %dma_start3A_622, %dma_start3A_623, %dma_start3A_624] : memref<8x4x8x128xf32, #tpu.memory_space<vmem>> -> memref<1x4x8x128xf32, #tpu.memory_space<vmem>>
        %dma_start3A_626 = tpu.memref_squeeze %dma_start3A_625 : memref<1x4x8x128xf32, #tpu.memory_space<vmem>> -> memref<4x8x128xf32, #tpu.memory_space<vmem>>
        tpu.enqueue_dma source(%dma_start3A_626 : memref<4x8x128xf32, #tpu.memory_space<vmem>>) target(%dma_start3A_621 : memref<4x8x128xf32, #tpu.memory_space<hbm>>) target_semaphore(%run_scoped3A_606 : memref<!tpu.dma_semaphore, #tpu.memory_space<semaphore_mem>>)
        %dma_wait3A_627 = arith.constant 0 : i32
        %dma_wait3A_628 = arith.constant 0 : i32
        %dma_wait3A_629 = arith.constant 0 : i32
        %dma_wait3A_630 = tpu.memref_slice %arg9[%run_scoped3A_371, %dma_wait3A_627, %dma_wait3A_628, %dma_wait3A_629] : memref<8x4x8x128xf32, #tpu.memory_space<vmem>> -> memref<1x4x8x128xf32, #tpu.memory_space<vmem>>
        %dma_wait3A_631 = tpu.memref_squeeze %dma_wait3A_630 : memref<1x4x8x128xf32, #tpu.memory_space<vmem>> -> memref<4x8x128xf32, #tpu.memory_space<vmem>>
        %dma_wait3A_632 = arith.constant 0 : i32
        %dma_wait3A_633 = arith.constant 0 : i32
        %dma_wait3A_634 = arith.constant 0 : i32
        %dma_wait3A_635 = tpu.memref_slice %arg4[%add3A_370, %dma_wait3A_632, %select_n3A_324, %dma_wait3A_633, %dma_wait3A_634] : memref<200x4x128x8x128xf32, #tpu.memory_space<hbm>> -> memref<1x4x1x8x128xf32, #tpu.memory_space<hbm>>
        %dma_wait3A_636 = tpu.memref_squeeze %dma_wait3A_635 : memref<1x4x1x8x128xf32, #tpu.memory_space<hbm>> -> memref<4x8x128xf32, #tpu.memory_space<hbm>>
        %dma_wait3A_637 = arith.constant 0 : i32
        %dma_wait3A_638 = arith.constant 0 : i32
        %dma_wait3A_639 = arith.constant 0 : i32
        %dma_wait3A_640 = tpu.memref_slice %arg4[%add3A_370, %dma_wait3A_637, %select_n3A_324, %dma_wait3A_638, %dma_wait3A_639] : memref<200x4x128x8x128xf32, #tpu.memory_space<hbm>> -> memref<1x4x1x8x128xf32, #tpu.memory_space<hbm>>
        %dma_wait3A_641 = tpu.memref_squeeze %dma_wait3A_640 : memref<1x4x1x8x128xf32, #tpu.memory_space<hbm>> -> memref<4x8x128xf32, #tpu.memory_space<hbm>>
        %dma_wait3A_642 = arith.constant 0 : i32
        %dma_wait3A_643 = arith.constant 0 : i32
        %dma_wait3A_644 = arith.constant 0 : i32
        %dma_wait3A_645 = tpu.memref_slice %arg9[%run_scoped3A_371, %dma_wait3A_642, %dma_wait3A_643, %dma_wait3A_644] : memref<8x4x8x128xf32, #tpu.memory_space<vmem>> -> memref<1x4x8x128xf32, #tpu.memory_space<vmem>>
        %dma_wait3A_646 = tpu.memref_squeeze %dma_wait3A_645 : memref<1x4x8x128xf32, #tpu.memory_space<vmem>> -> memref<4x8x128xf32, #tpu.memory_space<vmem>>
        tpu.wait_dma2 semaphore(%run_scoped3A_606 : memref<!tpu.dma_semaphore, #tpu.memory_space<semaphore_mem>>) src(%dma_wait3A_646 : memref<4x8x128xf32, #tpu.memory_space<vmem>>) dst(%dma_wait3A_641 : memref<4x8x128xf32, #tpu.memory_space<hbm>>)
        tpu.yield
      }) : () -> ()
      %mul3A_372 = arith.constant 8 : i32
      %mul3A_373 = arith.muli %select_n3A, %mul3A_372 : i32
      %add3A_374 = arith.addi %mul3A_373, %select_n3A_340 : i32
      %add3A_375 = arith.constant 5 : i32
      %add3A_376 = arith.addi %add3A_374, %add3A_375 : i32
      %run_scoped3A_377 = arith.constant 5 : i32
      "tpu.region"() ({
        %run_scoped3A_606 = tpu.sem_alloc : memref<!tpu.dma_semaphore, #tpu.memory_space<semaphore_mem>>
        %dma_start3A_607 = arith.constant 0 : i32
        %dma_start3A_608 = arith.constant 0 : i32
        %dma_start3A_609 = arith.constant 0 : i32
        %dma_start3A_610 = tpu.memref_slice %arg9[%run_scoped3A_377, %dma_start3A_607, %dma_start3A_608, %dma_start3A_609] : memref<8x4x8x128xf32, #tpu.memory_space<vmem>> -> memref<1x4x8x128xf32, #tpu.memory_space<vmem>>
        %dma_start3A_611 = tpu.memref_squeeze %dma_start3A_610 : memref<1x4x8x128xf32, #tpu.memory_space<vmem>> -> memref<4x8x128xf32, #tpu.memory_space<vmem>>
        %dma_start3A_612 = arith.constant 0 : i32
        %dma_start3A_613 = arith.constant 0 : i32
        %dma_start3A_614 = arith.constant 0 : i32
        %dma_start3A_615 = tpu.memref_slice %arg4[%add3A_376, %dma_start3A_612, %select_n3A_324, %dma_start3A_613, %dma_start3A_614] : memref<200x4x128x8x128xf32, #tpu.memory_space<hbm>> -> memref<1x4x1x8x128xf32, #tpu.memory_space<hbm>>
        %dma_start3A_616 = tpu.memref_squeeze %dma_start3A_615 : memref<1x4x1x8x128xf32, #tpu.memory_space<hbm>> -> memref<4x8x128xf32, #tpu.memory_space<hbm>>
        %dma_start3A_617 = arith.constant 0 : i32
        %dma_start3A_618 = arith.constant 0 : i32
        %dma_start3A_619 = arith.constant 0 : i32
        %dma_start3A_620 = tpu.memref_slice %arg4[%add3A_376, %dma_start3A_617, %select_n3A_324, %dma_start3A_618, %dma_start3A_619] : memref<200x4x128x8x128xf32, #tpu.memory_space<hbm>> -> memref<1x4x1x8x128xf32, #tpu.memory_space<hbm>>
        %dma_start3A_621 = tpu.memref_squeeze %dma_start3A_620 : memref<1x4x1x8x128xf32, #tpu.memory_space<hbm>> -> memref<4x8x128xf32, #tpu.memory_space<hbm>>
        %dma_start3A_622 = arith.constant 0 : i32
        %dma_start3A_623 = arith.constant 0 : i32
        %dma_start3A_624 = arith.constant 0 : i32
        %dma_start3A_625 = tpu.memref_slice %arg9[%run_scoped3A_377, %dma_start3A_622, %dma_start3A_623, %dma_start3A_624] : memref<8x4x8x128xf32, #tpu.memory_space<vmem>> -> memref<1x4x8x128xf32, #tpu.memory_space<vmem>>
        %dma_start3A_626 = tpu.memref_squeeze %dma_start3A_625 : memref<1x4x8x128xf32, #tpu.memory_space<vmem>> -> memref<4x8x128xf32, #tpu.memory_space<vmem>>
        tpu.enqueue_dma source(%dma_start3A_626 : memref<4x8x128xf32, #tpu.memory_space<vmem>>) target(%dma_start3A_621 : memref<4x8x128xf32, #tpu.memory_space<hbm>>) target_semaphore(%run_scoped3A_606 : memref<!tpu.dma_semaphore, #tpu.memory_space<semaphore_mem>>)
        %dma_wait3A_627 = arith.constant 0 : i32
        %dma_wait3A_628 = arith.constant 0 : i32
        %dma_wait3A_629 = arith.constant 0 : i32
        %dma_wait3A_630 = tpu.memref_slice %arg9[%run_scoped3A_377, %dma_wait3A_627, %dma_wait3A_628, %dma_wait3A_629] : memref<8x4x8x128xf32, #tpu.memory_space<vmem>> -> memref<1x4x8x128xf32, #tpu.memory_space<vmem>>
        %dma_wait3A_631 = tpu.memref_squeeze %dma_wait3A_630 : memref<1x4x8x128xf32, #tpu.memory_space<vmem>> -> memref<4x8x128xf32, #tpu.memory_space<vmem>>
        %dma_wait3A_632 = arith.constant 0 : i32
        %dma_wait3A_633 = arith.constant 0 : i32
        %dma_wait3A_634 = arith.constant 0 : i32
        %dma_wait3A_635 = tpu.memref_slice %arg4[%add3A_376, %dma_wait3A_632, %select_n3A_324, %dma_wait3A_633, %dma_wait3A_634] : memref<200x4x128x8x128xf32, #tpu.memory_space<hbm>> -> memref<1x4x1x8x128xf32, #tpu.memory_space<hbm>>
        %dma_wait3A_636 = tpu.memref_squeeze %dma_wait3A_635 : memref<1x4x1x8x128xf32, #tpu.memory_space<hbm>> -> memref<4x8x128xf32, #tpu.memory_space<hbm>>
        %dma_wait3A_637 = arith.constant 0 : i32
        %dma_wait3A_638 = arith.constant 0 : i32
        %dma_wait3A_639 = arith.constant 0 : i32
        %dma_wait3A_640 = tpu.memref_slice %arg4[%add3A_376, %dma_wait3A_637, %select_n3A_324, %dma_wait3A_638, %dma_wait3A_639] : memref<200x4x128x8x128xf32, #tpu.memory_space<hbm>> -> memref<1x4x1x8x128xf32, #tpu.memory_space<hbm>>
        %dma_wait3A_641 = tpu.memref_squeeze %dma_wait3A_640 : memref<1x4x1x8x128xf32, #tpu.memory_space<hbm>> -> memref<4x8x128xf32, #tpu.memory_space<hbm>>
        %dma_wait3A_642 = arith.constant 0 : i32
        %dma_wait3A_643 = arith.constant 0 : i32
        %dma_wait3A_644 = arith.constant 0 : i32
        %dma_wait3A_645 = tpu.memref_slice %arg9[%run_scoped3A_377, %dma_wait3A_642, %dma_wait3A_643, %dma_wait3A_644] : memref<8x4x8x128xf32, #tpu.memory_space<vmem>> -> memref<1x4x8x128xf32, #tpu.memory_space<vmem>>
        %dma_wait3A_646 = tpu.memref_squeeze %dma_wait3A_645 : memref<1x4x8x128xf32, #tpu.memory_space<vmem>> -> memref<4x8x128xf32, #tpu.memory_space<vmem>>
        tpu.wait_dma2 semaphore(%run_scoped3A_606 : memref<!tpu.dma_semaphore, #tpu.memory_space<semaphore_mem>>) src(%dma_wait3A_646 : memref<4x8x128xf32, #tpu.memory_space<vmem>>) dst(%dma_wait3A_641 : memref<4x8x128xf32, #tpu.memory_space<hbm>>)
        tpu.yield
      }) : () -> ()
      %mul3A_378 = arith.constant 8 : i32
      %mul3A_379 = arith.muli %select_n3A, %mul3A_378 : i32
      %add3A_380 = arith.addi %mul3A_379, %select_n3A_340 : i32
      %add3A_381 = arith.constant 6 : i32
      %add3A_382 = arith.addi %add3A_380, %add3A_381 : i32
      %run_scoped3A_383 = arith.constant 6 : i32
      "tpu.region"() ({
        %run_scoped3A_606 = tpu.sem_alloc : memref<!tpu.dma_semaphore, #tpu.memory_space<semaphore_mem>>
        %dma_start3A_607 = arith.constant 0 : i32
        %dma_start3A_608 = arith.constant 0 : i32
        %dma_start3A_609 = arith.constant 0 : i32
        %dma_start3A_610 = tpu.memref_slice %arg9[%run_scoped3A_383, %dma_start3A_607, %dma_start3A_608, %dma_start3A_609] : memref<8x4x8x128xf32, #tpu.memory_space<vmem>> -> memref<1x4x8x128xf32, #tpu.memory_space<vmem>>
        %dma_start3A_611 = tpu.memref_squeeze %dma_start3A_610 : memref<1x4x8x128xf32, #tpu.memory_space<vmem>> -> memref<4x8x128xf32, #tpu.memory_space<vmem>>
        %dma_start3A_612 = arith.constant 0 : i32
        %dma_start3A_613 = arith.constant 0 : i32
        %dma_start3A_614 = arith.constant 0 : i32
        %dma_start3A_615 = tpu.memref_slice %arg4[%add3A_382, %dma_start3A_612, %select_n3A_324, %dma_start3A_613, %dma_start3A_614] : memref<200x4x128x8x128xf32, #tpu.memory_space<hbm>> -> memref<1x4x1x8x128xf32, #tpu.memory_space<hbm>>
        %dma_start3A_616 = tpu.memref_squeeze %dma_start3A_615 : memref<1x4x1x8x128xf32, #tpu.memory_space<hbm>> -> memref<4x8x128xf32, #tpu.memory_space<hbm>>
        %dma_start3A_617 = arith.constant 0 : i32
        %dma_start3A_618 = arith.constant 0 : i32
        %dma_start3A_619 = arith.constant 0 : i32
        %dma_start3A_620 = tpu.memref_slice %arg4[%add3A_382, %dma_start3A_617, %select_n3A_324, %dma_start3A_618, %dma_start3A_619] : memref<200x4x128x8x128xf32, #tpu.memory_space<hbm>> -> memref<1x4x1x8x128xf32, #tpu.memory_space<hbm>>
        %dma_start3A_621 = tpu.memref_squeeze %dma_start3A_620 : memref<1x4x1x8x128xf32, #tpu.memory_space<hbm>> -> memref<4x8x128xf32, #tpu.memory_space<hbm>>
        %dma_start3A_622 = arith.constant 0 : i32
        %dma_start3A_623 = arith.constant 0 : i32
        %dma_start3A_624 = arith.constant 0 : i32
        %dma_start3A_625 = tpu.memref_slice %arg9[%run_scoped3A_383, %dma_start3A_622, %dma_start3A_623, %dma_start3A_624] : memref<8x4x8x128xf32, #tpu.memory_space<vmem>> -> memref<1x4x8x128xf32, #tpu.memory_space<vmem>>
        %dma_start3A_626 = tpu.memref_squeeze %dma_start3A_625 : memref<1x4x8x128xf32, #tpu.memory_space<vmem>> -> memref<4x8x128xf32, #tpu.memory_space<vmem>>
        tpu.enqueue_dma source(%dma_start3A_626 : memref<4x8x128xf32, #tpu.memory_space<vmem>>) target(%dma_start3A_621 : memref<4x8x128xf32, #tpu.memory_space<hbm>>) target_semaphore(%run_scoped3A_606 : memref<!tpu.dma_semaphore, #tpu.memory_space<semaphore_mem>>)
        %dma_wait3A_627 = arith.constant 0 : i32
        %dma_wait3A_628 = arith.constant 0 : i32
        %dma_wait3A_629 = arith.constant 0 : i32
        %dma_wait3A_630 = tpu.memref_slice %arg9[%run_scoped3A_383, %dma_wait3A_627, %dma_wait3A_628, %dma_wait3A_629] : memref<8x4x8x128xf32, #tpu.memory_space<vmem>> -> memref<1x4x8x128xf32, #tpu.memory_space<vmem>>
        %dma_wait3A_631 = tpu.memref_squeeze %dma_wait3A_630 : memref<1x4x8x128xf32, #tpu.memory_space<vmem>> -> memref<4x8x128xf32, #tpu.memory_space<vmem>>
        %dma_wait3A_632 = arith.constant 0 : i32
        %dma_wait3A_633 = arith.constant 0 : i32
        %dma_wait3A_634 = arith.constant 0 : i32
        %dma_wait3A_635 = tpu.memref_slice %arg4[%add3A_382, %dma_wait3A_632, %select_n3A_324, %dma_wait3A_633, %dma_wait3A_634] : memref<200x4x128x8x128xf32, #tpu.memory_space<hbm>> -> memref<1x4x1x8x128xf32, #tpu.memory_space<hbm>>
        %dma_wait3A_636 = tpu.memref_squeeze %dma_wait3A_635 : memref<1x4x1x8x128xf32, #tpu.memory_space<hbm>> -> memref<4x8x128xf32, #tpu.memory_space<hbm>>
        %dma_wait3A_637 = arith.constant 0 : i32
        %dma_wait3A_638 = arith.constant 0 : i32
        %dma_wait3A_639 = arith.constant 0 : i32
        %dma_wait3A_640 = tpu.memref_slice %arg4[%add3A_382, %dma_wait3A_637, %select_n3A_324, %dma_wait3A_638, %dma_wait3A_639] : memref<200x4x128x8x128xf32, #tpu.memory_space<hbm>> -> memref<1x4x1x8x128xf32, #tpu.memory_space<hbm>>
        %dma_wait3A_641 = tpu.memref_squeeze %dma_wait3A_640 : memref<1x4x1x8x128xf32, #tpu.memory_space<hbm>> -> memref<4x8x128xf32, #tpu.memory_space<hbm>>
        %dma_wait3A_642 = arith.constant 0 : i32
        %dma_wait3A_643 = arith.constant 0 : i32
        %dma_wait3A_644 = arith.constant 0 : i32
        %dma_wait3A_645 = tpu.memref_slice %arg9[%run_scoped3A_383, %dma_wait3A_642, %dma_wait3A_643, %dma_wait3A_644] : memref<8x4x8x128xf32, #tpu.memory_space<vmem>> -> memref<1x4x8x128xf32, #tpu.memory_space<vmem>>
        %dma_wait3A_646 = tpu.memref_squeeze %dma_wait3A_645 : memref<1x4x8x128xf32, #tpu.memory_space<vmem>> -> memref<4x8x128xf32, #tpu.memory_space<vmem>>
        tpu.wait_dma2 semaphore(%run_scoped3A_606 : memref<!tpu.dma_semaphore, #tpu.memory_space<semaphore_mem>>) src(%dma_wait3A_646 : memref<4x8x128xf32, #tpu.memory_space<vmem>>) dst(%dma_wait3A_641 : memref<4x8x128xf32, #tpu.memory_space<hbm>>)
        tpu.yield
      }) : () -> ()
      %mul3A_384 = arith.constant 8 : i32
      %mul3A_385 = arith.muli %select_n3A, %mul3A_384 : i32
      %add3A_386 = arith.addi %mul3A_385, %select_n3A_340 : i32
      %add3A_387 = arith.constant 7 : i32
      %add3A_388 = arith.addi %add3A_386, %add3A_387 : i32
      %run_scoped3A_389 = arith.constant 7 : i32
      "tpu.region"() ({
        %run_scoped3A_606 = tpu.sem_alloc : memref<!tpu.dma_semaphore, #tpu.memory_space<semaphore_mem>>
        %dma_start3A_607 = arith.constant 0 : i32
        %dma_start3A_608 = arith.constant 0 : i32
        %dma_start3A_609 = arith.constant 0 : i32
        %dma_start3A_610 = tpu.memref_slice %arg9[%run_scoped3A_389, %dma_start3A_607, %dma_start3A_608, %dma_start3A_609] : memref<8x4x8x128xf32, #tpu.memory_space<vmem>> -> memref<1x4x8x128xf32, #tpu.memory_space<vmem>>
        %dma_start3A_611 = tpu.memref_squeeze %dma_start3A_610 : memref<1x4x8x128xf32, #tpu.memory_space<vmem>> -> memref<4x8x128xf32, #tpu.memory_space<vmem>>
        %dma_start3A_612 = arith.constant 0 : i32
        %dma_start3A_613 = arith.constant 0 : i32
        %dma_start3A_614 = arith.constant 0 : i32
        %dma_start3A_615 = tpu.memref_slice %arg4[%add3A_388, %dma_start3A_612, %select_n3A_324, %dma_start3A_613, %dma_start3A_614] : memref<200x4x128x8x128xf32, #tpu.memory_space<hbm>> -> memref<1x4x1x8x128xf32, #tpu.memory_space<hbm>>
        %dma_start3A_616 = tpu.memref_squeeze %dma_start3A_615 : memref<1x4x1x8x128xf32, #tpu.memory_space<hbm>> -> memref<4x8x128xf32, #tpu.memory_space<hbm>>
        %dma_start3A_617 = arith.constant 0 : i32
        %dma_start3A_618 = arith.constant 0 : i32
        %dma_start3A_619 = arith.constant 0 : i32
        %dma_start3A_620 = tpu.memref_slice %arg4[%add3A_388, %dma_start3A_617, %select_n3A_324, %dma_start3A_618, %dma_start3A_619] : memref<200x4x128x8x128xf32, #tpu.memory_space<hbm>> -> memref<1x4x1x8x128xf32, #tpu.memory_space<hbm>>
        %dma_start3A_621 = tpu.memref_squeeze %dma_start3A_620 : memref<1x4x1x8x128xf32, #tpu.memory_space<hbm>> -> memref<4x8x128xf32, #tpu.memory_space<hbm>>
        %dma_start3A_622 = arith.constant 0 : i32
        %dma_start3A_623 = arith.constant 0 : i32
        %dma_start3A_624 = arith.constant 0 : i32
        %dma_start3A_625 = tpu.memref_slice %arg9[%run_scoped3A_389, %dma_start3A_622, %dma_start3A_623, %dma_start3A_624] : memref<8x4x8x128xf32, #tpu.memory_space<vmem>> -> memref<1x4x8x128xf32, #tpu.memory_space<vmem>>
        %dma_start3A_626 = tpu.memref_squeeze %dma_start3A_625 : memref<1x4x8x128xf32, #tpu.memory_space<vmem>> -> memref<4x8x128xf32, #tpu.memory_space<vmem>>
        tpu.enqueue_dma source(%dma_start3A_626 : memref<4x8x128xf32, #tpu.memory_space<vmem>>) target(%dma_start3A_621 : memref<4x8x128xf32, #tpu.memory_space<hbm>>) target_semaphore(%run_scoped3A_606 : memref<!tpu.dma_semaphore, #tpu.memory_space<semaphore_mem>>)
        %dma_wait3A_627 = arith.constant 0 : i32
        %dma_wait3A_628 = arith.constant 0 : i32
        %dma_wait3A_629 = arith.constant 0 : i32
        %dma_wait3A_630 = tpu.memref_slice %arg9[%run_scoped3A_389, %dma_wait3A_627, %dma_wait3A_628, %dma_wait3A_629] : memref<8x4x8x128xf32, #tpu.memory_space<vmem>> -> memref<1x4x8x128xf32, #tpu.memory_space<vmem>>
        %dma_wait3A_631 = tpu.memref_squeeze %dma_wait3A_630 : memref<1x4x8x128xf32, #tpu.memory_space<vmem>> -> memref<4x8x128xf32, #tpu.memory_space<vmem>>
        %dma_wait3A_632 = arith.constant 0 : i32
        %dma_wait3A_633 = arith.constant 0 : i32
        %dma_wait3A_634 = arith.constant 0 : i32
        %dma_wait3A_635 = tpu.memref_slice %arg4[%add3A_388, %dma_wait3A_632, %select_n3A_324, %dma_wait3A_633, %dma_wait3A_634] : memref<200x4x128x8x128xf32, #tpu.memory_space<hbm>> -> memref<1x4x1x8x128xf32, #tpu.memory_space<hbm>>
        %dma_wait3A_636 = tpu.memref_squeeze %dma_wait3A_635 : memref<1x4x1x8x128xf32, #tpu.memory_space<hbm>> -> memref<4x8x128xf32, #tpu.memory_space<hbm>>
        %dma_wait3A_637 = arith.constant 0 : i32
        %dma_wait3A_638 = arith.constant 0 : i32
        %dma_wait3A_639 = arith.constant 0 : i32
        %dma_wait3A_640 = tpu.memref_slice %arg4[%add3A_388, %dma_wait3A_637, %select_n3A_324, %dma_wait3A_638, %dma_wait3A_639] : memref<200x4x128x8x128xf32, #tpu.memory_space<hbm>> -> memref<1x4x1x8x128xf32, #tpu.memory_space<hbm>>
        %dma_wait3A_641 = tpu.memref_squeeze %dma_wait3A_640 : memref<1x4x1x8x128xf32, #tpu.memory_space<hbm>> -> memref<4x8x128xf32, #tpu.memory_space<hbm>>
        %dma_wait3A_642 = arith.constant 0 : i32
        %dma_wait3A_643 = arith.constant 0 : i32
        %dma_wait3A_644 = arith.constant 0 : i32
        %dma_wait3A_645 = tpu.memref_slice %arg9[%run_scoped3A_389, %dma_wait3A_642, %dma_wait3A_643, %dma_wait3A_644] : memref<8x4x8x128xf32, #tpu.memory_space<vmem>> -> memref<1x4x8x128xf32, #tpu.memory_space<vmem>>
        %dma_wait3A_646 = tpu.memref_squeeze %dma_wait3A_645 : memref<1x4x8x128xf32, #tpu.memory_space<vmem>> -> memref<4x8x128xf32, #tpu.memory_space<vmem>>
        tpu.wait_dma2 semaphore(%run_scoped3A_606 : memref<!tpu.dma_semaphore, #tpu.memory_space<semaphore_mem>>) src(%dma_wait3A_646 : memref<4x8x128xf32, #tpu.memory_space<vmem>>) dst(%dma_wait3A_641 : memref<4x8x128xf32, #tpu.memory_space<hbm>>)
        tpu.yield
      }) : () -> ()
      %lt3A_390 = arith.constant 49 : i32
      %lt3A_391 = arith.cmpi slt, %add3A_97, %lt3A_390 : i32
      %convert_element_type3A = arith.extui %lt3A_391 : i1 to i32
      %cond3A = arith.constant 0 : i32
      %cond3A_392 = arith.cmpi ne, %convert_element_type3A, %cond3A : i32
      scf.if %cond3A_392 {
        %add3A_606 = arith.constant 16 : i32
        %add3A_607 = arith.addi %add3A_102, %add3A_606 : i32
        "tpu.region"() ({
          %run_scoped3A_695 = tpu.sem_alloc : memref<!tpu.dma_semaphore, #tpu.memory_space<semaphore_mem>>
          %dma_start3A_696 = arith.constant 0 : i32
          %dma_start3A_697 = tpu.memref_slice %arg2[%add3A_607, %dma_start3A_696] : memref<25600x128xi32, #tpu.memory_space<hbm>> -> memref<8x128xi32, #tpu.memory_space<hbm>>
          %dma_start3A_698 = arith.constant 0 : i32
          %dma_start3A_699 = tpu.memref_slice %arg2[%add3A_607, %dma_start3A_698] : memref<25600x128xi32, #tpu.memory_space<hbm>> -> memref<8x128xi32, #tpu.memory_space<hbm>>
          tpu.enqueue_dma source(%dma_start3A_699 : memref<8x128xi32, #tpu.memory_space<hbm>>) target(%arg5 : memref<8x128xi32, #tpu.memory_space<vmem>>) target_semaphore(%run_scoped3A_695 : memref<!tpu.dma_semaphore, #tpu.memory_space<semaphore_mem>>)
          %dma_wait3A_700 = arith.constant 0 : i32
          %dma_wait3A_701 = tpu.memref_slice %arg2[%add3A_607, %dma_wait3A_700] : memref<25600x128xi32, #tpu.memory_space<hbm>> -> memref<8x128xi32, #tpu.memory_space<hbm>>
          %dma_wait3A_702 = arith.constant 0 : i32
          %dma_wait3A_703 = tpu.memref_slice %arg2[%add3A_607, %dma_wait3A_702] : memref<25600x128xi32, #tpu.memory_space<hbm>> -> memref<8x128xi32, #tpu.memory_space<hbm>>
          tpu.wait_dma2 semaphore(%run_scoped3A_695 : memref<!tpu.dma_semaphore, #tpu.memory_space<semaphore_mem>>) src(%dma_wait3A_703 : memref<8x128xi32, #tpu.memory_space<hbm>>) dst(%arg5 : memref<8x128xi32, #tpu.memory_space<vmem>>)
          tpu.yield
        }) : () -> ()
        %scan3A_608 = arith.constant 0 : i32
        %scan3A_609 = arith.constant 0 : i32
        %scan3A_610 = arith.constant 8 : i32
        %scan3A_611 = arith.addi %scan3A_609, %scan3A_610 : i32
        %scan3A_612 = arith.constant 1 : i32
        %scan3A_613 = scf.for %scan3A_695 = %scan3A_609 to %scan3A_611 step %scan3A_612 iter_args(%scan3A_696 = %scan3A_608) -> (i32)  : i32 {
          %scan3A_697 = arith.constant 0 : i32
          %scan3A_698 = arith.constant 0 : i32
          %scan3A_699 = arith.constant 8 : i32
          %scan3A_700 = arith.addi %scan3A_698, %scan3A_699 : i32
          %scan3A_701 = arith.constant 1 : i32
          %scan3A_702 = scf.for %scan3A_704 = %scan3A_698 to %scan3A_700 step %scan3A_701 iter_args(%scan3A_705 = %scan3A_697) -> (i32)  : i32 {
            %mul3A_706 = arith.constant 16 : i32
            %mul3A_707 = arith.muli %scan3A_704, %mul3A_706 : i32
            %get3A = arith.index_cast %scan3A_695 : i32 to index
            %get3A_708 = arith.index_cast %mul3A_707 : i32 to index
            %get3A_709 = tpu.vector_load %arg5[%get3A, %get3A_708] {strides = array<i32>} : memref<8x128xi32, #tpu.memory_space<vmem>>, vector<16xi32>,
            %max3A = arith.constant 0 : i32
            %max3A_710 = vector.broadcast %max3A : i32 to vector<16xi32>
            %max3A_711 = arith.maxsi %get3A_709, %max3A_710 : vector<16xi32>
            %min3A = arith.constant 999999 : i32
            %min3A_712 = vector.broadcast %min3A : i32 to vector<16xi32>
            %min3A_713 = arith.minsi %max3A_711, %min3A_712 : vector<16xi32>
            %mul3A_714 = arith.constant 16 : i32
            %mul3A_715 = arith.muli %scan3A_704, %mul3A_714 : i32
            %swap3A = arith.index_cast %scan3A_695 : i32 to index
            %swap3A_716 = arith.index_cast %mul3A_715 : i32 to index
            %swap3A_717 = tpu.vector_load %arg5[%swap3A, %swap3A_716] {strides = array<i32>} : memref<8x128xi32, #tpu.memory_space<vmem>>, vector<16xi32>,
            tpu.vector_store %arg5[%swap3A, %swap3A_716], %min3A_713 {strides = array<i32>} : memref<8x128xi32, #tpu.memory_space<vmem>>, vector<16xi32>,
            %scan3A_718 = arith.constant 0 : i32
            scf.yield %scan3A_718 : i32
          }
          %scan3A_703 = arith.constant 8 : i32
          scf.yield %scan3A_702 : i32
        }
        %scan3A_614 = arith.constant 8 : i32
        %dma_start3A_615 = arith.constant 0 : i32
        %dma_start3A_616 = arith.constant 0 : i32
        %dma_start3A_617 = arith.constant 0 : i32
        %dma_start3A_618 = tpu.memref_slice %arg7[%dma_start3A_616, %dma_start3A_617] : memref<1024x32xf32, #tpu.memory_space<vmem>> -> memref<128x32xf32, #tpu.memory_space<vmem>>
        %dma_start3A_619 = arith.constant 0 : i32
        %dma_start3A_620 = tpu.memref_slice %arg5[%dma_start3A_615, %dma_start3A_619] : memref<8x128xi32, #tpu.memory_space<vmem>> -> memref<1x128xi32, #tpu.memory_space<vmem>>
        %dma_start3A_621 = tpu.memref_squeeze %dma_start3A_620 : memref<1x128xi32, #tpu.memory_space<vmem>> -> memref<128xi32, #tpu.memory_space<vmem>>
        %dma_start3A_622 = arith.constant 0 : i32
        %dma_start3A_623 = arith.constant 0 : i32
        %dma_start3A_624 = tpu.memref_slice %arg3[%dma_start3A_622, %dma_start3A_623] : memref<1000000x32xf32, #tpu.memory_space<hbm>> -> memref<1000000x32xf32, #tpu.memory_space<hbm>>
        tpu.enqueue_indirect_dma source(%dma_start3A_624 : memref<1000000x32xf32, #tpu.memory_space<hbm>>) target(%dma_start3A_618 : memref<128x32xf32, #tpu.memory_space<vmem>>) offsets(%dma_start3A_621 : memref<128xi32, #tpu.memory_space<vmem>>) semaphore(%arg10 : memref<!tpu.dma_semaphore, #tpu.memory_space<semaphore_mem>>)
        %dma_start3A_625 = arith.constant 1 : i32
        %dma_start3A_626 = arith.constant 128 : i32
        %dma_start3A_627 = arith.constant 0 : i32
        %dma_start3A_628 = tpu.memref_slice %arg7[%dma_start3A_626, %dma_start3A_627] : memref<1024x32xf32, #tpu.memory_space<vmem>> -> memref<128x32xf32, #tpu.memory_space<vmem>>
        %dma_start3A_629 = arith.constant 0 : i32
        %dma_start3A_630 = tpu.memref_slice %arg5[%dma_start3A_625, %dma_start3A_629] : memref<8x128xi32, #tpu.memory_space<vmem>> -> memref<1x128xi32, #tpu.memory_space<vmem>>
        %dma_start3A_631 = tpu.memref_squeeze %dma_start3A_630 : memref<1x128xi32, #tpu.memory_space<vmem>> -> memref<128xi32, #tpu.memory_space<vmem>>
        %dma_start3A_632 = arith.constant 0 : i32
        %dma_start3A_633 = arith.constant 0 : i32
        %dma_start3A_634 = tpu.memref_slice %arg3[%dma_start3A_632, %dma_start3A_633] : memref<1000000x32xf32, #tpu.memory_space<hbm>> -> memref<1000000x32xf32, #tpu.memory_space<hbm>>
        tpu.enqueue_indirect_dma source(%dma_start3A_634 : memref<1000000x32xf32, #tpu.memory_space<hbm>>) target(%dma_start3A_628 : memref<128x32xf32, #tpu.memory_space<vmem>>) offsets(%dma_start3A_631 : memref<128xi32, #tpu.memory_space<vmem>>) semaphore(%arg10 : memref<!tpu.dma_semaphore, #tpu.memory_space<semaphore_mem>>)
        %dma_start3A_635 = arith.constant 2 : i32
        %dma_start3A_636 = arith.constant 256 : i32
        %dma_start3A_637 = arith.constant 0 : i32
        %dma_start3A_638 = tpu.memref_slice %arg7[%dma_start3A_636, %dma_start3A_637] : memref<1024x32xf32, #tpu.memory_space<vmem>> -> memref<128x32xf32, #tpu.memory_space<vmem>>
        %dma_start3A_639 = arith.constant 0 : i32
        %dma_start3A_640 = tpu.memref_slice %arg5[%dma_start3A_635, %dma_start3A_639] : memref<8x128xi32, #tpu.memory_space<vmem>> -> memref<1x128xi32, #tpu.memory_space<vmem>>
        %dma_start3A_641 = tpu.memref_squeeze %dma_start3A_640 : memref<1x128xi32, #tpu.memory_space<vmem>> -> memref<128xi32, #tpu.memory_space<vmem>>
        %dma_start3A_642 = arith.constant 0 : i32
        %dma_start3A_643 = arith.constant 0 : i32
        %dma_start3A_644 = tpu.memref_slice %arg3[%dma_start3A_642, %dma_start3A_643] : memref<1000000x32xf32, #tpu.memory_space<hbm>> -> memref<1000000x32xf32, #tpu.memory_space<hbm>>
        tpu.enqueue_indirect_dma source(%dma_start3A_644 : memref<1000000x32xf32, #tpu.memory_space<hbm>>) target(%dma_start3A_638 : memref<128x32xf32, #tpu.memory_space<vmem>>) offsets(%dma_start3A_641 : memref<128xi32, #tpu.memory_space<vmem>>) semaphore(%arg10 : memref<!tpu.dma_semaphore, #tpu.memory_space<semaphore_mem>>)
        %dma_start3A_645 = arith.constant 3 : i32
        %dma_start3A_646 = arith.constant 384 : i32
        %dma_start3A_647 = arith.constant 0 : i32
        %dma_start3A_648 = tpu.memref_slice %arg7[%dma_start3A_646, %dma_start3A_647] : memref<1024x32xf32, #tpu.memory_space<vmem>> -> memref<128x32xf32, #tpu.memory_space<vmem>>
        %dma_start3A_649 = arith.constant 0 : i32
        %dma_start3A_650 = tpu.memref_slice %arg5[%dma_start3A_645, %dma_start3A_649] : memref<8x128xi32, #tpu.memory_space<vmem>> -> memref<1x128xi32, #tpu.memory_space<vmem>>
        %dma_start3A_651 = tpu.memref_squeeze %dma_start3A_650 : memref<1x128xi32, #tpu.memory_space<vmem>> -> memref<128xi32, #tpu.memory_space<vmem>>
        %dma_start3A_652 = arith.constant 0 : i32
        %dma_start3A_653 = arith.constant 0 : i32
        %dma_start3A_654 = tpu.memref_slice %arg3[%dma_start3A_652, %dma_start3A_653] : memref<1000000x32xf32, #tpu.memory_space<hbm>> -> memref<1000000x32xf32, #tpu.memory_space<hbm>>
        tpu.enqueue_indirect_dma source(%dma_start3A_654 : memref<1000000x32xf32, #tpu.memory_space<hbm>>) target(%dma_start3A_648 : memref<128x32xf32, #tpu.memory_space<vmem>>) offsets(%dma_start3A_651 : memref<128xi32, #tpu.memory_space<vmem>>) semaphore(%arg10 : memref<!tpu.dma_semaphore, #tpu.memory_space<semaphore_mem>>)
        %dma_start3A_655 = arith.constant 4 : i32
        %dma_start3A_656 = arith.constant 512 : i32
        %dma_start3A_657 = arith.constant 0 : i32
        %dma_start3A_658 = tpu.memref_slice %arg7[%dma_start3A_656, %dma_start3A_657] : memref<1024x32xf32, #tpu.memory_space<vmem>> -> memref<128x32xf32, #tpu.memory_space<vmem>>
        %dma_start3A_659 = arith.constant 0 : i32
        %dma_start3A_660 = tpu.memref_slice %arg5[%dma_start3A_655, %dma_start3A_659] : memref<8x128xi32, #tpu.memory_space<vmem>> -> memref<1x128xi32, #tpu.memory_space<vmem>>
        %dma_start3A_661 = tpu.memref_squeeze %dma_start3A_660 : memref<1x128xi32, #tpu.memory_space<vmem>> -> memref<128xi32, #tpu.memory_space<vmem>>
        %dma_start3A_662 = arith.constant 0 : i32
        %dma_start3A_663 = arith.constant 0 : i32
        %dma_start3A_664 = tpu.memref_slice %arg3[%dma_start3A_662, %dma_start3A_663] : memref<1000000x32xf32, #tpu.memory_space<hbm>> -> memref<1000000x32xf32, #tpu.memory_space<hbm>>
        tpu.enqueue_indirect_dma source(%dma_start3A_664 : memref<1000000x32xf32, #tpu.memory_space<hbm>>) target(%dma_start3A_658 : memref<128x32xf32, #tpu.memory_space<vmem>>) offsets(%dma_start3A_661 : memref<128xi32, #tpu.memory_space<vmem>>) semaphore(%arg10 : memref<!tpu.dma_semaphore, #tpu.memory_space<semaphore_mem>>)
        %dma_start3A_665 = arith.constant 5 : i32
        %dma_start3A_666 = arith.constant 640 : i32
        %dma_start3A_667 = arith.constant 0 : i32
        %dma_start3A_668 = tpu.memref_slice %arg7[%dma_start3A_666, %dma_start3A_667] : memref<1024x32xf32, #tpu.memory_space<vmem>> -> memref<128x32xf32, #tpu.memory_space<vmem>>
        %dma_start3A_669 = arith.constant 0 : i32
        %dma_start3A_670 = tpu.memref_slice %arg5[%dma_start3A_665, %dma_start3A_669] : memref<8x128xi32, #tpu.memory_space<vmem>> -> memref<1x128xi32, #tpu.memory_space<vmem>>
        %dma_start3A_671 = tpu.memref_squeeze %dma_start3A_670 : memref<1x128xi32, #tpu.memory_space<vmem>> -> memref<128xi32, #tpu.memory_space<vmem>>
        %dma_start3A_672 = arith.constant 0 : i32
        %dma_start3A_673 = arith.constant 0 : i32
        %dma_start3A_674 = tpu.memref_slice %arg3[%dma_start3A_672, %dma_start3A_673] : memref<1000000x32xf32, #tpu.memory_space<hbm>> -> memref<1000000x32xf32, #tpu.memory_space<hbm>>
        tpu.enqueue_indirect_dma source(%dma_start3A_674 : memref<1000000x32xf32, #tpu.memory_space<hbm>>) target(%dma_start3A_668 : memref<128x32xf32, #tpu.memory_space<vmem>>) offsets(%dma_start3A_671 : memref<128xi32, #tpu.memory_space<vmem>>) semaphore(%arg10 : memref<!tpu.dma_semaphore, #tpu.memory_space<semaphore_mem>>)
        %dma_start3A_675 = arith.constant 6 : i32
        %dma_start3A_676 = arith.constant 768 : i32
        %dma_start3A_677 = arith.constant 0 : i32
        %dma_start3A_678 = tpu.memref_slice %arg7[%dma_start3A_676, %dma_start3A_677] : memref<1024x32xf32, #tpu.memory_space<vmem>> -> memref<128x32xf32, #tpu.memory_space<vmem>>
        %dma_start3A_679 = arith.constant 0 : i32
        %dma_start3A_680 = tpu.memref_slice %arg5[%dma_start3A_675, %dma_start3A_679] : memref<8x128xi32, #tpu.memory_space<vmem>> -> memref<1x128xi32, #tpu.memory_space<vmem>>
        %dma_start3A_681 = tpu.memref_squeeze %dma_start3A_680 : memref<1x128xi32, #tpu.memory_space<vmem>> -> memref<128xi32, #tpu.memory_space<vmem>>
        %dma_start3A_682 = arith.constant 0 : i32
        %dma_start3A_683 = arith.constant 0 : i32
        %dma_start3A_684 = tpu.memref_slice %arg3[%dma_start3A_682, %dma_start3A_683] : memref<1000000x32xf32, #tpu.memory_space<hbm>> -> memref<1000000x32xf32, #tpu.memory_space<hbm>>
        tpu.enqueue_indirect_dma source(%dma_start3A_684 : memref<1000000x32xf32, #tpu.memory_space<hbm>>) target(%dma_start3A_678 : memref<128x32xf32, #tpu.memory_space<vmem>>) offsets(%dma_start3A_681 : memref<128xi32, #tpu.memory_space<vmem>>) semaphore(%arg10 : memref<!tpu.dma_semaphore, #tpu.memory_space<semaphore_mem>>)
        %dma_start3A_685 = arith.constant 7 : i32
        %dma_start3A_686 = arith.constant 896 : i32
        %dma_start3A_687 = arith.constant 0 : i32
        %dma_start3A_688 = tpu.memref_slice %arg7[%dma_start3A_686, %dma_start3A_687] : memref<1024x32xf32, #tpu.memory_space<vmem>> -> memref<128x32xf32, #tpu.memory_space<vmem>>
        %dma_start3A_689 = arith.constant 0 : i32
        %dma_start3A_690 = tpu.memref_slice %arg5[%dma_start3A_685, %dma_start3A_689] : memref<8x128xi32, #tpu.memory_space<vmem>> -> memref<1x128xi32, #tpu.memory_space<vmem>>
        %dma_start3A_691 = tpu.memref_squeeze %dma_start3A_690 : memref<1x128xi32, #tpu.memory_space<vmem>> -> memref<128xi32, #tpu.memory_space<vmem>>
        %dma_start3A_692 = arith.constant 0 : i32
        %dma_start3A_693 = arith.constant 0 : i32
        %dma_start3A_694 = tpu.memref_slice %arg3[%dma_start3A_692, %dma_start3A_693] : memref<1000000x32xf32, #tpu.memory_space<hbm>> -> memref<1000000x32xf32, #tpu.memory_space<hbm>>
        tpu.enqueue_indirect_dma source(%dma_start3A_694 : memref<1000000x32xf32, #tpu.memory_space<hbm>>) target(%dma_start3A_688 : memref<128x32xf32, #tpu.memory_space<vmem>>) offsets(%dma_start3A_691 : memref<128xi32, #tpu.memory_space<vmem>>) semaphore(%arg10 : memref<!tpu.dma_semaphore, #tpu.memory_space<semaphore_mem>>)
      } else {
      }
      %dma_wait3A_393 = arith.constant 0 : i32
      %dma_wait3A_394 = arith.constant 0 : i32
      %dma_wait3A_395 = arith.constant 0 : i32
      %dma_wait3A_396 = tpu.memref_slice %arg8[%dma_wait3A_394, %dma_wait3A_395] : memref<1024x32xf32, #tpu.memory_space<vmem>> -> memref<128x32xf32, #tpu.memory_space<vmem>>
      %dma_wait3A_397 = arith.constant 0 : i32
      %dma_wait3A_398 = tpu.memref_slice %arg6[%dma_wait3A_393, %dma_wait3A_397] : memref<8x128xi32, #tpu.memory_space<vmem>> -> memref<1x128xi32, #tpu.memory_space<vmem>>
      %dma_wait3A_399 = tpu.memref_squeeze %dma_wait3A_398 : memref<1x128xi32, #tpu.memory_space<vmem>> -> memref<128xi32, #tpu.memory_space<vmem>>
      %dma_wait3A_400 = arith.constant 0 : i32
      %dma_wait3A_401 = arith.constant 0 : i32
      %dma_wait3A_402 = tpu.memref_slice %arg3[%dma_wait3A_400, %dma_wait3A_401] : memref<1000000x32xf32, #tpu.memory_space<hbm>> -> memref<1000000x32xf32, #tpu.memory_space<hbm>>
      tpu.wait_indirect_dma semaphore(%arg11 : memref<!tpu.dma_semaphore, #tpu.memory_space<semaphore_mem>>) src(%dma_wait3A_402 : memref<1000000x32xf32, #tpu.memory_space<hbm>>) dst(%dma_wait3A_396 : memref<128x32xf32, #tpu.memory_space<vmem>>)
      %dma_wait3A_403 = arith.constant 1 : i32
      %dma_wait3A_404 = arith.constant 128 : i32
      %dma_wait3A_405 = arith.constant 0 : i32
      %dma_wait3A_406 = tpu.memref_slice %arg8[%dma_wait3A_404, %dma_wait3A_405] : memref<1024x32xf32, #tpu.memory_space<vmem>> -> memref<128x32xf32, #tpu.memory_space<vmem>>
      %dma_wait3A_407 = arith.constant 0 : i32
      %dma_wait3A_408 = tpu.memref_slice %arg6[%dma_wait3A_403, %dma_wait3A_407] : memref<8x128xi32, #tpu.memory_space<vmem>> -> memref<1x128xi32, #tpu.memory_space<vmem>>
      %dma_wait3A_409 = tpu.memref_squeeze %dma_wait3A_408 : memref<1x128xi32, #tpu.memory_space<vmem>> -> memref<128xi32, #tpu.memory_space<vmem>>
      %dma_wait3A_410 = arith.constant 0 : i32
      %dma_wait3A_411 = arith.constant 0 : i32
      %dma_wait3A_412 = tpu.memref_slice %arg3[%dma_wait3A_410, %dma_wait3A_411] : memref<1000000x32xf32, #tpu.memory_space<hbm>> -> memref<1000000x32xf32, #tpu.memory_space<hbm>>
      tpu.wait_indirect_dma semaphore(%arg11 : memref<!tpu.dma_semaphore, #tpu.memory_space<semaphore_mem>>) src(%dma_wait3A_412 : memref<1000000x32xf32, #tpu.memory_space<hbm>>) dst(%dma_wait3A_406 : memref<128x32xf32, #tpu.memory_space<vmem>>)
      %dma_wait3A_413 = arith.constant 2 : i32
      %dma_wait3A_414 = arith.constant 256 : i32
      %dma_wait3A_415 = arith.constant 0 : i32
      %dma_wait3A_416 = tpu.memref_slice %arg8[%dma_wait3A_414, %dma_wait3A_415] : memref<1024x32xf32, #tpu.memory_space<vmem>> -> memref<128x32xf32, #tpu.memory_space<vmem>>
      %dma_wait3A_417 = arith.constant 0 : i32
      %dma_wait3A_418 = tpu.memref_slice %arg6[%dma_wait3A_413, %dma_wait3A_417] : memref<8x128xi32, #tpu.memory_space<vmem>> -> memref<1x128xi32, #tpu.memory_space<vmem>>
      %dma_wait3A_419 = tpu.memref_squeeze %dma_wait3A_418 : memref<1x128xi32, #tpu.memory_space<vmem>> -> memref<128xi32, #tpu.memory_space<vmem>>
      %dma_wait3A_420 = arith.constant 0 : i32
      %dma_wait3A_421 = arith.constant 0 : i32
      %dma_wait3A_422 = tpu.memref_slice %arg3[%dma_wait3A_420, %dma_wait3A_421] : memref<1000000x32xf32, #tpu.memory_space<hbm>> -> memref<1000000x32xf32, #tpu.memory_space<hbm>>
      tpu.wait_indirect_dma semaphore(%arg11 : memref<!tpu.dma_semaphore, #tpu.memory_space<semaphore_mem>>) src(%dma_wait3A_422 : memref<1000000x32xf32, #tpu.memory_space<hbm>>) dst(%dma_wait3A_416 : memref<128x32xf32, #tpu.memory_space<vmem>>)
      %dma_wait3A_423 = arith.constant 3 : i32
      %dma_wait3A_424 = arith.constant 384 : i32
      %dma_wait3A_425 = arith.constant 0 : i32
      %dma_wait3A_426 = tpu.memref_slice %arg8[%dma_wait3A_424, %dma_wait3A_425] : memref<1024x32xf32, #tpu.memory_space<vmem>> -> memref<128x32xf32, #tpu.memory_space<vmem>>
      %dma_wait3A_427 = arith.constant 0 : i32
      %dma_wait3A_428 = tpu.memref_slice %arg6[%dma_wait3A_423, %dma_wait3A_427] : memref<8x128xi32, #tpu.memory_space<vmem>> -> memref<1x128xi32, #tpu.memory_space<vmem>>
      %dma_wait3A_429 = tpu.memref_squeeze %dma_wait3A_428 : memref<1x128xi32, #tpu.memory_space<vmem>> -> memref<128xi32, #tpu.memory_space<vmem>>
      %dma_wait3A_430 = arith.constant 0 : i32
      %dma_wait3A_431 = arith.constant 0 : i32
      %dma_wait3A_432 = tpu.memref_slice %arg3[%dma_wait3A_430, %dma_wait3A_431] : memref<1000000x32xf32, #tpu.memory_space<hbm>> -> memref<1000000x32xf32, #tpu.memory_space<hbm>>
      tpu.wait_indirect_dma semaphore(%arg11 : memref<!tpu.dma_semaphore, #tpu.memory_space<semaphore_mem>>) src(%dma_wait3A_432 : memref<1000000x32xf32, #tpu.memory_space<hbm>>) dst(%dma_wait3A_426 : memref<128x32xf32, #tpu.memory_space<vmem>>)
      %dma_wait3A_433 = arith.constant 4 : i32
      %dma_wait3A_434 = arith.constant 512 : i32
      %dma_wait3A_435 = arith.constant 0 : i32
      %dma_wait3A_436 = tpu.memref_slice %arg8[%dma_wait3A_434, %dma_wait3A_435] : memref<1024x32xf32, #tpu.memory_space<vmem>> -> memref<128x32xf32, #tpu.memory_space<vmem>>
      %dma_wait3A_437 = arith.constant 0 : i32
      %dma_wait3A_438 = tpu.memref_slice %arg6[%dma_wait3A_433, %dma_wait3A_437] : memref<8x128xi32, #tpu.memory_space<vmem>> -> memref<1x128xi32, #tpu.memory_space<vmem>>
      %dma_wait3A_439 = tpu.memref_squeeze %dma_wait3A_438 : memref<1x128xi32, #tpu.memory_space<vmem>> -> memref<128xi32, #tpu.memory_space<vmem>>
      %dma_wait3A_440 = arith.constant 0 : i32
      %dma_wait3A_441 = arith.constant 0 : i32
      %dma_wait3A_442 = tpu.memref_slice %arg3[%dma_wait3A_440, %dma_wait3A_441] : memref<1000000x32xf32, #tpu.memory_space<hbm>> -> memref<1000000x32xf32, #tpu.memory_space<hbm>>
      tpu.wait_indirect_dma semaphore(%arg11 : memref<!tpu.dma_semaphore, #tpu.memory_space<semaphore_mem>>) src(%dma_wait3A_442 : memref<1000000x32xf32, #tpu.memory_space<hbm>>) dst(%dma_wait3A_436 : memref<128x32xf32, #tpu.memory_space<vmem>>)
      %dma_wait3A_443 = arith.constant 5 : i32
      %dma_wait3A_444 = arith.constant 640 : i32
      %dma_wait3A_445 = arith.constant 0 : i32
      %dma_wait3A_446 = tpu.memref_slice %arg8[%dma_wait3A_444, %dma_wait3A_445] : memref<1024x32xf32, #tpu.memory_space<vmem>> -> memref<128x32xf32, #tpu.memory_space<vmem>>
      %dma_wait3A_447 = arith.constant 0 : i32
      %dma_wait3A_448 = tpu.memref_slice %arg6[%dma_wait3A_443, %dma_wait3A_447] : memref<8x128xi32, #tpu.memory_space<vmem>> -> memref<1x128xi32, #tpu.memory_space<vmem>>
      %dma_wait3A_449 = tpu.memref_squeeze %dma_wait3A_448 : memref<1x128xi32, #tpu.memory_space<vmem>> -> memref<128xi32, #tpu.memory_space<vmem>>
      %dma_wait3A_450 = arith.constant 0 : i32
      %dma_wait3A_451 = arith.constant 0 : i32
      %dma_wait3A_452 = tpu.memref_slice %arg3[%dma_wait3A_450, %dma_wait3A_451] : memref<1000000x32xf32, #tpu.memory_space<hbm>> -> memref<1000000x32xf32, #tpu.memory_space<hbm>>
      tpu.wait_indirect_dma semaphore(%arg11 : memref<!tpu.dma_semaphore, #tpu.memory_space<semaphore_mem>>) src(%dma_wait3A_452 : memref<1000000x32xf32, #tpu.memory_space<hbm>>) dst(%dma_wait3A_446 : memref<128x32xf32, #tpu.memory_space<vmem>>)
      %dma_wait3A_453 = arith.constant 6 : i32
      %dma_wait3A_454 = arith.constant 768 : i32
      %dma_wait3A_455 = arith.constant 0 : i32
      %dma_wait3A_456 = tpu.memref_slice %arg8[%dma_wait3A_454, %dma_wait3A_455] : memref<1024x32xf32, #tpu.memory_space<vmem>> -> memref<128x32xf32, #tpu.memory_space<vmem>>
      %dma_wait3A_457 = arith.constant 0 : i32
      %dma_wait3A_458 = tpu.memref_slice %arg6[%dma_wait3A_453, %dma_wait3A_457] : memref<8x128xi32, #tpu.memory_space<vmem>> -> memref<1x128xi32, #tpu.memory_space<vmem>>
      %dma_wait3A_459 = tpu.memref_squeeze %dma_wait3A_458 : memref<1x128xi32, #tpu.memory_space<vmem>> -> memref<128xi32, #tpu.memory_space<vmem>>
      %dma_wait3A_460 = arith.constant 0 : i32
      %dma_wait3A_461 = arith.constant 0 : i32
      %dma_wait3A_462 = tpu.memref_slice %arg3[%dma_wait3A_460, %dma_wait3A_461] : memref<1000000x32xf32, #tpu.memory_space<hbm>> -> memref<1000000x32xf32, #tpu.memory_space<hbm>>
      tpu.wait_indirect_dma semaphore(%arg11 : memref<!tpu.dma_semaphore, #tpu.memory_space<semaphore_mem>>) src(%dma_wait3A_462 : memref<1000000x32xf32, #tpu.memory_space<hbm>>) dst(%dma_wait3A_456 : memref<128x32xf32, #tpu.memory_space<vmem>>)
      %dma_wait3A_463 = arith.constant 7 : i32
      %dma_wait3A_464 = arith.constant 896 : i32
      %dma_wait3A_465 = arith.constant 0 : i32
      %dma_wait3A_466 = tpu.memref_slice %arg8[%dma_wait3A_464, %dma_wait3A_465] : memref<1024x32xf32, #tpu.memory_space<vmem>> -> memref<128x32xf32, #tpu.memory_space<vmem>>
      %dma_wait3A_467 = arith.constant 0 : i32
      %dma_wait3A_468 = tpu.memref_slice %arg6[%dma_wait3A_463, %dma_wait3A_467] : memref<8x128xi32, #tpu.memory_space<vmem>> -> memref<1x128xi32, #tpu.memory_space<vmem>>
      %dma_wait3A_469 = tpu.memref_squeeze %dma_wait3A_468 : memref<1x128xi32, #tpu.memory_space<vmem>> -> memref<128xi32, #tpu.memory_space<vmem>>
      %dma_wait3A_470 = arith.constant 0 : i32
      %dma_wait3A_471 = arith.constant 0 : i32
      %dma_wait3A_472 = tpu.memref_slice %arg3[%dma_wait3A_470, %dma_wait3A_471] : memref<1000000x32xf32, #tpu.memory_space<hbm>> -> memref<1000000x32xf32, #tpu.memory_space<hbm>>
      tpu.wait_indirect_dma semaphore(%arg11 : memref<!tpu.dma_semaphore, #tpu.memory_space<semaphore_mem>>) src(%dma_wait3A_472 : memref<1000000x32xf32, #tpu.memory_space<hbm>>) dst(%dma_wait3A_466 : memref<128x32xf32, #tpu.memory_space<vmem>>)
      %add3A_473 = arith.constant 8 : i32
      %add3A_474 = arith.addi %add3A_102, %add3A_473 : i32
      %jit3A_475 = arith.constant 1024 : i32
      %div3A_476 = arith.divsi %add3A_474, %jit3A_475 : i32
      %sign3A_477 = arith.constant 0 : i32
      %sign3A_478 = arith.cmpi sgt, %add3A_474, %sign3A_477 : i32
      %sign3A_479 = arith.extui %sign3A_478 : i1 to i32
      %sign3A_480 = arith.constant 0 : i32
      %sign3A_481 = arith.cmpi slt, %add3A_474, %sign3A_480 : i32
      %sign3A_482 = arith.extui %sign3A_481 : i1 to i32
      %sign3A_483 = arith.subi %sign3A_479, %sign3A_482 : i32
      %sign3A_484 = arith.constant 0 : i32
      %sign3A_485 = arith.cmpi sgt, %jit3A_475, %sign3A_484 : i32
      %sign3A_486 = arith.extui %sign3A_485 : i1 to i32
      %sign3A_487 = arith.constant 0 : i32
      %sign3A_488 = arith.cmpi slt, %jit3A_475, %sign3A_487 : i32
      %sign3A_489 = arith.extui %sign3A_488 : i1 to i32
      %sign3A_490 = arith.subi %sign3A_486, %sign3A_489 : i32
      %ne3A_491 = arith.cmpi ne, %sign3A_483, %sign3A_490 : i32
      %rem3A_492 = arith.remsi %add3A_474, %jit3A_475 : i32
      %ne3A_493 = arith.constant 0 : i32
      %ne3A_494 = arith.cmpi ne, %rem3A_492, %ne3A_493 : i32
      %and3A_495 = arith.andi %ne3A_491, %ne3A_494 : i1
      %sub3A_496 = arith.constant 1 : i32
      %sub3A_497 = arith.subi %div3A_476, %sub3A_496 : i32
      %select_n3A_498 = arith.select %and3A_495, %sub3A_497, %div3A_476 : i32
      %jit3A_499 = arith.constant 8 : i32
      %div3A_500 = arith.divsi %add3A_474, %jit3A_499 : i32
      %sign3A_501 = arith.constant 0 : i32
      %sign3A_502 = arith.cmpi sgt, %add3A_474, %sign3A_501 : i32
      %sign3A_503 = arith.extui %sign3A_502 : i1 to i32
      %sign3A_504 = arith.constant 0 : i32
      %sign3A_505 = arith.cmpi slt, %add3A_474, %sign3A_504 : i32
      %sign3A_506 = arith.extui %sign3A_505 : i1 to i32
      %sign3A_507 = arith.subi %sign3A_503, %sign3A_506 : i32
      %sign3A_508 = arith.constant 0 : i32
      %sign3A_509 = arith.cmpi sgt, %jit3A_499, %sign3A_508 : i32
      %sign3A_510 = arith.extui %sign3A_509 : i1 to i32
      %sign3A_511 = arith.constant 0 : i32
      %sign3A_512 = arith.cmpi slt, %jit3A_499, %sign3A_511 : i32
      %sign3A_513 = arith.extui %sign3A_512 : i1 to i32
      %sign3A_514 = arith.subi %sign3A_510, %sign3A_513 : i32
      %ne3A_515 = arith.cmpi ne, %sign3A_507, %sign3A_514 : i32
      %rem3A_516 = arith.remsi %add3A_474, %jit3A_499 : i32
      %ne3A_517 = arith.constant 0 : i32
      %ne3A_518 = arith.cmpi ne, %rem3A_516, %ne3A_517 : i32
      %and3A_519 = arith.andi %ne3A_515, %ne3A_518 : i1
      %sub3A_520 = arith.constant 1 : i32
      %sub3A_521 = arith.subi %div3A_500, %sub3A_520 : i32
      %select_n3A_522 = arith.select %and3A_519, %sub3A_521, %div3A_500 : i32
      %jit3A_523 = arith.constant 128 : i32
      %eq3A_524 = arith.constant 0 : i32
      %eq3A_525 = arith.cmpi eq, %jit3A_523, %eq3A_524 : i32
      %jit3A_526 = arith.constant 1 : i32
      %select_n3A_527 = arith.select %eq3A_525, %jit3A_526, %jit3A_523 : i32
      %rem3A_528 = arith.remsi %select_n3A_522, %select_n3A_527 : i32
      %ne3A_529 = arith.constant 0 : i32
      %ne3A_530 = arith.cmpi ne, %rem3A_528, %ne3A_529 : i32
      %lt3A_531 = arith.constant 0 : i32
      %lt3A_532 = arith.cmpi slt, %rem3A_528, %lt3A_531 : i32
      %lt3A_533 = arith.constant 0 : i32
      %lt3A_534 = arith.cmpi slt, %select_n3A_527, %lt3A_533 : i32
      %ne3A_535 = arith.xori %lt3A_532, %lt3A_534 : i1
      %and3A_536 = arith.andi %ne3A_535, %ne3A_530 : i1
      %add3A_537 = arith.addi %rem3A_528, %select_n3A_527 : i32
      %select_n3A_538 = arith.select %and3A_536, %add3A_537, %rem3A_528 : i32
      %jit3A_539 = arith.constant 8 : i32
      %eq3A_540 = arith.constant 0 : i32
      %eq3A_541 = arith.cmpi eq, %jit3A_539, %eq3A_540 : i32
      %jit3A_542 = arith.constant 1 : i32
      %select_n3A_543 = arith.select %eq3A_541, %jit3A_542, %jit3A_539 : i32
      %rem3A_544 = arith.remsi %add3A_474, %select_n3A_543 : i32
      %ne3A_545 = arith.constant 0 : i32
      %ne3A_546 = arith.cmpi ne, %rem3A_544, %ne3A_545 : i32
      %lt3A_547 = arith.constant 0 : i32
      %lt3A_548 = arith.cmpi slt, %rem3A_544, %lt3A_547 : i32
      %lt3A_549 = arith.constant 0 : i32
      %lt3A_550 = arith.cmpi slt, %select_n3A_543, %lt3A_549 : i32
      %ne3A_551 = arith.xori %lt3A_548, %lt3A_550 : i1
      %and3A_552 = arith.andi %ne3A_551, %ne3A_546 : i1
      %add3A_553 = arith.addi %rem3A_544, %select_n3A_543 : i32
      %select_n3A_554 = arith.select %and3A_552, %add3A_553, %rem3A_544 : i32
      %parallel_loop3A_555 = arith.constant 0 : i32
      %parallel_loop3A_556 = arith.constant 256 : i32
      %parallel_loop3A_557 = arith.constant 1 : i32
      scf.for %parallel_loop3A_606 = %parallel_loop3A_555 to %parallel_loop3A_556 step %parallel_loop3A_557  : i32 {
        %parallel_loop3A_607 = arith.constant 32 : i32
        %parallel_loop3A_608 = arith.divsi %parallel_loop3A_606, %parallel_loop3A_607 : i32
        %parallel_loop3A_609 = arith.constant 0 : i32
        %parallel_loop3A_610 = arith.cmpi sgt, %parallel_loop3A_606, %parallel_loop3A_609 : i32
        %parallel_loop3A_611 = arith.extui %parallel_loop3A_610 : i1 to i32
        %parallel_loop3A_612 = arith.constant 0 : i32
        %parallel_loop3A_613 = arith.cmpi slt, %parallel_loop3A_606, %parallel_loop3A_612 : i32
        %parallel_loop3A_614 = arith.extui %parallel_loop3A_613 : i1 to i32
        %parallel_loop3A_615 = arith.subi %parallel_loop3A_611, %parallel_loop3A_614 : i32
        %parallel_loop3A_616 = arith.constant 0 : i32
        %parallel_loop3A_617 = arith.cmpi sgt, %parallel_loop3A_607, %parallel_loop3A_616 : i32
        %parallel_loop3A_618 = arith.extui %parallel_loop3A_617 : i1 to i32
        %parallel_loop3A_619 = arith.constant 0 : i32
        %parallel_loop3A_620 = arith.cmpi slt, %parallel_loop3A_607, %parallel_loop3A_619 : i32
        %parallel_loop3A_621 = arith.extui %parallel_loop3A_620 : i1 to i32
        %parallel_loop3A_622 = arith.subi %parallel_loop3A_618, %parallel_loop3A_621 : i32
        %parallel_loop3A_623 = arith.cmpi ne, %parallel_loop3A_615, %parallel_loop3A_622 : i32
        %parallel_loop3A_624 = arith.remsi %parallel_loop3A_606, %parallel_loop3A_607 : i32
        %parallel_loop3A_625 = arith.constant 0 : i32
        %parallel_loop3A_626 = arith.cmpi ne, %parallel_loop3A_624, %parallel_loop3A_625 : i32
        %parallel_loop3A_627 = arith.andi %parallel_loop3A_623, %parallel_loop3A_626 : i1
        %parallel_loop3A_628 = arith.constant 1 : i32
        %parallel_loop3A_629 = arith.subi %parallel_loop3A_608, %parallel_loop3A_628 : i32
        %parallel_loop3A_630 = arith.select %parallel_loop3A_627, %parallel_loop3A_629, %parallel_loop3A_608 : i32
        %parallel_loop3A_631 = arith.constant 32 : i32
        %parallel_loop3A_632 = arith.constant 0 : i32
        %parallel_loop3A_633 = arith.cmpi eq, %parallel_loop3A_631, %parallel_loop3A_632 : i32
        %parallel_loop3A_634 = arith.constant 1 : i32
        %parallel_loop3A_635 = arith.select %parallel_loop3A_633, %parallel_loop3A_634, %parallel_loop3A_631 : i32
        %parallel_loop3A_636 = arith.remsi %parallel_loop3A_606, %parallel_loop3A_635 : i32
        %parallel_loop3A_637 = arith.constant 0 : i32
        %parallel_loop3A_638 = arith.cmpi ne, %parallel_loop3A_636, %parallel_loop3A_637 : i32
        %parallel_loop3A_639 = arith.constant 0 : i32
        %parallel_loop3A_640 = arith.cmpi slt, %parallel_loop3A_636, %parallel_loop3A_639 : i32
        %parallel_loop3A_641 = arith.constant 0 : i32
        %parallel_loop3A_642 = arith.cmpi slt, %parallel_loop3A_635, %parallel_loop3A_641 : i32
        %parallel_loop3A_643 = arith.xori %parallel_loop3A_640, %parallel_loop3A_642 : i1
        %parallel_loop3A_644 = arith.andi %parallel_loop3A_643, %parallel_loop3A_638 : i1
        %parallel_loop3A_645 = arith.addi %parallel_loop3A_636, %parallel_loop3A_635 : i32
        %parallel_loop3A_646 = arith.select %parallel_loop3A_644, %parallel_loop3A_645, %parallel_loop3A_636 : i32
        %parallel_loop3A_647 = vector.broadcast %parallel_loop3A_646 : i32 to vector<16xi32>
        %parallel_loop3A_648 = arith.constant 128 : i32
        %parallel_loop3A_649 = arith.muli %parallel_loop3A_630, %parallel_loop3A_648 : i32
        %parallel_loop3A_650 = arith.constant 0 : i32
        %parallel_loop3A_651 = arith.addi %parallel_loop3A_649, %parallel_loop3A_650 : i32
        %parallel_loop3A_652 = vector.broadcast %parallel_loop3A_651 : i32 to vector<16xi32>
        %parallel_loop3A_653 = arith.addi %iota3A, %parallel_loop3A_652 : vector<16xi32>
        %parallel_loop3A_654 = tpu.vector_load_idx %arg8[%parallel_loop3A_653, %parallel_loop3A_647] : memref<1024x32xf32, #tpu.memory_space<vmem>>[vector<16xi32>, vector<16xi32>], vector<16xf32>,
        %parallel_loop3A_655 = arith.constant 8 : i32
        %parallel_loop3A_656 = arith.divsi %parallel_loop3A_646, %parallel_loop3A_655 : i32
        %parallel_loop3A_657 = arith.constant 0 : i32
        %parallel_loop3A_658 = arith.cmpi sgt, %parallel_loop3A_646, %parallel_loop3A_657 : i32
        %parallel_loop3A_659 = arith.extui %parallel_loop3A_658 : i1 to i32
        %parallel_loop3A_660 = arith.constant 0 : i32
        %parallel_loop3A_661 = arith.cmpi slt, %parallel_loop3A_646, %parallel_loop3A_660 : i32
        %parallel_loop3A_662 = arith.extui %parallel_loop3A_661 : i1 to i32
        %parallel_loop3A_663 = arith.subi %parallel_loop3A_659, %parallel_loop3A_662 : i32
        %parallel_loop3A_664 = arith.constant 0 : i32
        %parallel_loop3A_665 = arith.cmpi sgt, %parallel_loop3A_655, %parallel_loop3A_664 : i32
        %parallel_loop3A_666 = arith.extui %parallel_loop3A_665 : i1 to i32
        %parallel_loop3A_667 = arith.constant 0 : i32
        %parallel_loop3A_668 = arith.cmpi slt, %parallel_loop3A_655, %parallel_loop3A_667 : i32
        %parallel_loop3A_669 = arith.extui %parallel_loop3A_668 : i1 to i32
        %parallel_loop3A_670 = arith.subi %parallel_loop3A_666, %parallel_loop3A_669 : i32
        %parallel_loop3A_671 = arith.cmpi ne, %parallel_loop3A_663, %parallel_loop3A_670 : i32
        %parallel_loop3A_672 = arith.remsi %parallel_loop3A_646, %parallel_loop3A_655 : i32
        %parallel_loop3A_673 = arith.constant 0 : i32
        %parallel_loop3A_674 = arith.cmpi ne, %parallel_loop3A_672, %parallel_loop3A_673 : i32
        %parallel_loop3A_675 = arith.andi %parallel_loop3A_671, %parallel_loop3A_674 : i1
        %parallel_loop3A_676 = arith.constant 1 : i32
        %parallel_loop3A_677 = arith.subi %parallel_loop3A_656, %parallel_loop3A_676 : i32
        %parallel_loop3A_678 = arith.select %parallel_loop3A_675, %parallel_loop3A_677, %parallel_loop3A_656 : i32
        %parallel_loop3A_679 = arith.constant 8 : i32
        %parallel_loop3A_680 = arith.constant 0 : i32
        %parallel_loop3A_681 = arith.cmpi eq, %parallel_loop3A_679, %parallel_loop3A_680 : i32
        %parallel_loop3A_682 = arith.constant 1 : i32
        %parallel_loop3A_683 = arith.select %parallel_loop3A_681, %parallel_loop3A_682, %parallel_loop3A_679 : i32
        %parallel_loop3A_684 = arith.remsi %parallel_loop3A_646, %parallel_loop3A_683 : i32
        %parallel_loop3A_685 = arith.constant 0 : i32
        %parallel_loop3A_686 = arith.cmpi ne, %parallel_loop3A_684, %parallel_loop3A_685 : i32
        %parallel_loop3A_687 = arith.constant 0 : i32
        %parallel_loop3A_688 = arith.cmpi slt, %parallel_loop3A_684, %parallel_loop3A_687 : i32
        %parallel_loop3A_689 = arith.constant 0 : i32
        %parallel_loop3A_690 = arith.cmpi slt, %parallel_loop3A_683, %parallel_loop3A_689 : i32
        %parallel_loop3A_691 = arith.xori %parallel_loop3A_688, %parallel_loop3A_690 : i1
        %parallel_loop3A_692 = arith.andi %parallel_loop3A_691, %parallel_loop3A_686 : i1
        %parallel_loop3A_693 = arith.addi %parallel_loop3A_684, %parallel_loop3A_683 : i32
        %parallel_loop3A_694 = arith.select %parallel_loop3A_692, %parallel_loop3A_693, %parallel_loop3A_684 : i32
        %parallel_loop3A_695 = arith.index_cast %parallel_loop3A_630 : i32 to index
        %parallel_loop3A_696 = arith.index_cast %parallel_loop3A_678 : i32 to index
        %parallel_loop3A_697 = arith.index_cast %parallel_loop3A_694 : i32 to index
        %parallel_loop3A_698 = arith.constant 0 : index
        %parallel_loop3A_699 = tpu.vector_load %arg9[%parallel_loop3A_695, %parallel_loop3A_696, %parallel_loop3A_697, %parallel_loop3A_698] {strides = array<i32>} : memref<8x4x8x128xf32, #tpu.memory_space<vmem>>, vector<16xf32>,
        tpu.vector_store %arg9[%parallel_loop3A_695, %parallel_loop3A_696, %parallel_loop3A_697, %parallel_loop3A_698], %parallel_loop3A_654 {strides = array<i32>} : memref<8x4x8x128xf32, #tpu.memory_space<vmem>>, vector<16xf32>,
        %parallel_loop3A_700 = arith.constant 16 : i32
        %parallel_loop3A_701 = arith.addi %parallel_loop3A_649, %parallel_loop3A_700 : i32
        %parallel_loop3A_702 = vector.broadcast %parallel_loop3A_701 : i32 to vector<16xi32>
        %parallel_loop3A_703 = arith.addi %iota3A, %parallel_loop3A_702 : vector<16xi32>
        %parallel_loop3A_704 = tpu.vector_load_idx %arg8[%parallel_loop3A_703, %parallel_loop3A_647] : memref<1024x32xf32, #tpu.memory_space<vmem>>[vector<16xi32>, vector<16xi32>], vector<16xf32>,
        %parallel_loop3A_705 = arith.constant 8 : i32
        %parallel_loop3A_706 = arith.divsi %parallel_loop3A_646, %parallel_loop3A_705 : i32
        %parallel_loop3A_707 = arith.constant 0 : i32
        %parallel_loop3A_708 = arith.cmpi sgt, %parallel_loop3A_646, %parallel_loop3A_707 : i32
        %parallel_loop3A_709 = arith.extui %parallel_loop3A_708 : i1 to i32
        %parallel_loop3A_710 = arith.constant 0 : i32
        %parallel_loop3A_711 = arith.cmpi slt, %parallel_loop3A_646, %parallel_loop3A_710 : i32
        %parallel_loop3A_712 = arith.extui %parallel_loop3A_711 : i1 to i32
        %parallel_loop3A_713 = arith.subi %parallel_loop3A_709, %parallel_loop3A_712 : i32
        %parallel_loop3A_714 = arith.constant 0 : i32
        %parallel_loop3A_715 = arith.cmpi sgt, %parallel_loop3A_705, %parallel_loop3A_714 : i32
        %parallel_loop3A_716 = arith.extui %parallel_loop3A_715 : i1 to i32
        %parallel_loop3A_717 = arith.constant 0 : i32
        %parallel_loop3A_718 = arith.cmpi slt, %parallel_loop3A_705, %parallel_loop3A_717 : i32
        %parallel_loop3A_719 = arith.extui %parallel_loop3A_718 : i1 to i32
        %parallel_loop3A_720 = arith.subi %parallel_loop3A_716, %parallel_loop3A_719 : i32
        %parallel_loop3A_721 = arith.cmpi ne, %parallel_loop3A_713, %parallel_loop3A_720 : i32
        %parallel_loop3A_722 = arith.remsi %parallel_loop3A_646, %parallel_loop3A_705 : i32
        %parallel_loop3A_723 = arith.constant 0 : i32
        %parallel_loop3A_724 = arith.cmpi ne, %parallel_loop3A_722, %parallel_loop3A_723 : i32
        %parallel_loop3A_725 = arith.andi %parallel_loop3A_721, %parallel_loop3A_724 : i1
        %parallel_loop3A_726 = arith.constant 1 : i32
        %parallel_loop3A_727 = arith.subi %parallel_loop3A_706, %parallel_loop3A_726 : i32
        %parallel_loop3A_728 = arith.select %parallel_loop3A_725, %parallel_loop3A_727, %parallel_loop3A_706 : i32
        %parallel_loop3A_729 = arith.constant 8 : i32
        %parallel_loop3A_730 = arith.constant 0 : i32
        %parallel_loop3A_731 = arith.cmpi eq, %parallel_loop3A_729, %parallel_loop3A_730 : i32
        %parallel_loop3A_732 = arith.constant 1 : i32
        %parallel_loop3A_733 = arith.select %parallel_loop3A_731, %parallel_loop3A_732, %parallel_loop3A_729 : i32
        %parallel_loop3A_734 = arith.remsi %parallel_loop3A_646, %parallel_loop3A_733 : i32
        %parallel_loop3A_735 = arith.constant 0 : i32
        %parallel_loop3A_736 = arith.cmpi ne, %parallel_loop3A_734, %parallel_loop3A_735 : i32
        %parallel_loop3A_737 = arith.constant 0 : i32
        %parallel_loop3A_738 = arith.cmpi slt, %parallel_loop3A_734, %parallel_loop3A_737 : i32
        %parallel_loop3A_739 = arith.constant 0 : i32
        %parallel_loop3A_740 = arith.cmpi slt, %parallel_loop3A_733, %parallel_loop3A_739 : i32
        %parallel_loop3A_741 = arith.xori %parallel_loop3A_738, %parallel_loop3A_740 : i1
        %parallel_loop3A_742 = arith.andi %parallel_loop3A_741, %parallel_loop3A_736 : i1
        %parallel_loop3A_743 = arith.addi %parallel_loop3A_734, %parallel_loop3A_733 : i32
        %parallel_loop3A_744 = arith.select %parallel_loop3A_742, %parallel_loop3A_743, %parallel_loop3A_734 : i32
        %parallel_loop3A_745 = arith.index_cast %parallel_loop3A_630 : i32 to index
        %parallel_loop3A_746 = arith.index_cast %parallel_loop3A_728 : i32 to index
        %parallel_loop3A_747 = arith.index_cast %parallel_loop3A_744 : i32 to index
        %parallel_loop3A_748 = arith.constant 16 : index
        %parallel_loop3A_749 = tpu.vector_load %arg9[%parallel_loop3A_745, %parallel_loop3A_746, %parallel_loop3A_747, %parallel_loop3A_748] {strides = array<i32>} : memref<8x4x8x128xf32, #tpu.memory_space<vmem>>, vector<16xf32>,
        tpu.vector_store %arg9[%parallel_loop3A_745, %parallel_loop3A_746, %parallel_loop3A_747, %parallel_loop3A_748], %parallel_loop3A_704 {strides = array<i32>} : memref<8x4x8x128xf32, #tpu.memory_space<vmem>>, vector<16xf32>,
        %parallel_loop3A_750 = arith.constant 32 : i32
        %parallel_loop3A_751 = arith.addi %parallel_loop3A_649, %parallel_loop3A_750 : i32
        %parallel_loop3A_752 = vector.broadcast %parallel_loop3A_751 : i32 to vector<16xi32>
        %parallel_loop3A_753 = arith.addi %iota3A, %parallel_loop3A_752 : vector<16xi32>
        %parallel_loop3A_754 = tpu.vector_load_idx %arg8[%parallel_loop3A_753, %parallel_loop3A_647] : memref<1024x32xf32, #tpu.memory_space<vmem>>[vector<16xi32>, vector<16xi32>], vector<16xf32>,
        %parallel_loop3A_755 = arith.constant 8 : i32
        %parallel_loop3A_756 = arith.divsi %parallel_loop3A_646, %parallel_loop3A_755 : i32
        %parallel_loop3A_757 = arith.constant 0 : i32
        %parallel_loop3A_758 = arith.cmpi sgt, %parallel_loop3A_646, %parallel_loop3A_757 : i32
        %parallel_loop3A_759 = arith.extui %parallel_loop3A_758 : i1 to i32
        %parallel_loop3A_760 = arith.constant 0 : i32
        %parallel_loop3A_761 = arith.cmpi slt, %parallel_loop3A_646, %parallel_loop3A_760 : i32
        %parallel_loop3A_762 = arith.extui %parallel_loop3A_761 : i1 to i32
        %parallel_loop3A_763 = arith.subi %parallel_loop3A_759, %parallel_loop3A_762 : i32
        %parallel_loop3A_764 = arith.constant 0 : i32
        %parallel_loop3A_765 = arith.cmpi sgt, %parallel_loop3A_755, %parallel_loop3A_764 : i32
        %parallel_loop3A_766 = arith.extui %parallel_loop3A_765 : i1 to i32
        %parallel_loop3A_767 = arith.constant 0 : i32
        %parallel_loop3A_768 = arith.cmpi slt, %parallel_loop3A_755, %parallel_loop3A_767 : i32
        %parallel_loop3A_769 = arith.extui %parallel_loop3A_768 : i1 to i32
        %parallel_loop3A_770 = arith.subi %parallel_loop3A_766, %parallel_loop3A_769 : i32
        %parallel_loop3A_771 = arith.cmpi ne, %parallel_loop3A_763, %parallel_loop3A_770 : i32
        %parallel_loop3A_772 = arith.remsi %parallel_loop3A_646, %parallel_loop3A_755 : i32
        %parallel_loop3A_773 = arith.constant 0 : i32
        %parallel_loop3A_774 = arith.cmpi ne, %parallel_loop3A_772, %parallel_loop3A_773 : i32
        %parallel_loop3A_775 = arith.andi %parallel_loop3A_771, %parallel_loop3A_774 : i1
        %parallel_loop3A_776 = arith.constant 1 : i32
        %parallel_loop3A_777 = arith.subi %parallel_loop3A_756, %parallel_loop3A_776 : i32
        %parallel_loop3A_778 = arith.select %parallel_loop3A_775, %parallel_loop3A_777, %parallel_loop3A_756 : i32
        %parallel_loop3A_779 = arith.constant 8 : i32
        %parallel_loop3A_780 = arith.constant 0 : i32
        %parallel_loop3A_781 = arith.cmpi eq, %parallel_loop3A_779, %parallel_loop3A_780 : i32
        %parallel_loop3A_782 = arith.constant 1 : i32
        %parallel_loop3A_783 = arith.select %parallel_loop3A_781, %parallel_loop3A_782, %parallel_loop3A_779 : i32
        %parallel_loop3A_784 = arith.remsi %parallel_loop3A_646, %parallel_loop3A_783 : i32
        %parallel_loop3A_785 = arith.constant 0 : i32
        %parallel_loop3A_786 = arith.cmpi ne, %parallel_loop3A_784, %parallel_loop3A_785 : i32
        %parallel_loop3A_787 = arith.constant 0 : i32
        %parallel_loop3A_788 = arith.cmpi slt, %parallel_loop3A_784, %parallel_loop3A_787 : i32
        %parallel_loop3A_789 = arith.constant 0 : i32
        %parallel_loop3A_790 = arith.cmpi slt, %parallel_loop3A_783, %parallel_loop3A_789 : i32
        %parallel_loop3A_791 = arith.xori %parallel_loop3A_788, %parallel_loop3A_790 : i1
        %parallel_loop3A_792 = arith.andi %parallel_loop3A_791, %parallel_loop3A_786 : i1
        %parallel_loop3A_793 = arith.addi %parallel_loop3A_784, %parallel_loop3A_783 : i32
        %parallel_loop3A_794 = arith.select %parallel_loop3A_792, %parallel_loop3A_793, %parallel_loop3A_784 : i32
        %parallel_loop3A_795 = arith.index_cast %parallel_loop3A_630 : i32 to index
        %parallel_loop3A_796 = arith.index_cast %parallel_loop3A_778 : i32 to index
        %parallel_loop3A_797 = arith.index_cast %parallel_loop3A_794 : i32 to index
        %parallel_loop3A_798 = arith.constant 32 : index
        %parallel_loop3A_799 = tpu.vector_load %arg9[%parallel_loop3A_795, %parallel_loop3A_796, %parallel_loop3A_797, %parallel_loop3A_798] {strides = array<i32>} : memref<8x4x8x128xf32, #tpu.memory_space<vmem>>, vector<16xf32>,
        tpu.vector_store %arg9[%parallel_loop3A_795, %parallel_loop3A_796, %parallel_loop3A_797, %parallel_loop3A_798], %parallel_loop3A_754 {strides = array<i32>} : memref<8x4x8x128xf32, #tpu.memory_space<vmem>>, vector<16xf32>,
        %parallel_loop3A_800 = arith.constant 48 : i32
        %parallel_loop3A_801 = arith.addi %parallel_loop3A_649, %parallel_loop3A_800 : i32
        %parallel_loop3A_802 = vector.broadcast %parallel_loop3A_801 : i32 to vector<16xi32>
        %parallel_loop3A_803 = arith.addi %iota3A, %parallel_loop3A_802 : vector<16xi32>
        %parallel_loop3A_804 = tpu.vector_load_idx %arg8[%parallel_loop3A_803, %parallel_loop3A_647] : memref<1024x32xf32, #tpu.memory_space<vmem>>[vector<16xi32>, vector<16xi32>], vector<16xf32>,
        %parallel_loop3A_805 = arith.constant 8 : i32
        %parallel_loop3A_806 = arith.divsi %parallel_loop3A_646, %parallel_loop3A_805 : i32
        %parallel_loop3A_807 = arith.constant 0 : i32
        %parallel_loop3A_808 = arith.cmpi sgt, %parallel_loop3A_646, %parallel_loop3A_807 : i32
        %parallel_loop3A_809 = arith.extui %parallel_loop3A_808 : i1 to i32
        %parallel_loop3A_810 = arith.constant 0 : i32
        %parallel_loop3A_811 = arith.cmpi slt, %parallel_loop3A_646, %parallel_loop3A_810 : i32
        %parallel_loop3A_812 = arith.extui %parallel_loop3A_811 : i1 to i32
        %parallel_loop3A_813 = arith.subi %parallel_loop3A_809, %parallel_loop3A_812 : i32
        %parallel_loop3A_814 = arith.constant 0 : i32
        %parallel_loop3A_815 = arith.cmpi sgt, %parallel_loop3A_805, %parallel_loop3A_814 : i32
        %parallel_loop3A_816 = arith.extui %parallel_loop3A_815 : i1 to i32
        %parallel_loop3A_817 = arith.constant 0 : i32
        %parallel_loop3A_818 = arith.cmpi slt, %parallel_loop3A_805, %parallel_loop3A_817 : i32
        %parallel_loop3A_819 = arith.extui %parallel_loop3A_818 : i1 to i32
        %parallel_loop3A_820 = arith.subi %parallel_loop3A_816, %parallel_loop3A_819 : i32
        %parallel_loop3A_821 = arith.cmpi ne, %parallel_loop3A_813, %parallel_loop3A_820 : i32
        %parallel_loop3A_822 = arith.remsi %parallel_loop3A_646, %parallel_loop3A_805 : i32
        %parallel_loop3A_823 = arith.constant 0 : i32
        %parallel_loop3A_824 = arith.cmpi ne, %parallel_loop3A_822, %parallel_loop3A_823 : i32
        %parallel_loop3A_825 = arith.andi %parallel_loop3A_821, %parallel_loop3A_824 : i1
        %parallel_loop3A_826 = arith.constant 1 : i32
        %parallel_loop3A_827 = arith.subi %parallel_loop3A_806, %parallel_loop3A_826 : i32
        %parallel_loop3A_828 = arith.select %parallel_loop3A_825, %parallel_loop3A_827, %parallel_loop3A_806 : i32
        %parallel_loop3A_829 = arith.constant 8 : i32
        %parallel_loop3A_830 = arith.constant 0 : i32
        %parallel_loop3A_831 = arith.cmpi eq, %parallel_loop3A_829, %parallel_loop3A_830 : i32
        %parallel_loop3A_832 = arith.constant 1 : i32
        %parallel_loop3A_833 = arith.select %parallel_loop3A_831, %parallel_loop3A_832, %parallel_loop3A_829 : i32
        %parallel_loop3A_834 = arith.remsi %parallel_loop3A_646, %parallel_loop3A_833 : i32
        %parallel_loop3A_835 = arith.constant 0 : i32
        %parallel_loop3A_836 = arith.cmpi ne, %parallel_loop3A_834, %parallel_loop3A_835 : i32
        %parallel_loop3A_837 = arith.constant 0 : i32
        %parallel_loop3A_838 = arith.cmpi slt, %parallel_loop3A_834, %parallel_loop3A_837 : i32
        %parallel_loop3A_839 = arith.constant 0 : i32
        %parallel_loop3A_840 = arith.cmpi slt, %parallel_loop3A_833, %parallel_loop3A_839 : i32
        %parallel_loop3A_841 = arith.xori %parallel_loop3A_838, %parallel_loop3A_840 : i1
        %parallel_loop3A_842 = arith.andi %parallel_loop3A_841, %parallel_loop3A_836 : i1
        %parallel_loop3A_843 = arith.addi %parallel_loop3A_834, %parallel_loop3A_833 : i32
        %parallel_loop3A_844 = arith.select %parallel_loop3A_842, %parallel_loop3A_843, %parallel_loop3A_834 : i32
        %parallel_loop3A_845 = arith.index_cast %parallel_loop3A_630 : i32 to index
        %parallel_loop3A_846 = arith.index_cast %parallel_loop3A_828 : i32 to index
        %parallel_loop3A_847 = arith.index_cast %parallel_loop3A_844 : i32 to index
        %parallel_loop3A_848 = arith.constant 48 : index
        %parallel_loop3A_849 = tpu.vector_load %arg9[%parallel_loop3A_845, %parallel_loop3A_846, %parallel_loop3A_847, %parallel_loop3A_848] {strides = array<i32>} : memref<8x4x8x128xf32, #tpu.memory_space<vmem>>, vector<16xf32>,
        tpu.vector_store %arg9[%parallel_loop3A_845, %parallel_loop3A_846, %parallel_loop3A_847, %parallel_loop3A_848], %parallel_loop3A_804 {strides = array<i32>} : memref<8x4x8x128xf32, #tpu.memory_space<vmem>>, vector<16xf32>,
        %parallel_loop3A_850 = arith.constant 64 : i32
        %parallel_loop3A_851 = arith.addi %parallel_loop3A_649, %parallel_loop3A_850 : i32
        %parallel_loop3A_852 = vector.broadcast %parallel_loop3A_851 : i32 to vector<16xi32>
        %parallel_loop3A_853 = arith.addi %iota3A, %parallel_loop3A_852 : vector<16xi32>
        %parallel_loop3A_854 = tpu.vector_load_idx %arg8[%parallel_loop3A_853, %parallel_loop3A_647] : memref<1024x32xf32, #tpu.memory_space<vmem>>[vector<16xi32>, vector<16xi32>], vector<16xf32>,
        %parallel_loop3A_855 = arith.constant 8 : i32
        %parallel_loop3A_856 = arith.divsi %parallel_loop3A_646, %parallel_loop3A_855 : i32
        %parallel_loop3A_857 = arith.constant 0 : i32
        %parallel_loop3A_858 = arith.cmpi sgt, %parallel_loop3A_646, %parallel_loop3A_857 : i32
        %parallel_loop3A_859 = arith.extui %parallel_loop3A_858 : i1 to i32
        %parallel_loop3A_860 = arith.constant 0 : i32
        %parallel_loop3A_861 = arith.cmpi slt, %parallel_loop3A_646, %parallel_loop3A_860 : i32
        %parallel_loop3A_862 = arith.extui %parallel_loop3A_861 : i1 to i32
        %parallel_loop3A_863 = arith.subi %parallel_loop3A_859, %parallel_loop3A_862 : i32
        %parallel_loop3A_864 = arith.constant 0 : i32
        %parallel_loop3A_865 = arith.cmpi sgt, %parallel_loop3A_855, %parallel_loop3A_864 : i32
        %parallel_loop3A_866 = arith.extui %parallel_loop3A_865 : i1 to i32
        %parallel_loop3A_867 = arith.constant 0 : i32
        %parallel_loop3A_868 = arith.cmpi slt, %parallel_loop3A_855, %parallel_loop3A_867 : i32
        %parallel_loop3A_869 = arith.extui %parallel_loop3A_868 : i1 to i32
        %parallel_loop3A_870 = arith.subi %parallel_loop3A_866, %parallel_loop3A_869 : i32
        %parallel_loop3A_871 = arith.cmpi ne, %parallel_loop3A_863, %parallel_loop3A_870 : i32
        %parallel_loop3A_872 = arith.remsi %parallel_loop3A_646, %parallel_loop3A_855 : i32
        %parallel_loop3A_873 = arith.constant 0 : i32
        %parallel_loop3A_874 = arith.cmpi ne, %parallel_loop3A_872, %parallel_loop3A_873 : i32
        %parallel_loop3A_875 = arith.andi %parallel_loop3A_871, %parallel_loop3A_874 : i1
        %parallel_loop3A_876 = arith.constant 1 : i32
        %parallel_loop3A_877 = arith.subi %parallel_loop3A_856, %parallel_loop3A_876 : i32
        %parallel_loop3A_878 = arith.select %parallel_loop3A_875, %parallel_loop3A_877, %parallel_loop3A_856 : i32
        %parallel_loop3A_879 = arith.constant 8 : i32
        %parallel_loop3A_880 = arith.constant 0 : i32
        %parallel_loop3A_881 = arith.cmpi eq, %parallel_loop3A_879, %parallel_loop3A_880 : i32
        %parallel_loop3A_882 = arith.constant 1 : i32
        %parallel_loop3A_883 = arith.select %parallel_loop3A_881, %parallel_loop3A_882, %parallel_loop3A_879 : i32
        %parallel_loop3A_884 = arith.remsi %parallel_loop3A_646, %parallel_loop3A_883 : i32
        %parallel_loop3A_885 = arith.constant 0 : i32
        %parallel_loop3A_886 = arith.cmpi ne, %parallel_loop3A_884, %parallel_loop3A_885 : i32
        %parallel_loop3A_887 = arith.constant 0 : i32
        %parallel_loop3A_888 = arith.cmpi slt, %parallel_loop3A_884, %parallel_loop3A_887 : i32
        %parallel_loop3A_889 = arith.constant 0 : i32
        %parallel_loop3A_890 = arith.cmpi slt, %parallel_loop3A_883, %parallel_loop3A_889 : i32
        %parallel_loop3A_891 = arith.xori %parallel_loop3A_888, %parallel_loop3A_890 : i1
        %parallel_loop3A_892 = arith.andi %parallel_loop3A_891, %parallel_loop3A_886 : i1
        %parallel_loop3A_893 = arith.addi %parallel_loop3A_884, %parallel_loop3A_883 : i32
        %parallel_loop3A_894 = arith.select %parallel_loop3A_892, %parallel_loop3A_893, %parallel_loop3A_884 : i32
        %parallel_loop3A_895 = arith.index_cast %parallel_loop3A_630 : i32 to index
        %parallel_loop3A_896 = arith.index_cast %parallel_loop3A_878 : i32 to index
        %parallel_loop3A_897 = arith.index_cast %parallel_loop3A_894 : i32 to index
        %parallel_loop3A_898 = arith.constant 64 : index
        %parallel_loop3A_899 = tpu.vector_load %arg9[%parallel_loop3A_895, %parallel_loop3A_896, %parallel_loop3A_897, %parallel_loop3A_898] {strides = array<i32>} : memref<8x4x8x128xf32, #tpu.memory_space<vmem>>, vector<16xf32>,
        tpu.vector_store %arg9[%parallel_loop3A_895, %parallel_loop3A_896, %parallel_loop3A_897, %parallel_loop3A_898], %parallel_loop3A_854 {strides = array<i32>} : memref<8x4x8x128xf32, #tpu.memory_space<vmem>>, vector<16xf32>,
        %parallel_loop3A_900 = arith.constant 80 : i32
        %parallel_loop3A_901 = arith.addi %parallel_loop3A_649, %parallel_loop3A_900 : i32
        %parallel_loop3A_902 = vector.broadcast %parallel_loop3A_901 : i32 to vector<16xi32>
        %parallel_loop3A_903 = arith.addi %iota3A, %parallel_loop3A_902 : vector<16xi32>
        %parallel_loop3A_904 = tpu.vector_load_idx %arg8[%parallel_loop3A_903, %parallel_loop3A_647] : memref<1024x32xf32, #tpu.memory_space<vmem>>[vector<16xi32>, vector<16xi32>], vector<16xf32>,
        %parallel_loop3A_905 = arith.constant 8 : i32
        %parallel_loop3A_906 = arith.divsi %parallel_loop3A_646, %parallel_loop3A_905 : i32
        %parallel_loop3A_907 = arith.constant 0 : i32
        %parallel_loop3A_908 = arith.cmpi sgt, %parallel_loop3A_646, %parallel_loop3A_907 : i32
        %parallel_loop3A_909 = arith.extui %parallel_loop3A_908 : i1 to i32
        %parallel_loop3A_910 = arith.constant 0 : i32
        %parallel_loop3A_911 = arith.cmpi slt, %parallel_loop3A_646, %parallel_loop3A_910 : i32
        %parallel_loop3A_912 = arith.extui %parallel_loop3A_911 : i1 to i32
        %parallel_loop3A_913 = arith.subi %parallel_loop3A_909, %parallel_loop3A_912 : i32
        %parallel_loop3A_914 = arith.constant 0 : i32
        %parallel_loop3A_915 = arith.cmpi sgt, %parallel_loop3A_905, %parallel_loop3A_914 : i32
        %parallel_loop3A_916 = arith.extui %parallel_loop3A_915 : i1 to i32
        %parallel_loop3A_917 = arith.constant 0 : i32
        %parallel_loop3A_918 = arith.cmpi slt, %parallel_loop3A_905, %parallel_loop3A_917 : i32
        %parallel_loop3A_919 = arith.extui %parallel_loop3A_918 : i1 to i32
        %parallel_loop3A_920 = arith.subi %parallel_loop3A_916, %parallel_loop3A_919 : i32
        %parallel_loop3A_921 = arith.cmpi ne, %parallel_loop3A_913, %parallel_loop3A_920 : i32
        %parallel_loop3A_922 = arith.remsi %parallel_loop3A_646, %parallel_loop3A_905 : i32
        %parallel_loop3A_923 = arith.constant 0 : i32
        %parallel_loop3A_924 = arith.cmpi ne, %parallel_loop3A_922, %parallel_loop3A_923 : i32
        %parallel_loop3A_925 = arith.andi %parallel_loop3A_921, %parallel_loop3A_924 : i1
        %parallel_loop3A_926 = arith.constant 1 : i32
        %parallel_loop3A_927 = arith.subi %parallel_loop3A_906, %parallel_loop3A_926 : i32
        %parallel_loop3A_928 = arith.select %parallel_loop3A_925, %parallel_loop3A_927, %parallel_loop3A_906 : i32
        %parallel_loop3A_929 = arith.constant 8 : i32
        %parallel_loop3A_930 = arith.constant 0 : i32
        %parallel_loop3A_931 = arith.cmpi eq, %parallel_loop3A_929, %parallel_loop3A_930 : i32
        %parallel_loop3A_932 = arith.constant 1 : i32
        %parallel_loop3A_933 = arith.select %parallel_loop3A_931, %parallel_loop3A_932, %parallel_loop3A_929 : i32
        %parallel_loop3A_934 = arith.remsi %parallel_loop3A_646, %parallel_loop3A_933 : i32
        %parallel_loop3A_935 = arith.constant 0 : i32
        %parallel_loop3A_936 = arith.cmpi ne, %parallel_loop3A_934, %parallel_loop3A_935 : i32
        %parallel_loop3A_937 = arith.constant 0 : i32
        %parallel_loop3A_938 = arith.cmpi slt, %parallel_loop3A_934, %parallel_loop3A_937 : i32
        %parallel_loop3A_939 = arith.constant 0 : i32
        %parallel_loop3A_940 = arith.cmpi slt, %parallel_loop3A_933, %parallel_loop3A_939 : i32
        %parallel_loop3A_941 = arith.xori %parallel_loop3A_938, %parallel_loop3A_940 : i1
        %parallel_loop3A_942 = arith.andi %parallel_loop3A_941, %parallel_loop3A_936 : i1
        %parallel_loop3A_943 = arith.addi %parallel_loop3A_934, %parallel_loop3A_933 : i32
        %parallel_loop3A_944 = arith.select %parallel_loop3A_942, %parallel_loop3A_943, %parallel_loop3A_934 : i32
        %parallel_loop3A_945 = arith.index_cast %parallel_loop3A_630 : i32 to index
        %parallel_loop3A_946 = arith.index_cast %parallel_loop3A_928 : i32 to index
        %parallel_loop3A_947 = arith.index_cast %parallel_loop3A_944 : i32 to index
        %parallel_loop3A_948 = arith.constant 80 : index
        %parallel_loop3A_949 = tpu.vector_load %arg9[%parallel_loop3A_945, %parallel_loop3A_946, %parallel_loop3A_947, %parallel_loop3A_948] {strides = array<i32>} : memref<8x4x8x128xf32, #tpu.memory_space<vmem>>, vector<16xf32>,
        tpu.vector_store %arg9[%parallel_loop3A_945, %parallel_loop3A_946, %parallel_loop3A_947, %parallel_loop3A_948], %parallel_loop3A_904 {strides = array<i32>} : memref<8x4x8x128xf32, #tpu.memory_space<vmem>>, vector<16xf32>,
        %parallel_loop3A_950 = arith.constant 96 : i32
        %parallel_loop3A_951 = arith.addi %parallel_loop3A_649, %parallel_loop3A_950 : i32
        %parallel_loop3A_952 = vector.broadcast %parallel_loop3A_951 : i32 to vector<16xi32>
        %parallel_loop3A_953 = arith.addi %iota3A, %parallel_loop3A_952 : vector<16xi32>
        %parallel_loop3A_954 = tpu.vector_load_idx %arg8[%parallel_loop3A_953, %parallel_loop3A_647] : memref<1024x32xf32, #tpu.memory_space<vmem>>[vector<16xi32>, vector<16xi32>], vector<16xf32>,
        %parallel_loop3A_955 = arith.constant 8 : i32
        %parallel_loop3A_956 = arith.divsi %parallel_loop3A_646, %parallel_loop3A_955 : i32
        %parallel_loop3A_957 = arith.constant 0 : i32
        %parallel_loop3A_958 = arith.cmpi sgt, %parallel_loop3A_646, %parallel_loop3A_957 : i32
        %parallel_loop3A_959 = arith.extui %parallel_loop3A_958 : i1 to i32
        %parallel_loop3A_960 = arith.constant 0 : i32
        %parallel_loop3A_961 = arith.cmpi slt, %parallel_loop3A_646, %parallel_loop3A_960 : i32
        %parallel_loop3A_962 = arith.extui %parallel_loop3A_961 : i1 to i32
        %parallel_loop3A_963 = arith.subi %parallel_loop3A_959, %parallel_loop3A_962 : i32
        %parallel_loop3A_964 = arith.constant 0 : i32
        %parallel_loop3A_965 = arith.cmpi sgt, %parallel_loop3A_955, %parallel_loop3A_964 : i32
        %parallel_loop3A_966 = arith.extui %parallel_loop3A_965 : i1 to i32
        %parallel_loop3A_967 = arith.constant 0 : i32
        %parallel_loop3A_968 = arith.cmpi slt, %parallel_loop3A_955, %parallel_loop3A_967 : i32
        %parallel_loop3A_969 = arith.extui %parallel_loop3A_968 : i1 to i32
        %parallel_loop3A_970 = arith.subi %parallel_loop3A_966, %parallel_loop3A_969 : i32
        %parallel_loop3A_971 = arith.cmpi ne, %parallel_loop3A_963, %parallel_loop3A_970 : i32
        %parallel_loop3A_972 = arith.remsi %parallel_loop3A_646, %parallel_loop3A_955 : i32
        %parallel_loop3A_973 = arith.constant 0 : i32
        %parallel_loop3A_974 = arith.cmpi ne, %parallel_loop3A_972, %parallel_loop3A_973 : i32
        %parallel_loop3A_975 = arith.andi %parallel_loop3A_971, %parallel_loop3A_974 : i1
        %parallel_loop3A_976 = arith.constant 1 : i32
        %parallel_loop3A_977 = arith.subi %parallel_loop3A_956, %parallel_loop3A_976 : i32
        %parallel_loop3A_978 = arith.select %parallel_loop3A_975, %parallel_loop3A_977, %parallel_loop3A_956 : i32
        %parallel_loop3A_979 = arith.constant 8 : i32
        %parallel_loop3A_980 = arith.constant 0 : i32
        %parallel_loop3A_981 = arith.cmpi eq, %parallel_loop3A_979, %parallel_loop3A_980 : i32
        %parallel_loop3A_982 = arith.constant 1 : i32
        %parallel_loop3A_983 = arith.select %parallel_loop3A_981, %parallel_loop3A_982, %parallel_loop3A_979 : i32
        %parallel_loop3A_984 = arith.remsi %parallel_loop3A_646, %parallel_loop3A_983 : i32
        %parallel_loop3A_985 = arith.constant 0 : i32
        %parallel_loop3A_986 = arith.cmpi ne, %parallel_loop3A_984, %parallel_loop3A_985 : i32
        %parallel_loop3A_987 = arith.constant 0 : i32
        %parallel_loop3A_988 = arith.cmpi slt, %parallel_loop3A_984, %parallel_loop3A_987 : i32
        %parallel_loop3A_989 = arith.constant 0 : i32
        %parallel_loop3A_990 = arith.cmpi slt, %parallel_loop3A_983, %parallel_loop3A_989 : i32
        %parallel_loop3A_991 = arith.xori %parallel_loop3A_988, %parallel_loop3A_990 : i1
        %parallel_loop3A_992 = arith.andi %parallel_loop3A_991, %parallel_loop3A_986 : i1
        %parallel_loop3A_993 = arith.addi %parallel_loop3A_984, %parallel_loop3A_983 : i32
        %parallel_loop3A_994 = arith.select %parallel_loop3A_992, %parallel_loop3A_993, %parallel_loop3A_984 : i32
        %parallel_loop3A_995 = arith.index_cast %parallel_loop3A_630 : i32 to index
        %parallel_loop3A_996 = arith.index_cast %parallel_loop3A_978 : i32 to index
        %parallel_loop3A_997 = arith.index_cast %parallel_loop3A_994 : i32 to index
        %parallel_loop3A_998 = arith.constant 96 : index
        %parallel_loop3A_999 = tpu.vector_load %arg9[%parallel_loop3A_995, %parallel_loop3A_996, %parallel_loop3A_997, %parallel_loop3A_998] {strides = array<i32>} : memref<8x4x8x128xf32, #tpu.memory_space<vmem>>, vector<16xf32>,
        tpu.vector_store %arg9[%parallel_loop3A_995, %parallel_loop3A_996, %parallel_loop3A_997, %parallel_loop3A_998], %parallel_loop3A_954 {strides = array<i32>} : memref<8x4x8x128xf32, #tpu.memory_space<vmem>>, vector<16xf32>,
        %parallel_loop3A_1000 = arith.constant 112 : i32
        %parallel_loop3A_1001 = arith.addi %parallel_loop3A_649, %parallel_loop3A_1000 : i32
        %parallel_loop3A_1002 = vector.broadcast %parallel_loop3A_1001 : i32 to vector<16xi32>
        %parallel_loop3A_1003 = arith.addi %iota3A, %parallel_loop3A_1002 : vector<16xi32>
        %parallel_loop3A_1004 = tpu.vector_load_idx %arg8[%parallel_loop3A_1003, %parallel_loop3A_647] : memref<1024x32xf32, #tpu.memory_space<vmem>>[vector<16xi32>, vector<16xi32>], vector<16xf32>,
        %parallel_loop3A_1005 = arith.constant 8 : i32
        %parallel_loop3A_1006 = arith.divsi %parallel_loop3A_646, %parallel_loop3A_1005 : i32
        %parallel_loop3A_1007 = arith.constant 0 : i32
        %parallel_loop3A_1008 = arith.cmpi sgt, %parallel_loop3A_646, %parallel_loop3A_1007 : i32
        %parallel_loop3A_1009 = arith.extui %parallel_loop3A_1008 : i1 to i32
        %parallel_loop3A_1010 = arith.constant 0 : i32
        %parallel_loop3A_1011 = arith.cmpi slt, %parallel_loop3A_646, %parallel_loop3A_1010 : i32
        %parallel_loop3A_1012 = arith.extui %parallel_loop3A_1011 : i1 to i32
        %parallel_loop3A_1013 = arith.subi %parallel_loop3A_1009, %parallel_loop3A_1012 : i32
        %parallel_loop3A_1014 = arith.constant 0 : i32
        %parallel_loop3A_1015 = arith.cmpi sgt, %parallel_loop3A_1005, %parallel_loop3A_1014 : i32
        %parallel_loop3A_1016 = arith.extui %parallel_loop3A_1015 : i1 to i32
        %parallel_loop3A_1017 = arith.constant 0 : i32
        %parallel_loop3A_1018 = arith.cmpi slt, %parallel_loop3A_1005, %parallel_loop3A_1017 : i32
        %parallel_loop3A_1019 = arith.extui %parallel_loop3A_1018 : i1 to i32
        %parallel_loop3A_1020 = arith.subi %parallel_loop3A_1016, %parallel_loop3A_1019 : i32
        %parallel_loop3A_1021 = arith.cmpi ne, %parallel_loop3A_1013, %parallel_loop3A_1020 : i32
        %parallel_loop3A_1022 = arith.remsi %parallel_loop3A_646, %parallel_loop3A_1005 : i32
        %parallel_loop3A_1023 = arith.constant 0 : i32
        %parallel_loop3A_1024 = arith.cmpi ne, %parallel_loop3A_1022, %parallel_loop3A_1023 : i32
        %parallel_loop3A_1025 = arith.andi %parallel_loop3A_1021, %parallel_loop3A_1024 : i1
        %parallel_loop3A_1026 = arith.constant 1 : i32
        %parallel_loop3A_1027 = arith.subi %parallel_loop3A_1006, %parallel_loop3A_1026 : i32
        %parallel_loop3A_1028 = arith.select %parallel_loop3A_1025, %parallel_loop3A_1027, %parallel_loop3A_1006 : i32
        %parallel_loop3A_1029 = arith.constant 8 : i32
        %parallel_loop3A_1030 = arith.constant 0 : i32
        %parallel_loop3A_1031 = arith.cmpi eq, %parallel_loop3A_1029, %parallel_loop3A_1030 : i32
        %parallel_loop3A_1032 = arith.constant 1 : i32
        %parallel_loop3A_1033 = arith.select %parallel_loop3A_1031, %parallel_loop3A_1032, %parallel_loop3A_1029 : i32
        %parallel_loop3A_1034 = arith.remsi %parallel_loop3A_646, %parallel_loop3A_1033 : i32
        %parallel_loop3A_1035 = arith.constant 0 : i32
        %parallel_loop3A_1036 = arith.cmpi ne, %parallel_loop3A_1034, %parallel_loop3A_1035 : i32
        %parallel_loop3A_1037 = arith.constant 0 : i32
        %parallel_loop3A_1038 = arith.cmpi slt, %parallel_loop3A_1034, %parallel_loop3A_1037 : i32
        %parallel_loop3A_1039 = arith.constant 0 : i32
        %parallel_loop3A_1040 = arith.cmpi slt, %parallel_loop3A_1033, %parallel_loop3A_1039 : i32
        %parallel_loop3A_1041 = arith.xori %parallel_loop3A_1038, %parallel_loop3A_1040 : i1
        %parallel_loop3A_1042 = arith.andi %parallel_loop3A_1041, %parallel_loop3A_1036 : i1
        %parallel_loop3A_1043 = arith.addi %parallel_loop3A_1034, %parallel_loop3A_1033 : i32
        %parallel_loop3A_1044 = arith.select %parallel_loop3A_1042, %parallel_loop3A_1043, %parallel_loop3A_1034 : i32
        %parallel_loop3A_1045 = arith.index_cast %parallel_loop3A_630 : i32 to index
        %parallel_loop3A_1046 = arith.index_cast %parallel_loop3A_1028 : i32 to index
        %parallel_loop3A_1047 = arith.index_cast %parallel_loop3A_1044 : i32 to index
        %parallel_loop3A_1048 = arith.constant 112 : index
        %parallel_loop3A_1049 = tpu.vector_load %arg9[%parallel_loop3A_1045, %parallel_loop3A_1046, %parallel_loop3A_1047, %parallel_loop3A_1048] {strides = array<i32>} : memref<8x4x8x128xf32, #tpu.memory_space<vmem>>, vector<16xf32>,
        tpu.vector_store %arg9[%parallel_loop3A_1045, %parallel_loop3A_1046, %parallel_loop3A_1047, %parallel_loop3A_1048], %parallel_loop3A_1004 {strides = array<i32>} : memref<8x4x8x128xf32, #tpu.memory_space<vmem>>, vector<16xf32>,
      } {sc.loop_unroll_factor = 4 : i64, sc.parallel_access}
      %mul3A_558 = arith.constant 8 : i32
      %mul3A_559 = arith.muli %select_n3A_498, %mul3A_558 : i32
      %add3A_560 = arith.addi %mul3A_559, %select_n3A_554 : i32
      %add3A_561 = arith.constant 0 : i32
      %add3A_562 = arith.addi %add3A_560, %add3A_561 : i32
      %run_scoped3A_563 = arith.constant 0 : i32
      "tpu.region"() ({
        %run_scoped3A_606 = tpu.sem_alloc : memref<!tpu.dma_semaphore, #tpu.memory_space<semaphore_mem>>
        %dma_start3A_607 = arith.constant 0 : i32
        %dma_start3A_608 = arith.constant 0 : i32
        %dma_start3A_609 = arith.constant 0 : i32
        %dma_start3A_610 = tpu.memref_slice %arg9[%run_scoped3A_563, %dma_start3A_607, %dma_start3A_608, %dma_start3A_609] : memref<8x4x8x128xf32, #tpu.memory_space<vmem>> -> memref<1x4x8x128xf32, #tpu.memory_space<vmem>>
        %dma_start3A_611 = tpu.memref_squeeze %dma_start3A_610 : memref<1x4x8x128xf32, #tpu.memory_space<vmem>> -> memref<4x8x128xf32, #tpu.memory_space<vmem>>
        %dma_start3A_612 = arith.constant 0 : i32
        %dma_start3A_613 = arith.constant 0 : i32
        %dma_start3A_614 = arith.constant 0 : i32
        %dma_start3A_615 = tpu.memref_slice %arg4[%add3A_562, %dma_start3A_612, %select_n3A_538, %dma_start3A_613, %dma_start3A_614] : memref<200x4x128x8x128xf32, #tpu.memory_space<hbm>> -> memref<1x4x1x8x128xf32, #tpu.memory_space<hbm>>
        %dma_start3A_616 = tpu.memref_squeeze %dma_start3A_615 : memref<1x4x1x8x128xf32, #tpu.memory_space<hbm>> -> memref<4x8x128xf32, #tpu.memory_space<hbm>>
        %dma_start3A_617 = arith.constant 0 : i32
        %dma_start3A_618 = arith.constant 0 : i32
        %dma_start3A_619 = arith.constant 0 : i32
        %dma_start3A_620 = tpu.memref_slice %arg4[%add3A_562, %dma_start3A_617, %select_n3A_538, %dma_start3A_618, %dma_start3A_619] : memref<200x4x128x8x128xf32, #tpu.memory_space<hbm>> -> memref<1x4x1x8x128xf32, #tpu.memory_space<hbm>>
        %dma_start3A_621 = tpu.memref_squeeze %dma_start3A_620 : memref<1x4x1x8x128xf32, #tpu.memory_space<hbm>> -> memref<4x8x128xf32, #tpu.memory_space<hbm>>
        %dma_start3A_622 = arith.constant 0 : i32
        %dma_start3A_623 = arith.constant 0 : i32
        %dma_start3A_624 = arith.constant 0 : i32
        %dma_start3A_625 = tpu.memref_slice %arg9[%run_scoped3A_563, %dma_start3A_622, %dma_start3A_623, %dma_start3A_624] : memref<8x4x8x128xf32, #tpu.memory_space<vmem>> -> memref<1x4x8x128xf32, #tpu.memory_space<vmem>>
        %dma_start3A_626 = tpu.memref_squeeze %dma_start3A_625 : memref<1x4x8x128xf32, #tpu.memory_space<vmem>> -> memref<4x8x128xf32, #tpu.memory_space<vmem>>
        tpu.enqueue_dma source(%dma_start3A_626 : memref<4x8x128xf32, #tpu.memory_space<vmem>>) target(%dma_start3A_621 : memref<4x8x128xf32, #tpu.memory_space<hbm>>) target_semaphore(%run_scoped3A_606 : memref<!tpu.dma_semaphore, #tpu.memory_space<semaphore_mem>>)
        %dma_wait3A_627 = arith.constant 0 : i32
        %dma_wait3A_628 = arith.constant 0 : i32
        %dma_wait3A_629 = arith.constant 0 : i32
        %dma_wait3A_630 = tpu.memref_slice %arg9[%run_scoped3A_563, %dma_wait3A_627, %dma_wait3A_628, %dma_wait3A_629] : memref<8x4x8x128xf32, #tpu.memory_space<vmem>> -> memref<1x4x8x128xf32, #tpu.memory_space<vmem>>
        %dma_wait3A_631 = tpu.memref_squeeze %dma_wait3A_630 : memref<1x4x8x128xf32, #tpu.memory_space<vmem>> -> memref<4x8x128xf32, #tpu.memory_space<vmem>>
        %dma_wait3A_632 = arith.constant 0 : i32
        %dma_wait3A_633 = arith.constant 0 : i32
        %dma_wait3A_634 = arith.constant 0 : i32
        %dma_wait3A_635 = tpu.memref_slice %arg4[%add3A_562, %dma_wait3A_632, %select_n3A_538, %dma_wait3A_633, %dma_wait3A_634] : memref<200x4x128x8x128xf32, #tpu.memory_space<hbm>> -> memref<1x4x1x8x128xf32, #tpu.memory_space<hbm>>
        %dma_wait3A_636 = tpu.memref_squeeze %dma_wait3A_635 : memref<1x4x1x8x128xf32, #tpu.memory_space<hbm>> -> memref<4x8x128xf32, #tpu.memory_space<hbm>>
        %dma_wait3A_637 = arith.constant 0 : i32
        %dma_wait3A_638 = arith.constant 0 : i32
        %dma_wait3A_639 = arith.constant 0 : i32
        %dma_wait3A_640 = tpu.memref_slice %arg4[%add3A_562, %dma_wait3A_637, %select_n3A_538, %dma_wait3A_638, %dma_wait3A_639] : memref<200x4x128x8x128xf32, #tpu.memory_space<hbm>> -> memref<1x4x1x8x128xf32, #tpu.memory_space<hbm>>
        %dma_wait3A_641 = tpu.memref_squeeze %dma_wait3A_640 : memref<1x4x1x8x128xf32, #tpu.memory_space<hbm>> -> memref<4x8x128xf32, #tpu.memory_space<hbm>>
        %dma_wait3A_642 = arith.constant 0 : i32
        %dma_wait3A_643 = arith.constant 0 : i32
        %dma_wait3A_644 = arith.constant 0 : i32
        %dma_wait3A_645 = tpu.memref_slice %arg9[%run_scoped3A_563, %dma_wait3A_642, %dma_wait3A_643, %dma_wait3A_644] : memref<8x4x8x128xf32, #tpu.memory_space<vmem>> -> memref<1x4x8x128xf32, #tpu.memory_space<vmem>>
        %dma_wait3A_646 = tpu.memref_squeeze %dma_wait3A_645 : memref<1x4x8x128xf32, #tpu.memory_space<vmem>> -> memref<4x8x128xf32, #tpu.memory_space<vmem>>
        tpu.wait_dma2 semaphore(%run_scoped3A_606 : memref<!tpu.dma_semaphore, #tpu.memory_space<semaphore_mem>>) src(%dma_wait3A_646 : memref<4x8x128xf32, #tpu.memory_space<vmem>>) dst(%dma_wait3A_641 : memref<4x8x128xf32, #tpu.memory_space<hbm>>)
        tpu.yield
      }) : () -> ()
      %mul3A_564 = arith.constant 8 : i32
      %mul3A_565 = arith.muli %select_n3A_498, %mul3A_564 : i32
      %add3A_566 = arith.addi %mul3A_565, %select_n3A_554 : i32
      %add3A_567 = arith.constant 1 : i32
      %add3A_568 = arith.addi %add3A_566, %add3A_567 : i32
      %run_scoped3A_569 = arith.constant 1 : i32
      "tpu.region"() ({
        %run_scoped3A_606 = tpu.sem_alloc : memref<!tpu.dma_semaphore, #tpu.memory_space<semaphore_mem>>
        %dma_start3A_607 = arith.constant 0 : i32
        %dma_start3A_608 = arith.constant 0 : i32
        %dma_start3A_609 = arith.constant 0 : i32
        %dma_start3A_610 = tpu.memref_slice %arg9[%run_scoped3A_569, %dma_start3A_607, %dma_start3A_608, %dma_start3A_609] : memref<8x4x8x128xf32, #tpu.memory_space<vmem>> -> memref<1x4x8x128xf32, #tpu.memory_space<vmem>>
        %dma_start3A_611 = tpu.memref_squeeze %dma_start3A_610 : memref<1x4x8x128xf32, #tpu.memory_space<vmem>> -> memref<4x8x128xf32, #tpu.memory_space<vmem>>
        %dma_start3A_612 = arith.constant 0 : i32
        %dma_start3A_613 = arith.constant 0 : i32
        %dma_start3A_614 = arith.constant 0 : i32
        %dma_start3A_615 = tpu.memref_slice %arg4[%add3A_568, %dma_start3A_612, %select_n3A_538, %dma_start3A_613, %dma_start3A_614] : memref<200x4x128x8x128xf32, #tpu.memory_space<hbm>> -> memref<1x4x1x8x128xf32, #tpu.memory_space<hbm>>
        %dma_start3A_616 = tpu.memref_squeeze %dma_start3A_615 : memref<1x4x1x8x128xf32, #tpu.memory_space<hbm>> -> memref<4x8x128xf32, #tpu.memory_space<hbm>>
        %dma_start3A_617 = arith.constant 0 : i32
        %dma_start3A_618 = arith.constant 0 : i32
        %dma_start3A_619 = arith.constant 0 : i32
        %dma_start3A_620 = tpu.memref_slice %arg4[%add3A_568, %dma_start3A_617, %select_n3A_538, %dma_start3A_618, %dma_start3A_619] : memref<200x4x128x8x128xf32, #tpu.memory_space<hbm>> -> memref<1x4x1x8x128xf32, #tpu.memory_space<hbm>>
        %dma_start3A_621 = tpu.memref_squeeze %dma_start3A_620 : memref<1x4x1x8x128xf32, #tpu.memory_space<hbm>> -> memref<4x8x128xf32, #tpu.memory_space<hbm>>
        %dma_start3A_622 = arith.constant 0 : i32
        %dma_start3A_623 = arith.constant 0 : i32
        %dma_start3A_624 = arith.constant 0 : i32
        %dma_start3A_625 = tpu.memref_slice %arg9[%run_scoped3A_569, %dma_start3A_622, %dma_start3A_623, %dma_start3A_624] : memref<8x4x8x128xf32, #tpu.memory_space<vmem>> -> memref<1x4x8x128xf32, #tpu.memory_space<vmem>>
        %dma_start3A_626 = tpu.memref_squeeze %dma_start3A_625 : memref<1x4x8x128xf32, #tpu.memory_space<vmem>> -> memref<4x8x128xf32, #tpu.memory_space<vmem>>
        tpu.enqueue_dma source(%dma_start3A_626 : memref<4x8x128xf32, #tpu.memory_space<vmem>>) target(%dma_start3A_621 : memref<4x8x128xf32, #tpu.memory_space<hbm>>) target_semaphore(%run_scoped3A_606 : memref<!tpu.dma_semaphore, #tpu.memory_space<semaphore_mem>>)
        %dma_wait3A_627 = arith.constant 0 : i32
        %dma_wait3A_628 = arith.constant 0 : i32
        %dma_wait3A_629 = arith.constant 0 : i32
        %dma_wait3A_630 = tpu.memref_slice %arg9[%run_scoped3A_569, %dma_wait3A_627, %dma_wait3A_628, %dma_wait3A_629] : memref<8x4x8x128xf32, #tpu.memory_space<vmem>> -> memref<1x4x8x128xf32, #tpu.memory_space<vmem>>
        %dma_wait3A_631 = tpu.memref_squeeze %dma_wait3A_630 : memref<1x4x8x128xf32, #tpu.memory_space<vmem>> -> memref<4x8x128xf32, #tpu.memory_space<vmem>>
        %dma_wait3A_632 = arith.constant 0 : i32
        %dma_wait3A_633 = arith.constant 0 : i32
        %dma_wait3A_634 = arith.constant 0 : i32
        %dma_wait3A_635 = tpu.memref_slice %arg4[%add3A_568, %dma_wait3A_632, %select_n3A_538, %dma_wait3A_633, %dma_wait3A_634] : memref<200x4x128x8x128xf32, #tpu.memory_space<hbm>> -> memref<1x4x1x8x128xf32, #tpu.memory_space<hbm>>
        %dma_wait3A_636 = tpu.memref_squeeze %dma_wait3A_635 : memref<1x4x1x8x128xf32, #tpu.memory_space<hbm>> -> memref<4x8x128xf32, #tpu.memory_space<hbm>>
        %dma_wait3A_637 = arith.constant 0 : i32
        %dma_wait3A_638 = arith.constant 0 : i32
        %dma_wait3A_639 = arith.constant 0 : i32
        %dma_wait3A_640 = tpu.memref_slice %arg4[%add3A_568, %dma_wait3A_637, %select_n3A_538, %dma_wait3A_638, %dma_wait3A_639] : memref<200x4x128x8x128xf32, #tpu.memory_space<hbm>> -> memref<1x4x1x8x128xf32, #tpu.memory_space<hbm>>
        %dma_wait3A_641 = tpu.memref_squeeze %dma_wait3A_640 : memref<1x4x1x8x128xf32, #tpu.memory_space<hbm>> -> memref<4x8x128xf32, #tpu.memory_space<hbm>>
        %dma_wait3A_642 = arith.constant 0 : i32
        %dma_wait3A_643 = arith.constant 0 : i32
        %dma_wait3A_644 = arith.constant 0 : i32
        %dma_wait3A_645 = tpu.memref_slice %arg9[%run_scoped3A_569, %dma_wait3A_642, %dma_wait3A_643, %dma_wait3A_644] : memref<8x4x8x128xf32, #tpu.memory_space<vmem>> -> memref<1x4x8x128xf32, #tpu.memory_space<vmem>>
        %dma_wait3A_646 = tpu.memref_squeeze %dma_wait3A_645 : memref<1x4x8x128xf32, #tpu.memory_space<vmem>> -> memref<4x8x128xf32, #tpu.memory_space<vmem>>
        tpu.wait_dma2 semaphore(%run_scoped3A_606 : memref<!tpu.dma_semaphore, #tpu.memory_space<semaphore_mem>>) src(%dma_wait3A_646 : memref<4x8x128xf32, #tpu.memory_space<vmem>>) dst(%dma_wait3A_641 : memref<4x8x128xf32, #tpu.memory_space<hbm>>)
        tpu.yield
      }) : () -> ()
      %mul3A_570 = arith.constant 8 : i32
      %mul3A_571 = arith.muli %select_n3A_498, %mul3A_570 : i32
      %add3A_572 = arith.addi %mul3A_571, %select_n3A_554 : i32
      %add3A_573 = arith.constant 2 : i32
      %add3A_574 = arith.addi %add3A_572, %add3A_573 : i32
      %run_scoped3A_575 = arith.constant 2 : i32
      "tpu.region"() ({
        %run_scoped3A_606 = tpu.sem_alloc : memref<!tpu.dma_semaphore, #tpu.memory_space<semaphore_mem>>
        %dma_start3A_607 = arith.constant 0 : i32
        %dma_start3A_608 = arith.constant 0 : i32
        %dma_start3A_609 = arith.constant 0 : i32
        %dma_start3A_610 = tpu.memref_slice %arg9[%run_scoped3A_575, %dma_start3A_607, %dma_start3A_608, %dma_start3A_609] : memref<8x4x8x128xf32, #tpu.memory_space<vmem>> -> memref<1x4x8x128xf32, #tpu.memory_space<vmem>>
        %dma_start3A_611 = tpu.memref_squeeze %dma_start3A_610 : memref<1x4x8x128xf32, #tpu.memory_space<vmem>> -> memref<4x8x128xf32, #tpu.memory_space<vmem>>
        %dma_start3A_612 = arith.constant 0 : i32
        %dma_start3A_613 = arith.constant 0 : i32
        %dma_start3A_614 = arith.constant 0 : i32
        %dma_start3A_615 = tpu.memref_slice %arg4[%add3A_574, %dma_start3A_612, %select_n3A_538, %dma_start3A_613, %dma_start3A_614] : memref<200x4x128x8x128xf32, #tpu.memory_space<hbm>> -> memref<1x4x1x8x128xf32, #tpu.memory_space<hbm>>
        %dma_start3A_616 = tpu.memref_squeeze %dma_start3A_615 : memref<1x4x1x8x128xf32, #tpu.memory_space<hbm>> -> memref<4x8x128xf32, #tpu.memory_space<hbm>>
        %dma_start3A_617 = arith.constant 0 : i32
        %dma_start3A_618 = arith.constant 0 : i32
        %dma_start3A_619 = arith.constant 0 : i32
        %dma_start3A_620 = tpu.memref_slice %arg4[%add3A_574, %dma_start3A_617, %select_n3A_538, %dma_start3A_618, %dma_start3A_619] : memref<200x4x128x8x128xf32, #tpu.memory_space<hbm>> -> memref<1x4x1x8x128xf32, #tpu.memory_space<hbm>>
        %dma_start3A_621 = tpu.memref_squeeze %dma_start3A_620 : memref<1x4x1x8x128xf32, #tpu.memory_space<hbm>> -> memref<4x8x128xf32, #tpu.memory_space<hbm>>
        %dma_start3A_622 = arith.constant 0 : i32
        %dma_start3A_623 = arith.constant 0 : i32
        %dma_start3A_624 = arith.constant 0 : i32
        %dma_start3A_625 = tpu.memref_slice %arg9[%run_scoped3A_575, %dma_start3A_622, %dma_start3A_623, %dma_start3A_624] : memref<8x4x8x128xf32, #tpu.memory_space<vmem>> -> memref<1x4x8x128xf32, #tpu.memory_space<vmem>>
        %dma_start3A_626 = tpu.memref_squeeze %dma_start3A_625 : memref<1x4x8x128xf32, #tpu.memory_space<vmem>> -> memref<4x8x128xf32, #tpu.memory_space<vmem>>
        tpu.enqueue_dma source(%dma_start3A_626 : memref<4x8x128xf32, #tpu.memory_space<vmem>>) target(%dma_start3A_621 : memref<4x8x128xf32, #tpu.memory_space<hbm>>) target_semaphore(%run_scoped3A_606 : memref<!tpu.dma_semaphore, #tpu.memory_space<semaphore_mem>>)
        %dma_wait3A_627 = arith.constant 0 : i32
        %dma_wait3A_628 = arith.constant 0 : i32
        %dma_wait3A_629 = arith.constant 0 : i32
        %dma_wait3A_630 = tpu.memref_slice %arg9[%run_scoped3A_575, %dma_wait3A_627, %dma_wait3A_628, %dma_wait3A_629] : memref<8x4x8x128xf32, #tpu.memory_space<vmem>> -> memref<1x4x8x128xf32, #tpu.memory_space<vmem>>
        %dma_wait3A_631 = tpu.memref_squeeze %dma_wait3A_630 : memref<1x4x8x128xf32, #tpu.memory_space<vmem>> -> memref<4x8x128xf32, #tpu.memory_space<vmem>>
        %dma_wait3A_632 = arith.constant 0 : i32
        %dma_wait3A_633 = arith.constant 0 : i32
        %dma_wait3A_634 = arith.constant 0 : i32
        %dma_wait3A_635 = tpu.memref_slice %arg4[%add3A_574, %dma_wait3A_632, %select_n3A_538, %dma_wait3A_633, %dma_wait3A_634] : memref<200x4x128x8x128xf32, #tpu.memory_space<hbm>> -> memref<1x4x1x8x128xf32, #tpu.memory_space<hbm>>
        %dma_wait3A_636 = tpu.memref_squeeze %dma_wait3A_635 : memref<1x4x1x8x128xf32, #tpu.memory_space<hbm>> -> memref<4x8x128xf32, #tpu.memory_space<hbm>>
        %dma_wait3A_637 = arith.constant 0 : i32
        %dma_wait3A_638 = arith.constant 0 : i32
        %dma_wait3A_639 = arith.constant 0 : i32
        %dma_wait3A_640 = tpu.memref_slice %arg4[%add3A_574, %dma_wait3A_637, %select_n3A_538, %dma_wait3A_638, %dma_wait3A_639] : memref<200x4x128x8x128xf32, #tpu.memory_space<hbm>> -> memref<1x4x1x8x128xf32, #tpu.memory_space<hbm>>
        %dma_wait3A_641 = tpu.memref_squeeze %dma_wait3A_640 : memref<1x4x1x8x128xf32, #tpu.memory_space<hbm>> -> memref<4x8x128xf32, #tpu.memory_space<hbm>>
        %dma_wait3A_642 = arith.constant 0 : i32
        %dma_wait3A_643 = arith.constant 0 : i32
        %dma_wait3A_644 = arith.constant 0 : i32
        %dma_wait3A_645 = tpu.memref_slice %arg9[%run_scoped3A_575, %dma_wait3A_642, %dma_wait3A_643, %dma_wait3A_644] : memref<8x4x8x128xf32, #tpu.memory_space<vmem>> -> memref<1x4x8x128xf32, #tpu.memory_space<vmem>>
        %dma_wait3A_646 = tpu.memref_squeeze %dma_wait3A_645 : memref<1x4x8x128xf32, #tpu.memory_space<vmem>> -> memref<4x8x128xf32, #tpu.memory_space<vmem>>
        tpu.wait_dma2 semaphore(%run_scoped3A_606 : memref<!tpu.dma_semaphore, #tpu.memory_space<semaphore_mem>>) src(%dma_wait3A_646 : memref<4x8x128xf32, #tpu.memory_space<vmem>>) dst(%dma_wait3A_641 : memref<4x8x128xf32, #tpu.memory_space<hbm>>)
        tpu.yield
      }) : () -> ()
      %mul3A_576 = arith.constant 8 : i32
      %mul3A_577 = arith.muli %select_n3A_498, %mul3A_576 : i32
      %add3A_578 = arith.addi %mul3A_577, %select_n3A_554 : i32
      %add3A_579 = arith.constant 3 : i32
      %add3A_580 = arith.addi %add3A_578, %add3A_579 : i32
      %run_scoped3A_581 = arith.constant 3 : i32
      "tpu.region"() ({
        %run_scoped3A_606 = tpu.sem_alloc : memref<!tpu.dma_semaphore, #tpu.memory_space<semaphore_mem>>
        %dma_start3A_607 = arith.constant 0 : i32
        %dma_start3A_608 = arith.constant 0 : i32
        %dma_start3A_609 = arith.constant 0 : i32
        %dma_start3A_610 = tpu.memref_slice %arg9[%run_scoped3A_581, %dma_start3A_607, %dma_start3A_608, %dma_start3A_609] : memref<8x4x8x128xf32, #tpu.memory_space<vmem>> -> memref<1x4x8x128xf32, #tpu.memory_space<vmem>>
        %dma_start3A_611 = tpu.memref_squeeze %dma_start3A_610 : memref<1x4x8x128xf32, #tpu.memory_space<vmem>> -> memref<4x8x128xf32, #tpu.memory_space<vmem>>
        %dma_start3A_612 = arith.constant 0 : i32
        %dma_start3A_613 = arith.constant 0 : i32
        %dma_start3A_614 = arith.constant 0 : i32
        %dma_start3A_615 = tpu.memref_slice %arg4[%add3A_580, %dma_start3A_612, %select_n3A_538, %dma_start3A_613, %dma_start3A_614] : memref<200x4x128x8x128xf32, #tpu.memory_space<hbm>> -> memref<1x4x1x8x128xf32, #tpu.memory_space<hbm>>
        %dma_start3A_616 = tpu.memref_squeeze %dma_start3A_615 : memref<1x4x1x8x128xf32, #tpu.memory_space<hbm>> -> memref<4x8x128xf32, #tpu.memory_space<hbm>>
        %dma_start3A_617 = arith.constant 0 : i32
        %dma_start3A_618 = arith.constant 0 : i32
        %dma_start3A_619 = arith.constant 0 : i32
        %dma_start3A_620 = tpu.memref_slice %arg4[%add3A_580, %dma_start3A_617, %select_n3A_538, %dma_start3A_618, %dma_start3A_619] : memref<200x4x128x8x128xf32, #tpu.memory_space<hbm>> -> memref<1x4x1x8x128xf32, #tpu.memory_space<hbm>>
        %dma_start3A_621 = tpu.memref_squeeze %dma_start3A_620 : memref<1x4x1x8x128xf32, #tpu.memory_space<hbm>> -> memref<4x8x128xf32, #tpu.memory_space<hbm>>
        %dma_start3A_622 = arith.constant 0 : i32
        %dma_start3A_623 = arith.constant 0 : i32
        %dma_start3A_624 = arith.constant 0 : i32
        %dma_start3A_625 = tpu.memref_slice %arg9[%run_scoped3A_581, %dma_start3A_622, %dma_start3A_623, %dma_start3A_624] : memref<8x4x8x128xf32, #tpu.memory_space<vmem>> -> memref<1x4x8x128xf32, #tpu.memory_space<vmem>>
        %dma_start3A_626 = tpu.memref_squeeze %dma_start3A_625 : memref<1x4x8x128xf32, #tpu.memory_space<vmem>> -> memref<4x8x128xf32, #tpu.memory_space<vmem>>
        tpu.enqueue_dma source(%dma_start3A_626 : memref<4x8x128xf32, #tpu.memory_space<vmem>>) target(%dma_start3A_621 : memref<4x8x128xf32, #tpu.memory_space<hbm>>) target_semaphore(%run_scoped3A_606 : memref<!tpu.dma_semaphore, #tpu.memory_space<semaphore_mem>>)
        %dma_wait3A_627 = arith.constant 0 : i32
        %dma_wait3A_628 = arith.constant 0 : i32
        %dma_wait3A_629 = arith.constant 0 : i32
        %dma_wait3A_630 = tpu.memref_slice %arg9[%run_scoped3A_581, %dma_wait3A_627, %dma_wait3A_628, %dma_wait3A_629] : memref<8x4x8x128xf32, #tpu.memory_space<vmem>> -> memref<1x4x8x128xf32, #tpu.memory_space<vmem>>
        %dma_wait3A_631 = tpu.memref_squeeze %dma_wait3A_630 : memref<1x4x8x128xf32, #tpu.memory_space<vmem>> -> memref<4x8x128xf32, #tpu.memory_space<vmem>>
        %dma_wait3A_632 = arith.constant 0 : i32
        %dma_wait3A_633 = arith.constant 0 : i32
        %dma_wait3A_634 = arith.constant 0 : i32
        %dma_wait3A_635 = tpu.memref_slice %arg4[%add3A_580, %dma_wait3A_632, %select_n3A_538, %dma_wait3A_633, %dma_wait3A_634] : memref<200x4x128x8x128xf32, #tpu.memory_space<hbm>> -> memref<1x4x1x8x128xf32, #tpu.memory_space<hbm>>
        %dma_wait3A_636 = tpu.memref_squeeze %dma_wait3A_635 : memref<1x4x1x8x128xf32, #tpu.memory_space<hbm>> -> memref<4x8x128xf32, #tpu.memory_space<hbm>>
        %dma_wait3A_637 = arith.constant 0 : i32
        %dma_wait3A_638 = arith.constant 0 : i32
        %dma_wait3A_639 = arith.constant 0 : i32
        %dma_wait3A_640 = tpu.memref_slice %arg4[%add3A_580, %dma_wait3A_637, %select_n3A_538, %dma_wait3A_638, %dma_wait3A_639] : memref<200x4x128x8x128xf32, #tpu.memory_space<hbm>> -> memref<1x4x1x8x128xf32, #tpu.memory_space<hbm>>
        %dma_wait3A_641 = tpu.memref_squeeze %dma_wait3A_640 : memref<1x4x1x8x128xf32, #tpu.memory_space<hbm>> -> memref<4x8x128xf32, #tpu.memory_space<hbm>>
        %dma_wait3A_642 = arith.constant 0 : i32
        %dma_wait3A_643 = arith.constant 0 : i32
        %dma_wait3A_644 = arith.constant 0 : i32
        %dma_wait3A_645 = tpu.memref_slice %arg9[%run_scoped3A_581, %dma_wait3A_642, %dma_wait3A_643, %dma_wait3A_644] : memref<8x4x8x128xf32, #tpu.memory_space<vmem>> -> memref<1x4x8x128xf32, #tpu.memory_space<vmem>>
        %dma_wait3A_646 = tpu.memref_squeeze %dma_wait3A_645 : memref<1x4x8x128xf32, #tpu.memory_space<vmem>> -> memref<4x8x128xf32, #tpu.memory_space<vmem>>
        tpu.wait_dma2 semaphore(%run_scoped3A_606 : memref<!tpu.dma_semaphore, #tpu.memory_space<semaphore_mem>>) src(%dma_wait3A_646 : memref<4x8x128xf32, #tpu.memory_space<vmem>>) dst(%dma_wait3A_641 : memref<4x8x128xf32, #tpu.memory_space<hbm>>)
        tpu.yield
      }) : () -> ()
      %mul3A_582 = arith.constant 8 : i32
      %mul3A_583 = arith.muli %select_n3A_498, %mul3A_582 : i32
      %add3A_584 = arith.addi %mul3A_583, %select_n3A_554 : i32
      %add3A_585 = arith.constant 4 : i32
      %add3A_586 = arith.addi %add3A_584, %add3A_585 : i32
      %run_scoped3A_587 = arith.constant 4 : i32
      "tpu.region"() ({
        %run_scoped3A_606 = tpu.sem_alloc : memref<!tpu.dma_semaphore, #tpu.memory_space<semaphore_mem>>
        %dma_start3A_607 = arith.constant 0 : i32
        %dma_start3A_608 = arith.constant 0 : i32
        %dma_start3A_609 = arith.constant 0 : i32
        %dma_start3A_610 = tpu.memref_slice %arg9[%run_scoped3A_587, %dma_start3A_607, %dma_start3A_608, %dma_start3A_609] : memref<8x4x8x128xf32, #tpu.memory_space<vmem>> -> memref<1x4x8x128xf32, #tpu.memory_space<vmem>>
        %dma_start3A_611 = tpu.memref_squeeze %dma_start3A_610 : memref<1x4x8x128xf32, #tpu.memory_space<vmem>> -> memref<4x8x128xf32, #tpu.memory_space<vmem>>
        %dma_start3A_612 = arith.constant 0 : i32
        %dma_start3A_613 = arith.constant 0 : i32
        %dma_start3A_614 = arith.constant 0 : i32
        %dma_start3A_615 = tpu.memref_slice %arg4[%add3A_586, %dma_start3A_612, %select_n3A_538, %dma_start3A_613, %dma_start3A_614] : memref<200x4x128x8x128xf32, #tpu.memory_space<hbm>> -> memref<1x4x1x8x128xf32, #tpu.memory_space<hbm>>
        %dma_start3A_616 = tpu.memref_squeeze %dma_start3A_615 : memref<1x4x1x8x128xf32, #tpu.memory_space<hbm>> -> memref<4x8x128xf32, #tpu.memory_space<hbm>>
        %dma_start3A_617 = arith.constant 0 : i32
        %dma_start3A_618 = arith.constant 0 : i32
        %dma_start3A_619 = arith.constant 0 : i32
        %dma_start3A_620 = tpu.memref_slice %arg4[%add3A_586, %dma_start3A_617, %select_n3A_538, %dma_start3A_618, %dma_start3A_619] : memref<200x4x128x8x128xf32, #tpu.memory_space<hbm>> -> memref<1x4x1x8x128xf32, #tpu.memory_space<hbm>>
        %dma_start3A_621 = tpu.memref_squeeze %dma_start3A_620 : memref<1x4x1x8x128xf32, #tpu.memory_space<hbm>> -> memref<4x8x128xf32, #tpu.memory_space<hbm>>
        %dma_start3A_622 = arith.constant 0 : i32
        %dma_start3A_623 = arith.constant 0 : i32
        %dma_start3A_624 = arith.constant 0 : i32
        %dma_start3A_625 = tpu.memref_slice %arg9[%run_scoped3A_587, %dma_start3A_622, %dma_start3A_623, %dma_start3A_624] : memref<8x4x8x128xf32, #tpu.memory_space<vmem>> -> memref<1x4x8x128xf32, #tpu.memory_space<vmem>>
        %dma_start3A_626 = tpu.memref_squeeze %dma_start3A_625 : memref<1x4x8x128xf32, #tpu.memory_space<vmem>> -> memref<4x8x128xf32, #tpu.memory_space<vmem>>
        tpu.enqueue_dma source(%dma_start3A_626 : memref<4x8x128xf32, #tpu.memory_space<vmem>>) target(%dma_start3A_621 : memref<4x8x128xf32, #tpu.memory_space<hbm>>) target_semaphore(%run_scoped3A_606 : memref<!tpu.dma_semaphore, #tpu.memory_space<semaphore_mem>>)
        %dma_wait3A_627 = arith.constant 0 : i32
        %dma_wait3A_628 = arith.constant 0 : i32
        %dma_wait3A_629 = arith.constant 0 : i32
        %dma_wait3A_630 = tpu.memref_slice %arg9[%run_scoped3A_587, %dma_wait3A_627, %dma_wait3A_628, %dma_wait3A_629] : memref<8x4x8x128xf32, #tpu.memory_space<vmem>> -> memref<1x4x8x128xf32, #tpu.memory_space<vmem>>
        %dma_wait3A_631 = tpu.memref_squeeze %dma_wait3A_630 : memref<1x4x8x128xf32, #tpu.memory_space<vmem>> -> memref<4x8x128xf32, #tpu.memory_space<vmem>>
        %dma_wait3A_632 = arith.constant 0 : i32
        %dma_wait3A_633 = arith.constant 0 : i32
        %dma_wait3A_634 = arith.constant 0 : i32
        %dma_wait3A_635 = tpu.memref_slice %arg4[%add3A_586, %dma_wait3A_632, %select_n3A_538, %dma_wait3A_633, %dma_wait3A_634] : memref<200x4x128x8x128xf32, #tpu.memory_space<hbm>> -> memref<1x4x1x8x128xf32, #tpu.memory_space<hbm>>
        %dma_wait3A_636 = tpu.memref_squeeze %dma_wait3A_635 : memref<1x4x1x8x128xf32, #tpu.memory_space<hbm>> -> memref<4x8x128xf32, #tpu.memory_space<hbm>>
        %dma_wait3A_637 = arith.constant 0 : i32
        %dma_wait3A_638 = arith.constant 0 : i32
        %dma_wait3A_639 = arith.constant 0 : i32
        %dma_wait3A_640 = tpu.memref_slice %arg4[%add3A_586, %dma_wait3A_637, %select_n3A_538, %dma_wait3A_638, %dma_wait3A_639] : memref<200x4x128x8x128xf32, #tpu.memory_space<hbm>> -> memref<1x4x1x8x128xf32, #tpu.memory_space<hbm>>
        %dma_wait3A_641 = tpu.memref_squeeze %dma_wait3A_640 : memref<1x4x1x8x128xf32, #tpu.memory_space<hbm>> -> memref<4x8x128xf32, #tpu.memory_space<hbm>>
        %dma_wait3A_642 = arith.constant 0 : i32
        %dma_wait3A_643 = arith.constant 0 : i32
        %dma_wait3A_644 = arith.constant 0 : i32
        %dma_wait3A_645 = tpu.memref_slice %arg9[%run_scoped3A_587, %dma_wait3A_642, %dma_wait3A_643, %dma_wait3A_644] : memref<8x4x8x128xf32, #tpu.memory_space<vmem>> -> memref<1x4x8x128xf32, #tpu.memory_space<vmem>>
        %dma_wait3A_646 = tpu.memref_squeeze %dma_wait3A_645 : memref<1x4x8x128xf32, #tpu.memory_space<vmem>> -> memref<4x8x128xf32, #tpu.memory_space<vmem>>
        tpu.wait_dma2 semaphore(%run_scoped3A_606 : memref<!tpu.dma_semaphore, #tpu.memory_space<semaphore_mem>>) src(%dma_wait3A_646 : memref<4x8x128xf32, #tpu.memory_space<vmem>>) dst(%dma_wait3A_641 : memref<4x8x128xf32, #tpu.memory_space<hbm>>)
        tpu.yield
      }) : () -> ()
      %mul3A_588 = arith.constant 8 : i32
      %mul3A_589 = arith.muli %select_n3A_498, %mul3A_588 : i32
      %add3A_590 = arith.addi %mul3A_589, %select_n3A_554 : i32
      %add3A_591 = arith.constant 5 : i32
      %add3A_592 = arith.addi %add3A_590, %add3A_591 : i32
      %run_scoped3A_593 = arith.constant 5 : i32
      "tpu.region"() ({
        %run_scoped3A_606 = tpu.sem_alloc : memref<!tpu.dma_semaphore, #tpu.memory_space<semaphore_mem>>
        %dma_start3A_607 = arith.constant 0 : i32
        %dma_start3A_608 = arith.constant 0 : i32
        %dma_start3A_609 = arith.constant 0 : i32
        %dma_start3A_610 = tpu.memref_slice %arg9[%run_scoped3A_593, %dma_start3A_607, %dma_start3A_608, %dma_start3A_609] : memref<8x4x8x128xf32, #tpu.memory_space<vmem>> -> memref<1x4x8x128xf32, #tpu.memory_space<vmem>>
        %dma_start3A_611 = tpu.memref_squeeze %dma_start3A_610 : memref<1x4x8x128xf32, #tpu.memory_space<vmem>> -> memref<4x8x128xf32, #tpu.memory_space<vmem>>
        %dma_start3A_612 = arith.constant 0 : i32
        %dma_start3A_613 = arith.constant 0 : i32
        %dma_start3A_614 = arith.constant 0 : i32
        %dma_start3A_615 = tpu.memref_slice %arg4[%add3A_592, %dma_start3A_612, %select_n3A_538, %dma_start3A_613, %dma_start3A_614] : memref<200x4x128x8x128xf32, #tpu.memory_space<hbm>> -> memref<1x4x1x8x128xf32, #tpu.memory_space<hbm>>
        %dma_start3A_616 = tpu.memref_squeeze %dma_start3A_615 : memref<1x4x1x8x128xf32, #tpu.memory_space<hbm>> -> memref<4x8x128xf32, #tpu.memory_space<hbm>>
        %dma_start3A_617 = arith.constant 0 : i32
        %dma_start3A_618 = arith.constant 0 : i32
        %dma_start3A_619 = arith.constant 0 : i32
        %dma_start3A_620 = tpu.memref_slice %arg4[%add3A_592, %dma_start3A_617, %select_n3A_538, %dma_start3A_618, %dma_start3A_619] : memref<200x4x128x8x128xf32, #tpu.memory_space<hbm>> -> memref<1x4x1x8x128xf32, #tpu.memory_space<hbm>>
        %dma_start3A_621 = tpu.memref_squeeze %dma_start3A_620 : memref<1x4x1x8x128xf32, #tpu.memory_space<hbm>> -> memref<4x8x128xf32, #tpu.memory_space<hbm>>
        %dma_start3A_622 = arith.constant 0 : i32
        %dma_start3A_623 = arith.constant 0 : i32
        %dma_start3A_624 = arith.constant 0 : i32
        %dma_start3A_625 = tpu.memref_slice %arg9[%run_scoped3A_593, %dma_start3A_622, %dma_start3A_623, %dma_start3A_624] : memref<8x4x8x128xf32, #tpu.memory_space<vmem>> -> memref<1x4x8x128xf32, #tpu.memory_space<vmem>>
        %dma_start3A_626 = tpu.memref_squeeze %dma_start3A_625 : memref<1x4x8x128xf32, #tpu.memory_space<vmem>> -> memref<4x8x128xf32, #tpu.memory_space<vmem>>
        tpu.enqueue_dma source(%dma_start3A_626 : memref<4x8x128xf32, #tpu.memory_space<vmem>>) target(%dma_start3A_621 : memref<4x8x128xf32, #tpu.memory_space<hbm>>) target_semaphore(%run_scoped3A_606 : memref<!tpu.dma_semaphore, #tpu.memory_space<semaphore_mem>>)
        %dma_wait3A_627 = arith.constant 0 : i32
        %dma_wait3A_628 = arith.constant 0 : i32
        %dma_wait3A_629 = arith.constant 0 : i32
        %dma_wait3A_630 = tpu.memref_slice %arg9[%run_scoped3A_593, %dma_wait3A_627, %dma_wait3A_628, %dma_wait3A_629] : memref<8x4x8x128xf32, #tpu.memory_space<vmem>> -> memref<1x4x8x128xf32, #tpu.memory_space<vmem>>
        %dma_wait3A_631 = tpu.memref_squeeze %dma_wait3A_630 : memref<1x4x8x128xf32, #tpu.memory_space<vmem>> -> memref<4x8x128xf32, #tpu.memory_space<vmem>>
        %dma_wait3A_632 = arith.constant 0 : i32
        %dma_wait3A_633 = arith.constant 0 : i32
        %dma_wait3A_634 = arith.constant 0 : i32
        %dma_wait3A_635 = tpu.memref_slice %arg4[%add3A_592, %dma_wait3A_632, %select_n3A_538, %dma_wait3A_633, %dma_wait3A_634] : memref<200x4x128x8x128xf32, #tpu.memory_space<hbm>> -> memref<1x4x1x8x128xf32, #tpu.memory_space<hbm>>
        %dma_wait3A_636 = tpu.memref_squeeze %dma_wait3A_635 : memref<1x4x1x8x128xf32, #tpu.memory_space<hbm>> -> memref<4x8x128xf32, #tpu.memory_space<hbm>>
        %dma_wait3A_637 = arith.constant 0 : i32
        %dma_wait3A_638 = arith.constant 0 : i32
        %dma_wait3A_639 = arith.constant 0 : i32
        %dma_wait3A_640 = tpu.memref_slice %arg4[%add3A_592, %dma_wait3A_637, %select_n3A_538, %dma_wait3A_638, %dma_wait3A_639] : memref<200x4x128x8x128xf32, #tpu.memory_space<hbm>> -> memref<1x4x1x8x128xf32, #tpu.memory_space<hbm>>
        %dma_wait3A_641 = tpu.memref_squeeze %dma_wait3A_640 : memref<1x4x1x8x128xf32, #tpu.memory_space<hbm>> -> memref<4x8x128xf32, #tpu.memory_space<hbm>>
        %dma_wait3A_642 = arith.constant 0 : i32
        %dma_wait3A_643 = arith.constant 0 : i32
        %dma_wait3A_644 = arith.constant 0 : i32
        %dma_wait3A_645 = tpu.memref_slice %arg9[%run_scoped3A_593, %dma_wait3A_642, %dma_wait3A_643, %dma_wait3A_644] : memref<8x4x8x128xf32, #tpu.memory_space<vmem>> -> memref<1x4x8x128xf32, #tpu.memory_space<vmem>>
        %dma_wait3A_646 = tpu.memref_squeeze %dma_wait3A_645 : memref<1x4x8x128xf32, #tpu.memory_space<vmem>> -> memref<4x8x128xf32, #tpu.memory_space<vmem>>
        tpu.wait_dma2 semaphore(%run_scoped3A_606 : memref<!tpu.dma_semaphore, #tpu.memory_space<semaphore_mem>>) src(%dma_wait3A_646 : memref<4x8x128xf32, #tpu.memory_space<vmem>>) dst(%dma_wait3A_641 : memref<4x8x128xf32, #tpu.memory_space<hbm>>)
        tpu.yield
      }) : () -> ()
      %mul3A_594 = arith.constant 8 : i32
      %mul3A_595 = arith.muli %select_n3A_498, %mul3A_594 : i32
      %add3A_596 = arith.addi %mul3A_595, %select_n3A_554 : i32
      %add3A_597 = arith.constant 6 : i32
      %add3A_598 = arith.addi %add3A_596, %add3A_597 : i32
      %run_scoped3A_599 = arith.constant 6 : i32
      "tpu.region"() ({
        %run_scoped3A_606 = tpu.sem_alloc : memref<!tpu.dma_semaphore, #tpu.memory_space<semaphore_mem>>
        %dma_start3A_607 = arith.constant 0 : i32
        %dma_start3A_608 = arith.constant 0 : i32
        %dma_start3A_609 = arith.constant 0 : i32
        %dma_start3A_610 = tpu.memref_slice %arg9[%run_scoped3A_599, %dma_start3A_607, %dma_start3A_608, %dma_start3A_609] : memref<8x4x8x128xf32, #tpu.memory_space<vmem>> -> memref<1x4x8x128xf32, #tpu.memory_space<vmem>>
        %dma_start3A_611 = tpu.memref_squeeze %dma_start3A_610 : memref<1x4x8x128xf32, #tpu.memory_space<vmem>> -> memref<4x8x128xf32, #tpu.memory_space<vmem>>
        %dma_start3A_612 = arith.constant 0 : i32
        %dma_start3A_613 = arith.constant 0 : i32
        %dma_start3A_614 = arith.constant 0 : i32
        %dma_start3A_615 = tpu.memref_slice %arg4[%add3A_598, %dma_start3A_612, %select_n3A_538, %dma_start3A_613, %dma_start3A_614] : memref<200x4x128x8x128xf32, #tpu.memory_space<hbm>> -> memref<1x4x1x8x128xf32, #tpu.memory_space<hbm>>
        %dma_start3A_616 = tpu.memref_squeeze %dma_start3A_615 : memref<1x4x1x8x128xf32, #tpu.memory_space<hbm>> -> memref<4x8x128xf32, #tpu.memory_space<hbm>>
        %dma_start3A_617 = arith.constant 0 : i32
        %dma_start3A_618 = arith.constant 0 : i32
        %dma_start3A_619 = arith.constant 0 : i32
        %dma_start3A_620 = tpu.memref_slice %arg4[%add3A_598, %dma_start3A_617, %select_n3A_538, %dma_start3A_618, %dma_start3A_619] : memref<200x4x128x8x128xf32, #tpu.memory_space<hbm>> -> memref<1x4x1x8x128xf32, #tpu.memory_space<hbm>>
        %dma_start3A_621 = tpu.memref_squeeze %dma_start3A_620 : memref<1x4x1x8x128xf32, #tpu.memory_space<hbm>> -> memref<4x8x128xf32, #tpu.memory_space<hbm>>
        %dma_start3A_622 = arith.constant 0 : i32
        %dma_start3A_623 = arith.constant 0 : i32
        %dma_start3A_624 = arith.constant 0 : i32
        %dma_start3A_625 = tpu.memref_slice %arg9[%run_scoped3A_599, %dma_start3A_622, %dma_start3A_623, %dma_start3A_624] : memref<8x4x8x128xf32, #tpu.memory_space<vmem>> -> memref<1x4x8x128xf32, #tpu.memory_space<vmem>>
        %dma_start3A_626 = tpu.memref_squeeze %dma_start3A_625 : memref<1x4x8x128xf32, #tpu.memory_space<vmem>> -> memref<4x8x128xf32, #tpu.memory_space<vmem>>
        tpu.enqueue_dma source(%dma_start3A_626 : memref<4x8x128xf32, #tpu.memory_space<vmem>>) target(%dma_start3A_621 : memref<4x8x128xf32, #tpu.memory_space<hbm>>) target_semaphore(%run_scoped3A_606 : memref<!tpu.dma_semaphore, #tpu.memory_space<semaphore_mem>>)
        %dma_wait3A_627 = arith.constant 0 : i32
        %dma_wait3A_628 = arith.constant 0 : i32
        %dma_wait3A_629 = arith.constant 0 : i32
        %dma_wait3A_630 = tpu.memref_slice %arg9[%run_scoped3A_599, %dma_wait3A_627, %dma_wait3A_628, %dma_wait3A_629] : memref<8x4x8x128xf32, #tpu.memory_space<vmem>> -> memref<1x4x8x128xf32, #tpu.memory_space<vmem>>
        %dma_wait3A_631 = tpu.memref_squeeze %dma_wait3A_630 : memref<1x4x8x128xf32, #tpu.memory_space<vmem>> -> memref<4x8x128xf32, #tpu.memory_space<vmem>>
        %dma_wait3A_632 = arith.constant 0 : i32
        %dma_wait3A_633 = arith.constant 0 : i32
        %dma_wait3A_634 = arith.constant 0 : i32
        %dma_wait3A_635 = tpu.memref_slice %arg4[%add3A_598, %dma_wait3A_632, %select_n3A_538, %dma_wait3A_633, %dma_wait3A_634] : memref<200x4x128x8x128xf32, #tpu.memory_space<hbm>> -> memref<1x4x1x8x128xf32, #tpu.memory_space<hbm>>
        %dma_wait3A_636 = tpu.memref_squeeze %dma_wait3A_635 : memref<1x4x1x8x128xf32, #tpu.memory_space<hbm>> -> memref<4x8x128xf32, #tpu.memory_space<hbm>>
        %dma_wait3A_637 = arith.constant 0 : i32
        %dma_wait3A_638 = arith.constant 0 : i32
        %dma_wait3A_639 = arith.constant 0 : i32
        %dma_wait3A_640 = tpu.memref_slice %arg4[%add3A_598, %dma_wait3A_637, %select_n3A_538, %dma_wait3A_638, %dma_wait3A_639] : memref<200x4x128x8x128xf32, #tpu.memory_space<hbm>> -> memref<1x4x1x8x128xf32, #tpu.memory_space<hbm>>
        %dma_wait3A_641 = tpu.memref_squeeze %dma_wait3A_640 : memref<1x4x1x8x128xf32, #tpu.memory_space<hbm>> -> memref<4x8x128xf32, #tpu.memory_space<hbm>>
        %dma_wait3A_642 = arith.constant 0 : i32
        %dma_wait3A_643 = arith.constant 0 : i32
        %dma_wait3A_644 = arith.constant 0 : i32
        %dma_wait3A_645 = tpu.memref_slice %arg9[%run_scoped3A_599, %dma_wait3A_642, %dma_wait3A_643, %dma_wait3A_644] : memref<8x4x8x128xf32, #tpu.memory_space<vmem>> -> memref<1x4x8x128xf32, #tpu.memory_space<vmem>>
        %dma_wait3A_646 = tpu.memref_squeeze %dma_wait3A_645 : memref<1x4x8x128xf32, #tpu.memory_space<vmem>> -> memref<4x8x128xf32, #tpu.memory_space<vmem>>
        tpu.wait_dma2 semaphore(%run_scoped3A_606 : memref<!tpu.dma_semaphore, #tpu.memory_space<semaphore_mem>>) src(%dma_wait3A_646 : memref<4x8x128xf32, #tpu.memory_space<vmem>>) dst(%dma_wait3A_641 : memref<4x8x128xf32, #tpu.memory_space<hbm>>)
        tpu.yield
      }) : () -> ()
      %mul3A_600 = arith.constant 8 : i32
      %mul3A_601 = arith.muli %select_n3A_498, %mul3A_600 : i32
      %add3A_602 = arith.addi %mul3A_601, %select_n3A_554 : i32
      %add3A_603 = arith.constant 7 : i32
      %add3A_604 = arith.addi %add3A_602, %add3A_603 : i32
      %run_scoped3A_605 = arith.constant 7 : i32
      "tpu.region"() ({
        %run_scoped3A_606 = tpu.sem_alloc : memref<!tpu.dma_semaphore, #tpu.memory_space<semaphore_mem>>
        %dma_start3A_607 = arith.constant 0 : i32
        %dma_start3A_608 = arith.constant 0 : i32
        %dma_start3A_609 = arith.constant 0 : i32
        %dma_start3A_610 = tpu.memref_slice %arg9[%run_scoped3A_605, %dma_start3A_607, %dma_start3A_608, %dma_start3A_609] : memref<8x4x8x128xf32, #tpu.memory_space<vmem>> -> memref<1x4x8x128xf32, #tpu.memory_space<vmem>>
        %dma_start3A_611 = tpu.memref_squeeze %dma_start3A_610 : memref<1x4x8x128xf32, #tpu.memory_space<vmem>> -> memref<4x8x128xf32, #tpu.memory_space<vmem>>
        %dma_start3A_612 = arith.constant 0 : i32
        %dma_start3A_613 = arith.constant 0 : i32
        %dma_start3A_614 = arith.constant 0 : i32
        %dma_start3A_615 = tpu.memref_slice %arg4[%add3A_604, %dma_start3A_612, %select_n3A_538, %dma_start3A_613, %dma_start3A_614] : memref<200x4x128x8x128xf32, #tpu.memory_space<hbm>> -> memref<1x4x1x8x128xf32, #tpu.memory_space<hbm>>
        %dma_start3A_616 = tpu.memref_squeeze %dma_start3A_615 : memref<1x4x1x8x128xf32, #tpu.memory_space<hbm>> -> memref<4x8x128xf32, #tpu.memory_space<hbm>>
        %dma_start3A_617 = arith.constant 0 : i32
        %dma_start3A_618 = arith.constant 0 : i32
        %dma_start3A_619 = arith.constant 0 : i32
        %dma_start3A_620 = tpu.memref_slice %arg4[%add3A_604, %dma_start3A_617, %select_n3A_538, %dma_start3A_618, %dma_start3A_619] : memref<200x4x128x8x128xf32, #tpu.memory_space<hbm>> -> memref<1x4x1x8x128xf32, #tpu.memory_space<hbm>>
        %dma_start3A_621 = tpu.memref_squeeze %dma_start3A_620 : memref<1x4x1x8x128xf32, #tpu.memory_space<hbm>> -> memref<4x8x128xf32, #tpu.memory_space<hbm>>
        %dma_start3A_622 = arith.constant 0 : i32
        %dma_start3A_623 = arith.constant 0 : i32
        %dma_start3A_624 = arith.constant 0 : i32
        %dma_start3A_625 = tpu.memref_slice %arg9[%run_scoped3A_605, %dma_start3A_622, %dma_start3A_623, %dma_start3A_624] : memref<8x4x8x128xf32, #tpu.memory_space<vmem>> -> memref<1x4x8x128xf32, #tpu.memory_space<vmem>>
        %dma_start3A_626 = tpu.memref_squeeze %dma_start3A_625 : memref<1x4x8x128xf32, #tpu.memory_space<vmem>> -> memref<4x8x128xf32, #tpu.memory_space<vmem>>
        tpu.enqueue_dma source(%dma_start3A_626 : memref<4x8x128xf32, #tpu.memory_space<vmem>>) target(%dma_start3A_621 : memref<4x8x128xf32, #tpu.memory_space<hbm>>) target_semaphore(%run_scoped3A_606 : memref<!tpu.dma_semaphore, #tpu.memory_space<semaphore_mem>>)
        %dma_wait3A_627 = arith.constant 0 : i32
        %dma_wait3A_628 = arith.constant 0 : i32
        %dma_wait3A_629 = arith.constant 0 : i32
        %dma_wait3A_630 = tpu.memref_slice %arg9[%run_scoped3A_605, %dma_wait3A_627, %dma_wait3A_628, %dma_wait3A_629] : memref<8x4x8x128xf32, #tpu.memory_space<vmem>> -> memref<1x4x8x128xf32, #tpu.memory_space<vmem>>
        %dma_wait3A_631 = tpu.memref_squeeze %dma_wait3A_630 : memref<1x4x8x128xf32, #tpu.memory_space<vmem>> -> memref<4x8x128xf32, #tpu.memory_space<vmem>>
        %dma_wait3A_632 = arith.constant 0 : i32
        %dma_wait3A_633 = arith.constant 0 : i32
        %dma_wait3A_634 = arith.constant 0 : i32
        %dma_wait3A_635 = tpu.memref_slice %arg4[%add3A_604, %dma_wait3A_632, %select_n3A_538, %dma_wait3A_633, %dma_wait3A_634] : memref<200x4x128x8x128xf32, #tpu.memory_space<hbm>> -> memref<1x4x1x8x128xf32, #tpu.memory_space<hbm>>
        %dma_wait3A_636 = tpu.memref_squeeze %dma_wait3A_635 : memref<1x4x1x8x128xf32, #tpu.memory_space<hbm>> -> memref<4x8x128xf32, #tpu.memory_space<hbm>>
        %dma_wait3A_637 = arith.constant 0 : i32
        %dma_wait3A_638 = arith.constant 0 : i32
        %dma_wait3A_639 = arith.constant 0 : i32
        %dma_wait3A_640 = tpu.memref_slice %arg4[%add3A_604, %dma_wait3A_637, %select_n3A_538, %dma_wait3A_638, %dma_wait3A_639] : memref<200x4x128x8x128xf32, #tpu.memory_space<hbm>> -> memref<1x4x1x8x128xf32, #tpu.memory_space<hbm>>
        %dma_wait3A_641 = tpu.memref_squeeze %dma_wait3A_640 : memref<1x4x1x8x128xf32, #tpu.memory_space<hbm>> -> memref<4x8x128xf32, #tpu.memory_space<hbm>>
        %dma_wait3A_642 = arith.constant 0 : i32
        %dma_wait3A_643 = arith.constant 0 : i32
        %dma_wait3A_644 = arith.constant 0 : i32
        %dma_wait3A_645 = tpu.memref_slice %arg9[%run_scoped3A_605, %dma_wait3A_642, %dma_wait3A_643, %dma_wait3A_644] : memref<8x4x8x128xf32, #tpu.memory_space<vmem>> -> memref<1x4x8x128xf32, #tpu.memory_space<vmem>>
        %dma_wait3A_646 = tpu.memref_squeeze %dma_wait3A_645 : memref<1x4x8x128xf32, #tpu.memory_space<vmem>> -> memref<4x8x128xf32, #tpu.memory_space<vmem>>
        tpu.wait_dma2 semaphore(%run_scoped3A_606 : memref<!tpu.dma_semaphore, #tpu.memory_space<semaphore_mem>>) src(%dma_wait3A_646 : memref<4x8x128xf32, #tpu.memory_space<vmem>>) dst(%dma_wait3A_641 : memref<4x8x128xf32, #tpu.memory_space<hbm>>)
        tpu.yield
      }) : () -> ()
    }
    %scan3A_92 = arith.constant 50 : i32
    return
  }
}

</mosaic_0001>

<sc_bundles>
// kernel: kernel.3.cloned.1.call-start
scs
__scs_entry_jumppad:
0x0: {  	(pc) =	sbr.rel $0x88, $3  }
0x1: {  	(tag) =	ssettag $0x0;
	lr =	simm.s32 $0x1  }
0x2: {  	[smem:$0x3F9F] =	sst lr;
	_ =	strace $0xD0000000  }
0x3: {  	_ = 	snop  }
0x4: {  	_ = 	snop  }
0x5: {  	_ = 	snop  }
0x6: {  	_ = 	snop  }
0x7: {  	_ = 	snop  }
__scs_overlays_trampoline_lowered:
0x8: {  	[smem:$0x3FAE] =	sst s0  }
0x9: {  	[smem:$0x3FAF] =	sst s1  }
0xa: {  	[smem:$0x3FB0] =	sst s2  }
0xb: {  	[smem:$0x3FB1] =	sst s3  }
0xc: {  	[smem:$0x3FB2] =	sst s4  }
0xd: {  	[smem:$0x3FB3] =	sst s5  }
0xe: {  	[smem:$0x3FB4] =	sst s6  }
0xf: {  	[smem:$0x3FB5] =	sst s7  }
0x10: {  	[smem:$0x3FB6] =	sst s8  }
0x11: {  	[smem:$0x3FB7] =	sst s9;
	s0 =	simm.s32 @!p0 $0x0  }
0x12: {  	s1 =	sld [smem:$0x3F9D];
	s0 =	simm.s32 @p0 $0x1  }
0x13: {  	[smem:$0x3FB8] =	sst s0;
	s0 =	simm.s32 @!p1 $0x0  }
0x14: {  	s2 =	sld [smem:$0x3F9C];
	s0 =	simm.s32 @p1 $0x1  }
0x15: {  	[smem:$0x3FB9] =	sst s0;
	s0 =	simm.s32 @!p2 $0x0  }
0x16: {  	s3 =	sld [smem:$0x3FDB];
	s0 =	simm.s32 @p2 $0x1  }
0x17: {  	s4 =	simm.s32 $0x1BF5;
	[smem:$0x3FBB] =	sst s0  }
0x18: {  	s0 =	sld [smem:$0x3F9E];
	_ =	swait.ge [sflag:s4], $0x0  }
0x19: {  	s7 =	sld [smem:$0x3F9F]  }
0x1a: {  	s8 =	sadd.s32 $0xFFFFE003, lr  }
0x1b: {  	s9 =	sadd.s32 $0xFFFFFEF7, lr;
	s5 =	simm.s32 $0xFFFFFFFF;
	p2 =	slt.u32 s8, $0xFFFFF086  }
0x1c: {  	p1 =	slt.u32 s9, $0xF7A;
	s5 =	simm.s32 @!p2 $0x0  }
0x1d: {  	s5 =	simm.s32 @p1 $0x1;
	p0 =	seq.s32 s7, s2  }
0x1e: {  	s7 =	smul.u32 @!p0 $0xF7A, s2;
	p2 =	seq.s32 @!p0 s5, $0x0  }
0x1f: {  	s9 =	smul.u32 $0xF7A, s1;
	s8 =	simm.s32 @!p0 $0x1BF5;
	p2 =	por !p2, p0  }
0x20: {  	[sflag:s8] =	ssyncset.s32 @!p0 $0xFFFFF086;
	s6 =	sadd.s32 @!p0 s3, s7;
	s7 =	simm.s32 @!p0 $0x108  }
0x21: {  	s3 =	sadd.s32 s3, s9;
	s6 =	sadd.s32 @!p0 $0x88, s6;
	s7 =	simm.s32 @p2 $0x1082  }
0x22: {  	[simem:s7], [sflag:s8] =	dma.local @!p0 [hbm:s6], $0xF7A  }
0x23: {  	s9 =	sor.u32 $0xD0000000, s2;
	s6 =	simm.s32 $0x108;
	_ =	swait.ge @!p0 [sflag:s8], $0x0  }
0x24: {  	s3 =	sadd.s32 $0x88, s3;
	s6 =	simm.s32 @!p1 $0x1082;
	[sflag:s4] =	ssyncset.s32 $0xFFFFF086  }
0x25: {  	[simem:s6], [sflag:s4] =	dma.local [hbm:s3], $0xF7A  }
0x26: {  	[smem:$0x3F9F] =	sst s1;
	(tag) =	ssettag s2;
	_ =	strace s9  }
0x27: {  	s1 =	sld [smem:$0x3FAF]  }
0x28: {  	s2 =	sld [smem:$0x3FB0]  }
0x29: {  	s4 =	sld [smem:$0x3FB2]  }
0x2a: {  	p0 =	seq.s32 s5, $0x0;
	s5 =	sld [smem:$0x3FB3]  }
0x2b: {  	s6 =	sld [smem:$0x3FB4]  }
0x2c: {  	s7 =	sld [smem:$0x3FB5]  }
0x2d: {  	s3 =	simm.s32 $0x108;
	s8 =	sld [smem:$0x3FB6]  }
0x2e: {  	s3 =	simm.s32 @!p0 $0x1082;
	s9 =	sld [smem:$0x3FB7]  }
0x2f: {  	lr =	sadd.s32 s0, s3;
	s0 =	sld [smem:$0x3FAE]  }
0x30: {  	s3 =	sld [smem:$0x3FB1]  }
0x31: {  	[smem:$0x3FBA] =	sst s10  }
0x32: {  	s10 =	sld [smem:$0x3FB8];
	_ =	sdelay $0x3  }
0x33: {  	p0 =	seq.s32 s10, $0x1;
	s10 =	sld [smem:$0x3FBA];
	_ =	sdelay $0x3  }
0x34: {  	[smem:$0x3FBA] =	sst s10  }
0x35: {  	s10 =	sld [smem:$0x3FB9];
	_ =	sdelay $0x3  }
0x36: {  	p1 =	seq.s32 s10, $0x1;
	s10 =	sld [smem:$0x3FBA];
	_ =	sdelay $0x3  }
0x37: {  	[smem:$0x3FBA] =	sst s10  }
0x38: {  	s10 =	sld [smem:$0x3FBB]  }
0x39: {  	_ = 	snop;
	(pc) =	sbr.ind lr, $3  }
0x3a: {  	_ = 	snop  }
0x3b: {  	_ = 	snop  }
0x3c: {  	p2 =	seq.s32 s10, $0x1;
	s10 =	sld [smem:$0x3FBA]  }
0x3d: {  	_ =	shalt  }
0x3e: {  	_ =	shalt  }
0x3f: {  	_ =	shalt  }
0x40: {  	_ =	shalt  }
0x41: {  	_ =	shalt  }
0x42: {  	_ =	shalt  }
0x43: {  	_ =	shalt  }
0x44: {  	_ =	shalt  }
0x45: {  	_ =	shalt  }
0x46: {  	_ =	shalt  }
0x47: {  	_ =	shalt  }
0x48: {  	_ =	shalt  }
0x49: {  	_ =	shalt  }
0x4a: {  	_ =	shalt  }
0x4b: {  	_ =	shalt  }
0x4c: {  	_ =	shalt  }
0x4d: {  	_ =	shalt  }
0x4e: {  	_ =	shalt  }
0x4f: {  	_ =	shalt  }
0x50: {  	_ =	shalt  }
0x51: {  	_ =	shalt  }
0x52: {  	_ =	shalt  }
0x53: {  	_ =	shalt  }
0x54: {  	_ =	shalt  }
0x55: {  	_ =	shalt  }
0x56: {  	_ =	shalt  }
0x57: {  	_ =	shalt  }
0x58: {  	_ =	shalt  }
0x59: {  	_ =	shalt  }
0x5a: {  	_ =	shalt  }
0x5b: {  	_ =	shalt  }
0x5c: {  	_ =	shalt  }
0x5d: {  	_ =	shalt  }
0x5e: {  	_ =	shalt  }
0x5f: {  	_ =	shalt  }
0x60: {  	_ =	shalt  }
0x61: {  	_ =	shalt  }
0x62: {  	_ =	shalt  }
0x63: {  	_ =	shalt  }
0x64: {  	_ =	shalt  }
0x65: {  	_ =	shalt  }
0x66: {  	_ =	shalt  }
0x67: {  	_ =	shalt  }
0x68: {  	_ =	shalt  }
0x69: {  	_ =	shalt  }
0x6a: {  	_ =	shalt  }
0x6b: {  	_ =	shalt  }
0x6c: {  	_ =	shalt  }
0x6d: {  	_ =	shalt  }
0x6e: {  	_ =	shalt  }
0x6f: {  	_ =	shalt  }
0x70: {  	_ =	shalt  }
0x71: {  	_ =	shalt  }
0x72: {  	_ =	shalt  }
0x73: {  	_ =	shalt  }
0x74: {  	_ =	shalt  }
0x75: {  	_ =	shalt  }
0x76: {  	_ =	shalt  }
0x77: {  	_ =	shalt  }
0x78: {  	_ =	shalt  }
0x79: {  	_ =	shalt  }
0x7a: {  	_ =	shalt  }
0x7b: {  	_ =	shalt  }
0x7c: {  	_ =	shalt  }
0x7d: {  	_ =	shalt  }
0x7e: {  	_ =	shalt  }
0x7f: {  	_ =	shalt  }
0x80: {  	_ =	shalt  }
0x81: {  	_ =	shalt  }
0x82: {  	_ =	shalt  }
0x83: {  	_ =	shalt  }
0x84: {  	_ =	shalt  }
0x85: {  	_ =	shalt  }
0x86: {  	_ =	shalt  }
0x87: {  	_ =	shalt  }
.Lfunc_end0:
.L_simem_size_0:
called_computation_lowered:
.L_overlay_start_0:
0x88: {  	s2 =	sld [smem:$0x3FD9]  }
0x89: {  	s3 =	sld [smem:$0x3FFE];
	_ =	sdelay $0x1  }
0x8a: {  	s1 =	srdreg.scid  }
0x8b: {  	s0 =	sand.u32 $0x1, s1  }
0x8c: {  	s17 =	sshll.u32 s0, $0xA;
	s2 =	sadd.s32 s3, s2  }
0x8d: {  	s2 =	sadd.s32 s2, s17  }
0x8e: {  	[smem:$0x3FC6] =	sst s2  }
0x8f: {  	_ = 	snop  }
0x90: {  	s2 =	sld [smem:$0x3FC9]  }
0x91: {  	s18 =	sld [smem:$0x3FD0];
	(tm) =	ssettm $0x1  }
0x92: {  	s4 =	sld [smem:$0x3FFB];
	_ =	sdelay $0x3  }
0x93: {  	_ =	strace s4  }
0x94: {  	s4 =	sld [smem:$0x3FFC];
	_ =	sdelay $0x3  }
0x95: {  	_ =	strace s4  }
0x96: {  	s4 =	sld [smem:$0x3FFD];
	_ =	sdelay $0x3  }
0x97: {  	_ =	strace s4  }
0x98: {  	_ =	strace $0x8FFFFFFF  }
0x99: {  	s19 =	sld [smem:$0x3FDB];
	_ =	sdelay $0x1  }
0x9a: {  	s5 =	simm.s32 $_scs_section_size  }
0x9b: {  	s6 =	simm.s32 $_size__tile_overlayer_lowered;
	s7 =	simm.s32 $_tile_overlayer_lowered  }
0x9c: {  	s22 =	simm.s32 $0x1BFF;
	s21 =	sshll.u32 s7, $0x1;
	s4 =	sadd.s32 s5, s19  }
0x9d: {  	s8 =	simm.s32 $0x0;
	s20 =	sshll.u32 s6, $0x1;
	s6 =	sadd.s32 s21, s4  }
0x9e: {  	[timem:s8], [sflag:s22] =	dma.local [hbm:s6], s20  }
0x9f: {  	_ =	swait.ge [sflag:s22], s20  }
0xa0: {  	s5 =	ssub.s32 $0x0, s20;
	[sflag:s22] =	ssyncset.done $0x0  }
0xa1: {  	[sflag:s22] =	ssyncadd.s32 s5;
	_ =	sdelay $0x1  }
0xa2: {  	s23 =	simm.s32 $0x1B8B  }
0xa3: {  	_ =	swait.ge [sflag:s23], $0x1  }
0xa4: {  	[sflag:s23] =	ssyncset.done $0x0  }
0xa5: {  	s25 =	simm.s32 $0x1B8E;
	s24 =	sld [smem:$0x3FFE];
	[sflag:s23] =	ssyncadd.s32 $0xFFFFFFFF  }
0xa6: {  	s26 =	simm.s32 $execute0_lowered;
	[smem:$0x3FD2] =	sst s25  }
0xa7: {  	s6 =	sshll.u32 s26, $0x1;
	_ =	strace $0x80000046;
	[dreg:$0x1] =	wrdreg $0xFFFFFFFF  }
0xa8: {  	s28 =	simm.s32 $_size_execute0_lowered;
	s4 =	sadd.s32 s4, s6;
	[dreg:$0x0] =	wrdreg $0x0  }
0xa9: {  	s6 =	sshll.u32 s28, $0x1;
	[dreg:$0x2] =	wrdreg s4  }
0xaa: {  	[dreg:$0x3] =	wrdreg s6  }
0xab: {  	[dreg:$0x4] =	wrdreg $0xC0  }
0xac: {  	_ =	task [dreg:s8], $0x5FFFF  }
0xad: {  	[dreg:$0x1] =	wrdreg $0xFFFFFFFF  }
0xae: {  	[dreg:$0x0] =	wrdreg $0x60  }
0xaf: {  	[dreg:$0x2] =	wrdreg s2  }
0xb0: {  	[dreg:$0x3] =	wrdreg s24  }
0xb1: {  	[dreg:$0x4] =	wrdreg s18  }
0xb2: {  	[dreg:$0x5] =	wrdreg $0x9  }
0xb3: {  	_ =	task.clear_ibuf [dreg:s8], $0x6FFFF;
	_ =	strace $0x90000046  }
0xb4: {  	s29 =	simm.s32 $0x9;
	_ =	strace $0x80000048  }
0xb5: {  	_ =	swait.ge [sflag:s29], $0x1  }
0xb6: {  	[sflag:s29] =	ssyncadd.s32 $0xFFFFFFFF  }
0xb7: {  	_ =	strace $0x90000048  }
0xb8: {  	_ =	sfence  }
0xb9: {  	s30 =	sld [smem:$0x0];
	_ =	sdelay $0x2  }
0xba: {  	s31 =	sshll.u32 s1, $0xD;
	s1 =	sshrl.u32 s1, $0x2  }
0xbb: {  	s3 =	sand.u32 $0x4000, s31;
	s1 =	sadd.s32 s1, s30  }
0xbc: {  	s0 =	sor.u32 s3, s0;
	s1 =	sshll.u32 s1, $0x11  }
0xbd: {  	s0 =	sor.u32 s1, s0  }
0xbe: {  	s0 =	sadd.s32 $0x8F2B, s0  }
0xbf: {  	[sflag:s0] =	ssyncadd.remote.s32 $0x1  }
0xc0: {  	_ =	sfence.sel $0xFFFF  }
0xc1: {  	[dreg:$0x0] =	wrdreg $0xFFFFFFFF;
	(pc) =	sbr.abs _section_cstart, $3  }
0xc2: {  	[dreg:$0x1] =	wrdreg $0xFFFFFFFF  }
0xc3: {  	_ =	task.clear_ibuf [dreg:s8], $0x2FFFF;
	_ =	strace $0x9FFFFFFF  }
0xc4: {  	(tm) =	ssettm $0x7FFFFFFF  }
0xc5: {  	_ =	shalt  }
tec
execute0_lowered:
.L_overlay_start_1:
0x0: {  	(tag) =	ssettag $0x1  }
0x1: {  	s5 =	rddreg [dreg:$0x0]  }
0x2: {  	s0 =	rddreg [dreg:$0x1]  }
0x3: {  	s6 =	rddreg [dreg:$0x2];
	s1 =	srdreg.scid  }
0x4: {  	s2 =	stileid.u32;
	s3 =	simm.s32 $0x0;
	s17 =	simm.s32 $0x3  }
0x5: {  	s16 =	simm.s32 $0x8800;
	[smem:$0x7FF] =	sst s3;
	s0 =	sadd.s32 $0xF42800, s0  }
0x6: {  	s22 =	sadd.s32 $0x10000, s6;
	_ =	strace $0x80000047;
	[dreg:$0x4] =	wrdreg s0  }
0x7: {  	s28 =	simm.s32 $0x2;
	s23 =	sadd.s32 $0x20000, s6;
	[dreg:$0x7] =	wrdreg s22  }
0x8: {  	s1 =	sand.u32 $0x1, s1;
	s24 =	sadd.s32 $0x30000, s6;
	[dreg:$0x8] =	wrdreg s23  }
0x9: {  	s2 =	sshll.u32 s2, $0x1;
	s25 =	sadd.s32 $0x40000, s6;
	[dreg:$0x9] =	wrdreg s24  }
0xa: {  	s26 =	sadd.s32 $0x50000, s6;
	s29 =	sadd.s32 $0x60000, s6;
	[dreg:$0xa] =	wrdreg s25  }
0xb: {  	s18 =	ssub.s32 $0x2, s1;
	s1 =	sor.u32 s1, s2;
	[dreg:$0xb] =	wrdreg s26  }
0xc: {  	s30 =	sadd.s32 $0x70000, s6;
	[dreg:$0xc] =	wrdreg s29;
	s4 =	smul.u32 $0x3200, s1  }
0xd: {  	s31 =	sadd.s32 $0x100, s5;
	[dreg:$0xd] =	wrdreg s30;
	s1 =	smul.u32 $0x320, s1  }
0xe: {  	[dreg:$0xe] =	wrdreg s31;
	s2 =	simm.s32 $0x0;
	s19 =	sshrl.u32 s18, $0x1  }
0xf: {  	s20 =	ssub.s32 s18, s19;
	[dreg:$0x5] =	wrdreg s1;
	s21 =	sadd.s32 s5, s4  }
0x10: {  	v0 =	vlaneseq.u32;
	s19 =	simm.s32 $0x800;
	s0 =	smax.u32 s20, $0x1;
	[dreg:$0x6] =	wrdreg s21  }
0x11: {  	v0 =	vmul.u32 $0x20, v0;
	s5 =	simm.s32 $0x400;
	s1 =	simm.s32 $0x1;
	[dreg:$0xf] =	wrdreg s0  }
.LBB2_1:
0x12: {  	[dreg:$0x10] =	wrdreg s2  }
0x13: {  	s0 =	simm.s32 $0x0;
	s31 =	rddreg [dreg:$0x6]  }
0x14: {  	[tilespmem:s0], [sflag:$0x3] =	stream.linear.gather [hbm4b:s31+s0], $0x400, $0x38;
	[tilespmem:$0x18800] =	vst v63  }
0x15: {  	_ =	swait.ge [sflag:s17], $0x400  }
0x16: {  	[sflag:s17] =	ssyncset.done $0x0  }
0x17: {  	s0 =	simm.s32 $0x0;
	[sflag:s17] =	ssyncadd.s32 $0xFFFFFC00  }
0x18: {  	v1 =	vld [tilespmem:s0+$0x0]  }
0x19: {  	v6 =	vld [tilespmem:s0+$0x10]  }
0x1a: {  	v5 =	vld [tilespmem:s0+$0x20]  }
0x1b: {  	v4 =	vld [tilespmem:s0+$0x30]  }
0x1c: {  	v3 =	vld [tilespmem:s0+$0x40]  }
0x1d: {  	v2 =	vld [tilespmem:s0+$0x50];
	vm0 =	vgt.s32 v1, $0x0  }
0x1e: {  	s2 =	simm.s32 $0x200;
	v7 =	vnsel vm0, $0x0, v1;
	vm0 =	vgt.s32 v6, $0x0;
	v1 =	vld [tilespmem:s0+$0x60]  }
.LBB2_2:
0x1f: {  	p0 =	sne.s32 s2, $0xE00;
	v7 =	vmin.u32 v7, $0xF423F;
	v6 =	vnsel vm0, $0x0, v6;
	vm0 =	vgt.s32 v5, $0x0;
	v8 =	vld [tilespmem:s0+$0x70]  }
0x20: {  	s3 =	sshra.s32 s2, $0x2;
	[tilespmem:s0+$0x0] =	vst v7;
	v6 =	vmin.u32 v6, $0xF423F;
	v5 =	vnsel vm0, $0x0, v5;
	vm0 =	vgt.s32 v4, $0x0  }
0x21: {  	v7 =	vld [tilespmem:s3+$0x0];
	[tilespmem:s0+$0x10] =	vst v6;
	v5 =	vmin.u32 v5, $0xF423F;
	v4 =	vnsel vm0, $0x0, v4;
	vm0 =	vgt.s32 v3, $0x0  }
0x22: {  	v6 =	vld [tilespmem:s3+$0x10];
	[tilespmem:s0+$0x20] =	vst v5;
	v4 =	vmin.u32 v4, $0xF423F;
	v3 =	vnsel vm0, $0x0, v3;
	vm0 =	vgt.s32 v2, $0x0  }
.Ltmp0:
0x23: {  	v5 =	vld [tilespmem:s3+$0x20];
	[tilespmem:s0+$0x30] =	vst v4;
	v3 =	vmin.u32 v3, $0xF423F;
	v2 =	vnsel vm0, $0x0, v2;
	vm0 =	vgt.s32 v1, $0x0;
	(pc) =	sbr.rel @p0 .LBB2_2-.Ltmp0, $4  }
0x24: {  	v4 =	vld [tilespmem:s3+$0x30];
	[tilespmem:s0+$0x40] =	vst v3;
	v2 =	vmin.u32 v2, $0xF423F;
	v1 =	vnsel vm0, $0x0, v1;
	vm0 =	vgt.s32 v8, $0x0  }
0x25: {  	v3 =	vld [tilespmem:s3+$0x40];
	[tilespmem:s0+$0x50] =	vst v2;
	v1 =	vmin.u32 v1, $0xF423F;
	v8 =	vnsel vm0, $0x0, v8  }
0x26: {  	vm0 =	vgt.s32 v7, $0x0;
	v2 =	vld [tilespmem:s3+$0x50];
	[tilespmem:s0+$0x60] =	vst v1;
	v8 =	vmin.u32 v8, $0xF423F  }
0x27: {  	s2 =	sadd.s32 $0x200, s2;
	v7 =	vnsel vm0, $0x0, v7;
	vm0 =	vgt.s32 v6, $0x0;
	v1 =	vld [tilespmem:s3+$0x60];
	[tilespmem:s0+$0x70] =	vst v8;
	s0 =	smov.u32 s3  }
0x28: {  	v7 =	vmin.u32 v7, $0xF423F;
	v6 =	vnsel vm0, $0x0, v6;
	vm10 =	vgt.s32 v5, $0x0;
	v8 =	vld [tilespmem:s0+$0x70]  }
0x29: {  	[tilespmem:s0+$0x0] =	vst v7;
	v6 =	vmin.u32 v6, $0xF423F;
	v5 =	vnsel vm10, $0x0, v5;
	vm11 =	vgt.s32 v4, $0x0  }
0x2a: {  	[tilespmem:s0+$0x10] =	vst v6;
	v5 =	vmin.u32 v5, $0xF423F;
	v4 =	vnsel vm11, $0x0, v4;
	vm12 =	vgt.s32 v3, $0x0  }
0x2b: {  	[tilespmem:s0+$0x20] =	vst v5;
	v4 =	vmin.u32 v4, $0xF423F;
	v3 =	vnsel vm12, $0x0, v3;
	vm13 =	vgt.s32 v2, $0x0  }
0x2c: {  	[tilespmem:s0+$0x30] =	vst v4;
	v3 =	vmin.u32 v3, $0xF423F;
	v2 =	vnsel vm13, $0x0, v2;
	vm14 =	vgt.s32 v1, $0x0  }
0x2d: {  	[tilespmem:s0+$0x40] =	vst v3;
	v2 =	vmin.u32 v2, $0xF423F;
	v1 =	vnsel vm14, $0x0, v1;
	vm15 =	vgt.s32 v8, $0x0  }
0x2e: {  	[tilespmem:s0+$0x50] =	vst v2;
	v1 =	vmin.u32 v1, $0xF423F;
	v2 =	vnsel vm15, $0x0, v8  }
0x2f: {  	[tilespmem:s0+$0x60] =	vst v1;
	v1 =	vmin.u32 v2, $0xF423F  }
0x30: {  	s3 =	simm.s32 $0x0;
	s14 =	rddreg [dreg:$0x4];
	s2 =	simm.s32 $0x80;
	[tilespmem:s0+$0x70] =	vst v1  }
0x31: {  	[tilespmem:s19], [sflag:$0x1] =	stream.indirect.gather [hbm4b:s14+s2], $0x20, s3, s2, $0xb8;
	[tilespmem:$0x18800] =	vst v63  }
0x32: {  	s15 =	simm.s32 $0x1800  }
0x33: {  	[tilespmem:s15], [sflag:$0x1] =	stream.indirect.gather [hbm4b:s14+s2], $0x20, s2, s2, $0xb8;
	[tilespmem:$0x18800] =	vst v63  }
0x34: {  	s18 =	simm.s32 $0x100;
	s4 =	simm.s32 $0x2800  }
0x35: {  	[tilespmem:s4], [sflag:$0x1] =	stream.indirect.gather [hbm4b:s14+s2], $0x20, s18, s2, $0xb8;
	[tilespmem:$0x18800] =	vst v63  }
0x36: {  	s20 =	simm.s32 $0x180;
	s21 =	simm.s32 $0x3800  }
0x37: {  	[tilespmem:s21], [sflag:$0x1] =	stream.indirect.gather [hbm4b:s14+s2], $0x20, s20, s2, $0xb8;
	[tilespmem:$0x18800] =	vst v63  }
0x38: {  	s22 =	simm.s32 $0x200;
	s23 =	simm.s32 $0x4800  }
0x39: {  	[tilespmem:s23], [sflag:$0x1] =	stream.indirect.gather [hbm4b:s14+s2], $0x20, s22, s2, $0xb8;
	[tilespmem:$0x18800] =	vst v63  }
0x3a: {  	s24 =	simm.s32 $0x280;
	s25 =	simm.s32 $0x5800  }
0x3b: {  	[tilespmem:s25], [sflag:$0x1] =	stream.indirect.gather [hbm4b:s14+s2], $0x20, s24, s2, $0xb8;
	[tilespmem:$0x18800] =	vst v63  }
0x3c: {  	s26 =	simm.s32 $0x300;
	s29 =	simm.s32 $0x6800  }
0x3d: {  	[tilespmem:s29], [sflag:$0x1] =	stream.indirect.gather [hbm4b:s14+s2], $0x20, s26, s2, $0xb8;
	[tilespmem:$0x18800] =	vst v63  }
0x3e: {  	s30 =	simm.s32 $0x380;
	s31 =	simm.s32 $0x7800;
	s0 =	simm.s32 $0x0  }
0x3f: {  	[tilespmem:s31], [sflag:$0x1] =	stream.indirect.gather [hbm4b:s14+s2], $0x20, s30, s2, $0xb8;
	[tilespmem:$0x18800] =	vst v63  }
.LBB2_4:
0x40: {  	s26 =	sshll.u32 s0, $0x4;
	s2 =	rddreg [dreg:$0x5]  }
0x41: {  	[dreg:$0x11] =	wrdreg s0;
	s0 =	sadd.s32 s2, s26  }
0x42: {  	[dreg:$0x13] =	wrdreg s0;
	s0 =	sor.u32 $0x8, s0  }
0x43: {  	s29 =	sshll.u32 s0, $0x4  }
0x44: {  	s30 =	rddreg [dreg:$0x0];
	s2 =	sand.u32 $0x1FFFFF80, s29  }
0x45: {  	s31 =	simm.s32 $0x0;
	[dreg:$0x12] =	wrdreg s0;
	s2 =	sadd.s32 s30, s2  }
0x46: {  	[tilespmem:s5], [sflag:$0x3] =	stream.linear.gather [hbm4b:s2+s31], $0x400, $0x38;
	[tilespmem:$0x18800] =	vst v63  }
0x47: {  	_ =	swait.ge [sflag:s17], $0x400  }
0x48: {  	[sflag:s17] =	ssyncset.done $0x0  }
0x49: {  	s2 =	simm.s32 $0x0;
	[sflag:s17] =	ssyncadd.s32 $0xFFFFFC00  }
0x4a: {  	v1 =	vld [tilespmem:s2+$0x400]  }
0x4b: {  	v6 =	vld [tilespmem:s2+$0x410]  }
0x4c: {  	v5 =	vld [tilespmem:s2+$0x420]  }
0x4d: {  	v4 =	vld [tilespmem:s2+$0x430]  }
0x4e: {  	v3 =	vld [tilespmem:s2+$0x440]  }
0x4f: {  	v2 =	vld [tilespmem:s2+$0x450];
	vm0 =	vgt.s32 v1, $0x0  }
0x50: {  	s3 =	simm.s32 $0x200;
	v7 =	vnsel vm0, $0x0, v1;
	vm0 =	vgt.s32 v6, $0x0;
	v1 =	vld [tilespmem:s2+$0x460]  }
.LBB2_5:
0x51: {  	p0 =	sne.s32 s3, $0xE00;
	v7 =	vmin.u32 v7, $0xF423F;
	v6 =	vnsel vm0, $0x0, v6;
	vm0 =	vgt.s32 v5, $0x0;
	v8 =	vld [tilespmem:s2+$0x470]  }
0x52: {  	s4 =	sshra.s32 s3, $0x2;
	[tilespmem:s2+$0x400] =	vst v7;
	v6 =	vmin.u32 v6, $0xF423F;
	v5 =	vnsel vm0, $0x0, v5;
	vm0 =	vgt.s32 v4, $0x0  }
0x53: {  	v7 =	vld [tilespmem:s4+$0x400];
	[tilespmem:s2+$0x410] =	vst v6;
	v5 =	vmin.u32 v5, $0xF423F;
	v4 =	vnsel vm0, $0x0, v4;
	vm0 =	vgt.s32 v3, $0x0  }
0x54: {  	v6 =	vld [tilespmem:s4+$0x410];
	[tilespmem:s2+$0x420] =	vst v5;
	v4 =	vmin.u32 v4, $0xF423F;
	v3 =	vnsel vm0, $0x0, v3;
	vm0 =	vgt.s32 v2, $0x0  }
.Ltmp1:
0x55: {  	v5 =	vld [tilespmem:s4+$0x420];
	[tilespmem:s2+$0x430] =	vst v4;
	v3 =	vmin.u32 v3, $0xF423F;
	v2 =	vnsel vm0, $0x0, v2;
	vm0 =	vgt.s32 v1, $0x0;
	(pc) =	sbr.rel @p0 .LBB2_5-.Ltmp1, $4  }
0x56: {  	v4 =	vld [tilespmem:s4+$0x430];
	[tilespmem:s2+$0x440] =	vst v3;
	v2 =	vmin.u32 v2, $0xF423F;
	v1 =	vnsel vm0, $0x0, v1;
	vm0 =	vgt.s32 v8, $0x0  }
0x57: {  	v3 =	vld [tilespmem:s4+$0x440];
	[tilespmem:s2+$0x450] =	vst v2;
	v1 =	vmin.u32 v1, $0xF423F;
	v8 =	vnsel vm0, $0x0, v8  }
0x58: {  	vm0 =	vgt.s32 v7, $0x0;
	v2 =	vld [tilespmem:s4+$0x450];
	[tilespmem:s2+$0x460] =	vst v1;
	v8 =	vmin.u32 v8, $0xF423F  }
0x59: {  	s3 =	sadd.s32 $0x200, s3;
	v7 =	vnsel vm0, $0x0, v7;
	vm0 =	vgt.s32 v6, $0x0;
	v1 =	vld [tilespmem:s4+$0x460];
	[tilespmem:s2+$0x470] =	vst v8;
	s2 =	smov.u32 s4  }
0x5a: {  	v7 =	vmin.u32 v7, $0xF423F;
	v6 =	vnsel vm0, $0x0, v6;
	vm10 =	vgt.s32 v5, $0x0;
	v8 =	vld [tilespmem:s2+$0x470]  }
0x5b: {  	[tilespmem:s2+$0x400] =	vst v7;
	v6 =	vmin.u32 v6, $0xF423F;
	v5 =	vnsel vm10, $0x0, v5;
	vm11 =	vgt.s32 v4, $0x0  }
0x5c: {  	[tilespmem:s2+$0x410] =	vst v6;
	v5 =	vmin.u32 v5, $0xF423F;
	v4 =	vnsel vm11, $0x0, v4;
	vm12 =	vgt.s32 v3, $0x0  }
0x5d: {  	[tilespmem:s2+$0x420] =	vst v5;
	v4 =	vmin.u32 v4, $0xF423F;
	v3 =	vnsel vm12, $0x0, v3;
	vm13 =	vgt.s32 v2, $0x0  }
0x5e: {  	[tilespmem:s2+$0x430] =	vst v4;
	v3 =	vmin.u32 v3, $0xF423F;
	v2 =	vnsel vm13, $0x0, v2;
	vm14 =	vgt.s32 v1, $0x0  }
0x5f: {  	[tilespmem:s2+$0x440] =	vst v3;
	v2 =	vmin.u32 v2, $0xF423F;
	v1 =	vnsel vm14, $0x0, v1;
	vm15 =	vgt.s32 v8, $0x0  }
0x60: {  	[tilespmem:s2+$0x450] =	vst v2;
	v1 =	vmin.u32 v1, $0xF423F;
	v2 =	vnsel vm15, $0x0, v8  }
0x61: {  	[tilespmem:s2+$0x460] =	vst v1;
	v1 =	vmin.u32 v2, $0xF423F  }
0x62: {  	s0 =	rddreg [dreg:$0x4];
	s9 =	simm.s32 $0x80;
	[tilespmem:s2+$0x470] =	vst v1  }
0x63: {  	[tilespmem:s16], [sflag:$0x2] =	stream.indirect.gather [hbm4b:s0+s9], $0x20, s5, s9, $0xb8;
	[tilespmem:$0x18800] =	vst v63  }
0x64: {  	s3 =	simm.s32 $0x480;
	s4 =	simm.s32 $0x9800  }
0x65: {  	[tilespmem:s4], [sflag:$0x2] =	stream.indirect.gather [hbm4b:s0+s9], $0x20, s3, s9, $0xb8;
	[tilespmem:$0x18800] =	vst v63  }
0x66: {  	s10 =	simm.s32 $0x500;
	s11 =	simm.s32 $0xA800  }
0x67: {  	[tilespmem:s11], [sflag:$0x2] =	stream.indirect.gather [hbm4b:s0+s9], $0x20, s10, s9, $0xb8;
	[tilespmem:$0x18800] =	vst v63  }
0x68: {  	s12 =	simm.s32 $0x580;
	s13 =	simm.s32 $0xB800  }
0x69: {  	[tilespmem:s13], [sflag:$0x2] =	stream.indirect.gather [hbm4b:s0+s9], $0x20, s12, s9, $0xb8;
	[tilespmem:$0x18800] =	vst v63  }
0x6a: {  	s14 =	simm.s32 $0x600;
	s15 =	simm.s32 $0xC800  }
0x6b: {  	[tilespmem:s15], [sflag:$0x2] =	stream.indirect.gather [hbm4b:s0+s9], $0x20, s14, s9, $0xb8;
	[tilespmem:$0x18800] =	vst v63  }
0x6c: {  	s18 =	simm.s32 $0x680;
	s20 =	simm.s32 $0xD800  }
0x6d: {  	[tilespmem:s20], [sflag:$0x2] =	stream.indirect.gather [hbm4b:s0+s9], $0x20, s18, s9, $0xb8;
	[tilespmem:$0x18800] =	vst v63  }
0x6e: {  	s21 =	simm.s32 $0x700;
	s22 =	simm.s32 $0xE800  }
0x6f: {  	[tilespmem:s22], [sflag:$0x2] =	stream.indirect.gather [hbm4b:s0+s9], $0x20, s21, s9, $0xb8;
	[tilespmem:$0x18800] =	vst v63  }
0x70: {  	s23 =	simm.s32 $0x780;
	s24 =	simm.s32 $0xF800  }
0x71: {  	[tilespmem:s24], [sflag:$0x2] =	stream.indirect.gather [hbm4b:s0+s9], $0x20, s23, s9, $0xb8;
	[tilespmem:$0x18800] =	vst v63  }
0x72: {  	_ =	swait.ge [sflag:s1], $0x1000  }
0x73: {  	[sflag:s1] =	ssyncset.done $0x0  }
0x74: {  	[sflag:s1] =	ssyncadd.s32 $0xFFFFF000  }
0x75: {  	_ =	swait.ge [sflag:s1], $0x1000  }
0x76: {  	[sflag:s1] =	ssyncset.done $0x0  }
0x77: {  	[sflag:s1] =	ssyncadd.s32 $0xFFFFF000  }
0x78: {  	_ =	swait.ge [sflag:s1], $0x1000  }
0x79: {  	[sflag:s1] =	ssyncset.done $0x0  }
0x7a: {  	[sflag:s1] =	ssyncadd.s32 $0xFFFFF000  }
0x7b: {  	_ =	swait.ge [sflag:s1], $0x1000  }
0x7c: {  	[sflag:s1] =	ssyncset.done $0x0  }
0x7d: {  	[sflag:s1] =	ssyncadd.s32 $0xFFFFF000  }
0x7e: {  	_ =	swait.ge [sflag:s1], $0x1000  }
0x7f: {  	[sflag:s1] =	ssyncset.done $0x0  }
0x80: {  	s25 =	simm.s32 $0x0;
	[sflag:s1] =	ssyncadd.s32 $0xFFFFF000  }
0x81: {  	s21 =	sand.u32 $0xFFFFFF80, s25;
	_ =	swait.ge [sflag:s1], $0x1000  }
0x82: {  	v1 =	vmov s21;
	[sflag:s1] =	ssyncset.done $0x0  }
0x83: {  	s26 =	simm.s32 $0x3;
	s30 =	simm.s32 $0x0;
	v1 =	vshll.u32 v1, $0x5;
	[sflag:s1] =	ssyncadd.s32 $0xFFFFF000  }
0x84: {  	s31 =	simm.s32 $0x1;
	s10 =	sand.u32 $0x1F, s26;
	v1 =	vor.u32 v0, v1;
	_ =	swait.ge [sflag:s1], $0x1000  }
0x85: {  	s8 =	sand.u32 $0x1C, s30;
	s4 =	simm.s32 $0x2;
	v2 =	vor.u32 s10, v1;
	[sflag:s1] =	ssyncset.done $0x0  }
0x86: {  	s11 =	sand.u32 $0x1D, s31;
	s22 =	sand.u32 $0x1E, s4;
	v3 =	vor.u32 s8, v1;
	[sflag:s1] =	ssyncadd.s32 $0xFFFFF000  }
0x87: {  	s0 =	sor.u32 $0x10, s21;
	v5 =	vor.u32 s11, v1;
	v1 =	vor.u32 s22, v1;
	_ =	swait.ge [sflag:s1], $0x1000  }
0x88: {  	v4 =	vmov s0;
	[sflag:s1] =	ssyncset.done $0x0  }
0x89: {  	v4 =	vshll.u32 v4, $0x5;
	[sflag:s1] =	ssyncadd.s32 $0xFFFFF000  }
0x8a: {  	s6 =	simm.s32 $0x0;
	s5 =	simm.s32 $0x0;
	v4 =	vor.u32 v0, v4;
	v2 =	vld.idx.msk [tilespmem:v2+s19+$0x0], $0xffff  }
0x8b: {  	s7 =	sand.u32 $0xC00, s5;
	s3 =	sand.u32 $0x3FFFF000, s6;
	v6 =	vor.u32 s10, v4;
	v3 =	vld.idx.msk [tilespmem:v3+s19+$0x0], $0xffff  }
0x8c: {  	s6 =	simm.s32 $0x180;
	s3 =	sor.u32 s7, s3;
	v7 =	vor.u32 s8, v4;
	v1 =	vld.idx.msk [tilespmem:v1+s19+$0x0], $0xffff  }
0x8d: {  	s6 =	sand.u32 $0x380, s6;
	s3 =	sadd.s32 $0x10800, s3;
	s9 =	sor.u32 $0x20, s21;
	v9 =	vor.u32 s11, v4;
	v4 =	vor.u32 s22, v4;
	v5 =	vld.idx.msk [tilespmem:v5+s19+$0x0], $0xffff  }
0x8e: {  	s2 =	sor.u32 s6, s3;
	s12 =	sand.u32 $0x200, s5;
	s14 =	simm.s32 $0x100;
	v8 =	vmov s9  }
0x8f: {  	s13 =	simm.s32 $0x80;
	s12 =	sor.u32 s12, s3;
	s15 =	sand.u32 $0x300, s14;
	[tilespmem:s2+$0x0] =	vst v2;
	v2 =	vshll.u32 v8, $0x5  }
0x90: {  	s4 =	sand.u32 $0x280, s13;
	s25 =	sor.u32 s15, s3;
	[tilespmem:s12+$0x0] =	vst v3;
	v3 =	vld.idx.msk [tilespmem:v6+s19+$0x0], $0xffff;
	v2 =	vor.u32 v0, v2  }
0x91: {  	s18 =	sor.u32 $0x30, s21;
	s9 =	sor.u32 s4, s3;
	[tilespmem:s25+$0x0] =	vst v1;
	v6 =	vld.idx.msk [tilespmem:v7+s19+$0x0], $0xffff;
	v7 =	vor.u32 s10, v2  }
0x92: {  	[tilespmem:s9+$0x0] =	vst v5;
	v5 =	vmov s18;
	v4 =	vld.idx.msk [tilespmem:v4+s19+$0x0], $0xffff;
	v8 =	vor.u32 s8, v2  }
0x93: {  	v9 =	vld.idx.msk [tilespmem:v9+s19+$0x0], $0xffff;
	v1 =	vshll.u32 v5, $0x5;
	v5 =	vor.u32 s11, v2;
	v2 =	vor.u32 s22, v2;
	_ =	sdelay $0x1  }
0x94: {  	[tilespmem:s2+$0x10] =	vst v3  }
0x95: {  	v1 =	vor.u32 v0, v1;
	[tilespmem:s12+$0x10] =	vst v6;
	v3 =	vld.idx.msk [tilespmem:v7+s19+$0x0], $0xffff  }
0x96: {  	s20 =	sor.u32 $0x40, s21;
	[tilespmem:s25+$0x10] =	vst v4;
	v6 =	vld.idx.msk [tilespmem:v8+s19+$0x0], $0xffff;
	v7 =	vor.u32 s10, v1  }
0x97: {  	[tilespmem:s9+$0x10] =	vst v9;
	v9 =	vmov s20;
	v8 =	vor.u32 s8, v1;
	v2 =	vld.idx.msk [tilespmem:v2+s19+$0x0], $0xffff  }
0x98: {  	v4 =	vld.idx.msk [tilespmem:v5+s19+$0x0], $0xffff;
	v5 =	vshll.u32 v9, $0x5;
	v9 =	vor.u32 s11, v1;
	v1 =	vor.u32 s22, v1;
	_ =	sdelay $0x1  }
0x99: {  	[tilespmem:s2+$0x20] =	vst v3  }
0x9a: {  	s23 =	simm.s32 $0x10;
	[tilespmem:s12+$0x20] =	vst v6;
	v3 =	vor.u32 v0, v5;
	v5 =	vld.idx.msk [tilespmem:v7+s19+$0x0], $0xffff  }
0x9b: {  	s26 =	sand.u32 $0xFFFFFF80, s23;
	[tilespmem:s25+$0x20] =	vst v2;
	v7 =	vld.idx.msk [tilespmem:v8+s19+$0x0], $0xffff;
	v8 =	vor.u32 s10, v3  }
0x9c: {  	v6 =	vmov s26;
	[tilespmem:s9+$0x20] =	vst v4;
	v10 =	vor.u32 s8, v3;
	v1 =	vld.idx.msk [tilespmem:v1+s19+$0x0], $0xffff  }
0x9d: {  	s24 =	simm.s32 $0x4;
	v6 =	vshll.u32 v6, $0x5;
	v9 =	vld.idx.msk [tilespmem:v9+s19+$0x0], $0xffff;
	v12 =	vor.u32 s22, v3  }
0x9e: {  	s31 =	simm.s32 $0x7;
	s14 =	sand.u32 $0x1C, s24;
	v3 =	vor.u32 s11, v3;
	v6 =	vor.u32 v0, v6  }
0x9f: {  	s30 =	simm.s32 $0x5;
	s31 =	sand.u32 $0x1F, s31;
	s0 =	sor.u32 $0x50, s21;
	v4 =	vor.u32 s14, v6;
	[tilespmem:s2+$0x30] =	vst v5  }
0xa0: {  	s5 =	simm.s32 $0x6;
	s13 =	sand.u32 $0x1D, s30;
	v11 =	vmov s0;
	v5 =	vor.u32 s31, v6;
	[tilespmem:s12+$0x30] =	vst v7;
	v7 =	vld.idx.msk [tilespmem:v8+s19+$0x0], $0xffff  }
0xa1: {  	s7 =	sor.u32 $0x10, s26;
	v11 =	vshll.u32 v11, $0x5;
	s20 =	sand.u32 $0x1E, s5;
	v2 =	vor.u32 s13, v6;
	[tilespmem:s25+$0x30] =	vst v1;
	v10 =	vld.idx.msk [tilespmem:v10+s19+$0x0], $0xffff  }
0xa2: {  	v6 =	vor.u32 s20, v6;
	[tilespmem:s9+$0x30] =	vst v9;
	v8 =	vor.u32 v0, v11;
	v11 =	vmov s7;
	v12 =	vld.idx.msk [tilespmem:v12+s19+$0x0], $0xffff  }
0xa3: {  	v3 =	vld.idx.msk [tilespmem:v3+s19+$0x0], $0xffff;
	v11 =	vshll.u32 v11, $0x5;
	v13 =	vor.u32 s10, v8  }
0xa4: {  	s15 =	simm.s32 $0x200;
	s23 =	simm.s32 $0x200;
	v4 =	vld.idx.msk [tilespmem:v4+s19+$0x0], $0xffff;
	v14 =	vor.u32 s8, v8;
	v11 =	vor.u32 v0, v11  }
0xa5: {  	s24 =	sand.u32 $0xC00, s15;
	s4 =	sand.u32 $0x3FFFF000, s23;
	v15 =	vor.u32 s14, v11;
	v5 =	vld.idx.msk [tilespmem:v5+s19+$0x0], $0xffff  }
0xa6: {  	s3 =	sand.u32 $0x200, s15;
	s23 =	simm.s32 $0x380;
	s4 =	sor.u32 s24, s4;
	v2 =	vld.idx.msk [tilespmem:v2+s19+$0x0], $0xffff;
	v9 =	vor.u32 s31, v11;
	[tilespmem:s2+$0x40] =	vst v7  }
0xa7: {  	s30 =	sor.u32 $0x20, s26;
	s4 =	sadd.s32 $0x10800, s4;
	s18 =	sor.u32 $0x60, s21;
	v16 =	vor.u32 s13, v11;
	v1 =	vld.idx.msk [tilespmem:v6+s19+$0x0], $0xffff;
	[tilespmem:s12+$0x40] =	vst v10  }
0xa8: {  	s0 =	simm.s32 $0x280;
	s23 =	sand.u32 $0x380, s23;
	s3 =	sor.u32 s3, s4;
	v6 =	vmov s18;
	v7 =	vor.u32 s20, v11;
	[tilespmem:s25+$0x40] =	vst v12;
	v10 =	vld.idx.msk [tilespmem:v13+s19+$0x0], $0xffff  }
0xa9: {  	s29 =	sor.u32 s23, s4;
	s5 =	sand.u32 $0x280, s0;
	s7 =	simm.s32 $0x300;
	v6 =	vshll.u32 v6, $0x5;
	v11 =	vmov s30;
	[tilespmem:s3+$0x0] =	vst v4;
	v4 =	vld.idx.msk [tilespmem:v14+s19+$0x0], $0xffff  }
0xaa: {  	s6 =	sor.u32 s5, s4;
	s18 =	sand.u32 $0x300, s7;
	v13 =	vor.u32 s22, v8;
	v6 =	vor.u32 v0, v6;
	v14 =	vld.idx.msk [tilespmem:v15+s19+$0x0], $0xffff;
	[tilespmem:s29+$0x0] =	vst v5;
	v5 =	vshll.u32 v11, $0x5  }
0xab: {  	s4 =	sor.u32 s18, s4;
	[tilespmem:s6+$0x0] =	vst v2;
	v15 =	vor.u32 s10, v6;
	v2 =	vld.idx.msk [tilespmem:v9+s19+$0x0], $0xffff;
	v5 =	vor.u32 v0, v5  }
0xac: {  	[tilespmem:s4+$0x0] =	vst v1;
	v9 =	vld.idx.msk [tilespmem:v16+s19+$0x0], $0xffff;
	v1 =	vor.u32 s31, v5  }
0xad: {  	[tilespmem:s9+$0x40] =	vst v3;
	v7 =	vld.idx.msk [tilespmem:v7+s19+$0x0], $0xffff;
	v11 =	vor.u32 s14, v5  }
0xae: {  	[tilespmem:s2+$0x50] =	vst v10;
	v10 =	vor.u32 s13, v5  }
0xaf: {  	s15 =	sor.u32 $0x30, s26;
	v12 =	vld.idx.msk [tilespmem:v13+s19+$0x0], $0xffff;
	v5 =	vor.u32 s20, v5;
	[tilespmem:s3+$0x10] =	vst v14  }
0xb0: {  	v8 =	vor.u32 s11, v8;
	v13 =	vld.idx.msk [tilespmem:v15+s19+$0x0], $0xffff;
	v14 =	vmov s15;
	[tilespmem:s29+$0x10] =	vst v2  }
0xb1: {  	v15 =	vor.u32 s22, v6;
	v2 =	vshll.u32 v14, $0x5;
	[tilespmem:s6+$0x10] =	vst v9;
	v1 =	vld.idx.msk [tilespmem:v1+s19+$0x0], $0xffff  }
0xb2: {  	v9 =	vor.u32 s8, v6;
	[tilespmem:s4+$0x10] =	vst v7;
	v7 =	vld.idx.msk [tilespmem:v11+s19+$0x0], $0xffff;
	v2 =	vor.u32 v0, v2  }
0xb3: {  	s23 =	sor.u32 $0x70, s21;
	[tilespmem:s12+$0x50] =	vst v4;
	v10 =	vld.idx.msk [tilespmem:v10+s19+$0x0], $0xffff;
	v11 =	vor.u32 s31, v2  }
0xb4: {  	[tilespmem:s25+$0x50] =	vst v12;
	v12 =	vmov s23;
	v5 =	vld.idx.msk [tilespmem:v5+s19+$0x0], $0xffff;
	v3 =	vor.u32 s13, v2  }
0xb5: {  	s30 =	simm.s32 $0x20;
	v4 =	vld.idx.msk [tilespmem:v8+s19+$0x0], $0xffff;
	v12 =	vshll.u32 v12, $0x5;
	[tilespmem:s2+$0x60] =	vst v13;
	v13 =	vor.u32 s14, v2  }
0xb6: {  	s18 =	sand.u32 $0xFFFFFF80, s30;
	v14 =	vld.idx.msk [tilespmem:v15+s19+$0x0], $0xffff;
	v12 =	vor.u32 v0, v12;
	v2 =	vor.u32 s20, v2;
	[tilespmem:s29+$0x20] =	vst v1  }
0xb7: {  	s24 =	sor.u32 $0x40, s26;
	v15 =	vmov s18;
	v1 =	vld.idx.msk [tilespmem:v9+s19+$0x0], $0xffff;
	v9 =	vor.u32 s22, v12;
	[tilespmem:s3+$0x20] =	vst v7  }
0xb8: {  	s5 =	simm.s32 $0xA;
	v8 =	vmov s24;
	v6 =	vor.u32 s11, v6;
	v15 =	vshll.u32 v15, $0x5;
	[tilespmem:s6+$0x20] =	vst v10;
	v7 =	vld.idx.msk [tilespmem:v11+s19+$0x0], $0xffff  }
0xb9: {  	s21 =	sand.u32 $0x1E, s5;
	v8 =	vshll.u32 v8, $0x5;
	[tilespmem:s4+$0x20] =	vst v5;
	v5 =	vor.u32 v0, v15;
	v11 =	vor.u32 s8, v12;
	v3 =	vld.idx.msk [tilespmem:v3+s19+$0x0], $0xffff  }
0xba: {  	v8 =	vor.u32 v0, v8;
	v16 =	vor.u32 s21, v5;
	v13 =	vld.idx.msk [tilespmem:v13+s19+$0x0], $0xffff  }
0xbb: {  	v10 =	vor.u32 s31, v8;
	s8 =	simm.s32 $0x8;
	v2 =	vld.idx.msk [tilespmem:v2+s19+$0x0], $0xffff;
	[tilespmem:s25+$0x60] =	vst v14  }
0xbc: {  	s0 =	simm.s32 $0x9;
	[tilespmem:s9+$0x50] =	vst v4;
	v15 =	vor.u32 s14, v8;
	s22 =	sand.u32 $0x1C, s8;
	v4 =	vld.idx.msk [tilespmem:v9+s19+$0x0], $0xffff  }
0xbd: {  	s24 =	sor.u32 $0x50, s26;
	s15 =	simm.s32 $0xB;
	s23 =	sand.u32 $0x1D, s0;
	v14 =	vor.u32 s22, v5;
	[tilespmem:s12+$0x60] =	vst v1;
	v1 =	vld.idx.msk [tilespmem:v6+s19+$0x0], $0xffff  }
0xbe: {  	v9 =	vor.u32 s23, v5;
	v6 =	vmov s24;
	s24 =	sand.u32 $0x1F, s15;
	[tilespmem:s29+$0x30] =	vst v7;
	v7 =	vld.idx.msk [tilespmem:v11+s19+$0x0], $0xffff  }
0xbf: {  	v5 =	vor.u32 s24, v5;
	[tilespmem:s6+$0x30] =	vst v3;
	v16 =	vld.idx.msk [tilespmem:v16+s19+$0x0], $0xffff  }
0xc0: {  	s7 =	sor.u32 $0x10, s18;
	v6 =	vshll.u32 v6, $0x5;
	v3 =	vor.u32 s20, v8;
	[tilespmem:s3+$0x30] =	vst v13;
	v10 =	vld.idx.msk [tilespmem:v10+s19+$0x0], $0xffff  }
0xc1: {  	v8 =	vor.u32 s13, v8;
	v11 =	vor.u32 v0, v6;
	v6 =	vmov s7;
	[tilespmem:s4+$0x30] =	vst v2;
	v13 =	vld.idx.msk [tilespmem:v15+s19+$0x0], $0xffff  }
0xc2: {  	s30 =	simm.s32 $0x400;
	s7 =	simm.s32 $0x400;
	v6 =	vshll.u32 v6, $0x5;
	v14 =	vld.idx.msk [tilespmem:v14+s19+$0x0], $0xffff;
	v2 =	vor.u32 s31, v11;
	[tilespmem:s25+$0x70] =	vst v4  }
0xc3: {  	s0 =	sand.u32 $0xC00, s30;
	v15 =	vor.u32 s14, v11;
	s7 =	sand.u32 $0x3FFFF000, s7;
	v6 =	vor.u32 v0, v6;
	v9 =	vld.idx.msk [tilespmem:v9+s19+$0x0], $0xffff;
	[tilespmem:s9+$0x60] =	vst v1  }
0xc4: {  	s5 =	sor.u32 $0x60, s26;
	s15 =	sand.u32 $0x200, s30;
	s7 =	sor.u32 s0, s7;
	v4 =	vor.u32 s22, v6;
	v5 =	vld.idx.msk [tilespmem:v5+s19+$0x0], $0xffff;
	[tilespmem:s12+$0x70] =	vst v7  }
0xc5: {  	s0 =	sor.u32 $0x70, s26;
	v1 =	vor.u32 s23, v6;
	s7 =	sadd.s32 $0x10800, s7;
	s25 =	simm.s32 $0x480;
	v3 =	vld.idx.msk [tilespmem:v3+s19+$0x0], $0xffff;
	[tilespmem:s29+$0x40] =	vst v10  }
0xc6: {  	v17 =	vor.u32 s21, v6;
	v7 =	vmov s5;
	s26 =	sor.u32 s15, s7;
	s30 =	sand.u32 $0x280, s25;
	s5 =	simm.s32 $0x500;
	v28 =	vld.idx.msk [tilespmem:v8+s19+$0x0], $0xffff;
	[tilespmem:s3+$0x40] =	vst v13  }
0xc7: {  	v10 =	vor.u32 s24, v6;
	v6 =	vmov s0;
	s0 =	simm.s32 $0x580;
	s25 =	sor.u32 s30, s7;
	s30 =	sand.u32 $0x300, s5;
	v2 =	vld.idx.msk [tilespmem:v2+s19+$0x0], $0xffff;
	[tilespmem:s26+$0x0] =	vst v14  }
0xc8: {  	s15 =	sor.u32 $0x50, s18;
	v7 =	vshll.u32 v7, $0x5;
	s0 =	sand.u32 $0x380, s0;
	v18 =	vld.idx.msk [tilespmem:v15+s19+$0x0], $0xffff;
	v15 =	vor.u32 s11, v12;
	s11 =	sor.u32 s30, s7;
	[tilespmem:s25+$0x0] =	vst v9  }
0xc9: {  	s5 =	sor.u32 $0x20, s18;
	v21 =	vmov s15;
	v13 =	vor.u32 s20, v11;
	v7 =	vor.u32 v0, v7;
	s12 =	sor.u32 s0, s7;
	v4 =	vld.idx.msk [tilespmem:v4+s19+$0x0], $0xffff;
	[tilespmem:s11+$0x0] =	vst v16  }
0xca: {  	v6 =	vshll.u32 v6, $0x5;
	v14 =	vmov s5;
	v9 =	vor.u32 s31, v7;
	[tilespmem:s12+$0x0] =	vst v5  }
0xcb: {  	v6 =	vor.u32 v0, v6;
	v12 =	vor.u32 s10, v12;
	s10 =	sor.u32 $0x40, s18;
	s30 =	sor.u32 $0x60, s18;
	v16 =	vld.idx.msk [tilespmem:v17+s19+$0x0], $0xffff;
	v5 =	vshll.u32 v14, $0x5;
	[tilespmem:s4+$0x40] =	vst v3  }
0xcc: {  	v20 =	vmov s10;
	v24 =	vmov s30;
	[tilespmem:s6+$0x40] =	vst v28;
	v10 =	vld.idx.msk [tilespmem:v10+s19+$0x0], $0xffff;
	v5 =	vor.u32 v0, v5  }
0xcd: {  	s7 =	sor.u32 $0x30, s18;
	v19 =	vld.idx.msk [tilespmem:v1+s19+$0x0], $0xffff;
	v1 =	vor.u32 s31, v6;
	[tilespmem:s29+$0x50] =	vst v2;
	v23 =	vor.u32 s24, v5  }
0xce: {  	v17 =	vmov s7;
	v22 =	vld.idx.msk [tilespmem:v13+s19+$0x0], $0xffff;
	[tilespmem:s26+$0x10] =	vst v4;
	v4 =	vor.u32 s22, v5  }
0xcf: {  	s31 =	sor.u32 $0x70, s18;
	v3 =	vor.u32 s14, v6;
	v14 =	vor.u32 s14, v7;
	v27 =	vor.u32 s23, v5;
	[tilespmem:s3+$0x50] =	vst v18;
	v25 =	vld.idx.msk [tilespmem:v9+s19+$0x0], $0xffff  }
0xd0: {  	v26 =	vmov s31;
	v29 =	vld.idx.msk [tilespmem:v15+s19+$0x0], $0xffff;
	v5 =	vor.u32 s21, v5;
	[tilespmem:s11+$0x10] =	vst v16  }
0xd1: {  	v2 =	vor.u32 s13, v6;
	v13 =	vor.u32 s13, v11;
	v15 =	vld.idx.msk [tilespmem:v12+s19+$0x0], $0xffff;
	v16 =	vor.u32 s20, v7;
	[tilespmem:s12+$0x10] =	vst v10  }
0xd2: {  	v9 =	vor.u32 s13, v7;
	[tilespmem:s25+$0x10] =	vst v19;
	v19 =	vshll.u32 v17, $0x5;
	v7 =	vshll.u32 v26, $0x5;
	v17 =	vld.idx.msk [tilespmem:v23+s19+$0x0], $0xffff  }
0xd3: {  	v12 =	vshll.u32 v20, $0x5;
	v10 =	vshll.u32 v21, $0x5;
	v11 =	vor.u32 v0, v7;
	[tilespmem:s4+$0x50] =	vst v22;
	v21 =	vld.idx.msk [tilespmem:v4+s19+$0x0], $0xffff  }
0xd4: {  	v7 =	vshll.u32 v24, $0x5;
	v8 =	vor.u32 s22, v11;
	[tilespmem:s29+$0x60] =	vst v25;
	v25 =	vor.u32 v0, v19;
	v19 =	vld.idx.msk [tilespmem:v27+s19+$0x0], $0xffff  }
0xd5: {  	[tilespmem:s9+$0x70] =	vst v29;
	v4 =	vor.u32 s24, v11;
	v23 =	vld.idx.msk [tilespmem:v5+s19+$0x0], $0xffff;
	v5 =	vor.u32 s23, v11;
	v24 =	vor.u32 s24, v25  }
0xd6: {  	s9 =	simm.s32 $0x780;
	v22 =	vor.u32 s22, v25;
	v20 =	vor.u32 s23, v25;
	v18 =	vor.u32 s21, v25;
	v16 =	vld.idx.msk [tilespmem:v16+s19+$0x0], $0xffff  }
.LBB2_7:
0xd7: {  	s0 =	sadd.s32 $0x5, s8;
	[tilespmem:s2+$0x70] =	vst v15;
	s2 =	smov.u32 s8;
	s8 =	sadd.s32 $0x4, s8  }
0xd8: {  	v13 =	vld.idx.msk [tilespmem:v13+s19+$0x0], $0xffff;
	s7 =	sshll.u32 s8, $0x2  }
0xd9: {  	v15 =	vor.u32 s20, v6;
	v6 =	vmov v11;
	s10 =	sand.u32 $0x1C, s8;
	s13 =	sand.u32 $0x1D, s0;
	[tilespmem:s12+$0x20] =	vst v17;
	v14 =	vld.idx.msk [tilespmem:v14+s19+$0x0], $0xffff;
	s0 =	sand.u32 $0xFFFFFF80, s7  }
0xda: {  	s14 =	sadd.s32 $0xFFFFFE80, s9;
	v11 =	vor.u32 v0, v12;
	s7 =	sshll.u32 s8, $0x7;
	[tilespmem:s26+$0x20] =	vst v21;
	v12 =	vld.idx.msk [tilespmem:v24+s19+$0x0], $0xffff;
	v17 =	vmov s0;
	s15 =	sor.u32 $0x10, s0  }
0xdb: {  	s20 =	sand.u32 $0xC00, s14;
	s7 =	sand.u32 $0x3FFFF000, s7;
	s18 =	sor.u32 $0x20, s0;
	v21 =	vld.idx.msk [tilespmem:v22+s19+$0x0], $0xffff;
	v22 =	vor.u32 v0, v10;
	[tilespmem:s25+$0x20] =	vst v19;
	v10 =	vor.u32 s24, v11;
	v19 =	vmov s15  }
0xdc: {  	s30 =	sor.u32 $0x40, s0;
	s5 =	sor.u32 $0x60, s0;
	v17 =	vshll.u32 v17, $0x5;
	v24 =	vmov s18;
	s15 =	sor.u32 $0x30, s0;
	v20 =	vld.idx.msk [tilespmem:v20+s19+$0x0], $0xffff;
	[tilespmem:s11+$0x20] =	vst v23;
	v23 =	vor.u32 s22, v11  }
0xdd: {  	s18 =	sor.u32 s20, s7;
	s7 =	sor.u32 $0x50, s0;
	v31 =	vmov s5;
	v17 =	vor.u32 v0, v17;
	v19 =	vshll.u32 v19, $0x5;
	v18 =	vld.idx.msk [tilespmem:v18+s19+$0x0], $0xffff;
	[tilespmem:s4+$0x60] =	vst v16  }
0xde: {  	p0 =	slt.u32 s8, $0xFC;
	s0 =	sor.u32 $0x70, s0;
	v25 =	vmov s15;
	s15 =	sadd.s32 $0x6, s2;
	v16 =	vor.u32 s10, v17;
	v19 =	vor.u32 v0, v19;
	[tilespmem:s6+$0x50] =	vst v13;
	v13 =	vld.idx.msk [tilespmem:v15+s19+$0x0], $0xffff  }
0xdf: {  	s20 =	smov.u32 s21;
	s2 =	sadd.s32 $0x7, s2;
	v26 =	vor.u32 s13, v17;
	s21 =	sand.u32 $0x1E, s15;
	v15 =	vor.u32 s10, v19;
	v27 =	vor.u32 s13, v19;
	[tilespmem:s3+$0x60] =	vst v14;
	v9 =	vld.idx.msk [tilespmem:v9+s19+$0x0], $0xffff  }
0xe0: {  	v25 =	vshll.u32 v25, $0x5;
	s31 =	sand.u32 $0x1F, s2;
	s2 =	smov.u32 s29;
	s29 =	smov.u32 s12;
	v14 =	vor.u32 s21, v17;
	v28 =	vor.u32 s21, v19;
	[tilespmem:s12+$0x30] =	vst v12;
	v29 =	vld.idx.msk [tilespmem:v3+s19+$0x0], $0xffff;
	v3 =	vmovc v8  }
0xe1: {  	v17 =	vor.u32 s31, v17;
	v19 =	vor.u32 s31, v19;
	v8 =	vmov s30;
	[tilespmem:s26+$0x30] =	vst v21;
	v21 =	vld.idx.msk [tilespmem:v10+s19+$0x0], $0xffff  }
0xe2: {  	v12 =	vshll.u32 v8, $0x5;
	v8 =	vld.idx.msk [tilespmem:v23+s19+$0x0], $0xffff;
	[tilespmem:s25+$0x30] =	vst v20;
	v20 =	vor.u32 s23, v11;
	v11 =	vor.u32 s20, v11  }
0xe3: {  	v10 =	vmov s7;
	v16 =	vld.idx.msk [tilespmem:v16+s19+$0x0], $0xffff;
	[tilespmem:s11+$0x30] =	vst v18;
	v18 =	vor.u32 s24, v22  }
0xe4: {  	v30 =	vor.u32 s20, v22;
	v10 =	vshll.u32 v10, $0x5;
	v23 =	vld.idx.msk [tilespmem:v26+s19+$0x0], $0xffff;
	v26 =	vor.u32 s22, v22;
	[tilespmem:s4+$0x70] =	vst v13;
	s4 =	smov.u32 s11  }
0xe5: {  	v13 =	vor.u32 s23, v22;
	v22 =	vmov s0;
	v14 =	vld.idx.msk [tilespmem:v14+s19+$0x0], $0xffff;
	[tilespmem:s6+$0x60] =	vst v9  }
0xe6: {  	v9 =	vshll.u32 v31, $0x5;
	v22 =	vshll.u32 v22, $0x5;
	v17 =	vld.idx.msk [tilespmem:v17+s19+$0x0], $0xffff;
	[tilespmem:s3+$0x70] =	vst v29;
	s3 =	smov.u32 s26  }
0xe7: {  	s5 =	sadd.s32 $0x10800, s18;
	s7 =	sadd.s32 $0xFFFFFF00, s9;
	s0 =	sand.u32 $0x200, s14;
	v29 =	vld.idx.msk [tilespmem:v11+s19+$0x0], $0xffff;
	[tilespmem:s29+$0x40] =	vst v21;
	v11 =	vor.u32 v0, v22  }
0xe8: {  	s26 =	sor.u32 s0, s5;
	s0 =	sand.u32 $0x280, s7;
	s7 =	sadd.s32 $0xFFFFFF80, s9;
	[tilespmem:s3+$0x40] =	vst v8;
	v18 =	vld.idx.msk [tilespmem:v18+s19+$0x0], $0xffff;
	v8 =	vor.u32 s10, v11  }
0xe9: {  	s14 =	sor.u32 s0, s5;
	s0 =	sand.u32 $0x300, s7;
	v21 =	vor.u32 v0, v7;
	v7 =	vmovc v9;
	v22 =	vor.u32 s31, v11;
	[tilespmem:s26+$0x0] =	vst v16;
	v16 =	vor.u32 s13, v11;
	v26 =	vld.idx.msk [tilespmem:v26+s19+$0x0], $0xffff  }
0xea: {  	s11 =	sor.u32 s0, s5;
	s0 =	sand.u32 $0x380, s9;
	v31 =	vor.u32 s20, v21;
	v15 =	vld.idx.msk [tilespmem:v15+s19+$0x0], $0xffff;
	[tilespmem:s14+$0x0] =	vst v23;
	v23 =	vor.u32 s24, v21;
	s24 =	smov.u32 s31  }
0xeb: {  	v9 =	vor.u32 s23, v21;
	s23 =	smov.u32 s13;
	s12 =	sor.u32 s0, s5;
	v27 =	vld.idx.msk [tilespmem:v27+s19+$0x0], $0xffff;
	[tilespmem:s11+$0x0] =	vst v14;
	v14 =	vor.u32 s22, v21;
	s22 =	smov.u32 s10  }
0xec: {  	v21 =	vld.idx.msk [tilespmem:v28+s19+$0x0], $0xffff;
	[tilespmem:s12+$0x0] =	vst v17  }
0xed: {  	v17 =	vshll.u32 v24, $0x5;
	v19 =	vld.idx.msk [tilespmem:v19+s19+$0x0], $0xffff;
	[tilespmem:s4+$0x40] =	vst v29  }
0xee: {  	v17 =	vor.u32 v0, v17;
	v24 =	vld.idx.msk [tilespmem:v30+s19+$0x0], $0xffff;
	[tilespmem:s29+$0x50] =	vst v18  }
0xef: {  	v18 =	vor.u32 s23, v17;
	v28 =	vor.u32 s21, v17;
	v29 =	vor.u32 s24, v17;
	v23 =	vld.idx.msk [tilespmem:v23+s19+$0x0], $0xffff  }
0xf0: {  	v30 =	vor.u32 s22, v17;
	[tilespmem:s26+$0x10] =	vst v15;
	v20 =	vld.idx.msk [tilespmem:v20+s19+$0x0], $0xffff  }
0xf1: {  	[tilespmem:s14+$0x10] =	vst v27;
	v27 =	vld.idx.msk [tilespmem:v2+s19+$0x0], $0xffff;
	v2 =	vmov v5;
	v5 =	vmov v16  }
0xf2: {  	[tilespmem:s11+$0x10] =	vst v21;
	v15 =	vld.idx.msk [tilespmem:v1+s19+$0x0], $0xffff;
	v1 =	vmov v4;
	v4 =	vmov v22  }
0xf3: {  	[tilespmem:s12+$0x10] =	vst v19  }
.Ltmp2:
0xf4: {  	v17 =	vld.idx.msk [tilespmem:v29+s19+$0x0], $0xffff;
	[tilespmem:s4+$0x50] =	vst v24;
	(pc) =	sbr.rel @p0 .LBB2_7-.Ltmp2, $4  }
0xf5: {  	v16 =	vor.u32 v0, v25;
	v21 =	vld.idx.msk [tilespmem:v30+s19+$0x0], $0xffff;
	[tilespmem:s29+$0x60] =	vst v23  }
0xf6: {  	v22 =	vor.u32 s22, v16;
	v24 =	vor.u32 s24, v16;
	v19 =	vld.idx.msk [tilespmem:v18+s19+$0x0], $0xffff;
	[tilespmem:s25+$0x40] =	vst v20  }
0xf7: {  	v20 =	vor.u32 s23, v16;
	v18 =	vor.u32 s21, v16;
	v23 =	vld.idx.msk [tilespmem:v28+s19+$0x0], $0xffff;
	[tilespmem:s3+$0x50] =	vst v26  }
0xf8: {  	s9 =	sadd.s32 $0x200, s9;
	v16 =	vld.idx.msk [tilespmem:v31+s19+$0x0], $0xffff;
	[tilespmem:s6+$0x70] =	vst v27;
	s6 =	smov.u32 s25;
	s25 =	smov.u32 s14  }
0xf9: {  	_ =	sdelay $0x2  }
0xfa: {  	[tilespmem:s26+$0x20] =	vst v21  }
0xfb: {  	v12 =	vor.u32 v0, v12;
	v21 =	vld.idx.msk [tilespmem:v22+s19+$0x0], $0xffff;
	[tilespmem:s11+$0x20] =	vst v23  }
0xfc: {  	[tilespmem:s12+$0x20] =	vst v17;
	v43 =	vor.u32 s22, v12;
	v18 =	vld.idx.msk [tilespmem:v18+s19+$0x0], $0xffff  }
0xfd: {  	v52 =	vld.idx.msk [tilespmem:v13+s19+$0x0], $0xffff;
	v41 =	vor.u32 s21, v12;
	[tilespmem:s25+$0x20] =	vst v19  }
0xfe: {  	[tilespmem:s2+$0x70] =	vst v15;
	v42 =	vld.idx.msk [tilespmem:v20+s19+$0x0], $0xffff  }
0xff: {  	v44 =	vld.idx.msk [tilespmem:v24+s19+$0x0], $0xffff;
	v45 =	vor.u32 s23, v12;
	[tilespmem:s4+$0x60] =	vst v16  }
0x100: {  	v53 =	vld.idx.msk [tilespmem:v14+s19+$0x0], $0xffff;
	v12 =	vor.u32 s24, v12;
	[tilespmem:s26+$0x30] =	vst v21  }
0x101: {  	v6 =	vor.u32 s20, v6;
	v10 =	vor.u32 v0, v10;
	v47 =	vld.idx.msk [tilespmem:v43+s19+$0x0], $0xffff;
	[tilespmem:s11+$0x30] =	vst v18  }
0x102: {  	v49 =	vor.u32 s22, v10;
	[tilespmem:s6+$0x50] =	vst v52;
	v46 =	vld.idx.msk [tilespmem:v41+s19+$0x0], $0xffff  }
0x103: {  	v1 =	vld.idx.msk [tilespmem:v1+s19+$0x0], $0xffff;
	v48 =	vor.u32 s21, v10;
	[tilespmem:s25+$0x30] =	vst v42  }
0x104: {  	[tilespmem:s12+$0x30] =	vst v44;
	v50 =	vld.idx.msk [tilespmem:v45+s19+$0x0], $0xffff  }
0x105: {  	v51 =	vor.u32 s23, v10;
	[tilespmem:s3+$0x60] =	vst v53;
	v12 =	vld.idx.msk [tilespmem:v12+s19+$0x0], $0xffff  }
0x106: {  	v10 =	vor.u32 s24, v10;
	v6 =	vld.idx.msk [tilespmem:v6+s19+$0x0], $0xffff;
	[tilespmem:s26+$0x40] =	vst v47  }
0x107: {  	v7 =	vor.u32 v0, v7;
	v55 =	vld.idx.msk [tilespmem:v49+s19+$0x0], $0xffff;
	[tilespmem:s11+$0x40] =	vst v46  }
0x108: {  	v57 =	vor.u32 s22, v7;
	[tilespmem:s29+$0x70] =	vst v1;
	v54 =	vld.idx.msk [tilespmem:v48+s19+$0x0], $0xffff  }
0x109: {  	v56 =	vor.u32 s21, v7;
	v9 =	vld.idx.msk [tilespmem:v9+s19+$0x0], $0xffff;
	[tilespmem:s25+$0x40] =	vst v50  }
0x10a: {  	[tilespmem:s12+$0x40] =	vst v12;
	v58 =	vld.idx.msk [tilespmem:v51+s19+$0x0], $0xffff  }
0x10b: {  	v59 =	vor.u32 s23, v7;
	[tilespmem:s4+$0x70] =	vst v6;
	v60 =	vld.idx.msk [tilespmem:v10+s19+$0x0], $0xffff  }
0x10c: {  	v7 =	vor.u32 s24, v7;
	v3 =	vld.idx.msk [tilespmem:v3+s19+$0x0], $0xffff;
	[tilespmem:s26+$0x50] =	vst v55  }
0x10d: {  	v62 =	vld.idx.msk [tilespmem:v57+s19+$0x0], $0xffff;
	[tilespmem:s11+$0x50] =	vst v54  }
0x10e: {  	[tilespmem:s6+$0x60] =	vst v9;
	v61 =	vld.idx.msk [tilespmem:v56+s19+$0x0], $0xffff  }
0x10f: {  	v11 =	vor.u32 s21, v11;
	v2 =	vld.idx.msk [tilespmem:v2+s19+$0x0], $0xffff;
	[tilespmem:s25+$0x50] =	vst v58  }
0x110: {  	[tilespmem:s12+$0x50] =	vst v60;
	v63 =	vld.idx.msk [tilespmem:v59+s19+$0x0], $0xffff  }
0x111: {  	[tilespmem:s3+$0x70] =	vst v3;
	v7 =	vld.idx.msk [tilespmem:v7+s19+$0x0], $0xffff  }
0x112: {  	[tilespmem:s26+$0x60] =	vst v62  }
0x113: {  	v8 =	vld.idx.msk [tilespmem:v8+s19+$0x0], $0xffff;
	[tilespmem:s11+$0x60] =	vst v61  }
0x114: {  	[tilespmem:s6+$0x70] =	vst v2;
	v3 =	vld.idx.msk [tilespmem:v11+s19+$0x0], $0xffff  }
0x115: {  	[tilespmem:s25+$0x60] =	vst v63  }
0x116: {  	[tilespmem:s12+$0x60] =	vst v7;
	v5 =	vld.idx.msk [tilespmem:v5+s19+$0x0], $0xffff  }
0x117: {  	v2 =	vld.idx.msk [tilespmem:v4+s19+$0x0], $0xffff;
	s6 =	rddreg [dreg:$0x13]  }
0x118: {  	s0 =	sshll.u32 s6, $0xC;
	s22 =	sshll.u32 s6, $0x7;
	[tilespmem:s26+$0x70] =	vst v8  }
0x119: {  	s23 =	sand.u32 $0x7FC00000, s0;
	s24 =	sand.u32 $0x1F800, s22;
	[tilespmem:s11+$0x70] =	vst v3  }
0x11a: {  	s0 =	sor.u32 s24, s23;
	[dreg:$0x14] =	wrdreg s23  }
0x11b: {  	s5 =	simm.s32 $0x20000;
	s29 =	rddreg [dreg:$0x2];
	s0 =	sshrl.u32 s0, $0x3;
	[tilespmem:s25+$0x70] =	vst v5  }
0x11c: {  	s31 =	simm.s32 $0x10800;
	s4 =	simm.s32 $0x400;
	s30 =	sadd.s32 s29, s0;
	[tilespmem:s12+$0x70] =	vst v2  }
0x11d: {  	[hbm4b:s30+s4] =	stream.strided.scatter [tilespmem:s31], [sflag:$0x3], $0x1000, s5, s4, $0x38;
	[tilespmem:$0x18800] =	vst v63  }
0x11e: {  	_ =	swait.ge [sflag:s17], $0x1000  }
0x11f: {  	[sflag:s17] =	ssyncset.done $0x0;
	s3 =	rddreg [dreg:$0x7]  }
0x120: {  	s8 =	simm.s32 $0x11800;
	[sflag:s17] =	ssyncadd.s32 $0xFFFFF000;
	s7 =	sadd.s32 s0, s3  }
0x121: {  	[hbm4b:s7+s4] =	stream.strided.scatter [tilespmem:s8], [sflag:$0x3], $0x1000, s5, s4, $0x38;
	[tilespmem:$0x18800] =	vst v63  }
0x122: {  	_ =	swait.ge [sflag:s17], $0x1000  }
0x123: {  	[sflag:s17] =	ssyncset.done $0x0;
	s9 =	rddreg [dreg:$0x8]  }
0x124: {  	s11 =	simm.s32 $0x12800;
	[sflag:s17] =	ssyncadd.s32 $0xFFFFF000;
	s10 =	sadd.s32 s0, s9  }
0x125: {  	[hbm4b:s10+s4] =	stream.strided.scatter [tilespmem:s11], [sflag:$0x3], $0x1000, s5, s4, $0x38;
	[tilespmem:$0x18800] =	vst v63  }
0x126: {  	_ =	swait.ge [sflag:s17], $0x1000  }
0x127: {  	[sflag:s17] =	ssyncset.done $0x0;
	s12 =	rddreg [dreg:$0x9]  }
0x128: {  	s14 =	simm.s32 $0x13800;
	[sflag:s17] =	ssyncadd.s32 $0xFFFFF000;
	s13 =	sadd.s32 s0, s12  }
0x129: {  	[hbm4b:s13+s4] =	stream.strided.scatter [tilespmem:s14], [sflag:$0x3], $0x1000, s5, s4, $0x38;
	[tilespmem:$0x18800] =	vst v63  }
0x12a: {  	_ =	swait.ge [sflag:s17], $0x1000  }
0x12b: {  	[sflag:s17] =	ssyncset.done $0x0;
	s15 =	rddreg [dreg:$0xa]  }
0x12c: {  	s20 =	simm.s32 $0x14800;
	[sflag:s17] =	ssyncadd.s32 $0xFFFFF000;
	s18 =	sadd.s32 s0, s15  }
0x12d: {  	[hbm4b:s18+s4] =	stream.strided.scatter [tilespmem:s20], [sflag:$0x3], $0x1000, s5, s4, $0x38;
	[tilespmem:$0x18800] =	vst v63  }
0x12e: {  	_ =	swait.ge [sflag:s17], $0x1000  }
0x12f: {  	[sflag:s17] =	ssyncset.done $0x0;
	s21 =	rddreg [dreg:$0xb]  }
0x130: {  	s23 =	simm.s32 $0x15800;
	[sflag:s17] =	ssyncadd.s32 $0xFFFFF000;
	s22 =	sadd.s32 s0, s21  }
0x131: {  	[hbm4b:s22+s4] =	stream.strided.scatter [tilespmem:s23], [sflag:$0x3], $0x1000, s5, s4, $0x38;
	[tilespmem:$0x18800] =	vst v63  }
0x132: {  	_ =	swait.ge [sflag:s17], $0x1000  }
0x133: {  	[sflag:s17] =	ssyncset.done $0x0;
	s24 =	rddreg [dreg:$0xc]  }
0x134: {  	s26 =	simm.s32 $0x16800;
	[sflag:s17] =	ssyncadd.s32 $0xFFFFF000;
	s25 =	sadd.s32 s0, s24  }
0x135: {  	[hbm4b:s25+s4] =	stream.strided.scatter [tilespmem:s26], [sflag:$0x3], $0x1000, s5, s4, $0x38;
	[tilespmem:$0x18800] =	vst v63  }
0x136: {  	_ =	swait.ge [sflag:s17], $0x1000  }
0x137: {  	[sflag:s17] =	ssyncset.done $0x0;
	s29 =	rddreg [dreg:$0xd]  }
0x138: {  	s30 =	simm.s32 $0x17800;
	[sflag:s17] =	ssyncadd.s32 $0xFFFFF000;
	s0 =	sadd.s32 s0, s29  }
0x139: {  	[hbm4b:s0+s4] =	stream.strided.scatter [tilespmem:s30], [sflag:$0x3], $0x1000, s5, s4, $0x38;
	[tilespmem:$0x18800] =	vst v63  }
0x13a: {  	_ =	swait.ge [sflag:s17], $0x1000  }
0x13b: {  	s31 =	rddreg [dreg:$0x11]  }
0x13c: {  	p0 =	seq.s32 s31, $0x31  }
.Ltmp3:
0x13d: {  	_ = 	snop;
	(pc) =	sbr.rel @p0 .LBB2_12-.Ltmp3, $3  }
0x13e: {  	_ =	sdelay $0x1  }
0x13f: {  	[sflag:s17] =	ssyncset.done $0x0  }
0x140: {  	[sflag:s17] =	ssyncadd.s32 $0xFFFFF000  }
0x141: {  	s0 =	sshll.u32 s6, $0x4;
	s2 =	rddreg [dreg:$0xe]  }
0x142: {  	s3 =	simm.s32 $0x0;
	s0 =	sadd.s32 s0, s2  }
0x143: {  	[tilespmem:s3], [sflag:$0x3] =	stream.linear.gather [hbm4b:s0+s3], $0x400, $0x38;
	[tilespmem:$0x18800] =	vst v63  }
0x144: {  	_ =	swait.ge [sflag:s17], $0x400  }
0x145: {  	[sflag:s17] =	ssyncset.done $0x0  }
0x146: {  	s0 =	simm.s32 $0x0;
	[sflag:s17] =	ssyncadd.s32 $0xFFFFFC00  }
0x147: {  	v1 =	vld [tilespmem:s0+$0x0]  }
0x148: {  	v6 =	vld [tilespmem:s0+$0x10]  }
0x149: {  	v5 =	vld [tilespmem:s0+$0x20]  }
0x14a: {  	v4 =	vld [tilespmem:s0+$0x30]  }
0x14b: {  	v3 =	vld [tilespmem:s0+$0x40]  }
0x14c: {  	v2 =	vld [tilespmem:s0+$0x50];
	vm0 =	vgt.s32 v1, $0x0  }
0x14d: {  	s3 =	simm.s32 $0x200;
	v7 =	vnsel vm0, $0x0, v1;
	vm0 =	vgt.s32 v6, $0x0;
	v1 =	vld [tilespmem:s0+$0x60]  }
.LBB2_10:
0x14e: {  	p0 =	sne.s32 s3, $0xE00;
	v7 =	vmin.u32 v7, $0xF423F;
	v6 =	vnsel vm0, $0x0, v6;
	vm0 =	vgt.s32 v5, $0x0;
	v8 =	vld [tilespmem:s0+$0x70]  }
0x14f: {  	s4 =	sshra.s32 s3, $0x2;
	[tilespmem:s0+$0x0] =	vst v7;
	v6 =	vmin.u32 v6, $0xF423F;
	v5 =	vnsel vm0, $0x0, v5;
	vm0 =	vgt.s32 v4, $0x0  }
0x150: {  	v7 =	vld [tilespmem:s4+$0x0];
	[tilespmem:s0+$0x10] =	vst v6;
	v5 =	vmin.u32 v5, $0xF423F;
	v4 =	vnsel vm0, $0x0, v4;
	vm0 =	vgt.s32 v3, $0x0  }
0x151: {  	v6 =	vld [tilespmem:s4+$0x10];
	[tilespmem:s0+$0x20] =	vst v5;
	v4 =	vmin.u32 v4, $0xF423F;
	v3 =	vnsel vm0, $0x0, v3;
	vm0 =	vgt.s32 v2, $0x0  }
.Ltmp4:
0x152: {  	v5 =	vld [tilespmem:s4+$0x20];
	[tilespmem:s0+$0x30] =	vst v4;
	v3 =	vmin.u32 v3, $0xF423F;
	v2 =	vnsel vm0, $0x0, v2;
	vm0 =	vgt.s32 v1, $0x0;
	(pc) =	sbr.rel @p0 .LBB2_10-.Ltmp4, $4  }
0x153: {  	v4 =	vld [tilespmem:s4+$0x30];
	[tilespmem:s0+$0x40] =	vst v3;
	v2 =	vmin.u32 v2, $0xF423F;
	v1 =	vnsel vm0, $0x0, v1;
	vm0 =	vgt.s32 v8, $0x0  }
0x154: {  	v3 =	vld [tilespmem:s4+$0x40];
	[tilespmem:s0+$0x50] =	vst v2;
	v1 =	vmin.u32 v1, $0xF423F;
	v8 =	vnsel vm0, $0x0, v8  }
0x155: {  	vm0 =	vgt.s32 v7, $0x0;
	v2 =	vld [tilespmem:s4+$0x50];
	[tilespmem:s0+$0x60] =	vst v1;
	v8 =	vmin.u32 v8, $0xF423F  }
0x156: {  	s3 =	sadd.s32 $0x200, s3;
	v7 =	vnsel vm0, $0x0, v7;
	vm0 =	vgt.s32 v6, $0x0;
	v1 =	vld [tilespmem:s4+$0x60];
	[tilespmem:s0+$0x70] =	vst v8;
	s0 =	smov.u32 s4  }
0x157: {  	v7 =	vmin.u32 v7, $0xF423F;
	v6 =	vnsel vm0, $0x0, v6;
	vm10 =	vgt.s32 v5, $0x0;
	v8 =	vld [tilespmem:s0+$0x70]  }
0x158: {  	[tilespmem:s0+$0x0] =	vst v7;
	v6 =	vmin.u32 v6, $0xF423F;
	v5 =	vnsel vm10, $0x0, v5;
	vm11 =	vgt.s32 v4, $0x0  }
0x159: {  	[tilespmem:s0+$0x10] =	vst v6;
	v5 =	vmin.u32 v5, $0xF423F;
	v4 =	vnsel vm11, $0x0, v4;
	vm12 =	vgt.s32 v3, $0x0  }
0x15a: {  	[tilespmem:s0+$0x20] =	vst v5;
	v4 =	vmin.u32 v4, $0xF423F;
	v3 =	vnsel vm12, $0x0, v3;
	vm13 =	vgt.s32 v2, $0x0  }
0x15b: {  	[tilespmem:s0+$0x30] =	vst v4;
	v3 =	vmin.u32 v3, $0xF423F;
	v2 =	vnsel vm13, $0x0, v2;
	vm14 =	vgt.s32 v1, $0x0  }
0x15c: {  	[tilespmem:s0+$0x40] =	vst v3;
	v2 =	vmin.u32 v2, $0xF423F;
	v1 =	vnsel vm14, $0x0, v1;
	vm15 =	vgt.s32 v8, $0x0  }
0x15d: {  	[tilespmem:s0+$0x50] =	vst v2;
	v1 =	vmin.u32 v1, $0xF423F;
	v2 =	vnsel vm15, $0x0, v8  }
0x15e: {  	[tilespmem:s0+$0x60] =	vst v1;
	v1 =	vmin.u32 v2, $0xF423F  }
0x15f: {  	s14 =	simm.s32 $0x0;
	s2 =	rddreg [dreg:$0x4];
	s3 =	simm.s32 $0x80;
	[tilespmem:s0+$0x70] =	vst v1  }
0x160: {  	[tilespmem:s19], [sflag:$0x1] =	stream.indirect.gather [hbm4b:s2+s3], $0x20, s14, s3, $0xb8;
	[tilespmem:$0x18800] =	vst v63  }
0x161: {  	s15 =	simm.s32 $0x1800  }
0x162: {  	[tilespmem:s15], [sflag:$0x1] =	stream.indirect.gather [hbm4b:s2+s3], $0x20, s3, s3, $0xb8;
	[tilespmem:$0x18800] =	vst v63  }
0x163: {  	s18 =	simm.s32 $0x100;
	s4 =	simm.s32 $0x2800  }
0x164: {  	[tilespmem:s4], [sflag:$0x1] =	stream.indirect.gather [hbm4b:s2+s3], $0x20, s18, s3, $0xb8;
	[tilespmem:$0x18800] =	vst v63  }
0x165: {  	s20 =	simm.s32 $0x180;
	s21 =	simm.s32 $0x3800  }
0x166: {  	[tilespmem:s21], [sflag:$0x1] =	stream.indirect.gather [hbm4b:s2+s3], $0x20, s20, s3, $0xb8;
	[tilespmem:$0x18800] =	vst v63  }
0x167: {  	s22 =	simm.s32 $0x200;
	s23 =	simm.s32 $0x4800  }
0x168: {  	[tilespmem:s23], [sflag:$0x1] =	stream.indirect.gather [hbm4b:s2+s3], $0x20, s22, s3, $0xb8;
	[tilespmem:$0x18800] =	vst v63  }
0x169: {  	s24 =	simm.s32 $0x280;
	s25 =	simm.s32 $0x5800  }
0x16a: {  	[tilespmem:s25], [sflag:$0x1] =	stream.indirect.gather [hbm4b:s2+s3], $0x20, s24, s3, $0xb8;
	[tilespmem:$0x18800] =	vst v63  }
0x16b: {  	s26 =	simm.s32 $0x300;
	s29 =	simm.s32 $0x6800  }
0x16c: {  	[tilespmem:s29], [sflag:$0x1] =	stream.indirect.gather [hbm4b:s2+s3], $0x20, s26, s3, $0xb8;
	[tilespmem:$0x18800] =	vst v63  }
0x16d: {  	s30 =	simm.s32 $0x380;
	s31 =	simm.s32 $0x7800  }
0x16e: {  	[tilespmem:s31], [sflag:$0x1] =	stream.indirect.gather [hbm4b:s2+s3], $0x20, s30, s3, $0xb8;
	[tilespmem:$0x18800] =	vst v63  }
.LBB2_12:
0x16f: {  	_ =	swait.ge [sflag:s28], $0x1000  }
0x170: {  	[sflag:s28] =	ssyncset.done $0x0  }
0x171: {  	[sflag:s28] =	ssyncadd.s32 $0xFFFFF000  }
0x172: {  	_ =	swait.ge [sflag:s28], $0x1000  }
0x173: {  	[sflag:s28] =	ssyncset.done $0x0  }
0x174: {  	[sflag:s28] =	ssyncadd.s32 $0xFFFFF000  }
0x175: {  	_ =	swait.ge [sflag:s28], $0x1000  }
0x176: {  	[sflag:s28] =	ssyncset.done $0x0  }
0x177: {  	[sflag:s28] =	ssyncadd.s32 $0xFFFFF000  }
0x178: {  	_ =	swait.ge [sflag:s28], $0x1000  }
0x179: {  	[sflag:s28] =	ssyncset.done $0x0  }
0x17a: {  	[sflag:s28] =	ssyncadd.s32 $0xFFFFF000  }
0x17b: {  	_ =	swait.ge [sflag:s28], $0x1000  }
0x17c: {  	[sflag:s28] =	ssyncset.done $0x0  }
0x17d: {  	s0 =	simm.s32 $0x0;
	[sflag:s28] =	ssyncadd.s32 $0xFFFFF000  }
0x17e: {  	s21 =	sand.u32 $0xFFFFFF80, s0;
	_ =	swait.ge [sflag:s28], $0x1000  }
0x17f: {  	s18 =	simm.s32 $0x3;
	v1 =	vmov s21;
	[sflag:s28] =	ssyncset.done $0x0  }
0x180: {  	s3 =	simm.s32 $0x0;
	s20 =	simm.s32 $0x1;
	v1 =	vshll.u32 v1, $0x5;
	[sflag:s28] =	ssyncadd.s32 $0xFFFFF000  }
0x181: {  	s23 =	simm.s32 $0x2;
	s10 =	sand.u32 $0x1F, s18;
	v1 =	vor.u32 v0, v1;
	_ =	swait.ge [sflag:s28], $0x1000  }
0x182: {  	s8 =	sand.u32 $0x1C, s3;
	s22 =	sor.u32 $0x10, s21;
	v2 =	vor.u32 s10, v1;
	[sflag:s28] =	ssyncset.done $0x0  }
0x183: {  	s11 =	sand.u32 $0x1D, s20;
	v4 =	vmov s22;
	s22 =	sand.u32 $0x1E, s23;
	v3 =	vor.u32 s8, v1;
	[sflag:s28] =	ssyncadd.s32 $0xFFFFF000  }
0x184: {  	v5 =	vor.u32 s11, v1;
	v1 =	vor.u32 s22, v1;
	_ =	swait.ge [sflag:s28], $0x1000  }
0x185: {  	[sflag:s28] =	ssyncset.done $0x0  }
0x186: {  	v4 =	vshll.u32 v4, $0x5;
	[sflag:s28] =	ssyncadd.s32 $0xFFFFF000  }
0x187: {  	s24 =	simm.s32 $0x0;
	s25 =	simm.s32 $0x0;
	v4 =	vor.u32 v0, v4;
	v2 =	vld.idx.msk [tilespmem:v2+s16+$0x0], $0xffff  }
0x188: {  	s3 =	sand.u32 $0x3FFFF000, s25;
	s4 =	sand.u32 $0xC00, s24;
	v6 =	vor.u32 s10, v4;
	v3 =	vld.idx.msk [tilespmem:v3+s16+$0x0], $0xffff  }
0x189: {  	s5 =	simm.s32 $0x180;
	s3 =	sor.u32 s4, s3;
	v7 =	vor.u32 s8, v4;
	v1 =	vld.idx.msk [tilespmem:v1+s16+$0x0], $0xffff  }
0x18a: {  	s5 =	sand.u32 $0x380, s5;
	s26 =	sor.u32 $0x20, s21;
	s3 =	sadd.s32 $0x10800, s3;
	v9 =	vor.u32 s11, v4;
	v4 =	vor.u32 s22, v4;
	v5 =	vld.idx.msk [tilespmem:v5+s16+$0x0], $0xffff  }
0x18b: {  	s2 =	simm.s32 $0x100;
	s30 =	sand.u32 $0x200, s24;
	v8 =	vmov s26;
	s0 =	sor.u32 s5, s3  }
0x18c: {  	s31 =	simm.s32 $0x80;
	s6 =	sand.u32 $0x300, s2;
	s12 =	sor.u32 s30, s3;
	[tilespmem:s0+$0x0] =	vst v2;
	v2 =	vshll.u32 v8, $0x5  }
0x18d: {  	s4 =	sand.u32 $0x280, s31;
	s25 =	sor.u32 s6, s3;
	[tilespmem:s12+$0x0] =	vst v3;
	v3 =	vld.idx.msk [tilespmem:v6+s16+$0x0], $0xffff;
	v2 =	vor.u32 v0, v2  }
0x18e: {  	s7 =	sor.u32 $0x30, s21;
	s9 =	sor.u32 s4, s3;
	[tilespmem:s25+$0x0] =	vst v1;
	v6 =	vld.idx.msk [tilespmem:v7+s16+$0x0], $0xffff;
	v7 =	vor.u32 s10, v2  }
0x18f: {  	[tilespmem:s9+$0x0] =	vst v5;
	v5 =	vmov s7;
	v4 =	vld.idx.msk [tilespmem:v4+s16+$0x0], $0xffff;
	v8 =	vor.u32 s8, v2  }
0x190: {  	v9 =	vld.idx.msk [tilespmem:v9+s16+$0x0], $0xffff;
	v1 =	vshll.u32 v5, $0x5;
	v5 =	vor.u32 s11, v2;
	v2 =	vor.u32 s22, v2;
	_ =	sdelay $0x1  }
0x191: {  	[tilespmem:s0+$0x10] =	vst v3  }
0x192: {  	v1 =	vor.u32 v0, v1;
	[tilespmem:s12+$0x10] =	vst v6;
	v3 =	vld.idx.msk [tilespmem:v7+s16+$0x0], $0xffff  }
0x193: {  	s13 =	sor.u32 $0x40, s21;
	[tilespmem:s25+$0x10] =	vst v4;
	v6 =	vld.idx.msk [tilespmem:v8+s16+$0x0], $0xffff;
	v7 =	vor.u32 s10, v1  }
0x194: {  	[tilespmem:s9+$0x10] =	vst v9;
	v9 =	vmov s13;
	v8 =	vor.u32 s8, v1;
	v2 =	vld.idx.msk [tilespmem:v2+s16+$0x0], $0xffff  }
0x195: {  	v4 =	vld.idx.msk [tilespmem:v5+s16+$0x0], $0xffff;
	v5 =	vshll.u32 v9, $0x5;
	v9 =	vor.u32 s11, v1;
	v1 =	vor.u32 s22, v1;
	_ =	sdelay $0x1  }
0x196: {  	[tilespmem:s0+$0x20] =	vst v3  }
0x197: {  	s14 =	simm.s32 $0x10;
	[tilespmem:s12+$0x20] =	vst v6;
	v3 =	vor.u32 v0, v5;
	v5 =	vld.idx.msk [tilespmem:v7+s16+$0x0], $0xffff  }
0x198: {  	s26 =	sand.u32 $0xFFFFFF80, s14;
	[tilespmem:s25+$0x20] =	vst v2;
	v7 =	vld.idx.msk [tilespmem:v8+s16+$0x0], $0xffff;
	v8 =	vor.u32 s10, v3  }
0x199: {  	v6 =	vmov s26;
	[tilespmem:s9+$0x20] =	vst v4;
	v10 =	vor.u32 s8, v3;
	v1 =	vld.idx.msk [tilespmem:v1+s16+$0x0], $0xffff  }
0x19a: {  	s15 =	simm.s32 $0x4;
	v6 =	vshll.u32 v6, $0x5;
	v9 =	vld.idx.msk [tilespmem:v9+s16+$0x0], $0xffff;
	v12 =	vor.u32 s22, v3  }
0x19b: {  	s20 =	simm.s32 $0x7;
	s13 =	sand.u32 $0x1C, s15;
	v3 =	vor.u32 s11, v3;
	v6 =	vor.u32 v0, v6  }
0x19c: {  	s18 =	simm.s32 $0x5;
	s31 =	sand.u32 $0x1F, s20;
	s23 =	sor.u32 $0x50, s21;
	v4 =	vor.u32 s13, v6;
	[tilespmem:s0+$0x30] =	vst v5  }
0x19d: {  	s24 =	simm.s32 $0x6;
	s14 =	sand.u32 $0x1D, s18;
	v11 =	vmov s23;
	v5 =	vor.u32 s31, v6;
	[tilespmem:s12+$0x30] =	vst v7;
	v7 =	vld.idx.msk [tilespmem:v8+s16+$0x0], $0xffff  }
0x19e: {  	s20 =	sand.u32 $0x1E, s24;
	s30 =	sor.u32 $0x10, s26;
	v11 =	vshll.u32 v11, $0x5;
	v2 =	vor.u32 s14, v6;
	[tilespmem:s25+$0x30] =	vst v1;
	v10 =	vld.idx.msk [tilespmem:v10+s16+$0x0], $0xffff  }
0x19f: {  	v6 =	vor.u32 s20, v6;
	[tilespmem:s9+$0x30] =	vst v9;
	v8 =	vor.u32 v0, v11;
	v11 =	vmov s30;
	v12 =	vld.idx.msk [tilespmem:v12+s16+$0x0], $0xffff  }
0x1a0: {  	v3 =	vld.idx.msk [tilespmem:v3+s16+$0x0], $0xffff;
	v11 =	vshll.u32 v11, $0x5;
	v13 =	vor.u32 s10, v8  }
0x1a1: {  	s2 =	simm.s32 $0x200;
	s15 =	simm.s32 $0x200;
	v4 =	vld.idx.msk [tilespmem:v4+s16+$0x0], $0xffff;
	v14 =	vor.u32 s8, v8;
	v11 =	vor.u32 v0, v11  }
0x1a2: {  	s18 =	sand.u32 $0xC00, s2;
	s4 =	sand.u32 $0x3FFFF000, s15;
	v15 =	vor.u32 s13, v11;
	v5 =	vld.idx.msk [tilespmem:v5+s16+$0x0], $0xffff  }
0x1a3: {  	s24 =	simm.s32 $0x280;
	s6 =	sor.u32 $0x60, s21;
	s4 =	sor.u32 s18, s4;
	v2 =	vld.idx.msk [tilespmem:v2+s16+$0x0], $0xffff;
	v9 =	vor.u32 s31, v11;
	[tilespmem:s0+$0x40] =	vst v7  }
0x1a4: {  	s3 =	sand.u32 $0x200, s2;
	s7 =	simm.s32 $0x380;
	s4 =	sadd.s32 $0x10800, s4;
	v16 =	vor.u32 s14, v11;
	v1 =	vld.idx.msk [tilespmem:v6+s16+$0x0], $0xffff;
	[tilespmem:s12+$0x40] =	vst v10  }
0x1a5: {  	s23 =	sor.u32 $0x20, s26;
	s7 =	sand.u32 $0x380, s7;
	s3 =	sor.u32 s3, s4;
	v6 =	vmov s6;
	v7 =	vor.u32 s20, v11;
	[tilespmem:s25+$0x40] =	vst v12;
	v10 =	vld.idx.msk [tilespmem:v13+s16+$0x0], $0xffff  }
0x1a6: {  	s15 =	simm.s32 $0x300;
	s29 =	sor.u32 s7, s4;
	s30 =	sand.u32 $0x280, s24;
	v6 =	vshll.u32 v6, $0x5;
	v11 =	vmov s23;
	[tilespmem:s3+$0x0] =	vst v4;
	v4 =	vld.idx.msk [tilespmem:v14+s16+$0x0], $0xffff  }
0x1a7: {  	s2 =	sand.u32 $0x300, s15;
	s6 =	sor.u32 s30, s4;
	v13 =	vor.u32 s22, v8;
	v6 =	vor.u32 v0, v6;
	v14 =	vld.idx.msk [tilespmem:v15+s16+$0x0], $0xffff;
	[tilespmem:s29+$0x0] =	vst v5;
	v5 =	vshll.u32 v11, $0x5  }
0x1a8: {  	s4 =	sor.u32 s2, s4;
	[tilespmem:s6+$0x0] =	vst v2;
	v15 =	vor.u32 s10, v6;
	v2 =	vld.idx.msk [tilespmem:v9+s16+$0x0], $0xffff;
	v5 =	vor.u32 v0, v5  }
0x1a9: {  	[tilespmem:s4+$0x0] =	vst v1;
	v9 =	vld.idx.msk [tilespmem:v16+s16+$0x0], $0xffff;
	v1 =	vor.u32 s31, v5  }
0x1aa: {  	[tilespmem:s9+$0x40] =	vst v3;
	v7 =	vld.idx.msk [tilespmem:v7+s16+$0x0], $0xffff;
	v11 =	vor.u32 s13, v5  }
0x1ab: {  	[tilespmem:s0+$0x50] =	vst v10;
	v10 =	vor.u32 s14, v5  }
0x1ac: {  	s7 =	sor.u32 $0x30, s26;
	v8 =	vor.u32 s11, v8;
	v12 =	vld.idx.msk [tilespmem:v13+s16+$0x0], $0xffff;
	[tilespmem:s3+$0x10] =	vst v14  }
0x1ad: {  	v5 =	vor.u32 s20, v5;
	v13 =	vld.idx.msk [tilespmem:v15+s16+$0x0], $0xffff;
	v14 =	vmov s7;
	[tilespmem:s29+$0x10] =	vst v2  }
0x1ae: {  	v15 =	vor.u32 s22, v6;
	v2 =	vshll.u32 v14, $0x5;
	[tilespmem:s6+$0x10] =	vst v9;
	v1 =	vld.idx.msk [tilespmem:v1+s16+$0x0], $0xffff  }
0x1af: {  	v9 =	vor.u32 s8, v6;
	[tilespmem:s4+$0x10] =	vst v7;
	v7 =	vld.idx.msk [tilespmem:v11+s16+$0x0], $0xffff;
	v2 =	vor.u32 v0, v2  }
0x1b0: {  	s15 =	sor.u32 $0x70, s21;
	[tilespmem:s12+$0x50] =	vst v4;
	v10 =	vld.idx.msk [tilespmem:v10+s16+$0x0], $0xffff;
	v11 =	vor.u32 s31, v2  }
0x1b1: {  	v4 =	vld.idx.msk [tilespmem:v8+s16+$0x0], $0xffff;
	[tilespmem:s25+$0x50] =	vst v12;
	v12 =	vmov s15;
	v3 =	vor.u32 s14, v2  }
0x1b2: {  	v5 =	vld.idx.msk [tilespmem:v5+s16+$0x0], $0xffff;
	v12 =	vshll.u32 v12, $0x5;
	[tilespmem:s0+$0x60] =	vst v13;
	v13 =	vor.u32 s13, v2  }
0x1b3: {  	s18 =	sor.u32 $0x40, s26;
	v14 =	vld.idx.msk [tilespmem:v15+s16+$0x0], $0xffff;
	v12 =	vor.u32 v0, v12;
	v2 =	vor.u32 s20, v2;
	[tilespmem:s29+$0x20] =	vst v1  }
0x1b4: {  	s21 =	simm.s32 $0x20;
	v8 =	vmov s18;
	v1 =	vld.idx.msk [tilespmem:v9+s16+$0x0], $0xffff;
	v9 =	vor.u32 s22, v12;
	[tilespmem:s3+$0x20] =	vst v7  }
0x1b5: {  	s18 =	sand.u32 $0xFFFFFF80, s21;
	v8 =	vshll.u32 v8, $0x5;
	v6 =	vor.u32 s11, v6;
	[tilespmem:s6+$0x20] =	vst v10;
	v7 =	vld.idx.msk [tilespmem:v11+s16+$0x0], $0xffff  }
0x1b6: {  	v8 =	vor.u32 v0, v8;
	[tilespmem:s9+$0x50] =	vst v4;
	v15 =	vmov s18;
	v11 =	vor.u32 s8, v12;
	v3 =	vld.idx.msk [tilespmem:v3+s16+$0x0], $0xffff  }
0x1b7: {  	v15 =	vshll.u32 v15, $0x5;
	v10 =	vor.u32 s31, v8;
	[tilespmem:s4+$0x20] =	vst v5;
	s8 =	simm.s32 $0x8;
	v13 =	vld.idx.msk [tilespmem:v13+s16+$0x0], $0xffff  }
0x1b8: {  	s23 =	simm.s32 $0x9;
	v5 =	vor.u32 v0, v15;
	v15 =	vor.u32 s13, v8;
	s22 =	sand.u32 $0x1C, s8;
	v2 =	vld.idx.msk [tilespmem:v2+s16+$0x0], $0xffff;
	[tilespmem:s25+$0x60] =	vst v14  }
0x1b9: {  	s24 =	simm.s32 $0xA;
	s23 =	sand.u32 $0x1D, s23;
	v14 =	vor.u32 s22, v5;
	v4 =	vld.idx.msk [tilespmem:v9+s16+$0x0], $0xffff;
	[tilespmem:s12+$0x60] =	vst v1  }
0x1ba: {  	s2 =	simm.s32 $0xB;
	s21 =	sand.u32 $0x1E, s24;
	v9 =	vor.u32 s23, v5;
	v1 =	vld.idx.msk [tilespmem:v6+s16+$0x0], $0xffff;
	[tilespmem:s29+$0x30] =	vst v7  }
0x1bb: {  	s30 =	sor.u32 $0x50, s26;
	s24 =	sand.u32 $0x1F, s2;
	v16 =	vor.u32 s21, v5;
	v7 =	vld.idx.msk [tilespmem:v11+s16+$0x0], $0xffff;
	[tilespmem:s6+$0x30] =	vst v3  }
0x1bc: {  	v6 =	vmov s30;
	v5 =	vor.u32 s24, v5;
	[tilespmem:s3+$0x30] =	vst v13;
	v10 =	vld.idx.msk [tilespmem:v10+s16+$0x0], $0xffff  }
0x1bd: {  	s7 =	sor.u32 $0x10, s18;
	v6 =	vshll.u32 v6, $0x5;
	v3 =	vor.u32 s20, v8;
	[tilespmem:s4+$0x30] =	vst v2;
	v11 =	vld.idx.msk [tilespmem:v15+s16+$0x0], $0xffff  }
0x1be: {  	s5 =	simm.s32 $0x400;
	s15 =	simm.s32 $0x400;
	v8 =	vor.u32 s14, v8;
	v13 =	vor.u32 v0, v6;
	v6 =	vmov s7;
	v14 =	vld.idx.msk [tilespmem:v14+s16+$0x0], $0xffff;
	[tilespmem:s25+$0x70] =	vst v4  }
0x1bf: {  	s7 =	sand.u32 $0x3FFFF000, s15;
	v6 =	vshll.u32 v6, $0x5;
	v2 =	vor.u32 s31, v13;
	v9 =	vld.idx.msk [tilespmem:v9+s16+$0x0], $0xffff;
	s25 =	sand.u32 $0xC00, s5;
	[tilespmem:s9+$0x60] =	vst v1  }
0x1c0: {  	s2 =	sor.u32 $0x60, s26;
	s30 =	sor.u32 $0x70, s26;
	v16 =	vld.idx.msk [tilespmem:v16+s16+$0x0], $0xffff;
	v15 =	vor.u32 s13, v13;
	v6 =	vor.u32 v0, v6;
	s7 =	sor.u32 s25, s7;
	[tilespmem:s12+$0x70] =	vst v7  }
0x1c1: {  	v4 =	vor.u32 s22, v6;
	v5 =	vld.idx.msk [tilespmem:v5+s16+$0x0], $0xffff;
	s5 =	sand.u32 $0x200, s5;
	v7 =	vmov s2;
	s2 =	simm.s32 $0x480;
	s7 =	sadd.s32 $0x10800, s7;
	[tilespmem:s29+$0x40] =	vst v10  }
0x1c2: {  	s15 =	simm.s32 $0x500;
	v17 =	vor.u32 s21, v6;
	v18 =	vld.idx.msk [tilespmem:v3+s16+$0x0], $0xffff;
	s12 =	sand.u32 $0x280, s2;
	s26 =	sor.u32 s5, s7;
	[tilespmem:s3+$0x40] =	vst v11  }
0x1c3: {  	v23 =	vld.idx.msk [tilespmem:v8+s16+$0x0], $0xffff;
	v3 =	vshll.u32 v7, $0x5;
	v7 =	vor.u32 s24, v6;
	s2 =	simm.s32 $0x580;
	s25 =	sor.u32 s12, s7;
	s12 =	sand.u32 $0x300, s15;
	[tilespmem:s26+$0x0] =	vst v14  }
0x1c4: {  	v1 =	vor.u32 s23, v6;
	v10 =	vld.idx.msk [tilespmem:v2+s16+$0x0], $0xffff;
	v11 =	vor.u32 s11, v12;
	s2 =	sand.u32 $0x380, s2;
	s11 =	sor.u32 s12, s7;
	[tilespmem:s25+$0x0] =	vst v9  }
0x1c5: {  	v19 =	vor.u32 s20, v13;
	v22 =	vor.u32 v0, v3;
	v2 =	vmov s30;
	s30 =	sor.u32 $0x20, s18;
	v20 =	vld.idx.msk [tilespmem:v15+s16+$0x0], $0xffff;
	s12 =	sor.u32 s2, s7;
	[tilespmem:s11+$0x0] =	vst v16  }
0x1c6: {  	v12 =	vor.u32 s10, v12;
	v2 =	vshll.u32 v2, $0x5;
	v3 =	vmov s30;
	v4 =	vld.idx.msk [tilespmem:v4+s16+$0x0], $0xffff;
	[tilespmem:s12+$0x0] =	vst v5  }
0x1c7: {  	s15 =	sor.u32 $0x70, s18;
	v9 =	vor.u32 s31, v22;
	v6 =	vor.u32 v0, v2;
	v2 =	vshll.u32 v3, $0x5;
	v15 =	vld.idx.msk [tilespmem:v17+s16+$0x0], $0xffff;
	[tilespmem:s4+$0x40] =	vst v18  }
0x1c8: {  	v8 =	vmov s15;
	v27 =	vor.u32 s20, v22;
	[tilespmem:s6+$0x40] =	vst v23;
	v5 =	vld.idx.msk [tilespmem:v7+s16+$0x0], $0xffff;
	v7 =	vor.u32 v0, v2  }
0x1c9: {  	v14 =	vld.idx.msk [tilespmem:v1+s16+$0x0], $0xffff;
	v3 =	vor.u32 s13, v6;
	[tilespmem:s29+$0x50] =	vst v10;
	v17 =	vor.u32 s24, v7  }
0x1ca: {  	v13 =	vor.u32 s14, v13;
	v1 =	vor.u32 s14, v6;
	v16 =	vld.idx.msk [tilespmem:v19+s16+$0x0], $0xffff;
	v19 =	vor.u32 s23, v7;
	[tilespmem:s3+$0x50] =	vst v20  }
0x1cb: {  	s7 =	sor.u32 $0x30, s18;
	v2 =	vor.u32 s31, v6;
	v25 =	vor.u32 s21, v7;
	v26 =	vld.idx.msk [tilespmem:v11+s16+$0x0], $0xffff;
	[tilespmem:s26+$0x10] =	vst v4  }
0x1cc: {  	s10 =	sor.u32 $0x40, s18;
	s30 =	sor.u32 $0x50, s18;
	v8 =	vshll.u32 v8, $0x5;
	v10 =	vmov s7;
	v9 =	vld.idx.msk [tilespmem:v9+s16+$0x0], $0xffff;
	v4 =	vor.u32 s22, v7;
	[tilespmem:s11+$0x10] =	vst v15  }
0x1cd: {  	v18 =	vshll.u32 v10, $0x5;
	v10 =	vmov s10;
	v7 =	vmov s30;
	v15 =	vld.idx.msk [tilespmem:v12+s16+$0x0], $0xffff;
	[tilespmem:s12+$0x10] =	vst v5  }
0x1ce: {  	s31 =	sor.u32 $0x60, s18;
	v10 =	vshll.u32 v10, $0x5;
	[tilespmem:s25+$0x10] =	vst v14;
	v11 =	vshll.u32 v7, $0x5;
	v12 =	vor.u32 v0, v8;
	v17 =	vld.idx.msk [tilespmem:v17+s16+$0x0], $0xffff  }
0x1cf: {  	v14 =	vor.u32 s13, v22;
	v5 =	vmov s31;
	[tilespmem:s4+$0x50] =	vst v16;
	v16 =	vor.u32 v0, v18;
	v19 =	vld.idx.msk [tilespmem:v19+s16+$0x0], $0xffff  }
0x1d0: {  	v8 =	vor.u32 s22, v12;
	v7 =	vshll.u32 v5, $0x5;
	v24 =	vor.u32 s24, v16;
	v23 =	vld.idx.msk [tilespmem:v25+s16+$0x0], $0xffff;
	[tilespmem:s9+$0x70] =	vst v26  }
0x1d1: {  	v5 =	vor.u32 s23, v12;
	v20 =	vor.u32 s23, v16;
	v18 =	vor.u32 s21, v16;
	v21 =	vld.idx.msk [tilespmem:v4+s16+$0x0], $0xffff;
	[tilespmem:s29+$0x60] =	vst v9  }
0x1d2: {  	s10 =	simm.s32 $0x780;
	v9 =	vor.u32 s14, v22;
	v4 =	vor.u32 s24, v12;
	v22 =	vor.u32 s22, v16;
	v16 =	vld.idx.msk [tilespmem:v27+s16+$0x0], $0xffff  }
.LBB2_13:
0x1d3: {  	s5 =	sadd.s32 $0x5, s8;
	[tilespmem:s0+$0x70] =	vst v15;
	s0 =	smov.u32 s8;
	s8 =	sadd.s32 $0x4, s8  }
0x1d4: {  	v13 =	vld.idx.msk [tilespmem:v13+s16+$0x0], $0xffff;
	s7 =	sshll.u32 s8, $0x2  }
0x1d5: {  	v15 =	vor.u32 s20, v6;
	v6 =	vmov v12;
	s9 =	sand.u32 $0x1C, s8;
	s13 =	sand.u32 $0x1D, s5;
	[tilespmem:s12+$0x20] =	vst v17;
	v14 =	vld.idx.msk [tilespmem:v14+s16+$0x0], $0xffff;
	s5 =	sand.u32 $0xFFFFFF80, s7  }
0x1d6: {  	s14 =	sadd.s32 $0xFFFFFE80, s10;
	v12 =	vor.u32 v0, v10;
	s7 =	sshll.u32 s8, $0x7;
	[tilespmem:s26+$0x20] =	vst v21;
	v10 =	vld.idx.msk [tilespmem:v24+s16+$0x0], $0xffff;
	v17 =	vmov s5;
	s15 =	sor.u32 $0x10, s5  }
0x1d7: {  	s20 =	sand.u32 $0xC00, s14;
	s7 =	sand.u32 $0x3FFFF000, s7;
	s18 =	sor.u32 $0x20, s5;
	v21 =	vld.idx.msk [tilespmem:v22+s16+$0x0], $0xffff;
	v22 =	vor.u32 v0, v11;
	[tilespmem:s25+$0x20] =	vst v19;
	v11 =	vor.u32 s24, v12;
	v19 =	vmov s15  }
0x1d8: {  	s30 =	sor.u32 $0x40, s5;
	s2 =	sor.u32 $0x60, s5;
	v17 =	vshll.u32 v17, $0x5;
	v24 =	vmov s18;
	s15 =	sor.u32 $0x30, s5;
	v20 =	vld.idx.msk [tilespmem:v20+s16+$0x0], $0xffff;
	[tilespmem:s11+$0x20] =	vst v23;
	v23 =	vor.u32 s22, v12  }
0x1d9: {  	s18 =	sor.u32 s20, s7;
	s7 =	sor.u32 $0x50, s5;
	v31 =	vmov s2;
	v17 =	vor.u32 v0, v17;
	v19 =	vshll.u32 v19, $0x5;
	v18 =	vld.idx.msk [tilespmem:v18+s16+$0x0], $0xffff;
	[tilespmem:s4+$0x60] =	vst v16  }
0x1da: {  	p0 =	slt.u32 s8, $0xFC;
	s5 =	sor.u32 $0x70, s5;
	v25 =	vmov s15;
	s15 =	sadd.s32 $0x6, s0;
	v16 =	vor.u32 s9, v17;
	v19 =	vor.u32 v0, v19;
	[tilespmem:s6+$0x50] =	vst v13;
	v13 =	vld.idx.msk [tilespmem:v15+s16+$0x0], $0xffff  }
0x1db: {  	s20 =	smov.u32 s21;
	s0 =	sadd.s32 $0x7, s0;
	v26 =	vor.u32 s13, v17;
	s21 =	sand.u32 $0x1E, s15;
	v15 =	vor.u32 s9, v19;
	v27 =	vor.u32 s13, v19;
	[tilespmem:s3+$0x60] =	vst v14;
	v9 =	vld.idx.msk [tilespmem:v9+s16+$0x0], $0xffff  }
0x1dc: {  	v25 =	vshll.u32 v25, $0x5;
	s31 =	sand.u32 $0x1F, s0;
	s0 =	smov.u32 s29;
	s29 =	smov.u32 s12;
	v14 =	vor.u32 s21, v17;
	v28 =	vor.u32 s21, v19;
	[tilespmem:s12+$0x30] =	vst v10;
	v29 =	vld.idx.msk [tilespmem:v3+s16+$0x0], $0xffff;
	v3 =	vmovc v8  }
0x1dd: {  	v17 =	vor.u32 s31, v17;
	v19 =	vor.u32 s31, v19;
	v8 =	vmov s30;
	[tilespmem:s26+$0x30] =	vst v21;
	v21 =	vld.idx.msk [tilespmem:v11+s16+$0x0], $0xffff  }
0x1de: {  	v10 =	vshll.u32 v8, $0x5;
	v8 =	vld.idx.msk [tilespmem:v23+s16+$0x0], $0xffff;
	[tilespmem:s25+$0x30] =	vst v20;
	v20 =	vor.u32 s23, v12;
	v12 =	vor.u32 s20, v12  }
0x1df: {  	v11 =	vmov s7;
	v16 =	vld.idx.msk [tilespmem:v16+s16+$0x0], $0xffff;
	[tilespmem:s11+$0x30] =	vst v18;
	v18 =	vor.u32 s24, v22  }
0x1e0: {  	v30 =	vor.u32 s20, v22;
	v11 =	vshll.u32 v11, $0x5;
	v23 =	vld.idx.msk [tilespmem:v26+s16+$0x0], $0xffff;
	v26 =	vor.u32 s22, v22;
	[tilespmem:s4+$0x70] =	vst v13;
	s4 =	smov.u32 s11  }
0x1e1: {  	v13 =	vor.u32 s23, v22;
	v22 =	vmov s5;
	v14 =	vld.idx.msk [tilespmem:v14+s16+$0x0], $0xffff;
	[tilespmem:s6+$0x60] =	vst v9  }
0x1e2: {  	v9 =	vshll.u32 v31, $0x5;
	v22 =	vshll.u32 v22, $0x5;
	v17 =	vld.idx.msk [tilespmem:v17+s16+$0x0], $0xffff;
	[tilespmem:s3+$0x70] =	vst v29;
	s3 =	smov.u32 s26  }
0x1e3: {  	s2 =	sand.u32 $0x200, s14;
	s7 =	sadd.s32 $0xFFFFFF00, s10;
	s5 =	sadd.s32 $0x10800, s18;
	v29 =	vld.idx.msk [tilespmem:v12+s16+$0x0], $0xffff;
	[tilespmem:s29+$0x40] =	vst v21;
	v12 =	vor.u32 v0, v22  }
0x1e4: {  	s26 =	sor.u32 s2, s5;
	s2 =	sand.u32 $0x280, s7;
	s7 =	sadd.s32 $0xFFFFFF80, s10;
	[tilespmem:s3+$0x40] =	vst v8;
	v18 =	vld.idx.msk [tilespmem:v18+s16+$0x0], $0xffff;
	v8 =	vor.u32 s9, v12  }
0x1e5: {  	s14 =	sor.u32 s2, s5;
	s2 =	sand.u32 $0x300, s7;
	v21 =	vor.u32 v0, v7;
	v7 =	vmovc v9;
	v22 =	vor.u32 s31, v12;
	[tilespmem:s26+$0x0] =	vst v16;
	v16 =	vor.u32 s13, v12;
	v26 =	vld.idx.msk [tilespmem:v26+s16+$0x0], $0xffff  }
0x1e6: {  	s11 =	sor.u32 s2, s5;
	s2 =	sand.u32 $0x380, s10;
	v31 =	vor.u32 s20, v21;
	v15 =	vld.idx.msk [tilespmem:v15+s16+$0x0], $0xffff;
	[tilespmem:s14+$0x0] =	vst v23;
	v23 =	vor.u32 s24, v21;
	s24 =	smov.u32 s31  }
0x1e7: {  	v9 =	vor.u32 s23, v21;
	s23 =	smov.u32 s13;
	s12 =	sor.u32 s2, s5;
	v27 =	vld.idx.msk [tilespmem:v27+s16+$0x0], $0xffff;
	[tilespmem:s11+$0x0] =	vst v14;
	v14 =	vor.u32 s22, v21;
	s22 =	smov.u32 s9  }
0x1e8: {  	v21 =	vld.idx.msk [tilespmem:v28+s16+$0x0], $0xffff;
	[tilespmem:s12+$0x0] =	vst v17  }
0x1e9: {  	v17 =	vshll.u32 v24, $0x5;
	v19 =	vld.idx.msk [tilespmem:v19+s16+$0x0], $0xffff;
	[tilespmem:s4+$0x40] =	vst v29  }
0x1ea: {  	v17 =	vor.u32 v0, v17;
	v24 =	vld.idx.msk [tilespmem:v30+s16+$0x0], $0xffff;
	[tilespmem:s29+$0x50] =	vst v18  }
0x1eb: {  	v18 =	vor.u32 s23, v17;
	v28 =	vor.u32 s21, v17;
	v29 =	vor.u32 s24, v17;
	v23 =	vld.idx.msk [tilespmem:v23+s16+$0x0], $0xffff  }
0x1ec: {  	v30 =	vor.u32 s22, v17;
	[tilespmem:s26+$0x10] =	vst v15;
	v20 =	vld.idx.msk [tilespmem:v20+s16+$0x0], $0xffff  }
0x1ed: {  	[tilespmem:s14+$0x10] =	vst v27;
	v27 =	vld.idx.msk [tilespmem:v1+s16+$0x0], $0xffff;
	v1 =	vmov v5;
	v5 =	vmov v16  }
0x1ee: {  	[tilespmem:s11+$0x10] =	vst v21;
	v15 =	vld.idx.msk [tilespmem:v2+s16+$0x0], $0xffff;
	v2 =	vmov v4;
	v4 =	vmov v22  }
0x1ef: {  	[tilespmem:s12+$0x10] =	vst v19  }
.Ltmp5:
0x1f0: {  	v17 =	vld.idx.msk [tilespmem:v29+s16+$0x0], $0xffff;
	[tilespmem:s4+$0x50] =	vst v24;
	(pc) =	sbr.rel @p0 .LBB2_13-.Ltmp5, $4  }
0x1f1: {  	v16 =	vor.u32 v0, v25;
	v21 =	vld.idx.msk [tilespmem:v30+s16+$0x0], $0xffff;
	[tilespmem:s29+$0x60] =	vst v23  }
0x1f2: {  	v22 =	vor.u32 s22, v16;
	v24 =	vor.u32 s24, v16;
	v19 =	vld.idx.msk [tilespmem:v18+s16+$0x0], $0xffff;
	[tilespmem:s25+$0x40] =	vst v20  }
0x1f3: {  	v20 =	vor.u32 s23, v16;
	v18 =	vor.u32 s21, v16;
	v23 =	vld.idx.msk [tilespmem:v28+s16+$0x0], $0xffff;
	[tilespmem:s3+$0x50] =	vst v26  }
0x1f4: {  	s10 =	sadd.s32 $0x200, s10;
	v16 =	vld.idx.msk [tilespmem:v31+s16+$0x0], $0xffff;
	[tilespmem:s6+$0x70] =	vst v27;
	s6 =	smov.u32 s25;
	s25 =	smov.u32 s14  }
0x1f5: {  	_ =	sdelay $0x2  }
0x1f6: {  	[tilespmem:s26+$0x20] =	vst v21  }
0x1f7: {  	v10 =	vor.u32 v0, v10;
	v21 =	vld.idx.msk [tilespmem:v22+s16+$0x0], $0xffff;
	[tilespmem:s11+$0x20] =	vst v23  }
0x1f8: {  	v43 =	vor.u32 s22, v10;
	v18 =	vld.idx.msk [tilespmem:v18+s16+$0x0], $0xffff  }
0x1f9: {  	[tilespmem:s12+$0x20] =	vst v17;
	v41 =	vor.u32 s21, v10  }
0x1fa: {  	v52 =	vld.idx.msk [tilespmem:v13+s16+$0x0], $0xffff;
	[tilespmem:s25+$0x20] =	vst v19  }
0x1fb: {  	[tilespmem:s0+$0x70] =	vst v15;
	v42 =	vld.idx.msk [tilespmem:v20+s16+$0x0], $0xffff  }
0x1fc: {  	v44 =	vld.idx.msk [tilespmem:v24+s16+$0x0], $0xffff;
	v45 =	vor.u32 s23, v10;
	[tilespmem:s26+$0x30] =	vst v21  }
0x1fd: {  	v11 =	vor.u32 v0, v11;
	v10 =	vor.u32 s24, v10;
	v47 =	vld.idx.msk [tilespmem:v43+s16+$0x0], $0xffff;
	[tilespmem:s11+$0x30] =	vst v18  }
0x1fe: {  	v49 =	vor.u32 s22, v11;
	[tilespmem:s4+$0x60] =	vst v16;
	v46 =	vld.idx.msk [tilespmem:v41+s16+$0x0], $0xffff  }
0x1ff: {  	v53 =	vld.idx.msk [tilespmem:v14+s16+$0x0], $0xffff;
	v48 =	vor.u32 s21, v11;
	[tilespmem:s6+$0x50] =	vst v52  }
0x200: {  	v6 =	vor.u32 s20, v6;
	v2 =	vld.idx.msk [tilespmem:v2+s16+$0x0], $0xffff;
	[tilespmem:s25+$0x30] =	vst v42  }
0x201: {  	[tilespmem:s12+$0x30] =	vst v44;
	v50 =	vld.idx.msk [tilespmem:v45+s16+$0x0], $0xffff  }
0x202: {  	v51 =	vor.u32 s23, v11;
	v10 =	vld.idx.msk [tilespmem:v10+s16+$0x0], $0xffff;
	[tilespmem:s26+$0x40] =	vst v47  }
0x203: {  	v7 =	vor.u32 v0, v7;
	v11 =	vor.u32 s24, v11;
	v55 =	vld.idx.msk [tilespmem:v49+s16+$0x0], $0xffff;
	[tilespmem:s11+$0x40] =	vst v46  }
0x204: {  	v57 =	vor.u32 s22, v7;
	[tilespmem:s3+$0x60] =	vst v53;
	v54 =	vld.idx.msk [tilespmem:v48+s16+$0x0], $0xffff  }
0x205: {  	v56 =	vor.u32 s21, v7;
	v6 =	vld.idx.msk [tilespmem:v6+s16+$0x0], $0xffff;
	[tilespmem:s29+$0x70] =	vst v2  }
0x206: {  	v9 =	vld.idx.msk [tilespmem:v9+s16+$0x0], $0xffff;
	[tilespmem:s25+$0x40] =	vst v50  }
0x207: {  	[tilespmem:s12+$0x40] =	vst v10;
	v58 =	vld.idx.msk [tilespmem:v51+s16+$0x0], $0xffff  }
0x208: {  	v59 =	vor.u32 s23, v7;
	v60 =	vld.idx.msk [tilespmem:v11+s16+$0x0], $0xffff;
	[tilespmem:s26+$0x50] =	vst v55  }
0x209: {  	v7 =	vor.u32 s24, v7;
	v62 =	vld.idx.msk [tilespmem:v57+s16+$0x0], $0xffff;
	[tilespmem:s11+$0x50] =	vst v54  }
0x20a: {  	[tilespmem:s4+$0x70] =	vst v6;
	v61 =	vld.idx.msk [tilespmem:v56+s16+$0x0], $0xffff  }
0x20b: {  	v12 =	vor.u32 s21, v12;
	v3 =	vld.idx.msk [tilespmem:v3+s16+$0x0], $0xffff;
	[tilespmem:s6+$0x60] =	vst v9  }
0x20c: {  	v1 =	vld.idx.msk [tilespmem:v1+s16+$0x0], $0xffff;
	[tilespmem:s25+$0x50] =	vst v58  }
0x20d: {  	[tilespmem:s12+$0x50] =	vst v60;
	v63 =	vld.idx.msk [tilespmem:v59+s16+$0x0], $0xffff  }
0x20e: {  	v7 =	vld.idx.msk [tilespmem:v7+s16+$0x0], $0xffff;
	[tilespmem:s26+$0x60] =	vst v62  }
0x20f: {  	v8 =	vld.idx.msk [tilespmem:v8+s16+$0x0], $0xffff;
	[tilespmem:s11+$0x60] =	vst v61  }
0x210: {  	[tilespmem:s3+$0x70] =	vst v3;
	v3 =	vld.idx.msk [tilespmem:v12+s16+$0x0], $0xffff  }
0x211: {  	[tilespmem:s6+$0x70] =	vst v1  }
0x212: {  	[tilespmem:s25+$0x60] =	vst v63  }
0x213: {  	[tilespmem:s12+$0x60] =	vst v7;
	v5 =	vld.idx.msk [tilespmem:v5+s16+$0x0], $0xffff  }
0x214: {  	v1 =	vld.idx.msk [tilespmem:v4+s16+$0x0], $0xffff;
	s0 =	rddreg [dreg:$0x12];
	[tilespmem:s26+$0x70] =	vst v8  }
0x215: {  	s0 =	sshll.u32 s0, $0x7;
	[tilespmem:s11+$0x70] =	vst v3  }
0x216: {  	s0 =	sand.u32 $0x1FC00, s0;
	s2 =	rddreg [dreg:$0x14]  }
0x217: {  	s0 =	sor.u32 s2, s0  }
0x218: {  	s9 =	rddreg [dreg:$0x2];
	s5 =	simm.s32 $0x400;
	[tilespmem:s25+$0x70] =	vst v5;
	s0 =	sshrl.u32 s0, $0x3  }
0x219: {  	s10 =	simm.s32 $0x20000;
	s11 =	simm.s32 $0x10800;
	[tilespmem:s12+$0x70] =	vst v1;
	s2 =	sadd.s32 s9, s0  }
0x21a: {  	[hbm4b:s2+s5] =	stream.strided.scatter [tilespmem:s11], [sflag:$0x3], $0x1000, s10, s5, $0x38;
	[tilespmem:$0x18800] =	vst v63  }
0x21b: {  	_ =	swait.ge [sflag:s17], $0x1000  }
0x21c: {  	[sflag:s17] =	ssyncset.done $0x0;
	s12 =	rddreg [dreg:$0x7]  }
0x21d: {  	s13 =	simm.s32 $0x11800;
	[sflag:s17] =	ssyncadd.s32 $0xFFFFF000;
	s2 =	sadd.s32 s0, s12  }
0x21e: {  	[hbm4b:s2+s5] =	stream.strided.scatter [tilespmem:s13], [sflag:$0x3], $0x1000, s10, s5, $0x38;
	[tilespmem:$0x18800] =	vst v63  }
0x21f: {  	_ =	swait.ge [sflag:s17], $0x1000  }
0x220: {  	[sflag:s17] =	ssyncset.done $0x0;
	s14 =	rddreg [dreg:$0x8]  }
0x221: {  	s15 =	simm.s32 $0x12800;
	[sflag:s17] =	ssyncadd.s32 $0xFFFFF000;
	s2 =	sadd.s32 s0, s14  }
0x222: {  	[hbm4b:s2+s5] =	stream.strided.scatter [tilespmem:s15], [sflag:$0x3], $0x1000, s10, s5, $0x38;
	[tilespmem:$0x18800] =	vst v63  }
0x223: {  	_ =	swait.ge [sflag:s17], $0x1000  }
0x224: {  	[sflag:s17] =	ssyncset.done $0x0;
	s18 =	rddreg [dreg:$0x9]  }
0x225: {  	s20 =	simm.s32 $0x13800;
	[sflag:s17] =	ssyncadd.s32 $0xFFFFF000;
	s2 =	sadd.s32 s0, s18  }
0x226: {  	[hbm4b:s2+s5] =	stream.strided.scatter [tilespmem:s20], [sflag:$0x3], $0x1000, s10, s5, $0x38;
	[tilespmem:$0x18800] =	vst v63  }
0x227: {  	_ =	swait.ge [sflag:s17], $0x1000  }
0x228: {  	[sflag:s17] =	ssyncset.done $0x0;
	s21 =	rddreg [dreg:$0xa]  }
0x229: {  	s22 =	simm.s32 $0x14800;
	[sflag:s17] =	ssyncadd.s32 $0xFFFFF000;
	s2 =	sadd.s32 s0, s21  }
0x22a: {  	[hbm4b:s2+s5] =	stream.strided.scatter [tilespmem:s22], [sflag:$0x3], $0x1000, s10, s5, $0x38;
	[tilespmem:$0x18800] =	vst v63  }
0x22b: {  	_ =	swait.ge [sflag:s17], $0x1000  }
0x22c: {  	[sflag:s17] =	ssyncset.done $0x0;
	s23 =	rddreg [dreg:$0xb]  }
0x22d: {  	s24 =	simm.s32 $0x15800;
	[sflag:s17] =	ssyncadd.s32 $0xFFFFF000;
	s2 =	sadd.s32 s0, s23  }
0x22e: {  	[hbm4b:s2+s5] =	stream.strided.scatter [tilespmem:s24], [sflag:$0x3], $0x1000, s10, s5, $0x38;
	[tilespmem:$0x18800] =	vst v63  }
0x22f: {  	_ =	swait.ge [sflag:s17], $0x1000  }
0x230: {  	[sflag:s17] =	ssyncset.done $0x0;
	s25 =	rddreg [dreg:$0xc]  }
0x231: {  	s26 =	simm.s32 $0x16800;
	[sflag:s17] =	ssyncadd.s32 $0xFFFFF000;
	s2 =	sadd.s32 s0, s25  }
0x232: {  	[hbm4b:s2+s5] =	stream.strided.scatter [tilespmem:s26], [sflag:$0x3], $0x1000, s10, s5, $0x38;
	[tilespmem:$0x18800] =	vst v63  }
0x233: {  	_ =	swait.ge [sflag:s17], $0x1000  }
0x234: {  	[sflag:s17] =	ssyncset.done $0x0;
	s29 =	rddreg [dreg:$0xd]  }
0x235: {  	s30 =	simm.s32 $0x17800;
	[sflag:s17] =	ssyncadd.s32 $0xFFFFF000;
	s0 =	sadd.s32 s0, s29  }
0x236: {  	[hbm4b:s0+s5] =	stream.strided.scatter [tilespmem:s30], [sflag:$0x3], $0x1000, s10, s5, $0x38;
	[tilespmem:$0x18800] =	vst v63  }
0x237: {  	_ =	swait.ge [sflag:s17], $0x1000  }
0x238: {  	s31 =	rddreg [dreg:$0x11]  }
0x239: {  	s0 =	sadd.s32 $0x1, s31  }
0x23a: {  	p0 =	sne.s32 s0, $0x32  }
.Ltmp6:
0x23b: {  	_ = 	snop;
	(pc) =	sbr.rel @p0 .LBB2_4-.Ltmp6, $3  }
0x23c: {  	_ =	sdelay $0x1  }
0x23d: {  	[sflag:s17] =	ssyncset.done $0x0  }
0x23e: {  	[sflag:s17] =	ssyncadd.s32 $0xFFFFF000  }
0x23f: {  	s2 =	rddreg [dreg:$0x10]  }
0x240: {  	s0 =	rddreg [dreg:$0xf];
	s2 =	sadd.s32 $0x1, s2  }
0x241: {  	p0 =	sne.s32 s2, s0  }
.Ltmp7:
0x242: {  	_ = 	snop;
	(pc) =	sbr.rel @p0 .LBB2_1-.Ltmp7, $1  }
0x243: {  	_ =	sdelay $0x3  }
0x244: {  	_ =	sfence.sel $0x180000  }
0x245: {  	[bflag:$0x0] =	sbarrier.arrive $0xFFFF  }
0x246: {  	_ =	strace $0x90000047  }
0x247: {  	s0 =	stileid.u32;
	[bflag:$0x2] =	sbarrier.arrive $0xFFFF  }
0x248: {  	p0 =	sne.s32 s0, $0x0;
	s0 =	rddreg [dreg:$0x3]  }
0x249: {  	s0 =	sadd.s32 @!p0 $0x100000, s0  }
0x24a: {  	[sflag:s0] =	ssyncadd.tile.s32 @!p0 $0x1;
	_ =	shalt  }
.Lfunc_end2:
_tile_overlayer_lowered:
.L_overlay_start_2:
0x24b: {  	(tag) =	ssettag $0x2  }
0x24c: {  	s0 =	rddreg [dreg:$0x0];
	s2 =	stileid.u32  }
0x24d: {  	s1 =	rddreg [dreg:$0x1];
	p0 =	sne.s32 s2, $0x0  }
0x24e: {  	s3 =	rddreg [dreg:$0x2];
	[bflag:$0x3] =	sbarrier.arrive $0xFFFF;
	s2 =	simm.s32 @!p0 $0x1C03  }
0x24f: {  	[timem:s3], [sflag:s2] =	dma.local @!p0 [hbm:s0], s1  }
0x250: {  	s0 =	simm.s32 @!p0 $0x3  }
0x251: {  	_ =	swait.ge @!p0 [sflag:s0], s1  }
0x252: {  	s1 =	ssub.s32 @!p0 $0x0, s1;
	[sflag:s0] =	ssyncset.done @!p0 $0x0  }
0x253: {  	[sflag:s0] =	ssyncadd.s32 @!p0 s1  }
0x254: {  	[bflag:$0x3] =	sbarrier.arrive $0xFFFF  }
0x255: {  	_ =	shalt  }

</sc_bundles>
